<compile_context>
chip_gen: v7x
topology: tpu7x:2x2x1
jax: 0.10.2.dev20260603
libtpu: 0.0.44.dev20260713+nightly
codegen_flags: <defaults>
</compile_context>

<pallas_src>
import jax
import jax.numpy as jnp
from jax import lax
from jax.experimental import pallas as pl
from jax.experimental.pallas import tpu as pltpu
from jax.experimental.pallas import tpu_sc as plsc

N = 10000
E = 320000
D = 128
H = D // 2

NC = 2
NS = 16
LANES = 16

EP = E // NS
CH = 80
NCHUNK = EP // CH

_DEFAULT = jax.lax.Precision.DEFAULT



def _node_linear_body(nf, wsg, wdu, wdg, wsu, bsg, bdu, bdg, bsu,
                      tsrc, tdst, ax):
    h = pl.program_id(1)
    x = nf[...]
    tsrc[...] = jnp.concatenate(
        [jnp.dot(x, wsg[0], precision=_DEFAULT) + bsg[0],
         jnp.dot(x, wdu[0], precision=_DEFAULT) + bdu[0]], axis=1)

    @pl.when(h == 0)
    def _():
        tdst[...] = jnp.dot(x, wdg[...], precision=_DEFAULT) + bdg[...]
        ax[...] = jnp.dot(x, wsu[...], precision=_DEFAULT) + bsu[...]


def _node_linear(nf, wsg, wdu, wdg, wsu, bsg, bdu, bdg, bsu):
    BN = 2000
    nb = N // BN
    hspec = pl.BlockSpec((1, D, H), lambda i, h: (h, 0, 0))
    hbspec = pl.BlockSpec((1, 1, H), lambda i, h: (h, 0, 0))
    fspec = pl.BlockSpec((D, D), lambda i, h: (0, 0))
    fbspec = pl.BlockSpec((1, D), lambda i, h: (0, 0))
    full_out = pl.BlockSpec((BN, D), lambda i, h: (i, 0))
    return pl.pallas_call(
        _node_linear_body,
        grid=(nb, 2),
        in_specs=[
            pl.BlockSpec((BN, D), lambda i, h: (i, 0)),
            hspec, hspec, fspec, fspec,
            hbspec, hbspec, fbspec, fbspec,
        ],
        out_specs=[
            pl.BlockSpec((BN, D), lambda i, h: (h * nb + i, 0)),
            full_out, full_out,
        ],
        out_shape=[
            jax.ShapeDtypeStruct((2 * N, D), jnp.float32),
            jax.ShapeDtypeStruct((N, D), jnp.float32),
            jax.ShapeDtypeStruct((N, D), jnp.float32),
        ],
    )(nf, wsg, wdu, wdg, wsu, bsg, bdu, bdg, bsu)



def _edge_linear_body(ef, w, b, ce):
    ce[0] = jnp.dot(ef[...], w[0], precision=_DEFAULT) + b[0]


def _edge_linear(ef, w, b):
    BE = 1280
    ne = E // BE
    return pl.pallas_call(
        _edge_linear_body,
        grid=(ne, 2),
        in_specs=[
            pl.BlockSpec((BE, D), lambda e, h: (e, 0)),
            pl.BlockSpec((1, D, H), lambda e, h: (h, 0, 0)),
            pl.BlockSpec((1, 1, H), lambda e, h: (h, 0, 0)),
        ],
        out_specs=pl.BlockSpec((1, BE, H), lambda e, h: (h, e, 0)),
        out_shape=jax.ShapeDtypeStruct((2, E, H), jnp.float32),
    )(ef, w, b)



NB = 16
BSZ = 632
BK = 53093
BSH = 25
EBITS = 19
EMASK = (1 << EBITS) - 1
BINW = 512
CP = E + NS * NB * (BINW - 1)


def _pad_bin(v):
    return ((v + (BINW - 1)) >> 9) << 9


def _sc_route_body(ei4, codeP, counts_out,
                   dstb, stage, bounce, cntbuf, fillbuf, basebuf, tmpb, lc,
                   scnt):
    c = lax.axis_index("c")
    s = lax.axis_index("s")

    @pl.when(c == 0)
    def _pass1():
        pltpu.sync_copy(ei4.at[1, s], dstb)
        iota16 = lax.iota(jnp.int32, LANES)
        ones16 = jnp.ones((LANES,), jnp.int32)
        zero16 = jnp.zeros((LANES,), jnp.int32)

        for b in range(NB):
            cntbuf[b, pl.ds(0, LANES)] = zero16
            fillbuf[b, pl.ds(0, LANES)] = zero16

        def _hchunk(j, _):
            def _hvec(v, _):
                dv = dstb[j, pl.ds(v * LANES, LANES)]
                bvv = (dv * BK) >> BSH
                for l in range(LANES):
                    b = bvv[l]
                    plsc.addupdate(cntbuf.at[b, pl.ds(0, LANES)], ones16)
                return 0
            return lax.fori_loop(0, CH // LANES, _hvec, 0)

        lax.fori_loop(0, NCHUNK, _hchunk, 0)

        cnt_vec = jnp.zeros((LANES,), jnp.int32)
        for b in range(NB):
            cnt_vec = jnp.where(iota16 == b, cntbuf[b, pl.ds(0, LANES)],
                                cnt_vec)
        tmpb[...] = cnt_vec
        pltpu.sync_copy(tmpb, scnt.at[s])
        pltpu.sync_copy(tmpb, counts_out.at[s])

    plsc.subcore_barrier()

    @pl.when(c == 0)
    def _pass2():
        iota16 = lax.iota(jnp.int32, LANES)
        zero16 = jnp.zeros((LANES,), jnp.int32)
        ones16 = jnp.ones((LANES,), jnp.int32)
        pltpu.sync_copy(scnt, lc)
        cnt_vec = jnp.zeros((LANES,), jnp.int32)
        for b in range(NB):
            cnt_vec = jnp.where(iota16 == b, cntbuf[b, pl.ds(0, LANES)],
                                cnt_vec)
        lrows = [lc[p, pl.ds(0, LANES)] for p in range(NS)]
        pads = [[_pad_bin(lrows[p][b]) for b in range(NB)]
                for p in range(NS)]
        offs = []
        run_g = jnp.int32(0)
        lbases = []
        run_l = jnp.int32(0)
        for b in range(NB):
            my = jnp.int32(0)
            tot = jnp.int32(0)
            for p in range(NS):
                my = my + jnp.where(p < s, pads[p][b], 0)
                tot = tot + pads[p][b]
            offs.append(run_g + my)
            run_g = run_g + tot
            cb = cnt_vec[b]
            lbases.append(run_l)
            basebuf[b, pl.ds(0, LANES)] = jnp.full((LANES,), run_l,
                                                   jnp.int32)
            run_l = run_l + (((cb + 15) >> 4) << 4)

        def _zst(r, _):
            stage[pl.ds(r * LANES, LANES)] = zero16
            return 0

        lax.fori_loop(0, STAGE_W // LANES, _zst, 0)

        def _rchunk(j, _):
            ebase = s * EP + j * CH

            def _vec(v, _):
                sl = pl.ds(v * LANES, LANES)
                dv = dstb[j, sl]
                bvv = (dv * BK) >> BSH
                lv = dv - bvv * BSZ
                codev = (lv << EBITS) | (ebase + v * LANES + iota16)
                for l in range(LANES):
                    b = bvv[l]
                    code = codev[l]
                    f = fillbuf[b, pl.ds(0, LANES)][0]
                    pos = basebuf[b, pl.ds(0, LANES)][0] + f
                    pq = pl.multiple_of((pos >> 4) << 4, 8)
                    lane = pos & (LANES - 1)
                    plsc.addupdate(stage.at[pl.ds(pq, LANES)],
                                   jnp.where(iota16 == lane, code, 0))
                    plsc.addupdate(fillbuf.at[b, pl.ds(0, LANES)], ones16)
                return 0

            return lax.fori_loop(0, CH // LANES, _vec, 0)

        lax.fori_loop(0, NCHUNK, _rchunk, 0)

        MAXFL = EP // BINW + 1

        for b in range(NB):
            cb = cnt_vec[b]

            def _fl(k, _, cb=cb, lb=lbases[b], ob=offs[b]):
                @pl.when(k * BINW < cb)
                def _():
                    so = pl.multiple_of(lb + k * BINW, 16)

                    def _cp(w, _):
                        bounce[pl.ds(w * LANES, LANES)] = (
                            stage[pl.ds(so + w * LANES, LANES)])
                        return 0

                    lax.fori_loop(0, BINW // LANES, _cp, 0)
                    do = pl.multiple_of(ob + k * BINW, 8)
                    pltpu.sync_copy(bounce, codeP.at[pl.ds(do, BINW)])
                return 0

            lax.fori_loop(0, MAXFL, _fl, 0)


STAGE_W = EP + NB * 16 + BINW


def _sc_route(ei4):
    mesh = plsc.VectorSubcoreMesh(core_axis_name="c", subcore_axis_name="s")
    return pl.kernel(
        _sc_route_body,
        out_type=[
            jax.ShapeDtypeStruct((CP,), jnp.int32),
            jax.ShapeDtypeStruct((NS, NB), jnp.int32),
        ],
        mesh=mesh,
        scratch_types=[
            pltpu.VMEM((NCHUNK, CH), jnp.int32),
            pltpu.VMEM((STAGE_W,), jnp.int32),
            pltpu.VMEM((BINW,), jnp.int32),
            pltpu.VMEM((NB, LANES), jnp.int32),
            pltpu.VMEM((NB, LANES), jnp.int32),
            pltpu.VMEM((NB, LANES), jnp.int32),
            pltpu.VMEM((LANES,), jnp.int32),
            pltpu.VMEM((NS, NB), jnp.int32),
            pltpu.VMEM_SHARED((NS, NB), jnp.int32),
        ],
    )(ei4)


def _sc_edge_body(tsrc, tdst, ce, ei4,
                  m_out, valP, stats_out,
                  srcb, dstb, gsrc, gdst, ceb, mb, pk, statsb):
    c = lax.axis_index("c")
    s = lax.axis_index("s")
    cH = c * H

    pltpu.sync_copy(ei4.at[0, s], srcb)
    pltpu.sync_copy(ei4.at[1, s], dstb)

    cN = c * N

    def _off_row(j, _):
        def _off16(k, _):
            sl = pl.ds(k * LANES, LANES)
            srcb[j, sl] = srcb[j, sl] + cN
            return 0
        return lax.fori_loop(0, CH // LANES, _off16, 0)

    lax.fori_loop(0, NCHUNK, _off_row, 0)

    zero16 = jnp.zeros((LANES,), jnp.float32)
    for k in range(H // LANES):
        statsb[0, pl.ds(k * LANES, LANES)] = zero16
        statsb[1, pl.ds(k * LANES, LANES)] = zero16

    cE = c * E

    def _chunk(j, _):
        ebase = s * EP + j * CH
        pltpu.sync_copy(tsrc.at[srcb.at[j]], gsrc)
        pltpu.sync_copy(tdst.at[dstb.at[j]], gdst)
        pltpu.sync_copy(ce.at[c, pl.ds(ebase, CH)], ceb)

        def _row(r, carry):
            sm = list(carry[:4])
            sq = list(carry[4:])
            for k in range(H // LANES):
                sl = pl.ds(k * LANES, LANES)
                mv = (gsrc[r, sl] + gdst[r, pl.ds(cH + k * LANES, LANES)]
                      + ceb[r, sl])
                mb[r, sl] = mv
                sg = 1.0 / (1.0 + jnp.exp(-mv))
                pk[r, pl.ds(H + k * LANES, LANES)] = sg
                pk[r, sl] = gsrc[r, pl.ds(H + k * LANES, LANES)] * sg
                sm[k] = sm[k] + mv
                sq[k] = sq[k] + mv * mv
            return tuple(sm) + tuple(sq)

        carry0 = tuple(jnp.zeros((LANES,), jnp.float32) for _ in range(8))
        sums = lax.fori_loop(0, CH, _row, carry0)
        for k in range(H // LANES):
            sl = pl.ds(k * LANES, LANES)
            statsb[0, sl] = statsb[0, sl] + sums[k]
            statsb[1, sl] = statsb[1, sl] + sums[4 + k]

        pltpu.sync_copy(mb, m_out.at[c, pl.ds(ebase, CH)])
        pltpu.sync_copy(pk, valP.at[pl.ds(cE + ebase, CH)])
        return 0

    lax.fori_loop(0, NCHUNK, _chunk, 0)
    pltpu.sync_copy(statsb, stats_out.at[c, s])


def _sc_edge(tsrc, tdst, ce, ei4):
    mesh = plsc.VectorSubcoreMesh(core_axis_name="c", subcore_axis_name="s")
    return pl.kernel(
        _sc_edge_body,
        out_type=[
            jax.ShapeDtypeStruct((2, E, H), jnp.float32),
            jax.ShapeDtypeStruct((2 * E, D), jnp.float32),
            jax.ShapeDtypeStruct((2, NS, 2, H), jnp.float32),
        ],
        mesh=mesh,
        scratch_types=[
            pltpu.VMEM((NCHUNK, CH), jnp.int32),
            pltpu.VMEM((NCHUNK, CH), jnp.int32),
            pltpu.VMEM((CH, D), jnp.float32),
            pltpu.VMEM((CH, D), jnp.float32),
            pltpu.VMEM((CH, H), jnp.float32),
            pltpu.VMEM((CH, H), jnp.float32),
            pltpu.VMEM((CH, D), jnp.float32),
            pltpu.VMEM((2, H), jnp.float32),
        ],
    )(tsrc, tdst, ce, ei4)


GCH = 128


def _sc_acc_body(eid_acc, valP, comb_out, dstb, valbuf, acc):
    c = lax.axis_index("c")
    t = lax.axis_index("s")

    zero16 = jnp.zeros((LANES,), jnp.float32)

    def _zacc(r, _):
        for k in range(D // LANES):
            acc[r, pl.ds(k * LANES, LANES)] = zero16
        return 0

    lax.fori_loop(0, BSZ, _zacc, 0)

    nlo = t * BSZ
    cE = c * E

    def _scan(g, _):
        sp = g // 25
        jj = g - sp * 25
        pltpu.sync_copy(eid_acc.at[sp, jj], dstb)

        def _sub(u, _):
            ebase = sp * EP + jj * 800 + u * 160
            pltpu.sync_copy(valP.at[pl.ds(cE + ebase, 160)], valbuf)

            def _vec(w, _):
                dv = dstb[pl.ds(u * 160 + w * LANES, LANES)]
                for l in range(LANES):
                    loc = dv[l] - nlo

                    @pl.when((loc >= 0) & (loc < BSZ))
                    def _(loc=loc, l=l):
                        r = w * LANES + l
                        for k in range(D // LANES):
                            sl = pl.ds(k * LANES, LANES)
                            plsc.addupdate(acc.at[loc, sl], valbuf[r, sl])
                return 0

            lax.fori_loop(0, 10, _vec, 0)
            return 0

        lax.fori_loop(0, 5, _sub, 0)
        return 0

    lax.fori_loop(0, NS * 25, _scan, 0)

    pltpu.sync_copy(acc.at[pl.ds(0, 520)], comb_out.at[c, pl.ds(nlo, 520)])

    @pl.when(t < NB - 1)
    def _():
        pltpu.sync_copy(acc.at[pl.ds(520, BSZ - 520)],
                        comb_out.at[c, pl.ds(nlo + 520, BSZ - 520)])


def _sc_acc(eid_acc, valP):
    mesh = plsc.VectorSubcoreMesh(core_axis_name="c", subcore_axis_name="s")
    return pl.kernel(
        _sc_acc_body,
        out_type=jax.ShapeDtypeStruct((2, N, D), jnp.float32),
        mesh=mesh,
        scratch_types=[
            pltpu.VMEM((800,), jnp.int32),
            pltpu.VMEM((160, D), jnp.float32),
            pltpu.VMEM((BSZ, D), jnp.float32),
        ],
    )(eid_acc, valP)



def _edge_out_body(mlo, mhi, ef, stats, g, b, y):
    st = stats[...]
    mu = jnp.concatenate(
        [jnp.sum(st[0, :, 0, :], axis=0), jnp.sum(st[1, :, 0, :], axis=0)]
    ).reshape(1, D) * (1.0 / E)
    e2 = jnp.concatenate(
        [jnp.sum(st[0, :, 1, :], axis=0), jnp.sum(st[1, :, 1, :], axis=0)]
    ).reshape(1, D) * (1.0 / E)
    var = e2 - mu * mu
    scale = g[...] / jnp.sqrt(var + 1e-5)
    m = jnp.concatenate([mlo[0], mhi[0]], axis=1)
    z = (m - mu) * scale + b[...]
    y[...] = ef[...] + z * (1.0 / (1.0 + jnp.exp(-z)))


def _edge_out(m, ef, stats, g, b):
    BE = 1600
    ne = E // BE
    return pl.pallas_call(
        _edge_out_body,
        grid=(ne,),
        in_specs=[
            pl.BlockSpec((1, BE, H), lambda e: (0, e, 0)),
            pl.BlockSpec((1, BE, H), lambda e: (1, e, 0)),
            pl.BlockSpec((BE, D), lambda e: (e, 0)),
            pl.BlockSpec((2, NS, 2, H), lambda e: (0, 0, 0, 0)),
            pl.BlockSpec((1, D), lambda e: (0, 0)),
            pl.BlockSpec((1, D), lambda e: (0, 0)),
        ],
        out_specs=pl.BlockSpec((BE, D), lambda e: (e, 0)),
        out_shape=jax.ShapeDtypeStruct((E, D), jnp.float32),
    )(m, m, ef, stats, g, b)



def _node_out_body(nf, ax, comb, g, b, x):
    cb = comb[...]
    sshf = jnp.concatenate([cb[0, :, :H], cb[1, :, :H]], axis=1)
    ssf = jnp.concatenate([cb[0, :, H:], cb[1, :, H:]], axis=1)
    u = ax[...] + sshf / (ssf + 1e-6)
    mu = jnp.mean(u, axis=0, keepdims=True)
    var = jnp.mean((u - mu) * (u - mu), axis=0, keepdims=True)
    z = (u - mu) * (g[...] / jnp.sqrt(var + 1e-5)) + b[...]
    x[...] = nf[...] + z * (1.0 / (1.0 + jnp.exp(-z)))


def _node_out(nf, ax, comb, g, b):
    return pl.pallas_call(
        _node_out_body,
        out_shape=jax.ShapeDtypeStruct((N, D), jnp.float32),
    )(nf, ax, comb, g, b)



def kernel(node_feats, edge_feats, edge_index,
           W_src_gate, b_src_gate, W_dst_gate, b_dst_gate,
           W_edge_gate, b_edge_gate, W_src_update, b_src_update,
           W_dst_update, b_dst_update,
           bn_nodes_gamma, bn_nodes_beta, bn_edges_gamma, bn_edges_beta):
    def wsplit(w):
        return jnp.stack([w[:, :H], w[:, H:]])

    def bsplit(b):
        return b.reshape(2, 1, H)

    tsrc, tdst, ax = _node_linear(
        node_feats,
        wsplit(W_src_gate), wsplit(W_dst_update),
        W_dst_gate, W_src_update,
        bsplit(b_src_gate), bsplit(b_dst_update),
        b_dst_gate.reshape(1, D), b_src_update.reshape(1, D))
    ce = _edge_linear(edge_feats, wsplit(W_edge_gate), bsplit(b_edge_gate))
    ei4 = edge_index.reshape(2, NS, NCHUNK, CH)
    m, valP, stats = _sc_edge(tsrc, tdst, ce, ei4)
    comb = _sc_acc(edge_index[1].reshape(NS, 25, 800), valP)
    y = _edge_out(m, edge_feats, stats,
                  bn_edges_gamma.reshape(1, D), bn_edges_beta.reshape(1, D))
    x = _node_out(node_feats, ax, comb,
                  bn_nodes_gamma.reshape(1, D), bn_nodes_beta.reshape(1, D))
    return (x, y)

# --- scband reference (transcript-rebuilt; emitter-appended) ---
"""Pipeline reference for scband-edge-gated-graph-conv-2156073582920 (READ-ONLY COPY).

The authoritative reference and input builder live on the scoring server;
editing this copy changes nothing except your own understanding.
"""

import jax, jax.numpy as jnp
import numpy as np

N = 10000
E = 320000
D = 128

def _linear(x, W, b):
    return x @ W + b

def _bn(x, gamma, beta, eps=1e-5):
    mu = jnp.mean(x, axis=0)
    var = jnp.var(x, axis=0)
    return (x - mu) / jnp.sqrt(var + eps) * gamma + beta

def setup_inputs(seed: int = 0):
    key = jax.random.key(seed)
    ks = jax.random.split(key, 20)
    s = 1.0 / np.sqrt(D)
    inp = {}
    inp["node_feats"] = jax.random.normal(ks[0], (N, D), dtype=jnp.float32)
    inp["edge_feats"] = jax.random.normal(ks[1], (E, D), dtype=jnp.float32)
    inp["edge_index"] = jax.random.randint(ks[2], (2, E), 0, N, dtype=jnp.int32)
    names = ["src_gate", "dst_gate", "edge_gate", "src_update", "dst_update"]
    for i, n in enumerate(names):
        inp["W_" + n] = jax.random.uniform(ks[3 + 2 * i], (D, D), minval=-s, maxval=s, dtype=jnp.float32)
        inp["b_" + n] = jax.random.uniform(ks[4 + 2 * i], (D,), minval=-s, maxval=s, dtype=jnp.float32)
    inp["bn_nodes_gamma"] = jnp.ones((D,), dtype=jnp.float32)
    inp["bn_nodes_beta"] = jnp.zeros((D,), dtype=jnp.float32)
    inp["bn_edges_gamma"] = jnp.ones((D,), dtype=jnp.float32)
    inp["bn_edges_beta"] = jnp.zeros((D,), dtype=jnp.float32)
    return inp

def reference(node_feats, edge_feats, edge_index, W_src_gate, b_src_gate, W_dst_gate, b_dst_gate, W_edge_gate, b_edge_gate, W_src_update, b_src_update, W_dst_update, b_dst_update, bn_nodes_gamma, bn_nodes_beta, bn_edges_gamma, bn_edges_beta):
    src = edge_index[0]
    dst = edge_index[1]
    n_nodes = node_feats.shape[0]
    # edge gating: e_ij = sigma(W_src h_i + W_dst h_j + W_e e_ij)
    e_src = _linear(node_feats, W_src_gate, b_src_gate)
    e_dst = _linear(node_feats, W_dst_gate, b_dst_gate)
    m = jnp.take(e_src, src, axis=0) + jnp.take(e_dst, dst, axis=0) + _linear(edge_feats, W_edge_gate, b_edge_gate)
    sigma = jax.nn.sigmoid(m)
    # gated aggregation of dst_update(h_src) into dst nodes
    Bh = _linear(node_feats, W_dst_update, b_dst_update)
    sum_sigma_h = jax.ops.segment_sum(jnp.take(Bh, src, axis=0) * sigma, dst, num_segments=n_nodes)
    sum_sigma = jax.ops.segment_sum(sigma, dst, num_segments=n_nodes)
    h = sum_sigma_h / (sum_sigma + 1e-6)
    x = _linear(node_feats, W_src_update, b_src_update) + h
    x = jax.nn.silu(_bn(x, bn_nodes_gamma, bn_nodes_beta))
    y = jax.nn.silu(_bn(m, bn_edges_gamma, bn_edges_beta))
    # residual
    x = node_feats + x
    y = edge_feats + y
    return (x, y)

if __name__ == "__main__":
    import jax
    _d = setup_inputs()
    print(jax.jit(kernel)(*tuple(_d.values())))

</pallas_src>

<mosaic_0001>
#map = affine_map<(d0, d1) -> (0, 0, 0)>
#map1 = affine_map<(d0, d1) -> (0, 0)>
module attributes {stable_mosaic.version = 14 : i64} {
  func.func @_sc_acc_body(%arg0: i32, %arg1: i32, %arg2: memref<16x25x800xi32, #tpu.memory_space<hbm>>, %arg3: memref<640000x128xf32, #tpu.memory_space<hbm>>, %arg4: memref<2x10000x128xf32, #tpu.memory_space<hbm>>, %arg5: memref<800xi32, #tpu.memory_space<vmem>>, %arg6: memref<160x128xf32, #tpu.memory_space<vmem>>, %arg7: memref<632x128xf32, #tpu.memory_space<vmem>>) attributes {dimension_semantics = [#tpu.dimension_semantics<core_parallel>, #tpu.dimension_semantics<subcore_parallel>], iteration_bounds = array<i64: 2, 16>, scalar_prefetch = 0 : i64, scratch_operands = 3 : i64, tpu.core_type = #tpu.core_type<sc_vector_subcore>, window_params = [{transform_indices = #map}, {transform_indices = #map1}, {transform_indices = #map}]} {
    %broadcast_in_dim3A = arith.constant 0.000000e+00 : f32
    %broadcast_in_dim3A_0 = vector.broadcast %broadcast_in_dim3A : f32 to vector<16xf32>
    %scan3A = arith.constant 0 : i32
    %scan3A_1 = arith.constant 0 : i32
    %scan3A_2 = arith.constant 632 : i32
    %scan3A_3 = arith.addi %scan3A_1, %scan3A_2 : i32
    %scan3A_4 = arith.constant 1 : i32
    %scan3A_5 = scf.for %scan3A_19 = %scan3A_1 to %scan3A_3 step %scan3A_4 iter_args(%scan3A_20 = %scan3A) -> (i32)  : i32 {
      %swap3A = arith.index_cast %scan3A_19 : i32 to index
      %swap3A_21 = arith.constant 0 : index
      %swap3A_22 = tpu.vector_load %arg7[%swap3A, %swap3A_21] {strides = array<i32>} : memref<632x128xf32, #tpu.memory_space<vmem>>, vector<1x16xf32>,
      %swap3A_23 = vector.shape_cast %swap3A_22 : vector<1x16xf32> to vector<16xf32>
      %swap3A_24 = vector.shape_cast %broadcast_in_dim3A_0 : vector<16xf32> to vector<1x16xf32>
      tpu.vector_store %arg7[%swap3A, %swap3A_21], %swap3A_24 {strides = array<i32>} : memref<632x128xf32, #tpu.memory_space<vmem>>, vector<1x16xf32>,
      %swap3A_25 = arith.index_cast %scan3A_19 : i32 to index
      %swap3A_26 = arith.constant 16 : index
      %swap3A_27 = tpu.vector_load %arg7[%swap3A_25, %swap3A_26] {strides = array<i32>} : memref<632x128xf32, #tpu.memory_space<vmem>>, vector<1x16xf32>,
      %swap3A_28 = vector.shape_cast %swap3A_27 : vector<1x16xf32> to vector<16xf32>
      %swap3A_29 = vector.shape_cast %broadcast_in_dim3A_0 : vector<16xf32> to vector<1x16xf32>
      tpu.vector_store %arg7[%swap3A_25, %swap3A_26], %swap3A_29 {strides = array<i32>} : memref<632x128xf32, #tpu.memory_space<vmem>>, vector<1x16xf32>,
      %swap3A_30 = arith.index_cast %scan3A_19 : i32 to index
      %swap3A_31 = arith.constant 32 : index
      %swap3A_32 = tpu.vector_load %arg7[%swap3A_30, %swap3A_31] {strides = array<i32>} : memref<632x128xf32, #tpu.memory_space<vmem>>, vector<1x16xf32>,
      %swap3A_33 = vector.shape_cast %swap3A_32 : vector<1x16xf32> to vector<16xf32>
      %swap3A_34 = vector.shape_cast %broadcast_in_dim3A_0 : vector<16xf32> to vector<1x16xf32>
      tpu.vector_store %arg7[%swap3A_30, %swap3A_31], %swap3A_34 {strides = array<i32>} : memref<632x128xf32, #tpu.memory_space<vmem>>, vector<1x16xf32>,
      %swap3A_35 = arith.index_cast %scan3A_19 : i32 to index
      %swap3A_36 = arith.constant 48 : index
      %swap3A_37 = tpu.vector_load %arg7[%swap3A_35, %swap3A_36] {strides = array<i32>} : memref<632x128xf32, #tpu.memory_space<vmem>>, vector<1x16xf32>,
      %swap3A_38 = vector.shape_cast %swap3A_37 : vector<1x16xf32> to vector<16xf32>
      %swap3A_39 = vector.shape_cast %broadcast_in_dim3A_0 : vector<16xf32> to vector<1x16xf32>
      tpu.vector_store %arg7[%swap3A_35, %swap3A_36], %swap3A_39 {strides = array<i32>} : memref<632x128xf32, #tpu.memory_space<vmem>>, vector<1x16xf32>,
      %swap3A_40 = arith.index_cast %scan3A_19 : i32 to index
      %swap3A_41 = arith.constant 64 : index
      %swap3A_42 = tpu.vector_load %arg7[%swap3A_40, %swap3A_41] {strides = array<i32>} : memref<632x128xf32, #tpu.memory_space<vmem>>, vector<1x16xf32>,
      %swap3A_43 = vector.shape_cast %swap3A_42 : vector<1x16xf32> to vector<16xf32>
      %swap3A_44 = vector.shape_cast %broadcast_in_dim3A_0 : vector<16xf32> to vector<1x16xf32>
      tpu.vector_store %arg7[%swap3A_40, %swap3A_41], %swap3A_44 {strides = array<i32>} : memref<632x128xf32, #tpu.memory_space<vmem>>, vector<1x16xf32>,
      %swap3A_45 = arith.index_cast %scan3A_19 : i32 to index
      %swap3A_46 = arith.constant 80 : index
      %swap3A_47 = tpu.vector_load %arg7[%swap3A_45, %swap3A_46] {strides = array<i32>} : memref<632x128xf32, #tpu.memory_space<vmem>>, vector<1x16xf32>,
      %swap3A_48 = vector.shape_cast %swap3A_47 : vector<1x16xf32> to vector<16xf32>
      %swap3A_49 = vector.shape_cast %broadcast_in_dim3A_0 : vector<16xf32> to vector<1x16xf32>
      tpu.vector_store %arg7[%swap3A_45, %swap3A_46], %swap3A_49 {strides = array<i32>} : memref<632x128xf32, #tpu.memory_space<vmem>>, vector<1x16xf32>,
      %swap3A_50 = arith.index_cast %scan3A_19 : i32 to index
      %swap3A_51 = arith.constant 96 : index
      %swap3A_52 = tpu.vector_load %arg7[%swap3A_50, %swap3A_51] {strides = array<i32>} : memref<632x128xf32, #tpu.memory_space<vmem>>, vector<1x16xf32>,
      %swap3A_53 = vector.shape_cast %swap3A_52 : vector<1x16xf32> to vector<16xf32>
      %swap3A_54 = vector.shape_cast %broadcast_in_dim3A_0 : vector<16xf32> to vector<1x16xf32>
      tpu.vector_store %arg7[%swap3A_50, %swap3A_51], %swap3A_54 {strides = array<i32>} : memref<632x128xf32, #tpu.memory_space<vmem>>, vector<1x16xf32>,
      %swap3A_55 = arith.index_cast %scan3A_19 : i32 to index
      %swap3A_56 = arith.constant 112 : index
      %swap3A_57 = tpu.vector_load %arg7[%swap3A_55, %swap3A_56] {strides = array<i32>} : memref<632x128xf32, #tpu.memory_space<vmem>>, vector<1x16xf32>,
      %swap3A_58 = vector.shape_cast %swap3A_57 : vector<1x16xf32> to vector<16xf32>
      %swap3A_59 = vector.shape_cast %broadcast_in_dim3A_0 : vector<16xf32> to vector<1x16xf32>
      tpu.vector_store %arg7[%swap3A_55, %swap3A_56], %swap3A_59 {strides = array<i32>} : memref<632x128xf32, #tpu.memory_space<vmem>>, vector<1x16xf32>,
      %scan3A_60 = arith.constant 0 : i32
      scf.yield %scan3A_60 : i32
    }
    %scan3A_6 = arith.constant 632 : i32
    %mul3A = arith.constant 632 : i32
    %mul3A_7 = arith.muli %arg1, %mul3A : i32
    %mul3A_8 = arith.constant 320000 : i32
    %mul3A_9 = arith.muli %arg0, %mul3A_8 : i32
    %scan3A_10 = arith.constant 0 : i32
    %scan3A_11 = arith.constant 0 : i32
    %scan3A_12 = arith.constant 400 : i32
    %scan3A_13 = arith.addi %scan3A_11, %scan3A_12 : i32
    %scan3A_14 = arith.constant 1 : i32
    %scan3A_15 = scf.for %scan3A_19 = %scan3A_11 to %scan3A_13 step %scan3A_14 iter_args(%scan3A_20 = %scan3A_10) -> (i32)  : i32 {
      %jit3A = arith.constant 25 : i32
      %div3A = arith.divsi %scan3A_19, %jit3A : i32
      %sign3A = arith.constant 0 : i32
      %sign3A_21 = arith.cmpi sgt, %scan3A_19, %sign3A : i32
      %sign3A_22 = arith.extui %sign3A_21 : i1 to i32
      %sign3A_23 = arith.constant 0 : i32
      %sign3A_24 = arith.cmpi slt, %scan3A_19, %sign3A_23 : i32
      %sign3A_25 = arith.extui %sign3A_24 : i1 to i32
      %sign3A_26 = arith.subi %sign3A_22, %sign3A_25 : i32
      %sign3A_27 = arith.constant 0 : i32
      %sign3A_28 = arith.cmpi sgt, %jit3A, %sign3A_27 : i32
      %sign3A_29 = arith.extui %sign3A_28 : i1 to i32
      %sign3A_30 = arith.constant 0 : i32
      %sign3A_31 = arith.cmpi slt, %jit3A, %sign3A_30 : i32
      %sign3A_32 = arith.extui %sign3A_31 : i1 to i32
      %sign3A_33 = arith.subi %sign3A_29, %sign3A_32 : i32
      %ne3A = arith.cmpi ne, %sign3A_26, %sign3A_33 : i32
      %rem3A = arith.remsi %scan3A_19, %jit3A : i32
      %ne3A_34 = arith.constant 0 : i32
      %ne3A_35 = arith.cmpi ne, %rem3A, %ne3A_34 : i32
      %and3A = arith.andi %ne3A, %ne3A_35 : i1
      %sub3A = arith.constant 1 : i32
      %sub3A_36 = arith.subi %div3A, %sub3A : i32
      %select_n3A = arith.select %and3A, %sub3A_36, %div3A : i32
      %mul3A_37 = arith.constant 25 : i32
      %mul3A_38 = arith.muli %select_n3A, %mul3A_37 : i32
      %sub3A_39 = arith.subi %scan3A_19, %mul3A_38 : i32
      "tpu.region"() ({
        %run_scoped3A = tpu.sem_alloc : memref<!tpu.dma_semaphore, #tpu.memory_space<semaphore_mem>>
        %dma_start3A = arith.constant 0 : i32
        %dma_start3A_48 = tpu.memref_slice %arg2[%select_n3A, %sub3A_39, %dma_start3A] : memref<16x25x800xi32, #tpu.memory_space<hbm>> -> memref<1x1x800xi32, #tpu.memory_space<hbm>>
        %dma_start3A_49 = tpu.memref_squeeze %dma_start3A_48 : memref<1x1x800xi32, #tpu.memory_space<hbm>> -> memref<800xi32, #tpu.memory_space<hbm>>
        %dma_start3A_50 = arith.constant 0 : i32
        %dma_start3A_51 = tpu.memref_slice %arg2[%select_n3A, %sub3A_39, %dma_start3A_50] : memref<16x25x800xi32, #tpu.memory_space<hbm>> -> memref<1x1x800xi32, #tpu.memory_space<hbm>>
        %dma_start3A_52 = tpu.memref_squeeze %dma_start3A_51 : memref<1x1x800xi32, #tpu.memory_space<hbm>> -> memref<800xi32, #tpu.memory_space<hbm>>
        tpu.enqueue_dma source(%dma_start3A_52 : memref<800xi32, #tpu.memory_space<hbm>>) target(%arg5 : memref<800xi32, #tpu.memory_space<vmem>>) target_semaphore(%run_scoped3A : memref<!tpu.dma_semaphore, #tpu.memory_space<semaphore_mem>>)
        %dma_wait3A = arith.constant 0 : i32
        %dma_wait3A_53 = tpu.memref_slice %arg2[%select_n3A, %sub3A_39, %dma_wait3A] : memref<16x25x800xi32, #tpu.memory_space<hbm>> -> memref<1x1x800xi32, #tpu.memory_space<hbm>>
        %dma_wait3A_54 = tpu.memref_squeeze %dma_wait3A_53 : memref<1x1x800xi32, #tpu.memory_space<hbm>> -> memref<800xi32, #tpu.memory_space<hbm>>
        %dma_wait3A_55 = arith.constant 0 : i32
        %dma_wait3A_56 = tpu.memref_slice %arg2[%select_n3A, %sub3A_39, %dma_wait3A_55] : memref<16x25x800xi32, #tpu.memory_space<hbm>> -> memref<1x1x800xi32, #tpu.memory_space<hbm>>
        %dma_wait3A_57 = tpu.memref_squeeze %dma_wait3A_56 : memref<1x1x800xi32, #tpu.memory_space<hbm>> -> memref<800xi32, #tpu.memory_space<hbm>>
        tpu.wait_dma2 semaphore(%run_scoped3A : memref<!tpu.dma_semaphore, #tpu.memory_space<semaphore_mem>>) src(%dma_wait3A_57 : memref<800xi32, #tpu.memory_space<hbm>>) dst(%arg5 : memref<800xi32, #tpu.memory_space<vmem>>)
        tpu.yield
      }) : () -> ()
      %scan3A_40 = arith.constant 0 : i32
      %scan3A_41 = arith.constant 0 : i32
      %scan3A_42 = arith.constant 5 : i32
      %scan3A_43 = arith.addi %scan3A_41, %scan3A_42 : i32
      %scan3A_44 = arith.constant 1 : i32
      %scan3A_45 = scf.for %scan3A_48 = %scan3A_41 to %scan3A_43 step %scan3A_44 iter_args(%scan3A_49 = %scan3A_40) -> (i32)  : i32 {
        %mul3A_50 = arith.constant 20000 : i32
        %mul3A_51 = arith.muli %select_n3A, %mul3A_50 : i32
        %mul3A_52 = arith.constant 800 : i32
        %mul3A_53 = arith.muli %sub3A_39, %mul3A_52 : i32
        %add3A = arith.addi %mul3A_51, %mul3A_53 : i32
        %mul3A_54 = arith.constant 160 : i32
        %mul3A_55 = arith.muli %scan3A_48, %mul3A_54 : i32
        %add3A_56 = arith.addi %add3A, %mul3A_55 : i32
        %add3A_57 = arith.addi %mul3A_9, %add3A_56 : i32
        "tpu.region"() ({
          %run_scoped3A = tpu.sem_alloc : memref<!tpu.dma_semaphore, #tpu.memory_space<semaphore_mem>>
          %dma_start3A = arith.constant 0 : i32
          %dma_start3A_66 = tpu.memref_slice %arg3[%add3A_57, %dma_start3A] : memref<640000x128xf32, #tpu.memory_space<hbm>> -> memref<160x128xf32, #tpu.memory_space<hbm>>
          %dma_start3A_67 = arith.constant 0 : i32
          %dma_start3A_68 = tpu.memref_slice %arg3[%add3A_57, %dma_start3A_67] : memref<640000x128xf32, #tpu.memory_space<hbm>> -> memref<160x128xf32, #tpu.memory_space<hbm>>
          tpu.enqueue_dma source(%dma_start3A_68 : memref<160x128xf32, #tpu.memory_space<hbm>>) target(%arg6 : memref<160x128xf32, #tpu.memory_space<vmem>>) target_semaphore(%run_scoped3A : memref<!tpu.dma_semaphore, #tpu.memory_space<semaphore_mem>>)
          %dma_wait3A = arith.constant 0 : i32
          %dma_wait3A_69 = tpu.memref_slice %arg3[%add3A_57, %dma_wait3A] : memref<640000x128xf32, #tpu.memory_space<hbm>> -> memref<160x128xf32, #tpu.memory_space<hbm>>
          %dma_wait3A_70 = arith.constant 0 : i32
          %dma_wait3A_71 = tpu.memref_slice %arg3[%add3A_57, %dma_wait3A_70] : memref<640000x128xf32, #tpu.memory_space<hbm>> -> memref<160x128xf32, #tpu.memory_space<hbm>>
          tpu.wait_dma2 semaphore(%run_scoped3A : memref<!tpu.dma_semaphore, #tpu.memory_space<semaphore_mem>>) src(%dma_wait3A_71 : memref<160x128xf32, #tpu.memory_space<hbm>>) dst(%arg6 : memref<160x128xf32, #tpu.memory_space<vmem>>)
          tpu.yield
        }) : () -> ()
        %scan3A_58 = arith.constant 0 : i32
        %scan3A_59 = arith.constant 0 : i32
        %scan3A_60 = arith.constant 10 : i32
        %scan3A_61 = arith.addi %scan3A_59, %scan3A_60 : i32
        %scan3A_62 = arith.constant 1 : i32
        %scan3A_63 = scf.for %scan3A_66 = %scan3A_59 to %scan3A_61 step %scan3A_62 iter_args(%scan3A_67 = %scan3A_58) -> (i32)  : i32 {
          %mul3A_68 = arith.constant 160 : i32
          %mul3A_69 = arith.muli %scan3A_48, %mul3A_68 : i32
          %mul3A_70 = arith.constant 16 : i32
          %mul3A_71 = arith.muli %scan3A_66, %mul3A_70 : i32
          %add3A_72 = arith.addi %mul3A_69, %mul3A_71 : i32
          %get3A = arith.index_cast %add3A_72 : i32 to index
          %get3A_73 = tpu.vector_load %arg5[%get3A] {strides = array<i32>} : memref<800xi32, #tpu.memory_space<vmem>>, vector<16xi32>,
          %get3A_74 = vector.shape_cast %get3A_73 : vector<16xi32> to vector<16xi32>
          %slice3A = vector.extract_strided_slice %get3A_74 {offsets = [0], sizes = [1], strides = [1]} : vector<16xi32> to vector<1xi32>
          %squeeze3A = vector.extract %slice3A[0] : i32 from vector<1xi32>
          %sub3A_75 = arith.subi %squeeze3A, %mul3A_7 : i32
          %ge3A = arith.constant 0 : i32
          %ge3A_76 = arith.cmpi sge, %sub3A_75, %ge3A : i32
          %lt3A_77 = arith.constant 632 : i32
          %lt3A_78 = arith.cmpi slt, %sub3A_75, %lt3A_77 : i32
          %and3A_79 = arith.andi %ge3A_76, %lt3A_78 : i1
          %convert_element_type3A_80 = arith.extui %and3A_79 : i1 to i32
          %cond3A_81 = arith.constant 0 : i32
          %cond3A_82 = arith.cmpi ne, %convert_element_type3A_80, %cond3A_81 : i32
          scf.if %cond3A_82 {
            %mul3A_249 = arith.constant 16 : i32
            %mul3A_250 = arith.muli %scan3A_66, %mul3A_249 : i32
            %add3A_251 = arith.constant 0 : i32
            %add3A_252 = arith.addi %mul3A_250, %add3A_251 : i32
            %get3A_253 = arith.index_cast %add3A_252 : i32 to index
            %get3A_254 = arith.constant 0 : index
            %get3A_255 = tpu.vector_load %arg6[%get3A_253, %get3A_254] {strides = array<i32>} : memref<160x128xf32, #tpu.memory_space<vmem>>, vector<1x16xf32>,
            %get3A_256 = vector.shape_cast %get3A_255 : vector<1x16xf32> to vector<16xf32>
            %swap3A = arith.index_cast %sub3A_75 : i32 to index
            %swap3A_257 = arith.constant 0 : index
            %swap3A_258 = tpu.vector_load %arg7[%swap3A, %swap3A_257] {strides = array<i32>} : memref<632x128xf32, #tpu.memory_space<vmem>>, vector<1x16xf32>,
            %swap3A_259 = vector.shape_cast %swap3A_258 : vector<1x16xf32> to vector<16xf32>
            %swap3A_260 = vector.shape_cast %get3A_256 : vector<16xf32> to vector<1x16xf32>
            tpu.vector_store %arg7[%swap3A, %swap3A_257], %swap3A_260 {add = true, strides = array<i32>} : memref<632x128xf32, #tpu.memory_space<vmem>>, vector<1x16xf32>,
            %get3A_261 = arith.index_cast %add3A_252 : i32 to index
            %get3A_262 = arith.constant 16 : index
            %get3A_263 = tpu.vector_load %arg6[%get3A_261, %get3A_262] {strides = array<i32>} : memref<160x128xf32, #tpu.memory_space<vmem>>, vector<1x16xf32>,
            %get3A_264 = vector.shape_cast %get3A_263 : vector<1x16xf32> to vector<16xf32>
            %swap3A_265 = arith.index_cast %sub3A_75 : i32 to index
            %swap3A_266 = arith.constant 16 : index
            %swap3A_267 = tpu.vector_load %arg7[%swap3A_265, %swap3A_266] {strides = array<i32>} : memref<632x128xf32, #tpu.memory_space<vmem>>, vector<1x16xf32>,
            %swap3A_268 = vector.shape_cast %swap3A_267 : vector<1x16xf32> to vector<16xf32>
            %swap3A_269 = vector.shape_cast %get3A_264 : vector<16xf32> to vector<1x16xf32>
            tpu.vector_store %arg7[%swap3A_265, %swap3A_266], %swap3A_269 {add = true, strides = array<i32>} : memref<632x128xf32, #tpu.memory_space<vmem>>, vector<1x16xf32>,
            %get3A_270 = arith.index_cast %add3A_252 : i32 to index
            %get3A_271 = arith.constant 32 : index
            %get3A_272 = tpu.vector_load %arg6[%get3A_270, %get3A_271] {strides = array<i32>} : memref<160x128xf32, #tpu.memory_space<vmem>>, vector<1x16xf32>,
            %get3A_273 = vector.shape_cast %get3A_272 : vector<1x16xf32> to vector<16xf32>
            %swap3A_274 = arith.index_cast %sub3A_75 : i32 to index
            %swap3A_275 = arith.constant 32 : index
            %swap3A_276 = tpu.vector_load %arg7[%swap3A_274, %swap3A_275] {strides = array<i32>} : memref<632x128xf32, #tpu.memory_space<vmem>>, vector<1x16xf32>,
            %swap3A_277 = vector.shape_cast %swap3A_276 : vector<1x16xf32> to vector<16xf32>
            %swap3A_278 = vector.shape_cast %get3A_273 : vector<16xf32> to vector<1x16xf32>
            tpu.vector_store %arg7[%swap3A_274, %swap3A_275], %swap3A_278 {add = true, strides = array<i32>} : memref<632x128xf32, #tpu.memory_space<vmem>>, vector<1x16xf32>,
            %get3A_279 = arith.index_cast %add3A_252 : i32 to index
            %get3A_280 = arith.constant 48 : index
            %get3A_281 = tpu.vector_load %arg6[%get3A_279, %get3A_280] {strides = array<i32>} : memref<160x128xf32, #tpu.memory_space<vmem>>, vector<1x16xf32>,
            %get3A_282 = vector.shape_cast %get3A_281 : vector<1x16xf32> to vector<16xf32>
            %swap3A_283 = arith.index_cast %sub3A_75 : i32 to index
            %swap3A_284 = arith.constant 48 : index
            %swap3A_285 = tpu.vector_load %arg7[%swap3A_283, %swap3A_284] {strides = array<i32>} : memref<632x128xf32, #tpu.memory_space<vmem>>, vector<1x16xf32>,
            %swap3A_286 = vector.shape_cast %swap3A_285 : vector<1x16xf32> to vector<16xf32>
            %swap3A_287 = vector.shape_cast %get3A_282 : vector<16xf32> to vector<1x16xf32>
            tpu.vector_store %arg7[%swap3A_283, %swap3A_284], %swap3A_287 {add = true, strides = array<i32>} : memref<632x128xf32, #tpu.memory_space<vmem>>, vector<1x16xf32>,
            %get3A_288 = arith.index_cast %add3A_252 : i32 to index
            %get3A_289 = arith.constant 64 : index
            %get3A_290 = tpu.vector_load %arg6[%get3A_288, %get3A_289] {strides = array<i32>} : memref<160x128xf32, #tpu.memory_space<vmem>>, vector<1x16xf32>,
            %get3A_291 = vector.shape_cast %get3A_290 : vector<1x16xf32> to vector<16xf32>
            %swap3A_292 = arith.index_cast %sub3A_75 : i32 to index
            %swap3A_293 = arith.constant 64 : index
            %swap3A_294 = tpu.vector_load %arg7[%swap3A_292, %swap3A_293] {strides = array<i32>} : memref<632x128xf32, #tpu.memory_space<vmem>>, vector<1x16xf32>,
            %swap3A_295 = vector.shape_cast %swap3A_294 : vector<1x16xf32> to vector<16xf32>
            %swap3A_296 = vector.shape_cast %get3A_291 : vector<16xf32> to vector<1x16xf32>
            tpu.vector_store %arg7[%swap3A_292, %swap3A_293], %swap3A_296 {add = true, strides = array<i32>} : memref<632x128xf32, #tpu.memory_space<vmem>>, vector<1x16xf32>,
            %get3A_297 = arith.index_cast %add3A_252 : i32 to index
            %get3A_298 = arith.constant 80 : index
            %get3A_299 = tpu.vector_load %arg6[%get3A_297, %get3A_298] {strides = array<i32>} : memref<160x128xf32, #tpu.memory_space<vmem>>, vector<1x16xf32>,
            %get3A_300 = vector.shape_cast %get3A_299 : vector<1x16xf32> to vector<16xf32>
            %swap3A_301 = arith.index_cast %sub3A_75 : i32 to index
            %swap3A_302 = arith.constant 80 : index
            %swap3A_303 = tpu.vector_load %arg7[%swap3A_301, %swap3A_302] {strides = array<i32>} : memref<632x128xf32, #tpu.memory_space<vmem>>, vector<1x16xf32>,
            %swap3A_304 = vector.shape_cast %swap3A_303 : vector<1x16xf32> to vector<16xf32>
            %swap3A_305 = vector.shape_cast %get3A_300 : vector<16xf32> to vector<1x16xf32>
            tpu.vector_store %arg7[%swap3A_301, %swap3A_302], %swap3A_305 {add = true, strides = array<i32>} : memref<632x128xf32, #tpu.memory_space<vmem>>, vector<1x16xf32>,
            %get3A_306 = arith.index_cast %add3A_252 : i32 to index
            %get3A_307 = arith.constant 96 : index
            %get3A_308 = tpu.vector_load %arg6[%get3A_306, %get3A_307] {strides = array<i32>} : memref<160x128xf32, #tpu.memory_space<vmem>>, vector<1x16xf32>,
            %get3A_309 = vector.shape_cast %get3A_308 : vector<1x16xf32> to vector<16xf32>
            %swap3A_310 = arith.index_cast %sub3A_75 : i32 to index
            %swap3A_311 = arith.constant 96 : index
            %swap3A_312 = tpu.vector_load %arg7[%swap3A_310, %swap3A_311] {strides = array<i32>} : memref<632x128xf32, #tpu.memory_space<vmem>>, vector<1x16xf32>,
            %swap3A_313 = vector.shape_cast %swap3A_312 : vector<1x16xf32> to vector<16xf32>
            %swap3A_314 = vector.shape_cast %get3A_309 : vector<16xf32> to vector<1x16xf32>
            tpu.vector_store %arg7[%swap3A_310, %swap3A_311], %swap3A_314 {add = true, strides = array<i32>} : memref<632x128xf32, #tpu.memory_space<vmem>>, vector<1x16xf32>,
            %get3A_315 = arith.index_cast %add3A_252 : i32 to index
            %get3A_316 = arith.constant 112 : index
            %get3A_317 = tpu.vector_load %arg6[%get3A_315, %get3A_316] {strides = array<i32>} : memref<160x128xf32, #tpu.memory_space<vmem>>, vector<1x16xf32>,
            %get3A_318 = vector.shape_cast %get3A_317 : vector<1x16xf32> to vector<16xf32>
            %swap3A_319 = arith.index_cast %sub3A_75 : i32 to index
            %swap3A_320 = arith.constant 112 : index
            %swap3A_321 = tpu.vector_load %arg7[%swap3A_319, %swap3A_320] {strides = array<i32>} : memref<632x128xf32, #tpu.memory_space<vmem>>, vector<1x16xf32>,
            %swap3A_322 = vector.shape_cast %swap3A_321 : vector<1x16xf32> to vector<16xf32>
            %swap3A_323 = vector.shape_cast %get3A_318 : vector<16xf32> to vector<1x16xf32>
            tpu.vector_store %arg7[%swap3A_319, %swap3A_320], %swap3A_323 {add = true, strides = array<i32>} : memref<632x128xf32, #tpu.memory_space<vmem>>, vector<1x16xf32>,
          } else {
          }
          %slice3A_83 = vector.extract_strided_slice %get3A_74 {offsets = [1], sizes = [1], strides = [1]} : vector<16xi32> to vector<1xi32>
          %squeeze3A_84 = vector.extract %slice3A_83[0] : i32 from vector<1xi32>
          %sub3A_85 = arith.subi %squeeze3A_84, %mul3A_7 : i32
          %ge3A_86 = arith.constant 0 : i32
          %ge3A_87 = arith.cmpi sge, %sub3A_85, %ge3A_86 : i32
          %lt3A_88 = arith.constant 632 : i32
          %lt3A_89 = arith.cmpi slt, %sub3A_85, %lt3A_88 : i32
          %and3A_90 = arith.andi %ge3A_87, %lt3A_89 : i1
          %convert_element_type3A_91 = arith.extui %and3A_90 : i1 to i32
          %cond3A_92 = arith.constant 0 : i32
          %cond3A_93 = arith.cmpi ne, %convert_element_type3A_91, %cond3A_92 : i32
          scf.if %cond3A_93 {
            %mul3A_249 = arith.constant 16 : i32
            %mul3A_250 = arith.muli %scan3A_66, %mul3A_249 : i32
            %add3A_251 = arith.constant 1 : i32
            %add3A_252 = arith.addi %mul3A_250, %add3A_251 : i32
            %get3A_253 = arith.index_cast %add3A_252 : i32 to index
            %get3A_254 = arith.constant 0 : index
            %get3A_255 = tpu.vector_load %arg6[%get3A_253, %get3A_254] {strides = array<i32>} : memref<160x128xf32, #tpu.memory_space<vmem>>, vector<1x16xf32>,
            %get3A_256 = vector.shape_cast %get3A_255 : vector<1x16xf32> to vector<16xf32>
            %swap3A = arith.index_cast %sub3A_85 : i32 to index
            %swap3A_257 = arith.constant 0 : index
            %swap3A_258 = tpu.vector_load %arg7[%swap3A, %swap3A_257] {strides = array<i32>} : memref<632x128xf32, #tpu.memory_space<vmem>>, vector<1x16xf32>,
            %swap3A_259 = vector.shape_cast %swap3A_258 : vector<1x16xf32> to vector<16xf32>
            %swap3A_260 = vector.shape_cast %get3A_256 : vector<16xf32> to vector<1x16xf32>
            tpu.vector_store %arg7[%swap3A, %swap3A_257], %swap3A_260 {add = true, strides = array<i32>} : memref<632x128xf32, #tpu.memory_space<vmem>>, vector<1x16xf32>,
            %get3A_261 = arith.index_cast %add3A_252 : i32 to index
            %get3A_262 = arith.constant 16 : index
            %get3A_263 = tpu.vector_load %arg6[%get3A_261, %get3A_262] {strides = array<i32>} : memref<160x128xf32, #tpu.memory_space<vmem>>, vector<1x16xf32>,
            %get3A_264 = vector.shape_cast %get3A_263 : vector<1x16xf32> to vector<16xf32>
            %swap3A_265 = arith.index_cast %sub3A_85 : i32 to index
            %swap3A_266 = arith.constant 16 : index
            %swap3A_267 = tpu.vector_load %arg7[%swap3A_265, %swap3A_266] {strides = array<i32>} : memref<632x128xf32, #tpu.memory_space<vmem>>, vector<1x16xf32>,
            %swap3A_268 = vector.shape_cast %swap3A_267 : vector<1x16xf32> to vector<16xf32>
            %swap3A_269 = vector.shape_cast %get3A_264 : vector<16xf32> to vector<1x16xf32>
            tpu.vector_store %arg7[%swap3A_265, %swap3A_266], %swap3A_269 {add = true, strides = array<i32>} : memref<632x128xf32, #tpu.memory_space<vmem>>, vector<1x16xf32>,
            %get3A_270 = arith.index_cast %add3A_252 : i32 to index
            %get3A_271 = arith.constant 32 : index
            %get3A_272 = tpu.vector_load %arg6[%get3A_270, %get3A_271] {strides = array<i32>} : memref<160x128xf32, #tpu.memory_space<vmem>>, vector<1x16xf32>,
            %get3A_273 = vector.shape_cast %get3A_272 : vector<1x16xf32> to vector<16xf32>
            %swap3A_274 = arith.index_cast %sub3A_85 : i32 to index
            %swap3A_275 = arith.constant 32 : index
            %swap3A_276 = tpu.vector_load %arg7[%swap3A_274, %swap3A_275] {strides = array<i32>} : memref<632x128xf32, #tpu.memory_space<vmem>>, vector<1x16xf32>,
            %swap3A_277 = vector.shape_cast %swap3A_276 : vector<1x16xf32> to vector<16xf32>
            %swap3A_278 = vector.shape_cast %get3A_273 : vector<16xf32> to vector<1x16xf32>
            tpu.vector_store %arg7[%swap3A_274, %swap3A_275], %swap3A_278 {add = true, strides = array<i32>} : memref<632x128xf32, #tpu.memory_space<vmem>>, vector<1x16xf32>,
            %get3A_279 = arith.index_cast %add3A_252 : i32 to index
            %get3A_280 = arith.constant 48 : index
            %get3A_281 = tpu.vector_load %arg6[%get3A_279, %get3A_280] {strides = array<i32>} : memref<160x128xf32, #tpu.memory_space<vmem>>, vector<1x16xf32>,
            %get3A_282 = vector.shape_cast %get3A_281 : vector<1x16xf32> to vector<16xf32>
            %swap3A_283 = arith.index_cast %sub3A_85 : i32 to index
            %swap3A_284 = arith.constant 48 : index
            %swap3A_285 = tpu.vector_load %arg7[%swap3A_283, %swap3A_284] {strides = array<i32>} : memref<632x128xf32, #tpu.memory_space<vmem>>, vector<1x16xf32>,
            %swap3A_286 = vector.shape_cast %swap3A_285 : vector<1x16xf32> to vector<16xf32>
            %swap3A_287 = vector.shape_cast %get3A_282 : vector<16xf32> to vector<1x16xf32>
            tpu.vector_store %arg7[%swap3A_283, %swap3A_284], %swap3A_287 {add = true, strides = array<i32>} : memref<632x128xf32, #tpu.memory_space<vmem>>, vector<1x16xf32>,
            %get3A_288 = arith.index_cast %add3A_252 : i32 to index
            %get3A_289 = arith.constant 64 : index
            %get3A_290 = tpu.vector_load %arg6[%get3A_288, %get3A_289] {strides = array<i32>} : memref<160x128xf32, #tpu.memory_space<vmem>>, vector<1x16xf32>,
            %get3A_291 = vector.shape_cast %get3A_290 : vector<1x16xf32> to vector<16xf32>
            %swap3A_292 = arith.index_cast %sub3A_85 : i32 to index
            %swap3A_293 = arith.constant 64 : index
            %swap3A_294 = tpu.vector_load %arg7[%swap3A_292, %swap3A_293] {strides = array<i32>} : memref<632x128xf32, #tpu.memory_space<vmem>>, vector<1x16xf32>,
            %swap3A_295 = vector.shape_cast %swap3A_294 : vector<1x16xf32> to vector<16xf32>
            %swap3A_296 = vector.shape_cast %get3A_291 : vector<16xf32> to vector<1x16xf32>
            tpu.vector_store %arg7[%swap3A_292, %swap3A_293], %swap3A_296 {add = true, strides = array<i32>} : memref<632x128xf32, #tpu.memory_space<vmem>>, vector<1x16xf32>,
            %get3A_297 = arith.index_cast %add3A_252 : i32 to index
            %get3A_298 = arith.constant 80 : index
            %get3A_299 = tpu.vector_load %arg6[%get3A_297, %get3A_298] {strides = array<i32>} : memref<160x128xf32, #tpu.memory_space<vmem>>, vector<1x16xf32>,
            %get3A_300 = vector.shape_cast %get3A_299 : vector<1x16xf32> to vector<16xf32>
            %swap3A_301 = arith.index_cast %sub3A_85 : i32 to index
            %swap3A_302 = arith.constant 80 : index
            %swap3A_303 = tpu.vector_load %arg7[%swap3A_301, %swap3A_302] {strides = array<i32>} : memref<632x128xf32, #tpu.memory_space<vmem>>, vector<1x16xf32>,
            %swap3A_304 = vector.shape_cast %swap3A_303 : vector<1x16xf32> to vector<16xf32>
            %swap3A_305 = vector.shape_cast %get3A_300 : vector<16xf32> to vector<1x16xf32>
            tpu.vector_store %arg7[%swap3A_301, %swap3A_302], %swap3A_305 {add = true, strides = array<i32>} : memref<632x128xf32, #tpu.memory_space<vmem>>, vector<1x16xf32>,
            %get3A_306 = arith.index_cast %add3A_252 : i32 to index
            %get3A_307 = arith.constant 96 : index
            %get3A_308 = tpu.vector_load %arg6[%get3A_306, %get3A_307] {strides = array<i32>} : memref<160x128xf32, #tpu.memory_space<vmem>>, vector<1x16xf32>,
            %get3A_309 = vector.shape_cast %get3A_308 : vector<1x16xf32> to vector<16xf32>
            %swap3A_310 = arith.index_cast %sub3A_85 : i32 to index
            %swap3A_311 = arith.constant 96 : index
            %swap3A_312 = tpu.vector_load %arg7[%swap3A_310, %swap3A_311] {strides = array<i32>} : memref<632x128xf32, #tpu.memory_space<vmem>>, vector<1x16xf32>,
            %swap3A_313 = vector.shape_cast %swap3A_312 : vector<1x16xf32> to vector<16xf32>
            %swap3A_314 = vector.shape_cast %get3A_309 : vector<16xf32> to vector<1x16xf32>
            tpu.vector_store %arg7[%swap3A_310, %swap3A_311], %swap3A_314 {add = true, strides = array<i32>} : memref<632x128xf32, #tpu.memory_space<vmem>>, vector<1x16xf32>,
            %get3A_315 = arith.index_cast %add3A_252 : i32 to index
            %get3A_316 = arith.constant 112 : index
            %get3A_317 = tpu.vector_load %arg6[%get3A_315, %get3A_316] {strides = array<i32>} : memref<160x128xf32, #tpu.memory_space<vmem>>, vector<1x16xf32>,
            %get3A_318 = vector.shape_cast %get3A_317 : vector<1x16xf32> to vector<16xf32>
            %swap3A_319 = arith.index_cast %sub3A_85 : i32 to index
            %swap3A_320 = arith.constant 112 : index
            %swap3A_321 = tpu.vector_load %arg7[%swap3A_319, %swap3A_320] {strides = array<i32>} : memref<632x128xf32, #tpu.memory_space<vmem>>, vector<1x16xf32>,
            %swap3A_322 = vector.shape_cast %swap3A_321 : vector<1x16xf32> to vector<16xf32>
            %swap3A_323 = vector.shape_cast %get3A_318 : vector<16xf32> to vector<1x16xf32>
            tpu.vector_store %arg7[%swap3A_319, %swap3A_320], %swap3A_323 {add = true, strides = array<i32>} : memref<632x128xf32, #tpu.memory_space<vmem>>, vector<1x16xf32>,
          } else {
          }
          %slice3A_94 = vector.extract_strided_slice %get3A_74 {offsets = [2], sizes = [1], strides = [1]} : vector<16xi32> to vector<1xi32>
          %squeeze3A_95 = vector.extract %slice3A_94[0] : i32 from vector<1xi32>
          %sub3A_96 = arith.subi %squeeze3A_95, %mul3A_7 : i32
          %ge3A_97 = arith.constant 0 : i32
          %ge3A_98 = arith.cmpi sge, %sub3A_96, %ge3A_97 : i32
          %lt3A_99 = arith.constant 632 : i32
          %lt3A_100 = arith.cmpi slt, %sub3A_96, %lt3A_99 : i32
          %and3A_101 = arith.andi %ge3A_98, %lt3A_100 : i1
          %convert_element_type3A_102 = arith.extui %and3A_101 : i1 to i32
          %cond3A_103 = arith.constant 0 : i32
          %cond3A_104 = arith.cmpi ne, %convert_element_type3A_102, %cond3A_103 : i32
          scf.if %cond3A_104 {
            %mul3A_249 = arith.constant 16 : i32
            %mul3A_250 = arith.muli %scan3A_66, %mul3A_249 : i32
            %add3A_251 = arith.constant 2 : i32
            %add3A_252 = arith.addi %mul3A_250, %add3A_251 : i32
            %get3A_253 = arith.index_cast %add3A_252 : i32 to index
            %get3A_254 = arith.constant 0 : index
            %get3A_255 = tpu.vector_load %arg6[%get3A_253, %get3A_254] {strides = array<i32>} : memref<160x128xf32, #tpu.memory_space<vmem>>, vector<1x16xf32>,
            %get3A_256 = vector.shape_cast %get3A_255 : vector<1x16xf32> to vector<16xf32>
            %swap3A = arith.index_cast %sub3A_96 : i32 to index
            %swap3A_257 = arith.constant 0 : index
            %swap3A_258 = tpu.vector_load %arg7[%swap3A, %swap3A_257] {strides = array<i32>} : memref<632x128xf32, #tpu.memory_space<vmem>>, vector<1x16xf32>,
            %swap3A_259 = vector.shape_cast %swap3A_258 : vector<1x16xf32> to vector<16xf32>
            %swap3A_260 = vector.shape_cast %get3A_256 : vector<16xf32> to vector<1x16xf32>
            tpu.vector_store %arg7[%swap3A, %swap3A_257], %swap3A_260 {add = true, strides = array<i32>} : memref<632x128xf32, #tpu.memory_space<vmem>>, vector<1x16xf32>,
            %get3A_261 = arith.index_cast %add3A_252 : i32 to index
            %get3A_262 = arith.constant 16 : index
            %get3A_263 = tpu.vector_load %arg6[%get3A_261, %get3A_262] {strides = array<i32>} : memref<160x128xf32, #tpu.memory_space<vmem>>, vector<1x16xf32>,
            %get3A_264 = vector.shape_cast %get3A_263 : vector<1x16xf32> to vector<16xf32>
            %swap3A_265 = arith.index_cast %sub3A_96 : i32 to index
            %swap3A_266 = arith.constant 16 : index
            %swap3A_267 = tpu.vector_load %arg7[%swap3A_265, %swap3A_266] {strides = array<i32>} : memref<632x128xf32, #tpu.memory_space<vmem>>, vector<1x16xf32>,
            %swap3A_268 = vector.shape_cast %swap3A_267 : vector<1x16xf32> to vector<16xf32>
            %swap3A_269 = vector.shape_cast %get3A_264 : vector<16xf32> to vector<1x16xf32>
            tpu.vector_store %arg7[%swap3A_265, %swap3A_266], %swap3A_269 {add = true, strides = array<i32>} : memref<632x128xf32, #tpu.memory_space<vmem>>, vector<1x16xf32>,
            %get3A_270 = arith.index_cast %add3A_252 : i32 to index
            %get3A_271 = arith.constant 32 : index
            %get3A_272 = tpu.vector_load %arg6[%get3A_270, %get3A_271] {strides = array<i32>} : memref<160x128xf32, #tpu.memory_space<vmem>>, vector<1x16xf32>,
            %get3A_273 = vector.shape_cast %get3A_272 : vector<1x16xf32> to vector<16xf32>
            %swap3A_274 = arith.index_cast %sub3A_96 : i32 to index
            %swap3A_275 = arith.constant 32 : index
            %swap3A_276 = tpu.vector_load %arg7[%swap3A_274, %swap3A_275] {strides = array<i32>} : memref<632x128xf32, #tpu.memory_space<vmem>>, vector<1x16xf32>,
            %swap3A_277 = vector.shape_cast %swap3A_276 : vector<1x16xf32> to vector<16xf32>
            %swap3A_278 = vector.shape_cast %get3A_273 : vector<16xf32> to vector<1x16xf32>
            tpu.vector_store %arg7[%swap3A_274, %swap3A_275], %swap3A_278 {add = true, strides = array<i32>} : memref<632x128xf32, #tpu.memory_space<vmem>>, vector<1x16xf32>,
            %get3A_279 = arith.index_cast %add3A_252 : i32 to index
            %get3A_280 = arith.constant 48 : index
            %get3A_281 = tpu.vector_load %arg6[%get3A_279, %get3A_280] {strides = array<i32>} : memref<160x128xf32, #tpu.memory_space<vmem>>, vector<1x16xf32>,
            %get3A_282 = vector.shape_cast %get3A_281 : vector<1x16xf32> to vector<16xf32>
            %swap3A_283 = arith.index_cast %sub3A_96 : i32 to index
            %swap3A_284 = arith.constant 48 : index
            %swap3A_285 = tpu.vector_load %arg7[%swap3A_283, %swap3A_284] {strides = array<i32>} : memref<632x128xf32, #tpu.memory_space<vmem>>, vector<1x16xf32>,
            %swap3A_286 = vector.shape_cast %swap3A_285 : vector<1x16xf32> to vector<16xf32>
            %swap3A_287 = vector.shape_cast %get3A_282 : vector<16xf32> to vector<1x16xf32>
            tpu.vector_store %arg7[%swap3A_283, %swap3A_284], %swap3A_287 {add = true, strides = array<i32>} : memref<632x128xf32, #tpu.memory_space<vmem>>, vector<1x16xf32>,
            %get3A_288 = arith.index_cast %add3A_252 : i32 to index
            %get3A_289 = arith.constant 64 : index
            %get3A_290 = tpu.vector_load %arg6[%get3A_288, %get3A_289] {strides = array<i32>} : memref<160x128xf32, #tpu.memory_space<vmem>>, vector<1x16xf32>,
            %get3A_291 = vector.shape_cast %get3A_290 : vector<1x16xf32> to vector<16xf32>
            %swap3A_292 = arith.index_cast %sub3A_96 : i32 to index
            %swap3A_293 = arith.constant 64 : index
            %swap3A_294 = tpu.vector_load %arg7[%swap3A_292, %swap3A_293] {strides = array<i32>} : memref<632x128xf32, #tpu.memory_space<vmem>>, vector<1x16xf32>,
            %swap3A_295 = vector.shape_cast %swap3A_294 : vector<1x16xf32> to vector<16xf32>
            %swap3A_296 = vector.shape_cast %get3A_291 : vector<16xf32> to vector<1x16xf32>
            tpu.vector_store %arg7[%swap3A_292, %swap3A_293], %swap3A_296 {add = true, strides = array<i32>} : memref<632x128xf32, #tpu.memory_space<vmem>>, vector<1x16xf32>,
            %get3A_297 = arith.index_cast %add3A_252 : i32 to index
            %get3A_298 = arith.constant 80 : index
            %get3A_299 = tpu.vector_load %arg6[%get3A_297, %get3A_298] {strides = array<i32>} : memref<160x128xf32, #tpu.memory_space<vmem>>, vector<1x16xf32>,
            %get3A_300 = vector.shape_cast %get3A_299 : vector<1x16xf32> to vector<16xf32>
            %swap3A_301 = arith.index_cast %sub3A_96 : i32 to index
            %swap3A_302 = arith.constant 80 : index
            %swap3A_303 = tpu.vector_load %arg7[%swap3A_301, %swap3A_302] {strides = array<i32>} : memref<632x128xf32, #tpu.memory_space<vmem>>, vector<1x16xf32>,
            %swap3A_304 = vector.shape_cast %swap3A_303 : vector<1x16xf32> to vector<16xf32>
            %swap3A_305 = vector.shape_cast %get3A_300 : vector<16xf32> to vector<1x16xf32>
            tpu.vector_store %arg7[%swap3A_301, %swap3A_302], %swap3A_305 {add = true, strides = array<i32>} : memref<632x128xf32, #tpu.memory_space<vmem>>, vector<1x16xf32>,
            %get3A_306 = arith.index_cast %add3A_252 : i32 to index
            %get3A_307 = arith.constant 96 : index
            %get3A_308 = tpu.vector_load %arg6[%get3A_306, %get3A_307] {strides = array<i32>} : memref<160x128xf32, #tpu.memory_space<vmem>>, vector<1x16xf32>,
            %get3A_309 = vector.shape_cast %get3A_308 : vector<1x16xf32> to vector<16xf32>
            %swap3A_310 = arith.index_cast %sub3A_96 : i32 to index
            %swap3A_311 = arith.constant 96 : index
            %swap3A_312 = tpu.vector_load %arg7[%swap3A_310, %swap3A_311] {strides = array<i32>} : memref<632x128xf32, #tpu.memory_space<vmem>>, vector<1x16xf32>,
            %swap3A_313 = vector.shape_cast %swap3A_312 : vector<1x16xf32> to vector<16xf32>
            %swap3A_314 = vector.shape_cast %get3A_309 : vector<16xf32> to vector<1x16xf32>
            tpu.vector_store %arg7[%swap3A_310, %swap3A_311], %swap3A_314 {add = true, strides = array<i32>} : memref<632x128xf32, #tpu.memory_space<vmem>>, vector<1x16xf32>,
            %get3A_315 = arith.index_cast %add3A_252 : i32 to index
            %get3A_316 = arith.constant 112 : index
            %get3A_317 = tpu.vector_load %arg6[%get3A_315, %get3A_316] {strides = array<i32>} : memref<160x128xf32, #tpu.memory_space<vmem>>, vector<1x16xf32>,
            %get3A_318 = vector.shape_cast %get3A_317 : vector<1x16xf32> to vector<16xf32>
            %swap3A_319 = arith.index_cast %sub3A_96 : i32 to index
            %swap3A_320 = arith.constant 112 : index
            %swap3A_321 = tpu.vector_load %arg7[%swap3A_319, %swap3A_320] {strides = array<i32>} : memref<632x128xf32, #tpu.memory_space<vmem>>, vector<1x16xf32>,
            %swap3A_322 = vector.shape_cast %swap3A_321 : vector<1x16xf32> to vector<16xf32>
            %swap3A_323 = vector.shape_cast %get3A_318 : vector<16xf32> to vector<1x16xf32>
            tpu.vector_store %arg7[%swap3A_319, %swap3A_320], %swap3A_323 {add = true, strides = array<i32>} : memref<632x128xf32, #tpu.memory_space<vmem>>, vector<1x16xf32>,
          } else {
          }
          %slice3A_105 = vector.extract_strided_slice %get3A_74 {offsets = [3], sizes = [1], strides = [1]} : vector<16xi32> to vector<1xi32>
          %squeeze3A_106 = vector.extract %slice3A_105[0] : i32 from vector<1xi32>
          %sub3A_107 = arith.subi %squeeze3A_106, %mul3A_7 : i32
          %ge3A_108 = arith.constant 0 : i32
          %ge3A_109 = arith.cmpi sge, %sub3A_107, %ge3A_108 : i32
          %lt3A_110 = arith.constant 632 : i32
          %lt3A_111 = arith.cmpi slt, %sub3A_107, %lt3A_110 : i32
          %and3A_112 = arith.andi %ge3A_109, %lt3A_111 : i1
          %convert_element_type3A_113 = arith.extui %and3A_112 : i1 to i32
          %cond3A_114 = arith.constant 0 : i32
          %cond3A_115 = arith.cmpi ne, %convert_element_type3A_113, %cond3A_114 : i32
          scf.if %cond3A_115 {
            %mul3A_249 = arith.constant 16 : i32
            %mul3A_250 = arith.muli %scan3A_66, %mul3A_249 : i32
            %add3A_251 = arith.constant 3 : i32
            %add3A_252 = arith.addi %mul3A_250, %add3A_251 : i32
            %get3A_253 = arith.index_cast %add3A_252 : i32 to index
            %get3A_254 = arith.constant 0 : index
            %get3A_255 = tpu.vector_load %arg6[%get3A_253, %get3A_254] {strides = array<i32>} : memref<160x128xf32, #tpu.memory_space<vmem>>, vector<1x16xf32>,
            %get3A_256 = vector.shape_cast %get3A_255 : vector<1x16xf32> to vector<16xf32>
            %swap3A = arith.index_cast %sub3A_107 : i32 to index
            %swap3A_257 = arith.constant 0 : index
            %swap3A_258 = tpu.vector_load %arg7[%swap3A, %swap3A_257] {strides = array<i32>} : memref<632x128xf32, #tpu.memory_space<vmem>>, vector<1x16xf32>,
            %swap3A_259 = vector.shape_cast %swap3A_258 : vector<1x16xf32> to vector<16xf32>
            %swap3A_260 = vector.shape_cast %get3A_256 : vector<16xf32> to vector<1x16xf32>
            tpu.vector_store %arg7[%swap3A, %swap3A_257], %swap3A_260 {add = true, strides = array<i32>} : memref<632x128xf32, #tpu.memory_space<vmem>>, vector<1x16xf32>,
            %get3A_261 = arith.index_cast %add3A_252 : i32 to index
            %get3A_262 = arith.constant 16 : index
            %get3A_263 = tpu.vector_load %arg6[%get3A_261, %get3A_262] {strides = array<i32>} : memref<160x128xf32, #tpu.memory_space<vmem>>, vector<1x16xf32>,
            %get3A_264 = vector.shape_cast %get3A_263 : vector<1x16xf32> to vector<16xf32>
            %swap3A_265 = arith.index_cast %sub3A_107 : i32 to index
            %swap3A_266 = arith.constant 16 : index
            %swap3A_267 = tpu.vector_load %arg7[%swap3A_265, %swap3A_266] {strides = array<i32>} : memref<632x128xf32, #tpu.memory_space<vmem>>, vector<1x16xf32>,
            %swap3A_268 = vector.shape_cast %swap3A_267 : vector<1x16xf32> to vector<16xf32>
            %swap3A_269 = vector.shape_cast %get3A_264 : vector<16xf32> to vector<1x16xf32>
            tpu.vector_store %arg7[%swap3A_265, %swap3A_266], %swap3A_269 {add = true, strides = array<i32>} : memref<632x128xf32, #tpu.memory_space<vmem>>, vector<1x16xf32>,
            %get3A_270 = arith.index_cast %add3A_252 : i32 to index
            %get3A_271 = arith.constant 32 : index
            %get3A_272 = tpu.vector_load %arg6[%get3A_270, %get3A_271] {strides = array<i32>} : memref<160x128xf32, #tpu.memory_space<vmem>>, vector<1x16xf32>,
            %get3A_273 = vector.shape_cast %get3A_272 : vector<1x16xf32> to vector<16xf32>
            %swap3A_274 = arith.index_cast %sub3A_107 : i32 to index
            %swap3A_275 = arith.constant 32 : index
            %swap3A_276 = tpu.vector_load %arg7[%swap3A_274, %swap3A_275] {strides = array<i32>} : memref<632x128xf32, #tpu.memory_space<vmem>>, vector<1x16xf32>,
            %swap3A_277 = vector.shape_cast %swap3A_276 : vector<1x16xf32> to vector<16xf32>
            %swap3A_278 = vector.shape_cast %get3A_273 : vector<16xf32> to vector<1x16xf32>
            tpu.vector_store %arg7[%swap3A_274, %swap3A_275], %swap3A_278 {add = true, strides = array<i32>} : memref<632x128xf32, #tpu.memory_space<vmem>>, vector<1x16xf32>,
            %get3A_279 = arith.index_cast %add3A_252 : i32 to index
            %get3A_280 = arith.constant 48 : index
            %get3A_281 = tpu.vector_load %arg6[%get3A_279, %get3A_280] {strides = array<i32>} : memref<160x128xf32, #tpu.memory_space<vmem>>, vector<1x16xf32>,
            %get3A_282 = vector.shape_cast %get3A_281 : vector<1x16xf32> to vector<16xf32>
            %swap3A_283 = arith.index_cast %sub3A_107 : i32 to index
            %swap3A_284 = arith.constant 48 : index
            %swap3A_285 = tpu.vector_load %arg7[%swap3A_283, %swap3A_284] {strides = array<i32>} : memref<632x128xf32, #tpu.memory_space<vmem>>, vector<1x16xf32>,
            %swap3A_286 = vector.shape_cast %swap3A_285 : vector<1x16xf32> to vector<16xf32>
            %swap3A_287 = vector.shape_cast %get3A_282 : vector<16xf32> to vector<1x16xf32>
            tpu.vector_store %arg7[%swap3A_283, %swap3A_284], %swap3A_287 {add = true, strides = array<i32>} : memref<632x128xf32, #tpu.memory_space<vmem>>, vector<1x16xf32>,
            %get3A_288 = arith.index_cast %add3A_252 : i32 to index
            %get3A_289 = arith.constant 64 : index
            %get3A_290 = tpu.vector_load %arg6[%get3A_288, %get3A_289] {strides = array<i32>} : memref<160x128xf32, #tpu.memory_space<vmem>>, vector<1x16xf32>,
            %get3A_291 = vector.shape_cast %get3A_290 : vector<1x16xf32> to vector<16xf32>
            %swap3A_292 = arith.index_cast %sub3A_107 : i32 to index
            %swap3A_293 = arith.constant 64 : index
            %swap3A_294 = tpu.vector_load %arg7[%swap3A_292, %swap3A_293] {strides = array<i32>} : memref<632x128xf32, #tpu.memory_space<vmem>>, vector<1x16xf32>,
            %swap3A_295 = vector.shape_cast %swap3A_294 : vector<1x16xf32> to vector<16xf32>
            %swap3A_296 = vector.shape_cast %get3A_291 : vector<16xf32> to vector<1x16xf32>
            tpu.vector_store %arg7[%swap3A_292, %swap3A_293], %swap3A_296 {add = true, strides = array<i32>} : memref<632x128xf32, #tpu.memory_space<vmem>>, vector<1x16xf32>,
            %get3A_297 = arith.index_cast %add3A_252 : i32 to index
            %get3A_298 = arith.constant 80 : index
            %get3A_299 = tpu.vector_load %arg6[%get3A_297, %get3A_298] {strides = array<i32>} : memref<160x128xf32, #tpu.memory_space<vmem>>, vector<1x16xf32>,
            %get3A_300 = vector.shape_cast %get3A_299 : vector<1x16xf32> to vector<16xf32>
            %swap3A_301 = arith.index_cast %sub3A_107 : i32 to index
            %swap3A_302 = arith.constant 80 : index
            %swap3A_303 = tpu.vector_load %arg7[%swap3A_301, %swap3A_302] {strides = array<i32>} : memref<632x128xf32, #tpu.memory_space<vmem>>, vector<1x16xf32>,
            %swap3A_304 = vector.shape_cast %swap3A_303 : vector<1x16xf32> to vector<16xf32>
            %swap3A_305 = vector.shape_cast %get3A_300 : vector<16xf32> to vector<1x16xf32>
            tpu.vector_store %arg7[%swap3A_301, %swap3A_302], %swap3A_305 {add = true, strides = array<i32>} : memref<632x128xf32, #tpu.memory_space<vmem>>, vector<1x16xf32>,
            %get3A_306 = arith.index_cast %add3A_252 : i32 to index
            %get3A_307 = arith.constant 96 : index
            %get3A_308 = tpu.vector_load %arg6[%get3A_306, %get3A_307] {strides = array<i32>} : memref<160x128xf32, #tpu.memory_space<vmem>>, vector<1x16xf32>,
            %get3A_309 = vector.shape_cast %get3A_308 : vector<1x16xf32> to vector<16xf32>
            %swap3A_310 = arith.index_cast %sub3A_107 : i32 to index
            %swap3A_311 = arith.constant 96 : index
            %swap3A_312 = tpu.vector_load %arg7[%swap3A_310, %swap3A_311] {strides = array<i32>} : memref<632x128xf32, #tpu.memory_space<vmem>>, vector<1x16xf32>,
            %swap3A_313 = vector.shape_cast %swap3A_312 : vector<1x16xf32> to vector<16xf32>
            %swap3A_314 = vector.shape_cast %get3A_309 : vector<16xf32> to vector<1x16xf32>
            tpu.vector_store %arg7[%swap3A_310, %swap3A_311], %swap3A_314 {add = true, strides = array<i32>} : memref<632x128xf32, #tpu.memory_space<vmem>>, vector<1x16xf32>,
            %get3A_315 = arith.index_cast %add3A_252 : i32 to index
            %get3A_316 = arith.constant 112 : index
            %get3A_317 = tpu.vector_load %arg6[%get3A_315, %get3A_316] {strides = array<i32>} : memref<160x128xf32, #tpu.memory_space<vmem>>, vector<1x16xf32>,
            %get3A_318 = vector.shape_cast %get3A_317 : vector<1x16xf32> to vector<16xf32>
            %swap3A_319 = arith.index_cast %sub3A_107 : i32 to index
            %swap3A_320 = arith.constant 112 : index
            %swap3A_321 = tpu.vector_load %arg7[%swap3A_319, %swap3A_320] {strides = array<i32>} : memref<632x128xf32, #tpu.memory_space<vmem>>, vector<1x16xf32>,
            %swap3A_322 = vector.shape_cast %swap3A_321 : vector<1x16xf32> to vector<16xf32>
            %swap3A_323 = vector.shape_cast %get3A_318 : vector<16xf32> to vector<1x16xf32>
            tpu.vector_store %arg7[%swap3A_319, %swap3A_320], %swap3A_323 {add = true, strides = array<i32>} : memref<632x128xf32, #tpu.memory_space<vmem>>, vector<1x16xf32>,
          } else {
          }
          %slice3A_116 = vector.extract_strided_slice %get3A_74 {offsets = [4], sizes = [1], strides = [1]} : vector<16xi32> to vector<1xi32>
          %squeeze3A_117 = vector.extract %slice3A_116[0] : i32 from vector<1xi32>
          %sub3A_118 = arith.subi %squeeze3A_117, %mul3A_7 : i32
          %ge3A_119 = arith.constant 0 : i32
          %ge3A_120 = arith.cmpi sge, %sub3A_118, %ge3A_119 : i32
          %lt3A_121 = arith.constant 632 : i32
          %lt3A_122 = arith.cmpi slt, %sub3A_118, %lt3A_121 : i32
          %and3A_123 = arith.andi %ge3A_120, %lt3A_122 : i1
          %convert_element_type3A_124 = arith.extui %and3A_123 : i1 to i32
          %cond3A_125 = arith.constant 0 : i32
          %cond3A_126 = arith.cmpi ne, %convert_element_type3A_124, %cond3A_125 : i32
          scf.if %cond3A_126 {
            %mul3A_249 = arith.constant 16 : i32
            %mul3A_250 = arith.muli %scan3A_66, %mul3A_249 : i32
            %add3A_251 = arith.constant 4 : i32
            %add3A_252 = arith.addi %mul3A_250, %add3A_251 : i32
            %get3A_253 = arith.index_cast %add3A_252 : i32 to index
            %get3A_254 = arith.constant 0 : index
            %get3A_255 = tpu.vector_load %arg6[%get3A_253, %get3A_254] {strides = array<i32>} : memref<160x128xf32, #tpu.memory_space<vmem>>, vector<1x16xf32>,
            %get3A_256 = vector.shape_cast %get3A_255 : vector<1x16xf32> to vector<16xf32>
            %swap3A = arith.index_cast %sub3A_118 : i32 to index
            %swap3A_257 = arith.constant 0 : index
            %swap3A_258 = tpu.vector_load %arg7[%swap3A, %swap3A_257] {strides = array<i32>} : memref<632x128xf32, #tpu.memory_space<vmem>>, vector<1x16xf32>,
            %swap3A_259 = vector.shape_cast %swap3A_258 : vector<1x16xf32> to vector<16xf32>
            %swap3A_260 = vector.shape_cast %get3A_256 : vector<16xf32> to vector<1x16xf32>
            tpu.vector_store %arg7[%swap3A, %swap3A_257], %swap3A_260 {add = true, strides = array<i32>} : memref<632x128xf32, #tpu.memory_space<vmem>>, vector<1x16xf32>,
            %get3A_261 = arith.index_cast %add3A_252 : i32 to index
            %get3A_262 = arith.constant 16 : index
            %get3A_263 = tpu.vector_load %arg6[%get3A_261, %get3A_262] {strides = array<i32>} : memref<160x128xf32, #tpu.memory_space<vmem>>, vector<1x16xf32>,
            %get3A_264 = vector.shape_cast %get3A_263 : vector<1x16xf32> to vector<16xf32>
            %swap3A_265 = arith.index_cast %sub3A_118 : i32 to index
            %swap3A_266 = arith.constant 16 : index
            %swap3A_267 = tpu.vector_load %arg7[%swap3A_265, %swap3A_266] {strides = array<i32>} : memref<632x128xf32, #tpu.memory_space<vmem>>, vector<1x16xf32>,
            %swap3A_268 = vector.shape_cast %swap3A_267 : vector<1x16xf32> to vector<16xf32>
            %swap3A_269 = vector.shape_cast %get3A_264 : vector<16xf32> to vector<1x16xf32>
            tpu.vector_store %arg7[%swap3A_265, %swap3A_266], %swap3A_269 {add = true, strides = array<i32>} : memref<632x128xf32, #tpu.memory_space<vmem>>, vector<1x16xf32>,
            %get3A_270 = arith.index_cast %add3A_252 : i32 to index
            %get3A_271 = arith.constant 32 : index
            %get3A_272 = tpu.vector_load %arg6[%get3A_270, %get3A_271] {strides = array<i32>} : memref<160x128xf32, #tpu.memory_space<vmem>>, vector<1x16xf32>,
            %get3A_273 = vector.shape_cast %get3A_272 : vector<1x16xf32> to vector<16xf32>
            %swap3A_274 = arith.index_cast %sub3A_118 : i32 to index
            %swap3A_275 = arith.constant 32 : index
            %swap3A_276 = tpu.vector_load %arg7[%swap3A_274, %swap3A_275] {strides = array<i32>} : memref<632x128xf32, #tpu.memory_space<vmem>>, vector<1x16xf32>,
            %swap3A_277 = vector.shape_cast %swap3A_276 : vector<1x16xf32> to vector<16xf32>
            %swap3A_278 = vector.shape_cast %get3A_273 : vector<16xf32> to vector<1x16xf32>
            tpu.vector_store %arg7[%swap3A_274, %swap3A_275], %swap3A_278 {add = true, strides = array<i32>} : memref<632x128xf32, #tpu.memory_space<vmem>>, vector<1x16xf32>,
            %get3A_279 = arith.index_cast %add3A_252 : i32 to index
            %get3A_280 = arith.constant 48 : index
            %get3A_281 = tpu.vector_load %arg6[%get3A_279, %get3A_280] {strides = array<i32>} : memref<160x128xf32, #tpu.memory_space<vmem>>, vector<1x16xf32>,
            %get3A_282 = vector.shape_cast %get3A_281 : vector<1x16xf32> to vector<16xf32>
            %swap3A_283 = arith.index_cast %sub3A_118 : i32 to index
            %swap3A_284 = arith.constant 48 : index
            %swap3A_285 = tpu.vector_load %arg7[%swap3A_283, %swap3A_284] {strides = array<i32>} : memref<632x128xf32, #tpu.memory_space<vmem>>, vector<1x16xf32>,
            %swap3A_286 = vector.shape_cast %swap3A_285 : vector<1x16xf32> to vector<16xf32>
            %swap3A_287 = vector.shape_cast %get3A_282 : vector<16xf32> to vector<1x16xf32>
            tpu.vector_store %arg7[%swap3A_283, %swap3A_284], %swap3A_287 {add = true, strides = array<i32>} : memref<632x128xf32, #tpu.memory_space<vmem>>, vector<1x16xf32>,
            %get3A_288 = arith.index_cast %add3A_252 : i32 to index
            %get3A_289 = arith.constant 64 : index
            %get3A_290 = tpu.vector_load %arg6[%get3A_288, %get3A_289] {strides = array<i32>} : memref<160x128xf32, #tpu.memory_space<vmem>>, vector<1x16xf32>,
            %get3A_291 = vector.shape_cast %get3A_290 : vector<1x16xf32> to vector<16xf32>
            %swap3A_292 = arith.index_cast %sub3A_118 : i32 to index
            %swap3A_293 = arith.constant 64 : index
            %swap3A_294 = tpu.vector_load %arg7[%swap3A_292, %swap3A_293] {strides = array<i32>} : memref<632x128xf32, #tpu.memory_space<vmem>>, vector<1x16xf32>,
            %swap3A_295 = vector.shape_cast %swap3A_294 : vector<1x16xf32> to vector<16xf32>
            %swap3A_296 = vector.shape_cast %get3A_291 : vector<16xf32> to vector<1x16xf32>
            tpu.vector_store %arg7[%swap3A_292, %swap3A_293], %swap3A_296 {add = true, strides = array<i32>} : memref<632x128xf32, #tpu.memory_space<vmem>>, vector<1x16xf32>,
            %get3A_297 = arith.index_cast %add3A_252 : i32 to index
            %get3A_298 = arith.constant 80 : index
            %get3A_299 = tpu.vector_load %arg6[%get3A_297, %get3A_298] {strides = array<i32>} : memref<160x128xf32, #tpu.memory_space<vmem>>, vector<1x16xf32>,
            %get3A_300 = vector.shape_cast %get3A_299 : vector<1x16xf32> to vector<16xf32>
            %swap3A_301 = arith.index_cast %sub3A_118 : i32 to index
            %swap3A_302 = arith.constant 80 : index
            %swap3A_303 = tpu.vector_load %arg7[%swap3A_301, %swap3A_302] {strides = array<i32>} : memref<632x128xf32, #tpu.memory_space<vmem>>, vector<1x16xf32>,
            %swap3A_304 = vector.shape_cast %swap3A_303 : vector<1x16xf32> to vector<16xf32>
            %swap3A_305 = vector.shape_cast %get3A_300 : vector<16xf32> to vector<1x16xf32>
            tpu.vector_store %arg7[%swap3A_301, %swap3A_302], %swap3A_305 {add = true, strides = array<i32>} : memref<632x128xf32, #tpu.memory_space<vmem>>, vector<1x16xf32>,
            %get3A_306 = arith.index_cast %add3A_252 : i32 to index
            %get3A_307 = arith.constant 96 : index
            %get3A_308 = tpu.vector_load %arg6[%get3A_306, %get3A_307] {strides = array<i32>} : memref<160x128xf32, #tpu.memory_space<vmem>>, vector<1x16xf32>,
            %get3A_309 = vector.shape_cast %get3A_308 : vector<1x16xf32> to vector<16xf32>
            %swap3A_310 = arith.index_cast %sub3A_118 : i32 to index
            %swap3A_311 = arith.constant 96 : index
            %swap3A_312 = tpu.vector_load %arg7[%swap3A_310, %swap3A_311] {strides = array<i32>} : memref<632x128xf32, #tpu.memory_space<vmem>>, vector<1x16xf32>,
            %swap3A_313 = vector.shape_cast %swap3A_312 : vector<1x16xf32> to vector<16xf32>
            %swap3A_314 = vector.shape_cast %get3A_309 : vector<16xf32> to vector<1x16xf32>
            tpu.vector_store %arg7[%swap3A_310, %swap3A_311], %swap3A_314 {add = true, strides = array<i32>} : memref<632x128xf32, #tpu.memory_space<vmem>>, vector<1x16xf32>,
            %get3A_315 = arith.index_cast %add3A_252 : i32 to index
            %get3A_316 = arith.constant 112 : index
            %get3A_317 = tpu.vector_load %arg6[%get3A_315, %get3A_316] {strides = array<i32>} : memref<160x128xf32, #tpu.memory_space<vmem>>, vector<1x16xf32>,
            %get3A_318 = vector.shape_cast %get3A_317 : vector<1x16xf32> to vector<16xf32>
            %swap3A_319 = arith.index_cast %sub3A_118 : i32 to index
            %swap3A_320 = arith.constant 112 : index
            %swap3A_321 = tpu.vector_load %arg7[%swap3A_319, %swap3A_320] {strides = array<i32>} : memref<632x128xf32, #tpu.memory_space<vmem>>, vector<1x16xf32>,
            %swap3A_322 = vector.shape_cast %swap3A_321 : vector<1x16xf32> to vector<16xf32>
            %swap3A_323 = vector.shape_cast %get3A_318 : vector<16xf32> to vector<1x16xf32>
            tpu.vector_store %arg7[%swap3A_319, %swap3A_320], %swap3A_323 {add = true, strides = array<i32>} : memref<632x128xf32, #tpu.memory_space<vmem>>, vector<1x16xf32>,
          } else {
          }
          %slice3A_127 = vector.extract_strided_slice %get3A_74 {offsets = [5], sizes = [1], strides = [1]} : vector<16xi32> to vector<1xi32>
          %squeeze3A_128 = vector.extract %slice3A_127[0] : i32 from vector<1xi32>
          %sub3A_129 = arith.subi %squeeze3A_128, %mul3A_7 : i32
          %ge3A_130 = arith.constant 0 : i32
          %ge3A_131 = arith.cmpi sge, %sub3A_129, %ge3A_130 : i32
          %lt3A_132 = arith.constant 632 : i32
          %lt3A_133 = arith.cmpi slt, %sub3A_129, %lt3A_132 : i32
          %and3A_134 = arith.andi %ge3A_131, %lt3A_133 : i1
          %convert_element_type3A_135 = arith.extui %and3A_134 : i1 to i32
          %cond3A_136 = arith.constant 0 : i32
          %cond3A_137 = arith.cmpi ne, %convert_element_type3A_135, %cond3A_136 : i32
          scf.if %cond3A_137 {
            %mul3A_249 = arith.constant 16 : i32
            %mul3A_250 = arith.muli %scan3A_66, %mul3A_249 : i32
            %add3A_251 = arith.constant 5 : i32
            %add3A_252 = arith.addi %mul3A_250, %add3A_251 : i32
            %get3A_253 = arith.index_cast %add3A_252 : i32 to index
            %get3A_254 = arith.constant 0 : index
            %get3A_255 = tpu.vector_load %arg6[%get3A_253, %get3A_254] {strides = array<i32>} : memref<160x128xf32, #tpu.memory_space<vmem>>, vector<1x16xf32>,
            %get3A_256 = vector.shape_cast %get3A_255 : vector<1x16xf32> to vector<16xf32>
            %swap3A = arith.index_cast %sub3A_129 : i32 to index
            %swap3A_257 = arith.constant 0 : index
            %swap3A_258 = tpu.vector_load %arg7[%swap3A, %swap3A_257] {strides = array<i32>} : memref<632x128xf32, #tpu.memory_space<vmem>>, vector<1x16xf32>,
            %swap3A_259 = vector.shape_cast %swap3A_258 : vector<1x16xf32> to vector<16xf32>
            %swap3A_260 = vector.shape_cast %get3A_256 : vector<16xf32> to vector<1x16xf32>
            tpu.vector_store %arg7[%swap3A, %swap3A_257], %swap3A_260 {add = true, strides = array<i32>} : memref<632x128xf32, #tpu.memory_space<vmem>>, vector<1x16xf32>,
            %get3A_261 = arith.index_cast %add3A_252 : i32 to index
            %get3A_262 = arith.constant 16 : index
            %get3A_263 = tpu.vector_load %arg6[%get3A_261, %get3A_262] {strides = array<i32>} : memref<160x128xf32, #tpu.memory_space<vmem>>, vector<1x16xf32>,
            %get3A_264 = vector.shape_cast %get3A_263 : vector<1x16xf32> to vector<16xf32>
            %swap3A_265 = arith.index_cast %sub3A_129 : i32 to index
            %swap3A_266 = arith.constant 16 : index
            %swap3A_267 = tpu.vector_load %arg7[%swap3A_265, %swap3A_266] {strides = array<i32>} : memref<632x128xf32, #tpu.memory_space<vmem>>, vector<1x16xf32>,
            %swap3A_268 = vector.shape_cast %swap3A_267 : vector<1x16xf32> to vector<16xf32>
            %swap3A_269 = vector.shape_cast %get3A_264 : vector<16xf32> to vector<1x16xf32>
            tpu.vector_store %arg7[%swap3A_265, %swap3A_266], %swap3A_269 {add = true, strides = array<i32>} : memref<632x128xf32, #tpu.memory_space<vmem>>, vector<1x16xf32>,
            %get3A_270 = arith.index_cast %add3A_252 : i32 to index
            %get3A_271 = arith.constant 32 : index
            %get3A_272 = tpu.vector_load %arg6[%get3A_270, %get3A_271] {strides = array<i32>} : memref<160x128xf32, #tpu.memory_space<vmem>>, vector<1x16xf32>,
            %get3A_273 = vector.shape_cast %get3A_272 : vector<1x16xf32> to vector<16xf32>
            %swap3A_274 = arith.index_cast %sub3A_129 : i32 to index
            %swap3A_275 = arith.constant 32 : index
            %swap3A_276 = tpu.vector_load %arg7[%swap3A_274, %swap3A_275] {strides = array<i32>} : memref<632x128xf32, #tpu.memory_space<vmem>>, vector<1x16xf32>,
            %swap3A_277 = vector.shape_cast %swap3A_276 : vector<1x16xf32> to vector<16xf32>
            %swap3A_278 = vector.shape_cast %get3A_273 : vector<16xf32> to vector<1x16xf32>
            tpu.vector_store %arg7[%swap3A_274, %swap3A_275], %swap3A_278 {add = true, strides = array<i32>} : memref<632x128xf32, #tpu.memory_space<vmem>>, vector<1x16xf32>,
            %get3A_279 = arith.index_cast %add3A_252 : i32 to index
            %get3A_280 = arith.constant 48 : index
            %get3A_281 = tpu.vector_load %arg6[%get3A_279, %get3A_280] {strides = array<i32>} : memref<160x128xf32, #tpu.memory_space<vmem>>, vector<1x16xf32>,
            %get3A_282 = vector.shape_cast %get3A_281 : vector<1x16xf32> to vector<16xf32>
            %swap3A_283 = arith.index_cast %sub3A_129 : i32 to index
            %swap3A_284 = arith.constant 48 : index
            %swap3A_285 = tpu.vector_load %arg7[%swap3A_283, %swap3A_284] {strides = array<i32>} : memref<632x128xf32, #tpu.memory_space<vmem>>, vector<1x16xf32>,
            %swap3A_286 = vector.shape_cast %swap3A_285 : vector<1x16xf32> to vector<16xf32>
            %swap3A_287 = vector.shape_cast %get3A_282 : vector<16xf32> to vector<1x16xf32>
            tpu.vector_store %arg7[%swap3A_283, %swap3A_284], %swap3A_287 {add = true, strides = array<i32>} : memref<632x128xf32, #tpu.memory_space<vmem>>, vector<1x16xf32>,
            %get3A_288 = arith.index_cast %add3A_252 : i32 to index
            %get3A_289 = arith.constant 64 : index
            %get3A_290 = tpu.vector_load %arg6[%get3A_288, %get3A_289] {strides = array<i32>} : memref<160x128xf32, #tpu.memory_space<vmem>>, vector<1x16xf32>,
            %get3A_291 = vector.shape_cast %get3A_290 : vector<1x16xf32> to vector<16xf32>
            %swap3A_292 = arith.index_cast %sub3A_129 : i32 to index
            %swap3A_293 = arith.constant 64 : index
            %swap3A_294 = tpu.vector_load %arg7[%swap3A_292, %swap3A_293] {strides = array<i32>} : memref<632x128xf32, #tpu.memory_space<vmem>>, vector<1x16xf32>,
            %swap3A_295 = vector.shape_cast %swap3A_294 : vector<1x16xf32> to vector<16xf32>
            %swap3A_296 = vector.shape_cast %get3A_291 : vector<16xf32> to vector<1x16xf32>
            tpu.vector_store %arg7[%swap3A_292, %swap3A_293], %swap3A_296 {add = true, strides = array<i32>} : memref<632x128xf32, #tpu.memory_space<vmem>>, vector<1x16xf32>,
            %get3A_297 = arith.index_cast %add3A_252 : i32 to index
            %get3A_298 = arith.constant 80 : index
            %get3A_299 = tpu.vector_load %arg6[%get3A_297, %get3A_298] {strides = array<i32>} : memref<160x128xf32, #tpu.memory_space<vmem>>, vector<1x16xf32>,
            %get3A_300 = vector.shape_cast %get3A_299 : vector<1x16xf32> to vector<16xf32>
            %swap3A_301 = arith.index_cast %sub3A_129 : i32 to index
            %swap3A_302 = arith.constant 80 : index
            %swap3A_303 = tpu.vector_load %arg7[%swap3A_301, %swap3A_302] {strides = array<i32>} : memref<632x128xf32, #tpu.memory_space<vmem>>, vector<1x16xf32>,
            %swap3A_304 = vector.shape_cast %swap3A_303 : vector<1x16xf32> to vector<16xf32>
            %swap3A_305 = vector.shape_cast %get3A_300 : vector<16xf32> to vector<1x16xf32>
            tpu.vector_store %arg7[%swap3A_301, %swap3A_302], %swap3A_305 {add = true, strides = array<i32>} : memref<632x128xf32, #tpu.memory_space<vmem>>, vector<1x16xf32>,
            %get3A_306 = arith.index_cast %add3A_252 : i32 to index
            %get3A_307 = arith.constant 96 : index
            %get3A_308 = tpu.vector_load %arg6[%get3A_306, %get3A_307] {strides = array<i32>} : memref<160x128xf32, #tpu.memory_space<vmem>>, vector<1x16xf32>,
            %get3A_309 = vector.shape_cast %get3A_308 : vector<1x16xf32> to vector<16xf32>
            %swap3A_310 = arith.index_cast %sub3A_129 : i32 to index
            %swap3A_311 = arith.constant 96 : index
            %swap3A_312 = tpu.vector_load %arg7[%swap3A_310, %swap3A_311] {strides = array<i32>} : memref<632x128xf32, #tpu.memory_space<vmem>>, vector<1x16xf32>,
            %swap3A_313 = vector.shape_cast %swap3A_312 : vector<1x16xf32> to vector<16xf32>
            %swap3A_314 = vector.shape_cast %get3A_309 : vector<16xf32> to vector<1x16xf32>
            tpu.vector_store %arg7[%swap3A_310, %swap3A_311], %swap3A_314 {add = true, strides = array<i32>} : memref<632x128xf32, #tpu.memory_space<vmem>>, vector<1x16xf32>,
            %get3A_315 = arith.index_cast %add3A_252 : i32 to index
            %get3A_316 = arith.constant 112 : index
            %get3A_317 = tpu.vector_load %arg6[%get3A_315, %get3A_316] {strides = array<i32>} : memref<160x128xf32, #tpu.memory_space<vmem>>, vector<1x16xf32>,
            %get3A_318 = vector.shape_cast %get3A_317 : vector<1x16xf32> to vector<16xf32>
            %swap3A_319 = arith.index_cast %sub3A_129 : i32 to index
            %swap3A_320 = arith.constant 112 : index
            %swap3A_321 = tpu.vector_load %arg7[%swap3A_319, %swap3A_320] {strides = array<i32>} : memref<632x128xf32, #tpu.memory_space<vmem>>, vector<1x16xf32>,
            %swap3A_322 = vector.shape_cast %swap3A_321 : vector<1x16xf32> to vector<16xf32>
            %swap3A_323 = vector.shape_cast %get3A_318 : vector<16xf32> to vector<1x16xf32>
            tpu.vector_store %arg7[%swap3A_319, %swap3A_320], %swap3A_323 {add = true, strides = array<i32>} : memref<632x128xf32, #tpu.memory_space<vmem>>, vector<1x16xf32>,
          } else {
          }
          %slice3A_138 = vector.extract_strided_slice %get3A_74 {offsets = [6], sizes = [1], strides = [1]} : vector<16xi32> to vector<1xi32>
          %squeeze3A_139 = vector.extract %slice3A_138[0] : i32 from vector<1xi32>
          %sub3A_140 = arith.subi %squeeze3A_139, %mul3A_7 : i32
          %ge3A_141 = arith.constant 0 : i32
          %ge3A_142 = arith.cmpi sge, %sub3A_140, %ge3A_141 : i32
          %lt3A_143 = arith.constant 632 : i32
          %lt3A_144 = arith.cmpi slt, %sub3A_140, %lt3A_143 : i32
          %and3A_145 = arith.andi %ge3A_142, %lt3A_144 : i1
          %convert_element_type3A_146 = arith.extui %and3A_145 : i1 to i32
          %cond3A_147 = arith.constant 0 : i32
          %cond3A_148 = arith.cmpi ne, %convert_element_type3A_146, %cond3A_147 : i32
          scf.if %cond3A_148 {
            %mul3A_249 = arith.constant 16 : i32
            %mul3A_250 = arith.muli %scan3A_66, %mul3A_249 : i32
            %add3A_251 = arith.constant 6 : i32
            %add3A_252 = arith.addi %mul3A_250, %add3A_251 : i32
            %get3A_253 = arith.index_cast %add3A_252 : i32 to index
            %get3A_254 = arith.constant 0 : index
            %get3A_255 = tpu.vector_load %arg6[%get3A_253, %get3A_254] {strides = array<i32>} : memref<160x128xf32, #tpu.memory_space<vmem>>, vector<1x16xf32>,
            %get3A_256 = vector.shape_cast %get3A_255 : vector<1x16xf32> to vector<16xf32>
            %swap3A = arith.index_cast %sub3A_140 : i32 to index
            %swap3A_257 = arith.constant 0 : index
            %swap3A_258 = tpu.vector_load %arg7[%swap3A, %swap3A_257] {strides = array<i32>} : memref<632x128xf32, #tpu.memory_space<vmem>>, vector<1x16xf32>,
            %swap3A_259 = vector.shape_cast %swap3A_258 : vector<1x16xf32> to vector<16xf32>
            %swap3A_260 = vector.shape_cast %get3A_256 : vector<16xf32> to vector<1x16xf32>
            tpu.vector_store %arg7[%swap3A, %swap3A_257], %swap3A_260 {add = true, strides = array<i32>} : memref<632x128xf32, #tpu.memory_space<vmem>>, vector<1x16xf32>,
            %get3A_261 = arith.index_cast %add3A_252 : i32 to index
            %get3A_262 = arith.constant 16 : index
            %get3A_263 = tpu.vector_load %arg6[%get3A_261, %get3A_262] {strides = array<i32>} : memref<160x128xf32, #tpu.memory_space<vmem>>, vector<1x16xf32>,
            %get3A_264 = vector.shape_cast %get3A_263 : vector<1x16xf32> to vector<16xf32>
            %swap3A_265 = arith.index_cast %sub3A_140 : i32 to index
            %swap3A_266 = arith.constant 16 : index
            %swap3A_267 = tpu.vector_load %arg7[%swap3A_265, %swap3A_266] {strides = array<i32>} : memref<632x128xf32, #tpu.memory_space<vmem>>, vector<1x16xf32>,
            %swap3A_268 = vector.shape_cast %swap3A_267 : vector<1x16xf32> to vector<16xf32>
            %swap3A_269 = vector.shape_cast %get3A_264 : vector<16xf32> to vector<1x16xf32>
            tpu.vector_store %arg7[%swap3A_265, %swap3A_266], %swap3A_269 {add = true, strides = array<i32>} : memref<632x128xf32, #tpu.memory_space<vmem>>, vector<1x16xf32>,
            %get3A_270 = arith.index_cast %add3A_252 : i32 to index
            %get3A_271 = arith.constant 32 : index
            %get3A_272 = tpu.vector_load %arg6[%get3A_270, %get3A_271] {strides = array<i32>} : memref<160x128xf32, #tpu.memory_space<vmem>>, vector<1x16xf32>,
            %get3A_273 = vector.shape_cast %get3A_272 : vector<1x16xf32> to vector<16xf32>
            %swap3A_274 = arith.index_cast %sub3A_140 : i32 to index
            %swap3A_275 = arith.constant 32 : index
            %swap3A_276 = tpu.vector_load %arg7[%swap3A_274, %swap3A_275] {strides = array<i32>} : memref<632x128xf32, #tpu.memory_space<vmem>>, vector<1x16xf32>,
            %swap3A_277 = vector.shape_cast %swap3A_276 : vector<1x16xf32> to vector<16xf32>
            %swap3A_278 = vector.shape_cast %get3A_273 : vector<16xf32> to vector<1x16xf32>
            tpu.vector_store %arg7[%swap3A_274, %swap3A_275], %swap3A_278 {add = true, strides = array<i32>} : memref<632x128xf32, #tpu.memory_space<vmem>>, vector<1x16xf32>,
            %get3A_279 = arith.index_cast %add3A_252 : i32 to index
            %get3A_280 = arith.constant 48 : index
            %get3A_281 = tpu.vector_load %arg6[%get3A_279, %get3A_280] {strides = array<i32>} : memref<160x128xf32, #tpu.memory_space<vmem>>, vector<1x16xf32>,
            %get3A_282 = vector.shape_cast %get3A_281 : vector<1x16xf32> to vector<16xf32>
            %swap3A_283 = arith.index_cast %sub3A_140 : i32 to index
            %swap3A_284 = arith.constant 48 : index
            %swap3A_285 = tpu.vector_load %arg7[%swap3A_283, %swap3A_284] {strides = array<i32>} : memref<632x128xf32, #tpu.memory_space<vmem>>, vector<1x16xf32>,
            %swap3A_286 = vector.shape_cast %swap3A_285 : vector<1x16xf32> to vector<16xf32>
            %swap3A_287 = vector.shape_cast %get3A_282 : vector<16xf32> to vector<1x16xf32>
            tpu.vector_store %arg7[%swap3A_283, %swap3A_284], %swap3A_287 {add = true, strides = array<i32>} : memref<632x128xf32, #tpu.memory_space<vmem>>, vector<1x16xf32>,
            %get3A_288 = arith.index_cast %add3A_252 : i32 to index
            %get3A_289 = arith.constant 64 : index
            %get3A_290 = tpu.vector_load %arg6[%get3A_288, %get3A_289] {strides = array<i32>} : memref<160x128xf32, #tpu.memory_space<vmem>>, vector<1x16xf32>,
            %get3A_291 = vector.shape_cast %get3A_290 : vector<1x16xf32> to vector<16xf32>
            %swap3A_292 = arith.index_cast %sub3A_140 : i32 to index
            %swap3A_293 = arith.constant 64 : index
            %swap3A_294 = tpu.vector_load %arg7[%swap3A_292, %swap3A_293] {strides = array<i32>} : memref<632x128xf32, #tpu.memory_space<vmem>>, vector<1x16xf32>,
            %swap3A_295 = vector.shape_cast %swap3A_294 : vector<1x16xf32> to vector<16xf32>
            %swap3A_296 = vector.shape_cast %get3A_291 : vector<16xf32> to vector<1x16xf32>
            tpu.vector_store %arg7[%swap3A_292, %swap3A_293], %swap3A_296 {add = true, strides = array<i32>} : memref<632x128xf32, #tpu.memory_space<vmem>>, vector<1x16xf32>,
            %get3A_297 = arith.index_cast %add3A_252 : i32 to index
            %get3A_298 = arith.constant 80 : index
            %get3A_299 = tpu.vector_load %arg6[%get3A_297, %get3A_298] {strides = array<i32>} : memref<160x128xf32, #tpu.memory_space<vmem>>, vector<1x16xf32>,
            %get3A_300 = vector.shape_cast %get3A_299 : vector<1x16xf32> to vector<16xf32>
            %swap3A_301 = arith.index_cast %sub3A_140 : i32 to index
            %swap3A_302 = arith.constant 80 : index
            %swap3A_303 = tpu.vector_load %arg7[%swap3A_301, %swap3A_302] {strides = array<i32>} : memref<632x128xf32, #tpu.memory_space<vmem>>, vector<1x16xf32>,
            %swap3A_304 = vector.shape_cast %swap3A_303 : vector<1x16xf32> to vector<16xf32>
            %swap3A_305 = vector.shape_cast %get3A_300 : vector<16xf32> to vector<1x16xf32>
            tpu.vector_store %arg7[%swap3A_301, %swap3A_302], %swap3A_305 {add = true, strides = array<i32>} : memref<632x128xf32, #tpu.memory_space<vmem>>, vector<1x16xf32>,
            %get3A_306 = arith.index_cast %add3A_252 : i32 to index
            %get3A_307 = arith.constant 96 : index
            %get3A_308 = tpu.vector_load %arg6[%get3A_306, %get3A_307] {strides = array<i32>} : memref<160x128xf32, #tpu.memory_space<vmem>>, vector<1x16xf32>,
            %get3A_309 = vector.shape_cast %get3A_308 : vector<1x16xf32> to vector<16xf32>
            %swap3A_310 = arith.index_cast %sub3A_140 : i32 to index
            %swap3A_311 = arith.constant 96 : index
            %swap3A_312 = tpu.vector_load %arg7[%swap3A_310, %swap3A_311] {strides = array<i32>} : memref<632x128xf32, #tpu.memory_space<vmem>>, vector<1x16xf32>,
            %swap3A_313 = vector.shape_cast %swap3A_312 : vector<1x16xf32> to vector<16xf32>
            %swap3A_314 = vector.shape_cast %get3A_309 : vector<16xf32> to vector<1x16xf32>
            tpu.vector_store %arg7[%swap3A_310, %swap3A_311], %swap3A_314 {add = true, strides = array<i32>} : memref<632x128xf32, #tpu.memory_space<vmem>>, vector<1x16xf32>,
            %get3A_315 = arith.index_cast %add3A_252 : i32 to index
            %get3A_316 = arith.constant 112 : index
            %get3A_317 = tpu.vector_load %arg6[%get3A_315, %get3A_316] {strides = array<i32>} : memref<160x128xf32, #tpu.memory_space<vmem>>, vector<1x16xf32>,
            %get3A_318 = vector.shape_cast %get3A_317 : vector<1x16xf32> to vector<16xf32>
            %swap3A_319 = arith.index_cast %sub3A_140 : i32 to index
            %swap3A_320 = arith.constant 112 : index
            %swap3A_321 = tpu.vector_load %arg7[%swap3A_319, %swap3A_320] {strides = array<i32>} : memref<632x128xf32, #tpu.memory_space<vmem>>, vector<1x16xf32>,
            %swap3A_322 = vector.shape_cast %swap3A_321 : vector<1x16xf32> to vector<16xf32>
            %swap3A_323 = vector.shape_cast %get3A_318 : vector<16xf32> to vector<1x16xf32>
            tpu.vector_store %arg7[%swap3A_319, %swap3A_320], %swap3A_323 {add = true, strides = array<i32>} : memref<632x128xf32, #tpu.memory_space<vmem>>, vector<1x16xf32>,
          } else {
          }
          %slice3A_149 = vector.extract_strided_slice %get3A_74 {offsets = [7], sizes = [1], strides = [1]} : vector<16xi32> to vector<1xi32>
          %squeeze3A_150 = vector.extract %slice3A_149[0] : i32 from vector<1xi32>
          %sub3A_151 = arith.subi %squeeze3A_150, %mul3A_7 : i32
          %ge3A_152 = arith.constant 0 : i32
          %ge3A_153 = arith.cmpi sge, %sub3A_151, %ge3A_152 : i32
          %lt3A_154 = arith.constant 632 : i32
          %lt3A_155 = arith.cmpi slt, %sub3A_151, %lt3A_154 : i32
          %and3A_156 = arith.andi %ge3A_153, %lt3A_155 : i1
          %convert_element_type3A_157 = arith.extui %and3A_156 : i1 to i32
          %cond3A_158 = arith.constant 0 : i32
          %cond3A_159 = arith.cmpi ne, %convert_element_type3A_157, %cond3A_158 : i32
          scf.if %cond3A_159 {
            %mul3A_249 = arith.constant 16 : i32
            %mul3A_250 = arith.muli %scan3A_66, %mul3A_249 : i32
            %add3A_251 = arith.constant 7 : i32
            %add3A_252 = arith.addi %mul3A_250, %add3A_251 : i32
            %get3A_253 = arith.index_cast %add3A_252 : i32 to index
            %get3A_254 = arith.constant 0 : index
            %get3A_255 = tpu.vector_load %arg6[%get3A_253, %get3A_254] {strides = array<i32>} : memref<160x128xf32, #tpu.memory_space<vmem>>, vector<1x16xf32>,
            %get3A_256 = vector.shape_cast %get3A_255 : vector<1x16xf32> to vector<16xf32>
            %swap3A = arith.index_cast %sub3A_151 : i32 to index
            %swap3A_257 = arith.constant 0 : index
            %swap3A_258 = tpu.vector_load %arg7[%swap3A, %swap3A_257] {strides = array<i32>} : memref<632x128xf32, #tpu.memory_space<vmem>>, vector<1x16xf32>,
            %swap3A_259 = vector.shape_cast %swap3A_258 : vector<1x16xf32> to vector<16xf32>
            %swap3A_260 = vector.shape_cast %get3A_256 : vector<16xf32> to vector<1x16xf32>
            tpu.vector_store %arg7[%swap3A, %swap3A_257], %swap3A_260 {add = true, strides = array<i32>} : memref<632x128xf32, #tpu.memory_space<vmem>>, vector<1x16xf32>,
            %get3A_261 = arith.index_cast %add3A_252 : i32 to index
            %get3A_262 = arith.constant 16 : index
            %get3A_263 = tpu.vector_load %arg6[%get3A_261, %get3A_262] {strides = array<i32>} : memref<160x128xf32, #tpu.memory_space<vmem>>, vector<1x16xf32>,
            %get3A_264 = vector.shape_cast %get3A_263 : vector<1x16xf32> to vector<16xf32>
            %swap3A_265 = arith.index_cast %sub3A_151 : i32 to index
            %swap3A_266 = arith.constant 16 : index
            %swap3A_267 = tpu.vector_load %arg7[%swap3A_265, %swap3A_266] {strides = array<i32>} : memref<632x128xf32, #tpu.memory_space<vmem>>, vector<1x16xf32>,
            %swap3A_268 = vector.shape_cast %swap3A_267 : vector<1x16xf32> to vector<16xf32>
            %swap3A_269 = vector.shape_cast %get3A_264 : vector<16xf32> to vector<1x16xf32>
            tpu.vector_store %arg7[%swap3A_265, %swap3A_266], %swap3A_269 {add = true, strides = array<i32>} : memref<632x128xf32, #tpu.memory_space<vmem>>, vector<1x16xf32>,
            %get3A_270 = arith.index_cast %add3A_252 : i32 to index
            %get3A_271 = arith.constant 32 : index
            %get3A_272 = tpu.vector_load %arg6[%get3A_270, %get3A_271] {strides = array<i32>} : memref<160x128xf32, #tpu.memory_space<vmem>>, vector<1x16xf32>,
            %get3A_273 = vector.shape_cast %get3A_272 : vector<1x16xf32> to vector<16xf32>
            %swap3A_274 = arith.index_cast %sub3A_151 : i32 to index
            %swap3A_275 = arith.constant 32 : index
            %swap3A_276 = tpu.vector_load %arg7[%swap3A_274, %swap3A_275] {strides = array<i32>} : memref<632x128xf32, #tpu.memory_space<vmem>>, vector<1x16xf32>,
            %swap3A_277 = vector.shape_cast %swap3A_276 : vector<1x16xf32> to vector<16xf32>
            %swap3A_278 = vector.shape_cast %get3A_273 : vector<16xf32> to vector<1x16xf32>
            tpu.vector_store %arg7[%swap3A_274, %swap3A_275], %swap3A_278 {add = true, strides = array<i32>} : memref<632x128xf32, #tpu.memory_space<vmem>>, vector<1x16xf32>,
            %get3A_279 = arith.index_cast %add3A_252 : i32 to index
            %get3A_280 = arith.constant 48 : index
            %get3A_281 = tpu.vector_load %arg6[%get3A_279, %get3A_280] {strides = array<i32>} : memref<160x128xf32, #tpu.memory_space<vmem>>, vector<1x16xf32>,
            %get3A_282 = vector.shape_cast %get3A_281 : vector<1x16xf32> to vector<16xf32>
            %swap3A_283 = arith.index_cast %sub3A_151 : i32 to index
            %swap3A_284 = arith.constant 48 : index
            %swap3A_285 = tpu.vector_load %arg7[%swap3A_283, %swap3A_284] {strides = array<i32>} : memref<632x128xf32, #tpu.memory_space<vmem>>, vector<1x16xf32>,
            %swap3A_286 = vector.shape_cast %swap3A_285 : vector<1x16xf32> to vector<16xf32>
            %swap3A_287 = vector.shape_cast %get3A_282 : vector<16xf32> to vector<1x16xf32>
            tpu.vector_store %arg7[%swap3A_283, %swap3A_284], %swap3A_287 {add = true, strides = array<i32>} : memref<632x128xf32, #tpu.memory_space<vmem>>, vector<1x16xf32>,
            %get3A_288 = arith.index_cast %add3A_252 : i32 to index
            %get3A_289 = arith.constant 64 : index
            %get3A_290 = tpu.vector_load %arg6[%get3A_288, %get3A_289] {strides = array<i32>} : memref<160x128xf32, #tpu.memory_space<vmem>>, vector<1x16xf32>,
            %get3A_291 = vector.shape_cast %get3A_290 : vector<1x16xf32> to vector<16xf32>
            %swap3A_292 = arith.index_cast %sub3A_151 : i32 to index
            %swap3A_293 = arith.constant 64 : index
            %swap3A_294 = tpu.vector_load %arg7[%swap3A_292, %swap3A_293] {strides = array<i32>} : memref<632x128xf32, #tpu.memory_space<vmem>>, vector<1x16xf32>,
            %swap3A_295 = vector.shape_cast %swap3A_294 : vector<1x16xf32> to vector<16xf32>
            %swap3A_296 = vector.shape_cast %get3A_291 : vector<16xf32> to vector<1x16xf32>
            tpu.vector_store %arg7[%swap3A_292, %swap3A_293], %swap3A_296 {add = true, strides = array<i32>} : memref<632x128xf32, #tpu.memory_space<vmem>>, vector<1x16xf32>,
            %get3A_297 = arith.index_cast %add3A_252 : i32 to index
            %get3A_298 = arith.constant 80 : index
            %get3A_299 = tpu.vector_load %arg6[%get3A_297, %get3A_298] {strides = array<i32>} : memref<160x128xf32, #tpu.memory_space<vmem>>, vector<1x16xf32>,
            %get3A_300 = vector.shape_cast %get3A_299 : vector<1x16xf32> to vector<16xf32>
            %swap3A_301 = arith.index_cast %sub3A_151 : i32 to index
            %swap3A_302 = arith.constant 80 : index
            %swap3A_303 = tpu.vector_load %arg7[%swap3A_301, %swap3A_302] {strides = array<i32>} : memref<632x128xf32, #tpu.memory_space<vmem>>, vector<1x16xf32>,
            %swap3A_304 = vector.shape_cast %swap3A_303 : vector<1x16xf32> to vector<16xf32>
            %swap3A_305 = vector.shape_cast %get3A_300 : vector<16xf32> to vector<1x16xf32>
            tpu.vector_store %arg7[%swap3A_301, %swap3A_302], %swap3A_305 {add = true, strides = array<i32>} : memref<632x128xf32, #tpu.memory_space<vmem>>, vector<1x16xf32>,
            %get3A_306 = arith.index_cast %add3A_252 : i32 to index
            %get3A_307 = arith.constant 96 : index
            %get3A_308 = tpu.vector_load %arg6[%get3A_306, %get3A_307] {strides = array<i32>} : memref<160x128xf32, #tpu.memory_space<vmem>>, vector<1x16xf32>,
            %get3A_309 = vector.shape_cast %get3A_308 : vector<1x16xf32> to vector<16xf32>
            %swap3A_310 = arith.index_cast %sub3A_151 : i32 to index
            %swap3A_311 = arith.constant 96 : index
            %swap3A_312 = tpu.vector_load %arg7[%swap3A_310, %swap3A_311] {strides = array<i32>} : memref<632x128xf32, #tpu.memory_space<vmem>>, vector<1x16xf32>,
            %swap3A_313 = vector.shape_cast %swap3A_312 : vector<1x16xf32> to vector<16xf32>
            %swap3A_314 = vector.shape_cast %get3A_309 : vector<16xf32> to vector<1x16xf32>
            tpu.vector_store %arg7[%swap3A_310, %swap3A_311], %swap3A_314 {add = true, strides = array<i32>} : memref<632x128xf32, #tpu.memory_space<vmem>>, vector<1x16xf32>,
            %get3A_315 = arith.index_cast %add3A_252 : i32 to index
            %get3A_316 = arith.constant 112 : index
            %get3A_317 = tpu.vector_load %arg6[%get3A_315, %get3A_316] {strides = array<i32>} : memref<160x128xf32, #tpu.memory_space<vmem>>, vector<1x16xf32>,
            %get3A_318 = vector.shape_cast %get3A_317 : vector<1x16xf32> to vector<16xf32>
            %swap3A_319 = arith.index_cast %sub3A_151 : i32 to index
            %swap3A_320 = arith.constant 112 : index
            %swap3A_321 = tpu.vector_load %arg7[%swap3A_319, %swap3A_320] {strides = array<i32>} : memref<632x128xf32, #tpu.memory_space<vmem>>, vector<1x16xf32>,
            %swap3A_322 = vector.shape_cast %swap3A_321 : vector<1x16xf32> to vector<16xf32>
            %swap3A_323 = vector.shape_cast %get3A_318 : vector<16xf32> to vector<1x16xf32>
            tpu.vector_store %arg7[%swap3A_319, %swap3A_320], %swap3A_323 {add = true, strides = array<i32>} : memref<632x128xf32, #tpu.memory_space<vmem>>, vector<1x16xf32>,
          } else {
          }
          %slice3A_160 = vector.extract_strided_slice %get3A_74 {offsets = [8], sizes = [1], strides = [1]} : vector<16xi32> to vector<1xi32>
          %squeeze3A_161 = vector.extract %slice3A_160[0] : i32 from vector<1xi32>
          %sub3A_162 = arith.subi %squeeze3A_161, %mul3A_7 : i32
          %ge3A_163 = arith.constant 0 : i32
          %ge3A_164 = arith.cmpi sge, %sub3A_162, %ge3A_163 : i32
          %lt3A_165 = arith.constant 632 : i32
          %lt3A_166 = arith.cmpi slt, %sub3A_162, %lt3A_165 : i32
          %and3A_167 = arith.andi %ge3A_164, %lt3A_166 : i1
          %convert_element_type3A_168 = arith.extui %and3A_167 : i1 to i32
          %cond3A_169 = arith.constant 0 : i32
          %cond3A_170 = arith.cmpi ne, %convert_element_type3A_168, %cond3A_169 : i32
          scf.if %cond3A_170 {
            %mul3A_249 = arith.constant 16 : i32
            %mul3A_250 = arith.muli %scan3A_66, %mul3A_249 : i32
            %add3A_251 = arith.constant 8 : i32
            %add3A_252 = arith.addi %mul3A_250, %add3A_251 : i32
            %get3A_253 = arith.index_cast %add3A_252 : i32 to index
            %get3A_254 = arith.constant 0 : index
            %get3A_255 = tpu.vector_load %arg6[%get3A_253, %get3A_254] {strides = array<i32>} : memref<160x128xf32, #tpu.memory_space<vmem>>, vector<1x16xf32>,
            %get3A_256 = vector.shape_cast %get3A_255 : vector<1x16xf32> to vector<16xf32>
            %swap3A = arith.index_cast %sub3A_162 : i32 to index
            %swap3A_257 = arith.constant 0 : index
            %swap3A_258 = tpu.vector_load %arg7[%swap3A, %swap3A_257] {strides = array<i32>} : memref<632x128xf32, #tpu.memory_space<vmem>>, vector<1x16xf32>,
            %swap3A_259 = vector.shape_cast %swap3A_258 : vector<1x16xf32> to vector<16xf32>
            %swap3A_260 = vector.shape_cast %get3A_256 : vector<16xf32> to vector<1x16xf32>
            tpu.vector_store %arg7[%swap3A, %swap3A_257], %swap3A_260 {add = true, strides = array<i32>} : memref<632x128xf32, #tpu.memory_space<vmem>>, vector<1x16xf32>,
            %get3A_261 = arith.index_cast %add3A_252 : i32 to index
            %get3A_262 = arith.constant 16 : index
            %get3A_263 = tpu.vector_load %arg6[%get3A_261, %get3A_262] {strides = array<i32>} : memref<160x128xf32, #tpu.memory_space<vmem>>, vector<1x16xf32>,
            %get3A_264 = vector.shape_cast %get3A_263 : vector<1x16xf32> to vector<16xf32>
            %swap3A_265 = arith.index_cast %sub3A_162 : i32 to index
            %swap3A_266 = arith.constant 16 : index
            %swap3A_267 = tpu.vector_load %arg7[%swap3A_265, %swap3A_266] {strides = array<i32>} : memref<632x128xf32, #tpu.memory_space<vmem>>, vector<1x16xf32>,
            %swap3A_268 = vector.shape_cast %swap3A_267 : vector<1x16xf32> to vector<16xf32>
            %swap3A_269 = vector.shape_cast %get3A_264 : vector<16xf32> to vector<1x16xf32>
            tpu.vector_store %arg7[%swap3A_265, %swap3A_266], %swap3A_269 {add = true, strides = array<i32>} : memref<632x128xf32, #tpu.memory_space<vmem>>, vector<1x16xf32>,
            %get3A_270 = arith.index_cast %add3A_252 : i32 to index
            %get3A_271 = arith.constant 32 : index
            %get3A_272 = tpu.vector_load %arg6[%get3A_270, %get3A_271] {strides = array<i32>} : memref<160x128xf32, #tpu.memory_space<vmem>>, vector<1x16xf32>,
            %get3A_273 = vector.shape_cast %get3A_272 : vector<1x16xf32> to vector<16xf32>
            %swap3A_274 = arith.index_cast %sub3A_162 : i32 to index
            %swap3A_275 = arith.constant 32 : index
            %swap3A_276 = tpu.vector_load %arg7[%swap3A_274, %swap3A_275] {strides = array<i32>} : memref<632x128xf32, #tpu.memory_space<vmem>>, vector<1x16xf32>,
            %swap3A_277 = vector.shape_cast %swap3A_276 : vector<1x16xf32> to vector<16xf32>
            %swap3A_278 = vector.shape_cast %get3A_273 : vector<16xf32> to vector<1x16xf32>
            tpu.vector_store %arg7[%swap3A_274, %swap3A_275], %swap3A_278 {add = true, strides = array<i32>} : memref<632x128xf32, #tpu.memory_space<vmem>>, vector<1x16xf32>,
            %get3A_279 = arith.index_cast %add3A_252 : i32 to index
            %get3A_280 = arith.constant 48 : index
            %get3A_281 = tpu.vector_load %arg6[%get3A_279, %get3A_280] {strides = array<i32>} : memref<160x128xf32, #tpu.memory_space<vmem>>, vector<1x16xf32>,
            %get3A_282 = vector.shape_cast %get3A_281 : vector<1x16xf32> to vector<16xf32>
            %swap3A_283 = arith.index_cast %sub3A_162 : i32 to index
            %swap3A_284 = arith.constant 48 : index
            %swap3A_285 = tpu.vector_load %arg7[%swap3A_283, %swap3A_284] {strides = array<i32>} : memref<632x128xf32, #tpu.memory_space<vmem>>, vector<1x16xf32>,
            %swap3A_286 = vector.shape_cast %swap3A_285 : vector<1x16xf32> to vector<16xf32>
            %swap3A_287 = vector.shape_cast %get3A_282 : vector<16xf32> to vector<1x16xf32>
            tpu.vector_store %arg7[%swap3A_283, %swap3A_284], %swap3A_287 {add = true, strides = array<i32>} : memref<632x128xf32, #tpu.memory_space<vmem>>, vector<1x16xf32>,
            %get3A_288 = arith.index_cast %add3A_252 : i32 to index
            %get3A_289 = arith.constant 64 : index
            %get3A_290 = tpu.vector_load %arg6[%get3A_288, %get3A_289] {strides = array<i32>} : memref<160x128xf32, #tpu.memory_space<vmem>>, vector<1x16xf32>,
            %get3A_291 = vector.shape_cast %get3A_290 : vector<1x16xf32> to vector<16xf32>
            %swap3A_292 = arith.index_cast %sub3A_162 : i32 to index
            %swap3A_293 = arith.constant 64 : index
            %swap3A_294 = tpu.vector_load %arg7[%swap3A_292, %swap3A_293] {strides = array<i32>} : memref<632x128xf32, #tpu.memory_space<vmem>>, vector<1x16xf32>,
            %swap3A_295 = vector.shape_cast %swap3A_294 : vector<1x16xf32> to vector<16xf32>
            %swap3A_296 = vector.shape_cast %get3A_291 : vector<16xf32> to vector<1x16xf32>
            tpu.vector_store %arg7[%swap3A_292, %swap3A_293], %swap3A_296 {add = true, strides = array<i32>} : memref<632x128xf32, #tpu.memory_space<vmem>>, vector<1x16xf32>,
            %get3A_297 = arith.index_cast %add3A_252 : i32 to index
            %get3A_298 = arith.constant 80 : index
            %get3A_299 = tpu.vector_load %arg6[%get3A_297, %get3A_298] {strides = array<i32>} : memref<160x128xf32, #tpu.memory_space<vmem>>, vector<1x16xf32>,
            %get3A_300 = vector.shape_cast %get3A_299 : vector<1x16xf32> to vector<16xf32>
            %swap3A_301 = arith.index_cast %sub3A_162 : i32 to index
            %swap3A_302 = arith.constant 80 : index
            %swap3A_303 = tpu.vector_load %arg7[%swap3A_301, %swap3A_302] {strides = array<i32>} : memref<632x128xf32, #tpu.memory_space<vmem>>, vector<1x16xf32>,
            %swap3A_304 = vector.shape_cast %swap3A_303 : vector<1x16xf32> to vector<16xf32>
            %swap3A_305 = vector.shape_cast %get3A_300 : vector<16xf32> to vector<1x16xf32>
            tpu.vector_store %arg7[%swap3A_301, %swap3A_302], %swap3A_305 {add = true, strides = array<i32>} : memref<632x128xf32, #tpu.memory_space<vmem>>, vector<1x16xf32>,
            %get3A_306 = arith.index_cast %add3A_252 : i32 to index
            %get3A_307 = arith.constant 96 : index
            %get3A_308 = tpu.vector_load %arg6[%get3A_306, %get3A_307] {strides = array<i32>} : memref<160x128xf32, #tpu.memory_space<vmem>>, vector<1x16xf32>,
            %get3A_309 = vector.shape_cast %get3A_308 : vector<1x16xf32> to vector<16xf32>
            %swap3A_310 = arith.index_cast %sub3A_162 : i32 to index
            %swap3A_311 = arith.constant 96 : index
            %swap3A_312 = tpu.vector_load %arg7[%swap3A_310, %swap3A_311] {strides = array<i32>} : memref<632x128xf32, #tpu.memory_space<vmem>>, vector<1x16xf32>,
            %swap3A_313 = vector.shape_cast %swap3A_312 : vector<1x16xf32> to vector<16xf32>
            %swap3A_314 = vector.shape_cast %get3A_309 : vector<16xf32> to vector<1x16xf32>
            tpu.vector_store %arg7[%swap3A_310, %swap3A_311], %swap3A_314 {add = true, strides = array<i32>} : memref<632x128xf32, #tpu.memory_space<vmem>>, vector<1x16xf32>,
            %get3A_315 = arith.index_cast %add3A_252 : i32 to index
            %get3A_316 = arith.constant 112 : index
            %get3A_317 = tpu.vector_load %arg6[%get3A_315, %get3A_316] {strides = array<i32>} : memref<160x128xf32, #tpu.memory_space<vmem>>, vector<1x16xf32>,
            %get3A_318 = vector.shape_cast %get3A_317 : vector<1x16xf32> to vector<16xf32>
            %swap3A_319 = arith.index_cast %sub3A_162 : i32 to index
            %swap3A_320 = arith.constant 112 : index
            %swap3A_321 = tpu.vector_load %arg7[%swap3A_319, %swap3A_320] {strides = array<i32>} : memref<632x128xf32, #tpu.memory_space<vmem>>, vector<1x16xf32>,
            %swap3A_322 = vector.shape_cast %swap3A_321 : vector<1x16xf32> to vector<16xf32>
            %swap3A_323 = vector.shape_cast %get3A_318 : vector<16xf32> to vector<1x16xf32>
            tpu.vector_store %arg7[%swap3A_319, %swap3A_320], %swap3A_323 {add = true, strides = array<i32>} : memref<632x128xf32, #tpu.memory_space<vmem>>, vector<1x16xf32>,
          } else {
          }
          %slice3A_171 = vector.extract_strided_slice %get3A_74 {offsets = [9], sizes = [1], strides = [1]} : vector<16xi32> to vector<1xi32>
          %squeeze3A_172 = vector.extract %slice3A_171[0] : i32 from vector<1xi32>
          %sub3A_173 = arith.subi %squeeze3A_172, %mul3A_7 : i32
          %ge3A_174 = arith.constant 0 : i32
          %ge3A_175 = arith.cmpi sge, %sub3A_173, %ge3A_174 : i32
          %lt3A_176 = arith.constant 632 : i32
          %lt3A_177 = arith.cmpi slt, %sub3A_173, %lt3A_176 : i32
          %and3A_178 = arith.andi %ge3A_175, %lt3A_177 : i1
          %convert_element_type3A_179 = arith.extui %and3A_178 : i1 to i32
          %cond3A_180 = arith.constant 0 : i32
          %cond3A_181 = arith.cmpi ne, %convert_element_type3A_179, %cond3A_180 : i32
          scf.if %cond3A_181 {
            %mul3A_249 = arith.constant 16 : i32
            %mul3A_250 = arith.muli %scan3A_66, %mul3A_249 : i32
            %add3A_251 = arith.constant 9 : i32
            %add3A_252 = arith.addi %mul3A_250, %add3A_251 : i32
            %get3A_253 = arith.index_cast %add3A_252 : i32 to index
            %get3A_254 = arith.constant 0 : index
            %get3A_255 = tpu.vector_load %arg6[%get3A_253, %get3A_254] {strides = array<i32>} : memref<160x128xf32, #tpu.memory_space<vmem>>, vector<1x16xf32>,
            %get3A_256 = vector.shape_cast %get3A_255 : vector<1x16xf32> to vector<16xf32>
            %swap3A = arith.index_cast %sub3A_173 : i32 to index
            %swap3A_257 = arith.constant 0 : index
            %swap3A_258 = tpu.vector_load %arg7[%swap3A, %swap3A_257] {strides = array<i32>} : memref<632x128xf32, #tpu.memory_space<vmem>>, vector<1x16xf32>,
            %swap3A_259 = vector.shape_cast %swap3A_258 : vector<1x16xf32> to vector<16xf32>
            %swap3A_260 = vector.shape_cast %get3A_256 : vector<16xf32> to vector<1x16xf32>
            tpu.vector_store %arg7[%swap3A, %swap3A_257], %swap3A_260 {add = true, strides = array<i32>} : memref<632x128xf32, #tpu.memory_space<vmem>>, vector<1x16xf32>,
            %get3A_261 = arith.index_cast %add3A_252 : i32 to index
            %get3A_262 = arith.constant 16 : index
            %get3A_263 = tpu.vector_load %arg6[%get3A_261, %get3A_262] {strides = array<i32>} : memref<160x128xf32, #tpu.memory_space<vmem>>, vector<1x16xf32>,
            %get3A_264 = vector.shape_cast %get3A_263 : vector<1x16xf32> to vector<16xf32>
            %swap3A_265 = arith.index_cast %sub3A_173 : i32 to index
            %swap3A_266 = arith.constant 16 : index
            %swap3A_267 = tpu.vector_load %arg7[%swap3A_265, %swap3A_266] {strides = array<i32>} : memref<632x128xf32, #tpu.memory_space<vmem>>, vector<1x16xf32>,
            %swap3A_268 = vector.shape_cast %swap3A_267 : vector<1x16xf32> to vector<16xf32>
            %swap3A_269 = vector.shape_cast %get3A_264 : vector<16xf32> to vector<1x16xf32>
            tpu.vector_store %arg7[%swap3A_265, %swap3A_266], %swap3A_269 {add = true, strides = array<i32>} : memref<632x128xf32, #tpu.memory_space<vmem>>, vector<1x16xf32>,
            %get3A_270 = arith.index_cast %add3A_252 : i32 to index
            %get3A_271 = arith.constant 32 : index
            %get3A_272 = tpu.vector_load %arg6[%get3A_270, %get3A_271] {strides = array<i32>} : memref<160x128xf32, #tpu.memory_space<vmem>>, vector<1x16xf32>,
            %get3A_273 = vector.shape_cast %get3A_272 : vector<1x16xf32> to vector<16xf32>
            %swap3A_274 = arith.index_cast %sub3A_173 : i32 to index
            %swap3A_275 = arith.constant 32 : index
            %swap3A_276 = tpu.vector_load %arg7[%swap3A_274, %swap3A_275] {strides = array<i32>} : memref<632x128xf32, #tpu.memory_space<vmem>>, vector<1x16xf32>,
            %swap3A_277 = vector.shape_cast %swap3A_276 : vector<1x16xf32> to vector<16xf32>
            %swap3A_278 = vector.shape_cast %get3A_273 : vector<16xf32> to vector<1x16xf32>
            tpu.vector_store %arg7[%swap3A_274, %swap3A_275], %swap3A_278 {add = true, strides = array<i32>} : memref<632x128xf32, #tpu.memory_space<vmem>>, vector<1x16xf32>,
            %get3A_279 = arith.index_cast %add3A_252 : i32 to index
            %get3A_280 = arith.constant 48 : index
            %get3A_281 = tpu.vector_load %arg6[%get3A_279, %get3A_280] {strides = array<i32>} : memref<160x128xf32, #tpu.memory_space<vmem>>, vector<1x16xf32>,
            %get3A_282 = vector.shape_cast %get3A_281 : vector<1x16xf32> to vector<16xf32>
            %swap3A_283 = arith.index_cast %sub3A_173 : i32 to index
            %swap3A_284 = arith.constant 48 : index
            %swap3A_285 = tpu.vector_load %arg7[%swap3A_283, %swap3A_284] {strides = array<i32>} : memref<632x128xf32, #tpu.memory_space<vmem>>, vector<1x16xf32>,
            %swap3A_286 = vector.shape_cast %swap3A_285 : vector<1x16xf32> to vector<16xf32>
            %swap3A_287 = vector.shape_cast %get3A_282 : vector<16xf32> to vector<1x16xf32>
            tpu.vector_store %arg7[%swap3A_283, %swap3A_284], %swap3A_287 {add = true, strides = array<i32>} : memref<632x128xf32, #tpu.memory_space<vmem>>, vector<1x16xf32>,
            %get3A_288 = arith.index_cast %add3A_252 : i32 to index
            %get3A_289 = arith.constant 64 : index
            %get3A_290 = tpu.vector_load %arg6[%get3A_288, %get3A_289] {strides = array<i32>} : memref<160x128xf32, #tpu.memory_space<vmem>>, vector<1x16xf32>,
            %get3A_291 = vector.shape_cast %get3A_290 : vector<1x16xf32> to vector<16xf32>
            %swap3A_292 = arith.index_cast %sub3A_173 : i32 to index
            %swap3A_293 = arith.constant 64 : index
            %swap3A_294 = tpu.vector_load %arg7[%swap3A_292, %swap3A_293] {strides = array<i32>} : memref<632x128xf32, #tpu.memory_space<vmem>>, vector<1x16xf32>,
            %swap3A_295 = vector.shape_cast %swap3A_294 : vector<1x16xf32> to vector<16xf32>
            %swap3A_296 = vector.shape_cast %get3A_291 : vector<16xf32> to vector<1x16xf32>
            tpu.vector_store %arg7[%swap3A_292, %swap3A_293], %swap3A_296 {add = true, strides = array<i32>} : memref<632x128xf32, #tpu.memory_space<vmem>>, vector<1x16xf32>,
            %get3A_297 = arith.index_cast %add3A_252 : i32 to index
            %get3A_298 = arith.constant 80 : index
            %get3A_299 = tpu.vector_load %arg6[%get3A_297, %get3A_298] {strides = array<i32>} : memref<160x128xf32, #tpu.memory_space<vmem>>, vector<1x16xf32>,
            %get3A_300 = vector.shape_cast %get3A_299 : vector<1x16xf32> to vector<16xf32>
            %swap3A_301 = arith.index_cast %sub3A_173 : i32 to index
            %swap3A_302 = arith.constant 80 : index
            %swap3A_303 = tpu.vector_load %arg7[%swap3A_301, %swap3A_302] {strides = array<i32>} : memref<632x128xf32, #tpu.memory_space<vmem>>, vector<1x16xf32>,
            %swap3A_304 = vector.shape_cast %swap3A_303 : vector<1x16xf32> to vector<16xf32>
            %swap3A_305 = vector.shape_cast %get3A_300 : vector<16xf32> to vector<1x16xf32>
            tpu.vector_store %arg7[%swap3A_301, %swap3A_302], %swap3A_305 {add = true, strides = array<i32>} : memref<632x128xf32, #tpu.memory_space<vmem>>, vector<1x16xf32>,
            %get3A_306 = arith.index_cast %add3A_252 : i32 to index
            %get3A_307 = arith.constant 96 : index
            %get3A_308 = tpu.vector_load %arg6[%get3A_306, %get3A_307] {strides = array<i32>} : memref<160x128xf32, #tpu.memory_space<vmem>>, vector<1x16xf32>,
            %get3A_309 = vector.shape_cast %get3A_308 : vector<1x16xf32> to vector<16xf32>
            %swap3A_310 = arith.index_cast %sub3A_173 : i32 to index
            %swap3A_311 = arith.constant 96 : index
            %swap3A_312 = tpu.vector_load %arg7[%swap3A_310, %swap3A_311] {strides = array<i32>} : memref<632x128xf32, #tpu.memory_space<vmem>>, vector<1x16xf32>,
            %swap3A_313 = vector.shape_cast %swap3A_312 : vector<1x16xf32> to vector<16xf32>
            %swap3A_314 = vector.shape_cast %get3A_309 : vector<16xf32> to vector<1x16xf32>
            tpu.vector_store %arg7[%swap3A_310, %swap3A_311], %swap3A_314 {add = true, strides = array<i32>} : memref<632x128xf32, #tpu.memory_space<vmem>>, vector<1x16xf32>,
            %get3A_315 = arith.index_cast %add3A_252 : i32 to index
            %get3A_316 = arith.constant 112 : index
            %get3A_317 = tpu.vector_load %arg6[%get3A_315, %get3A_316] {strides = array<i32>} : memref<160x128xf32, #tpu.memory_space<vmem>>, vector<1x16xf32>,
            %get3A_318 = vector.shape_cast %get3A_317 : vector<1x16xf32> to vector<16xf32>
            %swap3A_319 = arith.index_cast %sub3A_173 : i32 to index
            %swap3A_320 = arith.constant 112 : index
            %swap3A_321 = tpu.vector_load %arg7[%swap3A_319, %swap3A_320] {strides = array<i32>} : memref<632x128xf32, #tpu.memory_space<vmem>>, vector<1x16xf32>,
            %swap3A_322 = vector.shape_cast %swap3A_321 : vector<1x16xf32> to vector<16xf32>
            %swap3A_323 = vector.shape_cast %get3A_318 : vector<16xf32> to vector<1x16xf32>
            tpu.vector_store %arg7[%swap3A_319, %swap3A_320], %swap3A_323 {add = true, strides = array<i32>} : memref<632x128xf32, #tpu.memory_space<vmem>>, vector<1x16xf32>,
          } else {
          }
          %slice3A_182 = vector.extract_strided_slice %get3A_74 {offsets = [10], sizes = [1], strides = [1]} : vector<16xi32> to vector<1xi32>
          %squeeze3A_183 = vector.extract %slice3A_182[0] : i32 from vector<1xi32>
          %sub3A_184 = arith.subi %squeeze3A_183, %mul3A_7 : i32
          %ge3A_185 = arith.constant 0 : i32
          %ge3A_186 = arith.cmpi sge, %sub3A_184, %ge3A_185 : i32
          %lt3A_187 = arith.constant 632 : i32
          %lt3A_188 = arith.cmpi slt, %sub3A_184, %lt3A_187 : i32
          %and3A_189 = arith.andi %ge3A_186, %lt3A_188 : i1
          %convert_element_type3A_190 = arith.extui %and3A_189 : i1 to i32
          %cond3A_191 = arith.constant 0 : i32
          %cond3A_192 = arith.cmpi ne, %convert_element_type3A_190, %cond3A_191 : i32
          scf.if %cond3A_192 {
            %mul3A_249 = arith.constant 16 : i32
            %mul3A_250 = arith.muli %scan3A_66, %mul3A_249 : i32
            %add3A_251 = arith.constant 10 : i32
            %add3A_252 = arith.addi %mul3A_250, %add3A_251 : i32
            %get3A_253 = arith.index_cast %add3A_252 : i32 to index
            %get3A_254 = arith.constant 0 : index
            %get3A_255 = tpu.vector_load %arg6[%get3A_253, %get3A_254] {strides = array<i32>} : memref<160x128xf32, #tpu.memory_space<vmem>>, vector<1x16xf32>,
            %get3A_256 = vector.shape_cast %get3A_255 : vector<1x16xf32> to vector<16xf32>
            %swap3A = arith.index_cast %sub3A_184 : i32 to index
            %swap3A_257 = arith.constant 0 : index
            %swap3A_258 = tpu.vector_load %arg7[%swap3A, %swap3A_257] {strides = array<i32>} : memref<632x128xf32, #tpu.memory_space<vmem>>, vector<1x16xf32>,
            %swap3A_259 = vector.shape_cast %swap3A_258 : vector<1x16xf32> to vector<16xf32>
            %swap3A_260 = vector.shape_cast %get3A_256 : vector<16xf32> to vector<1x16xf32>
            tpu.vector_store %arg7[%swap3A, %swap3A_257], %swap3A_260 {add = true, strides = array<i32>} : memref<632x128xf32, #tpu.memory_space<vmem>>, vector<1x16xf32>,
            %get3A_261 = arith.index_cast %add3A_252 : i32 to index
            %get3A_262 = arith.constant 16 : index
            %get3A_263 = tpu.vector_load %arg6[%get3A_261, %get3A_262] {strides = array<i32>} : memref<160x128xf32, #tpu.memory_space<vmem>>, vector<1x16xf32>,
            %get3A_264 = vector.shape_cast %get3A_263 : vector<1x16xf32> to vector<16xf32>
            %swap3A_265 = arith.index_cast %sub3A_184 : i32 to index
            %swap3A_266 = arith.constant 16 : index
            %swap3A_267 = tpu.vector_load %arg7[%swap3A_265, %swap3A_266] {strides = array<i32>} : memref<632x128xf32, #tpu.memory_space<vmem>>, vector<1x16xf32>,
            %swap3A_268 = vector.shape_cast %swap3A_267 : vector<1x16xf32> to vector<16xf32>
            %swap3A_269 = vector.shape_cast %get3A_264 : vector<16xf32> to vector<1x16xf32>
            tpu.vector_store %arg7[%swap3A_265, %swap3A_266], %swap3A_269 {add = true, strides = array<i32>} : memref<632x128xf32, #tpu.memory_space<vmem>>, vector<1x16xf32>,
            %get3A_270 = arith.index_cast %add3A_252 : i32 to index
            %get3A_271 = arith.constant 32 : index
            %get3A_272 = tpu.vector_load %arg6[%get3A_270, %get3A_271] {strides = array<i32>} : memref<160x128xf32, #tpu.memory_space<vmem>>, vector<1x16xf32>,
            %get3A_273 = vector.shape_cast %get3A_272 : vector<1x16xf32> to vector<16xf32>
            %swap3A_274 = arith.index_cast %sub3A_184 : i32 to index
            %swap3A_275 = arith.constant 32 : index
            %swap3A_276 = tpu.vector_load %arg7[%swap3A_274, %swap3A_275] {strides = array<i32>} : memref<632x128xf32, #tpu.memory_space<vmem>>, vector<1x16xf32>,
            %swap3A_277 = vector.shape_cast %swap3A_276 : vector<1x16xf32> to vector<16xf32>
            %swap3A_278 = vector.shape_cast %get3A_273 : vector<16xf32> to vector<1x16xf32>
            tpu.vector_store %arg7[%swap3A_274, %swap3A_275], %swap3A_278 {add = true, strides = array<i32>} : memref<632x128xf32, #tpu.memory_space<vmem>>, vector<1x16xf32>,
            %get3A_279 = arith.index_cast %add3A_252 : i32 to index
            %get3A_280 = arith.constant 48 : index
            %get3A_281 = tpu.vector_load %arg6[%get3A_279, %get3A_280] {strides = array<i32>} : memref<160x128xf32, #tpu.memory_space<vmem>>, vector<1x16xf32>,
            %get3A_282 = vector.shape_cast %get3A_281 : vector<1x16xf32> to vector<16xf32>
            %swap3A_283 = arith.index_cast %sub3A_184 : i32 to index
            %swap3A_284 = arith.constant 48 : index
            %swap3A_285 = tpu.vector_load %arg7[%swap3A_283, %swap3A_284] {strides = array<i32>} : memref<632x128xf32, #tpu.memory_space<vmem>>, vector<1x16xf32>,
            %swap3A_286 = vector.shape_cast %swap3A_285 : vector<1x16xf32> to vector<16xf32>
            %swap3A_287 = vector.shape_cast %get3A_282 : vector<16xf32> to vector<1x16xf32>
            tpu.vector_store %arg7[%swap3A_283, %swap3A_284], %swap3A_287 {add = true, strides = array<i32>} : memref<632x128xf32, #tpu.memory_space<vmem>>, vector<1x16xf32>,
            %get3A_288 = arith.index_cast %add3A_252 : i32 to index
            %get3A_289 = arith.constant 64 : index
            %get3A_290 = tpu.vector_load %arg6[%get3A_288, %get3A_289] {strides = array<i32>} : memref<160x128xf32, #tpu.memory_space<vmem>>, vector<1x16xf32>,
            %get3A_291 = vector.shape_cast %get3A_290 : vector<1x16xf32> to vector<16xf32>
            %swap3A_292 = arith.index_cast %sub3A_184 : i32 to index
            %swap3A_293 = arith.constant 64 : index
            %swap3A_294 = tpu.vector_load %arg7[%swap3A_292, %swap3A_293] {strides = array<i32>} : memref<632x128xf32, #tpu.memory_space<vmem>>, vector<1x16xf32>,
            %swap3A_295 = vector.shape_cast %swap3A_294 : vector<1x16xf32> to vector<16xf32>
            %swap3A_296 = vector.shape_cast %get3A_291 : vector<16xf32> to vector<1x16xf32>
            tpu.vector_store %arg7[%swap3A_292, %swap3A_293], %swap3A_296 {add = true, strides = array<i32>} : memref<632x128xf32, #tpu.memory_space<vmem>>, vector<1x16xf32>,
            %get3A_297 = arith.index_cast %add3A_252 : i32 to index
            %get3A_298 = arith.constant 80 : index
            %get3A_299 = tpu.vector_load %arg6[%get3A_297, %get3A_298] {strides = array<i32>} : memref<160x128xf32, #tpu.memory_space<vmem>>, vector<1x16xf32>,
            %get3A_300 = vector.shape_cast %get3A_299 : vector<1x16xf32> to vector<16xf32>
            %swap3A_301 = arith.index_cast %sub3A_184 : i32 to index
            %swap3A_302 = arith.constant 80 : index
            %swap3A_303 = tpu.vector_load %arg7[%swap3A_301, %swap3A_302] {strides = array<i32>} : memref<632x128xf32, #tpu.memory_space<vmem>>, vector<1x16xf32>,
            %swap3A_304 = vector.shape_cast %swap3A_303 : vector<1x16xf32> to vector<16xf32>
            %swap3A_305 = vector.shape_cast %get3A_300 : vector<16xf32> to vector<1x16xf32>
            tpu.vector_store %arg7[%swap3A_301, %swap3A_302], %swap3A_305 {add = true, strides = array<i32>} : memref<632x128xf32, #tpu.memory_space<vmem>>, vector<1x16xf32>,
            %get3A_306 = arith.index_cast %add3A_252 : i32 to index
            %get3A_307 = arith.constant 96 : index
            %get3A_308 = tpu.vector_load %arg6[%get3A_306, %get3A_307] {strides = array<i32>} : memref<160x128xf32, #tpu.memory_space<vmem>>, vector<1x16xf32>,
            %get3A_309 = vector.shape_cast %get3A_308 : vector<1x16xf32> to vector<16xf32>
            %swap3A_310 = arith.index_cast %sub3A_184 : i32 to index
            %swap3A_311 = arith.constant 96 : index
            %swap3A_312 = tpu.vector_load %arg7[%swap3A_310, %swap3A_311] {strides = array<i32>} : memref<632x128xf32, #tpu.memory_space<vmem>>, vector<1x16xf32>,
            %swap3A_313 = vector.shape_cast %swap3A_312 : vector<1x16xf32> to vector<16xf32>
            %swap3A_314 = vector.shape_cast %get3A_309 : vector<16xf32> to vector<1x16xf32>
            tpu.vector_store %arg7[%swap3A_310, %swap3A_311], %swap3A_314 {add = true, strides = array<i32>} : memref<632x128xf32, #tpu.memory_space<vmem>>, vector<1x16xf32>,
            %get3A_315 = arith.index_cast %add3A_252 : i32 to index
            %get3A_316 = arith.constant 112 : index
            %get3A_317 = tpu.vector_load %arg6[%get3A_315, %get3A_316] {strides = array<i32>} : memref<160x128xf32, #tpu.memory_space<vmem>>, vector<1x16xf32>,
            %get3A_318 = vector.shape_cast %get3A_317 : vector<1x16xf32> to vector<16xf32>
            %swap3A_319 = arith.index_cast %sub3A_184 : i32 to index
            %swap3A_320 = arith.constant 112 : index
            %swap3A_321 = tpu.vector_load %arg7[%swap3A_319, %swap3A_320] {strides = array<i32>} : memref<632x128xf32, #tpu.memory_space<vmem>>, vector<1x16xf32>,
            %swap3A_322 = vector.shape_cast %swap3A_321 : vector<1x16xf32> to vector<16xf32>
            %swap3A_323 = vector.shape_cast %get3A_318 : vector<16xf32> to vector<1x16xf32>
            tpu.vector_store %arg7[%swap3A_319, %swap3A_320], %swap3A_323 {add = true, strides = array<i32>} : memref<632x128xf32, #tpu.memory_space<vmem>>, vector<1x16xf32>,
          } else {
          }
          %slice3A_193 = vector.extract_strided_slice %get3A_74 {offsets = [11], sizes = [1], strides = [1]} : vector<16xi32> to vector<1xi32>
          %squeeze3A_194 = vector.extract %slice3A_193[0] : i32 from vector<1xi32>
          %sub3A_195 = arith.subi %squeeze3A_194, %mul3A_7 : i32
          %ge3A_196 = arith.constant 0 : i32
          %ge3A_197 = arith.cmpi sge, %sub3A_195, %ge3A_196 : i32
          %lt3A_198 = arith.constant 632 : i32
          %lt3A_199 = arith.cmpi slt, %sub3A_195, %lt3A_198 : i32
          %and3A_200 = arith.andi %ge3A_197, %lt3A_199 : i1
          %convert_element_type3A_201 = arith.extui %and3A_200 : i1 to i32
          %cond3A_202 = arith.constant 0 : i32
          %cond3A_203 = arith.cmpi ne, %convert_element_type3A_201, %cond3A_202 : i32
          scf.if %cond3A_203 {
            %mul3A_249 = arith.constant 16 : i32
            %mul3A_250 = arith.muli %scan3A_66, %mul3A_249 : i32
            %add3A_251 = arith.constant 11 : i32
            %add3A_252 = arith.addi %mul3A_250, %add3A_251 : i32
            %get3A_253 = arith.index_cast %add3A_252 : i32 to index
            %get3A_254 = arith.constant 0 : index
            %get3A_255 = tpu.vector_load %arg6[%get3A_253, %get3A_254] {strides = array<i32>} : memref<160x128xf32, #tpu.memory_space<vmem>>, vector<1x16xf32>,
            %get3A_256 = vector.shape_cast %get3A_255 : vector<1x16xf32> to vector<16xf32>
            %swap3A = arith.index_cast %sub3A_195 : i32 to index
            %swap3A_257 = arith.constant 0 : index
            %swap3A_258 = tpu.vector_load %arg7[%swap3A, %swap3A_257] {strides = array<i32>} : memref<632x128xf32, #tpu.memory_space<vmem>>, vector<1x16xf32>,
            %swap3A_259 = vector.shape_cast %swap3A_258 : vector<1x16xf32> to vector<16xf32>
            %swap3A_260 = vector.shape_cast %get3A_256 : vector<16xf32> to vector<1x16xf32>
            tpu.vector_store %arg7[%swap3A, %swap3A_257], %swap3A_260 {add = true, strides = array<i32>} : memref<632x128xf32, #tpu.memory_space<vmem>>, vector<1x16xf32>,
            %get3A_261 = arith.index_cast %add3A_252 : i32 to index
            %get3A_262 = arith.constant 16 : index
            %get3A_263 = tpu.vector_load %arg6[%get3A_261, %get3A_262] {strides = array<i32>} : memref<160x128xf32, #tpu.memory_space<vmem>>, vector<1x16xf32>,
            %get3A_264 = vector.shape_cast %get3A_263 : vector<1x16xf32> to vector<16xf32>
            %swap3A_265 = arith.index_cast %sub3A_195 : i32 to index
            %swap3A_266 = arith.constant 16 : index
            %swap3A_267 = tpu.vector_load %arg7[%swap3A_265, %swap3A_266] {strides = array<i32>} : memref<632x128xf32, #tpu.memory_space<vmem>>, vector<1x16xf32>,
            %swap3A_268 = vector.shape_cast %swap3A_267 : vector<1x16xf32> to vector<16xf32>
            %swap3A_269 = vector.shape_cast %get3A_264 : vector<16xf32> to vector<1x16xf32>
            tpu.vector_store %arg7[%swap3A_265, %swap3A_266], %swap3A_269 {add = true, strides = array<i32>} : memref<632x128xf32, #tpu.memory_space<vmem>>, vector<1x16xf32>,
            %get3A_270 = arith.index_cast %add3A_252 : i32 to index
            %get3A_271 = arith.constant 32 : index
            %get3A_272 = tpu.vector_load %arg6[%get3A_270, %get3A_271] {strides = array<i32>} : memref<160x128xf32, #tpu.memory_space<vmem>>, vector<1x16xf32>,
            %get3A_273 = vector.shape_cast %get3A_272 : vector<1x16xf32> to vector<16xf32>
            %swap3A_274 = arith.index_cast %sub3A_195 : i32 to index
            %swap3A_275 = arith.constant 32 : index
            %swap3A_276 = tpu.vector_load %arg7[%swap3A_274, %swap3A_275] {strides = array<i32>} : memref<632x128xf32, #tpu.memory_space<vmem>>, vector<1x16xf32>,
            %swap3A_277 = vector.shape_cast %swap3A_276 : vector<1x16xf32> to vector<16xf32>
            %swap3A_278 = vector.shape_cast %get3A_273 : vector<16xf32> to vector<1x16xf32>
            tpu.vector_store %arg7[%swap3A_274, %swap3A_275], %swap3A_278 {add = true, strides = array<i32>} : memref<632x128xf32, #tpu.memory_space<vmem>>, vector<1x16xf32>,
            %get3A_279 = arith.index_cast %add3A_252 : i32 to index
            %get3A_280 = arith.constant 48 : index
            %get3A_281 = tpu.vector_load %arg6[%get3A_279, %get3A_280] {strides = array<i32>} : memref<160x128xf32, #tpu.memory_space<vmem>>, vector<1x16xf32>,
            %get3A_282 = vector.shape_cast %get3A_281 : vector<1x16xf32> to vector<16xf32>
            %swap3A_283 = arith.index_cast %sub3A_195 : i32 to index
            %swap3A_284 = arith.constant 48 : index
            %swap3A_285 = tpu.vector_load %arg7[%swap3A_283, %swap3A_284] {strides = array<i32>} : memref<632x128xf32, #tpu.memory_space<vmem>>, vector<1x16xf32>,
            %swap3A_286 = vector.shape_cast %swap3A_285 : vector<1x16xf32> to vector<16xf32>
            %swap3A_287 = vector.shape_cast %get3A_282 : vector<16xf32> to vector<1x16xf32>
            tpu.vector_store %arg7[%swap3A_283, %swap3A_284], %swap3A_287 {add = true, strides = array<i32>} : memref<632x128xf32, #tpu.memory_space<vmem>>, vector<1x16xf32>,
            %get3A_288 = arith.index_cast %add3A_252 : i32 to index
            %get3A_289 = arith.constant 64 : index
            %get3A_290 = tpu.vector_load %arg6[%get3A_288, %get3A_289] {strides = array<i32>} : memref<160x128xf32, #tpu.memory_space<vmem>>, vector<1x16xf32>,
            %get3A_291 = vector.shape_cast %get3A_290 : vector<1x16xf32> to vector<16xf32>
            %swap3A_292 = arith.index_cast %sub3A_195 : i32 to index
            %swap3A_293 = arith.constant 64 : index
            %swap3A_294 = tpu.vector_load %arg7[%swap3A_292, %swap3A_293] {strides = array<i32>} : memref<632x128xf32, #tpu.memory_space<vmem>>, vector<1x16xf32>,
            %swap3A_295 = vector.shape_cast %swap3A_294 : vector<1x16xf32> to vector<16xf32>
            %swap3A_296 = vector.shape_cast %get3A_291 : vector<16xf32> to vector<1x16xf32>
            tpu.vector_store %arg7[%swap3A_292, %swap3A_293], %swap3A_296 {add = true, strides = array<i32>} : memref<632x128xf32, #tpu.memory_space<vmem>>, vector<1x16xf32>,
            %get3A_297 = arith.index_cast %add3A_252 : i32 to index
            %get3A_298 = arith.constant 80 : index
            %get3A_299 = tpu.vector_load %arg6[%get3A_297, %get3A_298] {strides = array<i32>} : memref<160x128xf32, #tpu.memory_space<vmem>>, vector<1x16xf32>,
            %get3A_300 = vector.shape_cast %get3A_299 : vector<1x16xf32> to vector<16xf32>
            %swap3A_301 = arith.index_cast %sub3A_195 : i32 to index
            %swap3A_302 = arith.constant 80 : index
            %swap3A_303 = tpu.vector_load %arg7[%swap3A_301, %swap3A_302] {strides = array<i32>} : memref<632x128xf32, #tpu.memory_space<vmem>>, vector<1x16xf32>,
            %swap3A_304 = vector.shape_cast %swap3A_303 : vector<1x16xf32> to vector<16xf32>
            %swap3A_305 = vector.shape_cast %get3A_300 : vector<16xf32> to vector<1x16xf32>
            tpu.vector_store %arg7[%swap3A_301, %swap3A_302], %swap3A_305 {add = true, strides = array<i32>} : memref<632x128xf32, #tpu.memory_space<vmem>>, vector<1x16xf32>,
            %get3A_306 = arith.index_cast %add3A_252 : i32 to index
            %get3A_307 = arith.constant 96 : index
            %get3A_308 = tpu.vector_load %arg6[%get3A_306, %get3A_307] {strides = array<i32>} : memref<160x128xf32, #tpu.memory_space<vmem>>, vector<1x16xf32>,
            %get3A_309 = vector.shape_cast %get3A_308 : vector<1x16xf32> to vector<16xf32>
            %swap3A_310 = arith.index_cast %sub3A_195 : i32 to index
            %swap3A_311 = arith.constant 96 : index
            %swap3A_312 = tpu.vector_load %arg7[%swap3A_310, %swap3A_311] {strides = array<i32>} : memref<632x128xf32, #tpu.memory_space<vmem>>, vector<1x16xf32>,
            %swap3A_313 = vector.shape_cast %swap3A_312 : vector<1x16xf32> to vector<16xf32>
            %swap3A_314 = vector.shape_cast %get3A_309 : vector<16xf32> to vector<1x16xf32>
            tpu.vector_store %arg7[%swap3A_310, %swap3A_311], %swap3A_314 {add = true, strides = array<i32>} : memref<632x128xf32, #tpu.memory_space<vmem>>, vector<1x16xf32>,
            %get3A_315 = arith.index_cast %add3A_252 : i32 to index
            %get3A_316 = arith.constant 112 : index
            %get3A_317 = tpu.vector_load %arg6[%get3A_315, %get3A_316] {strides = array<i32>} : memref<160x128xf32, #tpu.memory_space<vmem>>, vector<1x16xf32>,
            %get3A_318 = vector.shape_cast %get3A_317 : vector<1x16xf32> to vector<16xf32>
            %swap3A_319 = arith.index_cast %sub3A_195 : i32 to index
            %swap3A_320 = arith.constant 112 : index
            %swap3A_321 = tpu.vector_load %arg7[%swap3A_319, %swap3A_320] {strides = array<i32>} : memref<632x128xf32, #tpu.memory_space<vmem>>, vector<1x16xf32>,
            %swap3A_322 = vector.shape_cast %swap3A_321 : vector<1x16xf32> to vector<16xf32>
            %swap3A_323 = vector.shape_cast %get3A_318 : vector<16xf32> to vector<1x16xf32>
            tpu.vector_store %arg7[%swap3A_319, %swap3A_320], %swap3A_323 {add = true, strides = array<i32>} : memref<632x128xf32, #tpu.memory_space<vmem>>, vector<1x16xf32>,
          } else {
          }
          %slice3A_204 = vector.extract_strided_slice %get3A_74 {offsets = [12], sizes = [1], strides = [1]} : vector<16xi32> to vector<1xi32>
          %squeeze3A_205 = vector.extract %slice3A_204[0] : i32 from vector<1xi32>
          %sub3A_206 = arith.subi %squeeze3A_205, %mul3A_7 : i32
          %ge3A_207 = arith.constant 0 : i32
          %ge3A_208 = arith.cmpi sge, %sub3A_206, %ge3A_207 : i32
          %lt3A_209 = arith.constant 632 : i32
          %lt3A_210 = arith.cmpi slt, %sub3A_206, %lt3A_209 : i32
          %and3A_211 = arith.andi %ge3A_208, %lt3A_210 : i1
          %convert_element_type3A_212 = arith.extui %and3A_211 : i1 to i32
          %cond3A_213 = arith.constant 0 : i32
          %cond3A_214 = arith.cmpi ne, %convert_element_type3A_212, %cond3A_213 : i32
          scf.if %cond3A_214 {
            %mul3A_249 = arith.constant 16 : i32
            %mul3A_250 = arith.muli %scan3A_66, %mul3A_249 : i32
            %add3A_251 = arith.constant 12 : i32
            %add3A_252 = arith.addi %mul3A_250, %add3A_251 : i32
            %get3A_253 = arith.index_cast %add3A_252 : i32 to index
            %get3A_254 = arith.constant 0 : index
            %get3A_255 = tpu.vector_load %arg6[%get3A_253, %get3A_254] {strides = array<i32>} : memref<160x128xf32, #tpu.memory_space<vmem>>, vector<1x16xf32>,
            %get3A_256 = vector.shape_cast %get3A_255 : vector<1x16xf32> to vector<16xf32>
            %swap3A = arith.index_cast %sub3A_206 : i32 to index
            %swap3A_257 = arith.constant 0 : index
            %swap3A_258 = tpu.vector_load %arg7[%swap3A, %swap3A_257] {strides = array<i32>} : memref<632x128xf32, #tpu.memory_space<vmem>>, vector<1x16xf32>,
            %swap3A_259 = vector.shape_cast %swap3A_258 : vector<1x16xf32> to vector<16xf32>
            %swap3A_260 = vector.shape_cast %get3A_256 : vector<16xf32> to vector<1x16xf32>
            tpu.vector_store %arg7[%swap3A, %swap3A_257], %swap3A_260 {add = true, strides = array<i32>} : memref<632x128xf32, #tpu.memory_space<vmem>>, vector<1x16xf32>,
            %get3A_261 = arith.index_cast %add3A_252 : i32 to index
            %get3A_262 = arith.constant 16 : index
            %get3A_263 = tpu.vector_load %arg6[%get3A_261, %get3A_262] {strides = array<i32>} : memref<160x128xf32, #tpu.memory_space<vmem>>, vector<1x16xf32>,
            %get3A_264 = vector.shape_cast %get3A_263 : vector<1x16xf32> to vector<16xf32>
            %swap3A_265 = arith.index_cast %sub3A_206 : i32 to index
            %swap3A_266 = arith.constant 16 : index
            %swap3A_267 = tpu.vector_load %arg7[%swap3A_265, %swap3A_266] {strides = array<i32>} : memref<632x128xf32, #tpu.memory_space<vmem>>, vector<1x16xf32>,
            %swap3A_268 = vector.shape_cast %swap3A_267 : vector<1x16xf32> to vector<16xf32>
            %swap3A_269 = vector.shape_cast %get3A_264 : vector<16xf32> to vector<1x16xf32>
            tpu.vector_store %arg7[%swap3A_265, %swap3A_266], %swap3A_269 {add = true, strides = array<i32>} : memref<632x128xf32, #tpu.memory_space<vmem>>, vector<1x16xf32>,
            %get3A_270 = arith.index_cast %add3A_252 : i32 to index
            %get3A_271 = arith.constant 32 : index
            %get3A_272 = tpu.vector_load %arg6[%get3A_270, %get3A_271] {strides = array<i32>} : memref<160x128xf32, #tpu.memory_space<vmem>>, vector<1x16xf32>,
            %get3A_273 = vector.shape_cast %get3A_272 : vector<1x16xf32> to vector<16xf32>
            %swap3A_274 = arith.index_cast %sub3A_206 : i32 to index
            %swap3A_275 = arith.constant 32 : index
            %swap3A_276 = tpu.vector_load %arg7[%swap3A_274, %swap3A_275] {strides = array<i32>} : memref<632x128xf32, #tpu.memory_space<vmem>>, vector<1x16xf32>,
            %swap3A_277 = vector.shape_cast %swap3A_276 : vector<1x16xf32> to vector<16xf32>
            %swap3A_278 = vector.shape_cast %get3A_273 : vector<16xf32> to vector<1x16xf32>
            tpu.vector_store %arg7[%swap3A_274, %swap3A_275], %swap3A_278 {add = true, strides = array<i32>} : memref<632x128xf32, #tpu.memory_space<vmem>>, vector<1x16xf32>,
            %get3A_279 = arith.index_cast %add3A_252 : i32 to index
            %get3A_280 = arith.constant 48 : index
            %get3A_281 = tpu.vector_load %arg6[%get3A_279, %get3A_280] {strides = array<i32>} : memref<160x128xf32, #tpu.memory_space<vmem>>, vector<1x16xf32>,
            %get3A_282 = vector.shape_cast %get3A_281 : vector<1x16xf32> to vector<16xf32>
            %swap3A_283 = arith.index_cast %sub3A_206 : i32 to index
            %swap3A_284 = arith.constant 48 : index
            %swap3A_285 = tpu.vector_load %arg7[%swap3A_283, %swap3A_284] {strides = array<i32>} : memref<632x128xf32, #tpu.memory_space<vmem>>, vector<1x16xf32>,
            %swap3A_286 = vector.shape_cast %swap3A_285 : vector<1x16xf32> to vector<16xf32>
            %swap3A_287 = vector.shape_cast %get3A_282 : vector<16xf32> to vector<1x16xf32>
            tpu.vector_store %arg7[%swap3A_283, %swap3A_284], %swap3A_287 {add = true, strides = array<i32>} : memref<632x128xf32, #tpu.memory_space<vmem>>, vector<1x16xf32>,
            %get3A_288 = arith.index_cast %add3A_252 : i32 to index
            %get3A_289 = arith.constant 64 : index
            %get3A_290 = tpu.vector_load %arg6[%get3A_288, %get3A_289] {strides = array<i32>} : memref<160x128xf32, #tpu.memory_space<vmem>>, vector<1x16xf32>,
            %get3A_291 = vector.shape_cast %get3A_290 : vector<1x16xf32> to vector<16xf32>
            %swap3A_292 = arith.index_cast %sub3A_206 : i32 to index
            %swap3A_293 = arith.constant 64 : index
            %swap3A_294 = tpu.vector_load %arg7[%swap3A_292, %swap3A_293] {strides = array<i32>} : memref<632x128xf32, #tpu.memory_space<vmem>>, vector<1x16xf32>,
            %swap3A_295 = vector.shape_cast %swap3A_294 : vector<1x16xf32> to vector<16xf32>
            %swap3A_296 = vector.shape_cast %get3A_291 : vector<16xf32> to vector<1x16xf32>
            tpu.vector_store %arg7[%swap3A_292, %swap3A_293], %swap3A_296 {add = true, strides = array<i32>} : memref<632x128xf32, #tpu.memory_space<vmem>>, vector<1x16xf32>,
            %get3A_297 = arith.index_cast %add3A_252 : i32 to index
            %get3A_298 = arith.constant 80 : index
            %get3A_299 = tpu.vector_load %arg6[%get3A_297, %get3A_298] {strides = array<i32>} : memref<160x128xf32, #tpu.memory_space<vmem>>, vector<1x16xf32>,
            %get3A_300 = vector.shape_cast %get3A_299 : vector<1x16xf32> to vector<16xf32>
            %swap3A_301 = arith.index_cast %sub3A_206 : i32 to index
            %swap3A_302 = arith.constant 80 : index
            %swap3A_303 = tpu.vector_load %arg7[%swap3A_301, %swap3A_302] {strides = array<i32>} : memref<632x128xf32, #tpu.memory_space<vmem>>, vector<1x16xf32>,
            %swap3A_304 = vector.shape_cast %swap3A_303 : vector<1x16xf32> to vector<16xf32>
            %swap3A_305 = vector.shape_cast %get3A_300 : vector<16xf32> to vector<1x16xf32>
            tpu.vector_store %arg7[%swap3A_301, %swap3A_302], %swap3A_305 {add = true, strides = array<i32>} : memref<632x128xf32, #tpu.memory_space<vmem>>, vector<1x16xf32>,
            %get3A_306 = arith.index_cast %add3A_252 : i32 to index
            %get3A_307 = arith.constant 96 : index
            %get3A_308 = tpu.vector_load %arg6[%get3A_306, %get3A_307] {strides = array<i32>} : memref<160x128xf32, #tpu.memory_space<vmem>>, vector<1x16xf32>,
            %get3A_309 = vector.shape_cast %get3A_308 : vector<1x16xf32> to vector<16xf32>
            %swap3A_310 = arith.index_cast %sub3A_206 : i32 to index
            %swap3A_311 = arith.constant 96 : index
            %swap3A_312 = tpu.vector_load %arg7[%swap3A_310, %swap3A_311] {strides = array<i32>} : memref<632x128xf32, #tpu.memory_space<vmem>>, vector<1x16xf32>,
            %swap3A_313 = vector.shape_cast %swap3A_312 : vector<1x16xf32> to vector<16xf32>
            %swap3A_314 = vector.shape_cast %get3A_309 : vector<16xf32> to vector<1x16xf32>
            tpu.vector_store %arg7[%swap3A_310, %swap3A_311], %swap3A_314 {add = true, strides = array<i32>} : memref<632x128xf32, #tpu.memory_space<vmem>>, vector<1x16xf32>,
            %get3A_315 = arith.index_cast %add3A_252 : i32 to index
            %get3A_316 = arith.constant 112 : index
            %get3A_317 = tpu.vector_load %arg6[%get3A_315, %get3A_316] {strides = array<i32>} : memref<160x128xf32, #tpu.memory_space<vmem>>, vector<1x16xf32>,
            %get3A_318 = vector.shape_cast %get3A_317 : vector<1x16xf32> to vector<16xf32>
            %swap3A_319 = arith.index_cast %sub3A_206 : i32 to index
            %swap3A_320 = arith.constant 112 : index
            %swap3A_321 = tpu.vector_load %arg7[%swap3A_319, %swap3A_320] {strides = array<i32>} : memref<632x128xf32, #tpu.memory_space<vmem>>, vector<1x16xf32>,
            %swap3A_322 = vector.shape_cast %swap3A_321 : vector<1x16xf32> to vector<16xf32>
            %swap3A_323 = vector.shape_cast %get3A_318 : vector<16xf32> to vector<1x16xf32>
            tpu.vector_store %arg7[%swap3A_319, %swap3A_320], %swap3A_323 {add = true, strides = array<i32>} : memref<632x128xf32, #tpu.memory_space<vmem>>, vector<1x16xf32>,
          } else {
          }
          %slice3A_215 = vector.extract_strided_slice %get3A_74 {offsets = [13], sizes = [1], strides = [1]} : vector<16xi32> to vector<1xi32>
          %squeeze3A_216 = vector.extract %slice3A_215[0] : i32 from vector<1xi32>
          %sub3A_217 = arith.subi %squeeze3A_216, %mul3A_7 : i32
          %ge3A_218 = arith.constant 0 : i32
          %ge3A_219 = arith.cmpi sge, %sub3A_217, %ge3A_218 : i32
          %lt3A_220 = arith.constant 632 : i32
          %lt3A_221 = arith.cmpi slt, %sub3A_217, %lt3A_220 : i32
          %and3A_222 = arith.andi %ge3A_219, %lt3A_221 : i1
          %convert_element_type3A_223 = arith.extui %and3A_222 : i1 to i32
          %cond3A_224 = arith.constant 0 : i32
          %cond3A_225 = arith.cmpi ne, %convert_element_type3A_223, %cond3A_224 : i32
          scf.if %cond3A_225 {
            %mul3A_249 = arith.constant 16 : i32
            %mul3A_250 = arith.muli %scan3A_66, %mul3A_249 : i32
            %add3A_251 = arith.constant 13 : i32
            %add3A_252 = arith.addi %mul3A_250, %add3A_251 : i32
            %get3A_253 = arith.index_cast %add3A_252 : i32 to index
            %get3A_254 = arith.constant 0 : index
            %get3A_255 = tpu.vector_load %arg6[%get3A_253, %get3A_254] {strides = array<i32>} : memref<160x128xf32, #tpu.memory_space<vmem>>, vector<1x16xf32>,
            %get3A_256 = vector.shape_cast %get3A_255 : vector<1x16xf32> to vector<16xf32>
            %swap3A = arith.index_cast %sub3A_217 : i32 to index
            %swap3A_257 = arith.constant 0 : index
            %swap3A_258 = tpu.vector_load %arg7[%swap3A, %swap3A_257] {strides = array<i32>} : memref<632x128xf32, #tpu.memory_space<vmem>>, vector<1x16xf32>,
            %swap3A_259 = vector.shape_cast %swap3A_258 : vector<1x16xf32> to vector<16xf32>
            %swap3A_260 = vector.shape_cast %get3A_256 : vector<16xf32> to vector<1x16xf32>
            tpu.vector_store %arg7[%swap3A, %swap3A_257], %swap3A_260 {add = true, strides = array<i32>} : memref<632x128xf32, #tpu.memory_space<vmem>>, vector<1x16xf32>,
            %get3A_261 = arith.index_cast %add3A_252 : i32 to index
            %get3A_262 = arith.constant 16 : index
            %get3A_263 = tpu.vector_load %arg6[%get3A_261, %get3A_262] {strides = array<i32>} : memref<160x128xf32, #tpu.memory_space<vmem>>, vector<1x16xf32>,
            %get3A_264 = vector.shape_cast %get3A_263 : vector<1x16xf32> to vector<16xf32>
            %swap3A_265 = arith.index_cast %sub3A_217 : i32 to index
            %swap3A_266 = arith.constant 16 : index
            %swap3A_267 = tpu.vector_load %arg7[%swap3A_265, %swap3A_266] {strides = array<i32>} : memref<632x128xf32, #tpu.memory_space<vmem>>, vector<1x16xf32>,
            %swap3A_268 = vector.shape_cast %swap3A_267 : vector<1x16xf32> to vector<16xf32>
            %swap3A_269 = vector.shape_cast %get3A_264 : vector<16xf32> to vector<1x16xf32>
            tpu.vector_store %arg7[%swap3A_265, %swap3A_266], %swap3A_269 {add = true, strides = array<i32>} : memref<632x128xf32, #tpu.memory_space<vmem>>, vector<1x16xf32>,
            %get3A_270 = arith.index_cast %add3A_252 : i32 to index
            %get3A_271 = arith.constant 32 : index
            %get3A_272 = tpu.vector_load %arg6[%get3A_270, %get3A_271] {strides = array<i32>} : memref<160x128xf32, #tpu.memory_space<vmem>>, vector<1x16xf32>,
            %get3A_273 = vector.shape_cast %get3A_272 : vector<1x16xf32> to vector<16xf32>
            %swap3A_274 = arith.index_cast %sub3A_217 : i32 to index
            %swap3A_275 = arith.constant 32 : index
            %swap3A_276 = tpu.vector_load %arg7[%swap3A_274, %swap3A_275] {strides = array<i32>} : memref<632x128xf32, #tpu.memory_space<vmem>>, vector<1x16xf32>,
            %swap3A_277 = vector.shape_cast %swap3A_276 : vector<1x16xf32> to vector<16xf32>
            %swap3A_278 = vector.shape_cast %get3A_273 : vector<16xf32> to vector<1x16xf32>
            tpu.vector_store %arg7[%swap3A_274, %swap3A_275], %swap3A_278 {add = true, strides = array<i32>} : memref<632x128xf32, #tpu.memory_space<vmem>>, vector<1x16xf32>,
            %get3A_279 = arith.index_cast %add3A_252 : i32 to index
            %get3A_280 = arith.constant 48 : index
            %get3A_281 = tpu.vector_load %arg6[%get3A_279, %get3A_280] {strides = array<i32>} : memref<160x128xf32, #tpu.memory_space<vmem>>, vector<1x16xf32>,
            %get3A_282 = vector.shape_cast %get3A_281 : vector<1x16xf32> to vector<16xf32>
            %swap3A_283 = arith.index_cast %sub3A_217 : i32 to index
            %swap3A_284 = arith.constant 48 : index
            %swap3A_285 = tpu.vector_load %arg7[%swap3A_283, %swap3A_284] {strides = array<i32>} : memref<632x128xf32, #tpu.memory_space<vmem>>, vector<1x16xf32>,
            %swap3A_286 = vector.shape_cast %swap3A_285 : vector<1x16xf32> to vector<16xf32>
            %swap3A_287 = vector.shape_cast %get3A_282 : vector<16xf32> to vector<1x16xf32>
            tpu.vector_store %arg7[%swap3A_283, %swap3A_284], %swap3A_287 {add = true, strides = array<i32>} : memref<632x128xf32, #tpu.memory_space<vmem>>, vector<1x16xf32>,
            %get3A_288 = arith.index_cast %add3A_252 : i32 to index
            %get3A_289 = arith.constant 64 : index
            %get3A_290 = tpu.vector_load %arg6[%get3A_288, %get3A_289] {strides = array<i32>} : memref<160x128xf32, #tpu.memory_space<vmem>>, vector<1x16xf32>,
            %get3A_291 = vector.shape_cast %get3A_290 : vector<1x16xf32> to vector<16xf32>
            %swap3A_292 = arith.index_cast %sub3A_217 : i32 to index
            %swap3A_293 = arith.constant 64 : index
            %swap3A_294 = tpu.vector_load %arg7[%swap3A_292, %swap3A_293] {strides = array<i32>} : memref<632x128xf32, #tpu.memory_space<vmem>>, vector<1x16xf32>,
            %swap3A_295 = vector.shape_cast %swap3A_294 : vector<1x16xf32> to vector<16xf32>
            %swap3A_296 = vector.shape_cast %get3A_291 : vector<16xf32> to vector<1x16xf32>
            tpu.vector_store %arg7[%swap3A_292, %swap3A_293], %swap3A_296 {add = true, strides = array<i32>} : memref<632x128xf32, #tpu.memory_space<vmem>>, vector<1x16xf32>,
            %get3A_297 = arith.index_cast %add3A_252 : i32 to index
            %get3A_298 = arith.constant 80 : index
            %get3A_299 = tpu.vector_load %arg6[%get3A_297, %get3A_298] {strides = array<i32>} : memref<160x128xf32, #tpu.memory_space<vmem>>, vector<1x16xf32>,
            %get3A_300 = vector.shape_cast %get3A_299 : vector<1x16xf32> to vector<16xf32>
            %swap3A_301 = arith.index_cast %sub3A_217 : i32 to index
            %swap3A_302 = arith.constant 80 : index
            %swap3A_303 = tpu.vector_load %arg7[%swap3A_301, %swap3A_302] {strides = array<i32>} : memref<632x128xf32, #tpu.memory_space<vmem>>, vector<1x16xf32>,
            %swap3A_304 = vector.shape_cast %swap3A_303 : vector<1x16xf32> to vector<16xf32>
            %swap3A_305 = vector.shape_cast %get3A_300 : vector<16xf32> to vector<1x16xf32>
            tpu.vector_store %arg7[%swap3A_301, %swap3A_302], %swap3A_305 {add = true, strides = array<i32>} : memref<632x128xf32, #tpu.memory_space<vmem>>, vector<1x16xf32>,
            %get3A_306 = arith.index_cast %add3A_252 : i32 to index
            %get3A_307 = arith.constant 96 : index
            %get3A_308 = tpu.vector_load %arg6[%get3A_306, %get3A_307] {strides = array<i32>} : memref<160x128xf32, #tpu.memory_space<vmem>>, vector<1x16xf32>,
            %get3A_309 = vector.shape_cast %get3A_308 : vector<1x16xf32> to vector<16xf32>
            %swap3A_310 = arith.index_cast %sub3A_217 : i32 to index
            %swap3A_311 = arith.constant 96 : index
            %swap3A_312 = tpu.vector_load %arg7[%swap3A_310, %swap3A_311] {strides = array<i32>} : memref<632x128xf32, #tpu.memory_space<vmem>>, vector<1x16xf32>,
            %swap3A_313 = vector.shape_cast %swap3A_312 : vector<1x16xf32> to vector<16xf32>
            %swap3A_314 = vector.shape_cast %get3A_309 : vector<16xf32> to vector<1x16xf32>
            tpu.vector_store %arg7[%swap3A_310, %swap3A_311], %swap3A_314 {add = true, strides = array<i32>} : memref<632x128xf32, #tpu.memory_space<vmem>>, vector<1x16xf32>,
            %get3A_315 = arith.index_cast %add3A_252 : i32 to index
            %get3A_316 = arith.constant 112 : index
            %get3A_317 = tpu.vector_load %arg6[%get3A_315, %get3A_316] {strides = array<i32>} : memref<160x128xf32, #tpu.memory_space<vmem>>, vector<1x16xf32>,
            %get3A_318 = vector.shape_cast %get3A_317 : vector<1x16xf32> to vector<16xf32>
            %swap3A_319 = arith.index_cast %sub3A_217 : i32 to index
            %swap3A_320 = arith.constant 112 : index
            %swap3A_321 = tpu.vector_load %arg7[%swap3A_319, %swap3A_320] {strides = array<i32>} : memref<632x128xf32, #tpu.memory_space<vmem>>, vector<1x16xf32>,
            %swap3A_322 = vector.shape_cast %swap3A_321 : vector<1x16xf32> to vector<16xf32>
            %swap3A_323 = vector.shape_cast %get3A_318 : vector<16xf32> to vector<1x16xf32>
            tpu.vector_store %arg7[%swap3A_319, %swap3A_320], %swap3A_323 {add = true, strides = array<i32>} : memref<632x128xf32, #tpu.memory_space<vmem>>, vector<1x16xf32>,
          } else {
          }
          %slice3A_226 = vector.extract_strided_slice %get3A_74 {offsets = [14], sizes = [1], strides = [1]} : vector<16xi32> to vector<1xi32>
          %squeeze3A_227 = vector.extract %slice3A_226[0] : i32 from vector<1xi32>
          %sub3A_228 = arith.subi %squeeze3A_227, %mul3A_7 : i32
          %ge3A_229 = arith.constant 0 : i32
          %ge3A_230 = arith.cmpi sge, %sub3A_228, %ge3A_229 : i32
          %lt3A_231 = arith.constant 632 : i32
          %lt3A_232 = arith.cmpi slt, %sub3A_228, %lt3A_231 : i32
          %and3A_233 = arith.andi %ge3A_230, %lt3A_232 : i1
          %convert_element_type3A_234 = arith.extui %and3A_233 : i1 to i32
          %cond3A_235 = arith.constant 0 : i32
          %cond3A_236 = arith.cmpi ne, %convert_element_type3A_234, %cond3A_235 : i32
          scf.if %cond3A_236 {
            %mul3A_249 = arith.constant 16 : i32
            %mul3A_250 = arith.muli %scan3A_66, %mul3A_249 : i32
            %add3A_251 = arith.constant 14 : i32
            %add3A_252 = arith.addi %mul3A_250, %add3A_251 : i32
            %get3A_253 = arith.index_cast %add3A_252 : i32 to index
            %get3A_254 = arith.constant 0 : index
            %get3A_255 = tpu.vector_load %arg6[%get3A_253, %get3A_254] {strides = array<i32>} : memref<160x128xf32, #tpu.memory_space<vmem>>, vector<1x16xf32>,
            %get3A_256 = vector.shape_cast %get3A_255 : vector<1x16xf32> to vector<16xf32>
            %swap3A = arith.index_cast %sub3A_228 : i32 to index
            %swap3A_257 = arith.constant 0 : index
            %swap3A_258 = tpu.vector_load %arg7[%swap3A, %swap3A_257] {strides = array<i32>} : memref<632x128xf32, #tpu.memory_space<vmem>>, vector<1x16xf32>,
            %swap3A_259 = vector.shape_cast %swap3A_258 : vector<1x16xf32> to vector<16xf32>
            %swap3A_260 = vector.shape_cast %get3A_256 : vector<16xf32> to vector<1x16xf32>
            tpu.vector_store %arg7[%swap3A, %swap3A_257], %swap3A_260 {add = true, strides = array<i32>} : memref<632x128xf32, #tpu.memory_space<vmem>>, vector<1x16xf32>,
            %get3A_261 = arith.index_cast %add3A_252 : i32 to index
            %get3A_262 = arith.constant 16 : index
            %get3A_263 = tpu.vector_load %arg6[%get3A_261, %get3A_262] {strides = array<i32>} : memref<160x128xf32, #tpu.memory_space<vmem>>, vector<1x16xf32>,
            %get3A_264 = vector.shape_cast %get3A_263 : vector<1x16xf32> to vector<16xf32>
            %swap3A_265 = arith.index_cast %sub3A_228 : i32 to index
            %swap3A_266 = arith.constant 16 : index
            %swap3A_267 = tpu.vector_load %arg7[%swap3A_265, %swap3A_266] {strides = array<i32>} : memref<632x128xf32, #tpu.memory_space<vmem>>, vector<1x16xf32>,
            %swap3A_268 = vector.shape_cast %swap3A_267 : vector<1x16xf32> to vector<16xf32>
            %swap3A_269 = vector.shape_cast %get3A_264 : vector<16xf32> to vector<1x16xf32>
            tpu.vector_store %arg7[%swap3A_265, %swap3A_266], %swap3A_269 {add = true, strides = array<i32>} : memref<632x128xf32, #tpu.memory_space<vmem>>, vector<1x16xf32>,
            %get3A_270 = arith.index_cast %add3A_252 : i32 to index
            %get3A_271 = arith.constant 32 : index
            %get3A_272 = tpu.vector_load %arg6[%get3A_270, %get3A_271] {strides = array<i32>} : memref<160x128xf32, #tpu.memory_space<vmem>>, vector<1x16xf32>,
            %get3A_273 = vector.shape_cast %get3A_272 : vector<1x16xf32> to vector<16xf32>
            %swap3A_274 = arith.index_cast %sub3A_228 : i32 to index
            %swap3A_275 = arith.constant 32 : index
            %swap3A_276 = tpu.vector_load %arg7[%swap3A_274, %swap3A_275] {strides = array<i32>} : memref<632x128xf32, #tpu.memory_space<vmem>>, vector<1x16xf32>,
            %swap3A_277 = vector.shape_cast %swap3A_276 : vector<1x16xf32> to vector<16xf32>
            %swap3A_278 = vector.shape_cast %get3A_273 : vector<16xf32> to vector<1x16xf32>
            tpu.vector_store %arg7[%swap3A_274, %swap3A_275], %swap3A_278 {add = true, strides = array<i32>} : memref<632x128xf32, #tpu.memory_space<vmem>>, vector<1x16xf32>,
            %get3A_279 = arith.index_cast %add3A_252 : i32 to index
            %get3A_280 = arith.constant 48 : index
            %get3A_281 = tpu.vector_load %arg6[%get3A_279, %get3A_280] {strides = array<i32>} : memref<160x128xf32, #tpu.memory_space<vmem>>, vector<1x16xf32>,
            %get3A_282 = vector.shape_cast %get3A_281 : vector<1x16xf32> to vector<16xf32>
            %swap3A_283 = arith.index_cast %sub3A_228 : i32 to index
            %swap3A_284 = arith.constant 48 : index
            %swap3A_285 = tpu.vector_load %arg7[%swap3A_283, %swap3A_284] {strides = array<i32>} : memref<632x128xf32, #tpu.memory_space<vmem>>, vector<1x16xf32>,
            %swap3A_286 = vector.shape_cast %swap3A_285 : vector<1x16xf32> to vector<16xf32>
            %swap3A_287 = vector.shape_cast %get3A_282 : vector<16xf32> to vector<1x16xf32>
            tpu.vector_store %arg7[%swap3A_283, %swap3A_284], %swap3A_287 {add = true, strides = array<i32>} : memref<632x128xf32, #tpu.memory_space<vmem>>, vector<1x16xf32>,
            %get3A_288 = arith.index_cast %add3A_252 : i32 to index
            %get3A_289 = arith.constant 64 : index
            %get3A_290 = tpu.vector_load %arg6[%get3A_288, %get3A_289] {strides = array<i32>} : memref<160x128xf32, #tpu.memory_space<vmem>>, vector<1x16xf32>,
            %get3A_291 = vector.shape_cast %get3A_290 : vector<1x16xf32> to vector<16xf32>
            %swap3A_292 = arith.index_cast %sub3A_228 : i32 to index
            %swap3A_293 = arith.constant 64 : index
            %swap3A_294 = tpu.vector_load %arg7[%swap3A_292, %swap3A_293] {strides = array<i32>} : memref<632x128xf32, #tpu.memory_space<vmem>>, vector<1x16xf32>,
            %swap3A_295 = vector.shape_cast %swap3A_294 : vector<1x16xf32> to vector<16xf32>
            %swap3A_296 = vector.shape_cast %get3A_291 : vector<16xf32> to vector<1x16xf32>
            tpu.vector_store %arg7[%swap3A_292, %swap3A_293], %swap3A_296 {add = true, strides = array<i32>} : memref<632x128xf32, #tpu.memory_space<vmem>>, vector<1x16xf32>,
            %get3A_297 = arith.index_cast %add3A_252 : i32 to index
            %get3A_298 = arith.constant 80 : index
            %get3A_299 = tpu.vector_load %arg6[%get3A_297, %get3A_298] {strides = array<i32>} : memref<160x128xf32, #tpu.memory_space<vmem>>, vector<1x16xf32>,
            %get3A_300 = vector.shape_cast %get3A_299 : vector<1x16xf32> to vector<16xf32>
            %swap3A_301 = arith.index_cast %sub3A_228 : i32 to index
            %swap3A_302 = arith.constant 80 : index
            %swap3A_303 = tpu.vector_load %arg7[%swap3A_301, %swap3A_302] {strides = array<i32>} : memref<632x128xf32, #tpu.memory_space<vmem>>, vector<1x16xf32>,
            %swap3A_304 = vector.shape_cast %swap3A_303 : vector<1x16xf32> to vector<16xf32>
            %swap3A_305 = vector.shape_cast %get3A_300 : vector<16xf32> to vector<1x16xf32>
            tpu.vector_store %arg7[%swap3A_301, %swap3A_302], %swap3A_305 {add = true, strides = array<i32>} : memref<632x128xf32, #tpu.memory_space<vmem>>, vector<1x16xf32>,
            %get3A_306 = arith.index_cast %add3A_252 : i32 to index
            %get3A_307 = arith.constant 96 : index
            %get3A_308 = tpu.vector_load %arg6[%get3A_306, %get3A_307] {strides = array<i32>} : memref<160x128xf32, #tpu.memory_space<vmem>>, vector<1x16xf32>,
            %get3A_309 = vector.shape_cast %get3A_308 : vector<1x16xf32> to vector<16xf32>
            %swap3A_310 = arith.index_cast %sub3A_228 : i32 to index
            %swap3A_311 = arith.constant 96 : index
            %swap3A_312 = tpu.vector_load %arg7[%swap3A_310, %swap3A_311] {strides = array<i32>} : memref<632x128xf32, #tpu.memory_space<vmem>>, vector<1x16xf32>,
            %swap3A_313 = vector.shape_cast %swap3A_312 : vector<1x16xf32> to vector<16xf32>
            %swap3A_314 = vector.shape_cast %get3A_309 : vector<16xf32> to vector<1x16xf32>
            tpu.vector_store %arg7[%swap3A_310, %swap3A_311], %swap3A_314 {add = true, strides = array<i32>} : memref<632x128xf32, #tpu.memory_space<vmem>>, vector<1x16xf32>,
            %get3A_315 = arith.index_cast %add3A_252 : i32 to index
            %get3A_316 = arith.constant 112 : index
            %get3A_317 = tpu.vector_load %arg6[%get3A_315, %get3A_316] {strides = array<i32>} : memref<160x128xf32, #tpu.memory_space<vmem>>, vector<1x16xf32>,
            %get3A_318 = vector.shape_cast %get3A_317 : vector<1x16xf32> to vector<16xf32>
            %swap3A_319 = arith.index_cast %sub3A_228 : i32 to index
            %swap3A_320 = arith.constant 112 : index
            %swap3A_321 = tpu.vector_load %arg7[%swap3A_319, %swap3A_320] {strides = array<i32>} : memref<632x128xf32, #tpu.memory_space<vmem>>, vector<1x16xf32>,
            %swap3A_322 = vector.shape_cast %swap3A_321 : vector<1x16xf32> to vector<16xf32>
            %swap3A_323 = vector.shape_cast %get3A_318 : vector<16xf32> to vector<1x16xf32>
            tpu.vector_store %arg7[%swap3A_319, %swap3A_320], %swap3A_323 {add = true, strides = array<i32>} : memref<632x128xf32, #tpu.memory_space<vmem>>, vector<1x16xf32>,
          } else {
          }
          %slice3A_237 = vector.extract_strided_slice %get3A_74 {offsets = [15], sizes = [1], strides = [1]} : vector<16xi32> to vector<1xi32>
          %squeeze3A_238 = vector.extract %slice3A_237[0] : i32 from vector<1xi32>
          %sub3A_239 = arith.subi %squeeze3A_238, %mul3A_7 : i32
          %ge3A_240 = arith.constant 0 : i32
          %ge3A_241 = arith.cmpi sge, %sub3A_239, %ge3A_240 : i32
          %lt3A_242 = arith.constant 632 : i32
          %lt3A_243 = arith.cmpi slt, %sub3A_239, %lt3A_242 : i32
          %and3A_244 = arith.andi %ge3A_241, %lt3A_243 : i1
          %convert_element_type3A_245 = arith.extui %and3A_244 : i1 to i32
          %cond3A_246 = arith.constant 0 : i32
          %cond3A_247 = arith.cmpi ne, %convert_element_type3A_245, %cond3A_246 : i32
          scf.if %cond3A_247 {
            %mul3A_249 = arith.constant 16 : i32
            %mul3A_250 = arith.muli %scan3A_66, %mul3A_249 : i32
            %add3A_251 = arith.constant 15 : i32
            %add3A_252 = arith.addi %mul3A_250, %add3A_251 : i32
            %get3A_253 = arith.index_cast %add3A_252 : i32 to index
            %get3A_254 = arith.constant 0 : index
            %get3A_255 = tpu.vector_load %arg6[%get3A_253, %get3A_254] {strides = array<i32>} : memref<160x128xf32, #tpu.memory_space<vmem>>, vector<1x16xf32>,
            %get3A_256 = vector.shape_cast %get3A_255 : vector<1x16xf32> to vector<16xf32>
            %swap3A = arith.index_cast %sub3A_239 : i32 to index
            %swap3A_257 = arith.constant 0 : index
            %swap3A_258 = tpu.vector_load %arg7[%swap3A, %swap3A_257] {strides = array<i32>} : memref<632x128xf32, #tpu.memory_space<vmem>>, vector<1x16xf32>,
            %swap3A_259 = vector.shape_cast %swap3A_258 : vector<1x16xf32> to vector<16xf32>
            %swap3A_260 = vector.shape_cast %get3A_256 : vector<16xf32> to vector<1x16xf32>
            tpu.vector_store %arg7[%swap3A, %swap3A_257], %swap3A_260 {add = true, strides = array<i32>} : memref<632x128xf32, #tpu.memory_space<vmem>>, vector<1x16xf32>,
            %get3A_261 = arith.index_cast %add3A_252 : i32 to index
            %get3A_262 = arith.constant 16 : index
            %get3A_263 = tpu.vector_load %arg6[%get3A_261, %get3A_262] {strides = array<i32>} : memref<160x128xf32, #tpu.memory_space<vmem>>, vector<1x16xf32>,
            %get3A_264 = vector.shape_cast %get3A_263 : vector<1x16xf32> to vector<16xf32>
            %swap3A_265 = arith.index_cast %sub3A_239 : i32 to index
            %swap3A_266 = arith.constant 16 : index
            %swap3A_267 = tpu.vector_load %arg7[%swap3A_265, %swap3A_266] {strides = array<i32>} : memref<632x128xf32, #tpu.memory_space<vmem>>, vector<1x16xf32>,
            %swap3A_268 = vector.shape_cast %swap3A_267 : vector<1x16xf32> to vector<16xf32>
            %swap3A_269 = vector.shape_cast %get3A_264 : vector<16xf32> to vector<1x16xf32>
            tpu.vector_store %arg7[%swap3A_265, %swap3A_266], %swap3A_269 {add = true, strides = array<i32>} : memref<632x128xf32, #tpu.memory_space<vmem>>, vector<1x16xf32>,
            %get3A_270 = arith.index_cast %add3A_252 : i32 to index
            %get3A_271 = arith.constant 32 : index
            %get3A_272 = tpu.vector_load %arg6[%get3A_270, %get3A_271] {strides = array<i32>} : memref<160x128xf32, #tpu.memory_space<vmem>>, vector<1x16xf32>,
            %get3A_273 = vector.shape_cast %get3A_272 : vector<1x16xf32> to vector<16xf32>
            %swap3A_274 = arith.index_cast %sub3A_239 : i32 to index
            %swap3A_275 = arith.constant 32 : index
            %swap3A_276 = tpu.vector_load %arg7[%swap3A_274, %swap3A_275] {strides = array<i32>} : memref<632x128xf32, #tpu.memory_space<vmem>>, vector<1x16xf32>,
            %swap3A_277 = vector.shape_cast %swap3A_276 : vector<1x16xf32> to vector<16xf32>
            %swap3A_278 = vector.shape_cast %get3A_273 : vector<16xf32> to vector<1x16xf32>
            tpu.vector_store %arg7[%swap3A_274, %swap3A_275], %swap3A_278 {add = true, strides = array<i32>} : memref<632x128xf32, #tpu.memory_space<vmem>>, vector<1x16xf32>,
            %get3A_279 = arith.index_cast %add3A_252 : i32 to index
            %get3A_280 = arith.constant 48 : index
            %get3A_281 = tpu.vector_load %arg6[%get3A_279, %get3A_280] {strides = array<i32>} : memref<160x128xf32, #tpu.memory_space<vmem>>, vector<1x16xf32>,
            %get3A_282 = vector.shape_cast %get3A_281 : vector<1x16xf32> to vector<16xf32>
            %swap3A_283 = arith.index_cast %sub3A_239 : i32 to index
            %swap3A_284 = arith.constant 48 : index
            %swap3A_285 = tpu.vector_load %arg7[%swap3A_283, %swap3A_284] {strides = array<i32>} : memref<632x128xf32, #tpu.memory_space<vmem>>, vector<1x16xf32>,
            %swap3A_286 = vector.shape_cast %swap3A_285 : vector<1x16xf32> to vector<16xf32>
            %swap3A_287 = vector.shape_cast %get3A_282 : vector<16xf32> to vector<1x16xf32>
            tpu.vector_store %arg7[%swap3A_283, %swap3A_284], %swap3A_287 {add = true, strides = array<i32>} : memref<632x128xf32, #tpu.memory_space<vmem>>, vector<1x16xf32>,
            %get3A_288 = arith.index_cast %add3A_252 : i32 to index
            %get3A_289 = arith.constant 64 : index
            %get3A_290 = tpu.vector_load %arg6[%get3A_288, %get3A_289] {strides = array<i32>} : memref<160x128xf32, #tpu.memory_space<vmem>>, vector<1x16xf32>,
            %get3A_291 = vector.shape_cast %get3A_290 : vector<1x16xf32> to vector<16xf32>
            %swap3A_292 = arith.index_cast %sub3A_239 : i32 to index
            %swap3A_293 = arith.constant 64 : index
            %swap3A_294 = tpu.vector_load %arg7[%swap3A_292, %swap3A_293] {strides = array<i32>} : memref<632x128xf32, #tpu.memory_space<vmem>>, vector<1x16xf32>,
            %swap3A_295 = vector.shape_cast %swap3A_294 : vector<1x16xf32> to vector<16xf32>
            %swap3A_296 = vector.shape_cast %get3A_291 : vector<16xf32> to vector<1x16xf32>
            tpu.vector_store %arg7[%swap3A_292, %swap3A_293], %swap3A_296 {add = true, strides = array<i32>} : memref<632x128xf32, #tpu.memory_space<vmem>>, vector<1x16xf32>,
            %get3A_297 = arith.index_cast %add3A_252 : i32 to index
            %get3A_298 = arith.constant 80 : index
            %get3A_299 = tpu.vector_load %arg6[%get3A_297, %get3A_298] {strides = array<i32>} : memref<160x128xf32, #tpu.memory_space<vmem>>, vector<1x16xf32>,
            %get3A_300 = vector.shape_cast %get3A_299 : vector<1x16xf32> to vector<16xf32>
            %swap3A_301 = arith.index_cast %sub3A_239 : i32 to index
            %swap3A_302 = arith.constant 80 : index
            %swap3A_303 = tpu.vector_load %arg7[%swap3A_301, %swap3A_302] {strides = array<i32>} : memref<632x128xf32, #tpu.memory_space<vmem>>, vector<1x16xf32>,
            %swap3A_304 = vector.shape_cast %swap3A_303 : vector<1x16xf32> to vector<16xf32>
            %swap3A_305 = vector.shape_cast %get3A_300 : vector<16xf32> to vector<1x16xf32>
            tpu.vector_store %arg7[%swap3A_301, %swap3A_302], %swap3A_305 {add = true, strides = array<i32>} : memref<632x128xf32, #tpu.memory_space<vmem>>, vector<1x16xf32>,
            %get3A_306 = arith.index_cast %add3A_252 : i32 to index
            %get3A_307 = arith.constant 96 : index
            %get3A_308 = tpu.vector_load %arg6[%get3A_306, %get3A_307] {strides = array<i32>} : memref<160x128xf32, #tpu.memory_space<vmem>>, vector<1x16xf32>,
            %get3A_309 = vector.shape_cast %get3A_308 : vector<1x16xf32> to vector<16xf32>
            %swap3A_310 = arith.index_cast %sub3A_239 : i32 to index
            %swap3A_311 = arith.constant 96 : index
            %swap3A_312 = tpu.vector_load %arg7[%swap3A_310, %swap3A_311] {strides = array<i32>} : memref<632x128xf32, #tpu.memory_space<vmem>>, vector<1x16xf32>,
            %swap3A_313 = vector.shape_cast %swap3A_312 : vector<1x16xf32> to vector<16xf32>
            %swap3A_314 = vector.shape_cast %get3A_309 : vector<16xf32> to vector<1x16xf32>
            tpu.vector_store %arg7[%swap3A_310, %swap3A_311], %swap3A_314 {add = true, strides = array<i32>} : memref<632x128xf32, #tpu.memory_space<vmem>>, vector<1x16xf32>,
            %get3A_315 = arith.index_cast %add3A_252 : i32 to index
            %get3A_316 = arith.constant 112 : index
            %get3A_317 = tpu.vector_load %arg6[%get3A_315, %get3A_316] {strides = array<i32>} : memref<160x128xf32, #tpu.memory_space<vmem>>, vector<1x16xf32>,
            %get3A_318 = vector.shape_cast %get3A_317 : vector<1x16xf32> to vector<16xf32>
            %swap3A_319 = arith.index_cast %sub3A_239 : i32 to index
            %swap3A_320 = arith.constant 112 : index
            %swap3A_321 = tpu.vector_load %arg7[%swap3A_319, %swap3A_320] {strides = array<i32>} : memref<632x128xf32, #tpu.memory_space<vmem>>, vector<1x16xf32>,
            %swap3A_322 = vector.shape_cast %swap3A_321 : vector<1x16xf32> to vector<16xf32>
            %swap3A_323 = vector.shape_cast %get3A_318 : vector<16xf32> to vector<1x16xf32>
            tpu.vector_store %arg7[%swap3A_319, %swap3A_320], %swap3A_323 {add = true, strides = array<i32>} : memref<632x128xf32, #tpu.memory_space<vmem>>, vector<1x16xf32>,
          } else {
          }
          %scan3A_248 = arith.constant 0 : i32
          scf.yield %scan3A_248 : i32
        }
        %scan3A_64 = arith.constant 10 : i32
        %scan3A_65 = arith.constant 0 : i32
        scf.yield %scan3A_65 : i32
      }
      %scan3A_46 = arith.constant 5 : i32
      %scan3A_47 = arith.constant 0 : i32
      scf.yield %scan3A_47 : i32
    }
    %scan3A_16 = arith.constant 400 : i32
    "tpu.region"() ({
      %run_scoped3A = tpu.sem_alloc : memref<!tpu.dma_semaphore, #tpu.memory_space<semaphore_mem>>
      %dma_start3A = arith.constant 0 : i32
      %dma_start3A_19 = arith.constant 0 : i32
      %dma_start3A_20 = tpu.memref_slice %arg7[%dma_start3A, %dma_start3A_19] : memref<632x128xf32, #tpu.memory_space<vmem>> -> memref<520x128xf32, #tpu.memory_space<vmem>>
      %dma_start3A_21 = arith.constant 0 : i32
      %dma_start3A_22 = tpu.memref_slice %arg4[%arg0, %mul3A_7, %dma_start3A_21] : memref<2x10000x128xf32, #tpu.memory_space<hbm>> -> memref<1x520x128xf32, #tpu.memory_space<hbm>>
      %dma_start3A_23 = tpu.memref_squeeze %dma_start3A_22 : memref<1x520x128xf32, #tpu.memory_space<hbm>> -> memref<520x128xf32, #tpu.memory_space<hbm>>
      %dma_start3A_24 = arith.constant 0 : i32
      %dma_start3A_25 = tpu.memref_slice %arg4[%arg0, %mul3A_7, %dma_start3A_24] : memref<2x10000x128xf32, #tpu.memory_space<hbm>> -> memref<1x520x128xf32, #tpu.memory_space<hbm>>
      %dma_start3A_26 = tpu.memref_squeeze %dma_start3A_25 : memref<1x520x128xf32, #tpu.memory_space<hbm>> -> memref<520x128xf32, #tpu.memory_space<hbm>>
      %dma_start3A_27 = arith.constant 0 : i32
      %dma_start3A_28 = arith.constant 0 : i32
      %dma_start3A_29 = tpu.memref_slice %arg7[%dma_start3A_27, %dma_start3A_28] : memref<632x128xf32, #tpu.memory_space<vmem>> -> memref<520x128xf32, #tpu.memory_space<vmem>>
      tpu.enqueue_dma source(%dma_start3A_29 : memref<520x128xf32, #tpu.memory_space<vmem>>) target(%dma_start3A_26 : memref<520x128xf32, #tpu.memory_space<hbm>>) target_semaphore(%run_scoped3A : memref<!tpu.dma_semaphore, #tpu.memory_space<semaphore_mem>>)
      %dma_wait3A = arith.constant 0 : i32
      %dma_wait3A_30 = arith.constant 0 : i32
      %dma_wait3A_31 = tpu.memref_slice %arg7[%dma_wait3A, %dma_wait3A_30] : memref<632x128xf32, #tpu.memory_space<vmem>> -> memref<520x128xf32, #tpu.memory_space<vmem>>
      %dma_wait3A_32 = arith.constant 0 : i32
      %dma_wait3A_33 = tpu.memref_slice %arg4[%arg0, %mul3A_7, %dma_wait3A_32] : memref<2x10000x128xf32, #tpu.memory_space<hbm>> -> memref<1x520x128xf32, #tpu.memory_space<hbm>>
      %dma_wait3A_34 = tpu.memref_squeeze %dma_wait3A_33 : memref<1x520x128xf32, #tpu.memory_space<hbm>> -> memref<520x128xf32, #tpu.memory_space<hbm>>
      %dma_wait3A_35 = arith.constant 0 : i32
      %dma_wait3A_36 = tpu.memref_slice %arg4[%arg0, %mul3A_7, %dma_wait3A_35] : memref<2x10000x128xf32, #tpu.memory_space<hbm>> -> memref<1x520x128xf32, #tpu.memory_space<hbm>>
      %dma_wait3A_37 = tpu.memref_squeeze %dma_wait3A_36 : memref<1x520x128xf32, #tpu.memory_space<hbm>> -> memref<520x128xf32, #tpu.memory_space<hbm>>
      %dma_wait3A_38 = arith.constant 0 : i32
      %dma_wait3A_39 = arith.constant 0 : i32
      %dma_wait3A_40 = tpu.memref_slice %arg7[%dma_wait3A_38, %dma_wait3A_39] : memref<632x128xf32, #tpu.memory_space<vmem>> -> memref<520x128xf32, #tpu.memory_space<vmem>>
      tpu.wait_dma2 semaphore(%run_scoped3A : memref<!tpu.dma_semaphore, #tpu.memory_space<semaphore_mem>>) src(%dma_wait3A_40 : memref<520x128xf32, #tpu.memory_space<vmem>>) dst(%dma_wait3A_37 : memref<520x128xf32, #tpu.memory_space<hbm>>)
      tpu.yield
    }) : () -> ()
    %lt3A = arith.constant 15 : i32
    %lt3A_17 = arith.cmpi slt, %arg1, %lt3A : i32
    %convert_element_type3A = arith.extui %lt3A_17 : i1 to i32
    %cond3A = arith.constant 0 : i32
    %cond3A_18 = arith.cmpi ne, %convert_element_type3A, %cond3A : i32
    scf.if %cond3A_18 {
      %add3A = arith.constant 520 : i32
      %add3A_19 = arith.addi %mul3A_7, %add3A : i32
      "tpu.region"() ({
        %run_scoped3A = tpu.sem_alloc : memref<!tpu.dma_semaphore, #tpu.memory_space<semaphore_mem>>
        %dma_start3A = arith.constant 520 : i32
        %dma_start3A_20 = arith.constant 0 : i32
        %dma_start3A_21 = tpu.memref_slice %arg7[%dma_start3A, %dma_start3A_20] : memref<632x128xf32, #tpu.memory_space<vmem>> -> memref<112x128xf32, #tpu.memory_space<vmem>>
        %dma_start3A_22 = arith.constant 0 : i32
        %dma_start3A_23 = tpu.memref_slice %arg4[%arg0, %add3A_19, %dma_start3A_22] : memref<2x10000x128xf32, #tpu.memory_space<hbm>> -> memref<1x112x128xf32, #tpu.memory_space<hbm>>
        %dma_start3A_24 = tpu.memref_squeeze %dma_start3A_23 : memref<1x112x128xf32, #tpu.memory_space<hbm>> -> memref<112x128xf32, #tpu.memory_space<hbm>>
        %dma_start3A_25 = arith.constant 0 : i32
        %dma_start3A_26 = tpu.memref_slice %arg4[%arg0, %add3A_19, %dma_start3A_25] : memref<2x10000x128xf32, #tpu.memory_space<hbm>> -> memref<1x112x128xf32, #tpu.memory_space<hbm>>
        %dma_start3A_27 = tpu.memref_squeeze %dma_start3A_26 : memref<1x112x128xf32, #tpu.memory_space<hbm>> -> memref<112x128xf32, #tpu.memory_space<hbm>>
        %dma_start3A_28 = arith.constant 520 : i32
        %dma_start3A_29 = arith.constant 0 : i32
        %dma_start3A_30 = tpu.memref_slice %arg7[%dma_start3A_28, %dma_start3A_29] : memref<632x128xf32, #tpu.memory_space<vmem>> -> memref<112x128xf32, #tpu.memory_space<vmem>>
        tpu.enqueue_dma source(%dma_start3A_30 : memref<112x128xf32, #tpu.memory_space<vmem>>) target(%dma_start3A_27 : memref<112x128xf32, #tpu.memory_space<hbm>>) target_semaphore(%run_scoped3A : memref<!tpu.dma_semaphore, #tpu.memory_space<semaphore_mem>>)
        %dma_wait3A = arith.constant 520 : i32
        %dma_wait3A_31 = arith.constant 0 : i32
        %dma_wait3A_32 = tpu.memref_slice %arg7[%dma_wait3A, %dma_wait3A_31] : memref<632x128xf32, #tpu.memory_space<vmem>> -> memref<112x128xf32, #tpu.memory_space<vmem>>
        %dma_wait3A_33 = arith.constant 0 : i32
        %dma_wait3A_34 = tpu.memref_slice %arg4[%arg0, %add3A_19, %dma_wait3A_33] : memref<2x10000x128xf32, #tpu.memory_space<hbm>> -> memref<1x112x128xf32, #tpu.memory_space<hbm>>
        %dma_wait3A_35 = tpu.memref_squeeze %dma_wait3A_34 : memref<1x112x128xf32, #tpu.memory_space<hbm>> -> memref<112x128xf32, #tpu.memory_space<hbm>>
        %dma_wait3A_36 = arith.constant 0 : i32
        %dma_wait3A_37 = tpu.memref_slice %arg4[%arg0, %add3A_19, %dma_wait3A_36] : memref<2x10000x128xf32, #tpu.memory_space<hbm>> -> memref<1x112x128xf32, #tpu.memory_space<hbm>>
        %dma_wait3A_38 = tpu.memref_squeeze %dma_wait3A_37 : memref<1x112x128xf32, #tpu.memory_space<hbm>> -> memref<112x128xf32, #tpu.memory_space<hbm>>
        %dma_wait3A_39 = arith.constant 520 : i32
        %dma_wait3A_40 = arith.constant 0 : i32
        %dma_wait3A_41 = tpu.memref_slice %arg7[%dma_wait3A_39, %dma_wait3A_40] : memref<632x128xf32, #tpu.memory_space<vmem>> -> memref<112x128xf32, #tpu.memory_space<vmem>>
        tpu.wait_dma2 semaphore(%run_scoped3A : memref<!tpu.dma_semaphore, #tpu.memory_space<semaphore_mem>>) src(%dma_wait3A_41 : memref<112x128xf32, #tpu.memory_space<vmem>>) dst(%dma_wait3A_38 : memref<112x128xf32, #tpu.memory_space<hbm>>)
        tpu.yield
      }) : () -> ()
    } else {
    }
    return
  }
}

#map = affine_map<(d0, d1) -> (0, 0)>
#map1 = affine_map<(d0, d1) -> (0, 0, 0)>
#map2 = affine_map<(d0, d1) -> (0, 0, 0, 0)>
module attributes {stable_mosaic.version = 14 : i64} {
  func.func @_sc_edge_body(%arg0: i32, %arg1: i32, %arg2: memref<20000x128xf32, #tpu.memory_space<hbm>>, %arg3: memref<10000x128xf32, #tpu.memory_space<hbm>>, %arg4: memref<2x320000x64xf32, #tpu.memory_space<hbm>>, %arg5: memref<2x16x250x80xi32, #tpu.memory_space<hbm>>, %arg6: memref<2x320000x64xf32, #tpu.memory_space<hbm>>, %arg7: memref<640000x128xf32, #tpu.memory_space<hbm>>, %arg8: memref<2x16x2x64xf32, #tpu.memory_space<hbm>>, %arg9: memref<250x80xi32, #tpu.memory_space<vmem>>, %arg10: memref<250x80xi32, #tpu.memory_space<vmem>>, %arg11: memref<80x128xf32, #tpu.memory_space<vmem>>, %arg12: memref<80x128xf32, #tpu.memory_space<vmem>>, %arg13: memref<80x64xf32, #tpu.memory_space<vmem>>, %arg14: memref<80x64xf32, #tpu.memory_space<vmem>>, %arg15: memref<80x128xf32, #tpu.memory_space<vmem>>, %arg16: memref<2x64xf32, #tpu.memory_space<vmem>>) attributes {dimension_semantics = [#tpu.dimension_semantics<core_parallel>, #tpu.dimension_semantics<subcore_parallel>], iteration_bounds = array<i64: 2, 16>, scalar_prefetch = 0 : i64, scratch_operands = 8 : i64, tpu.core_type = #tpu.core_type<sc_vector_subcore>, window_params = [{transform_indices = #map}, {transform_indices = #map}, {transform_indices = #map1}, {transform_indices = #map2}, {transform_indices = #map1}, {transform_indices = #map}, {transform_indices = #map2}]} {
    %mul3A = arith.constant 64 : i32
    %mul3A_0 = arith.muli %arg0, %mul3A : i32
    %run_scoped3A = arith.constant 0 : i32
    "tpu.region"() ({
      %run_scoped3A_67 = tpu.sem_alloc : memref<!tpu.dma_semaphore, #tpu.memory_space<semaphore_mem>>
      %dma_start3A = arith.constant 0 : i32
      %dma_start3A_68 = arith.constant 0 : i32
      %dma_start3A_69 = tpu.memref_slice %arg5[%run_scoped3A, %arg1, %dma_start3A, %dma_start3A_68] : memref<2x16x250x80xi32, #tpu.memory_space<hbm>> -> memref<1x1x250x80xi32, #tpu.memory_space<hbm>>
      %dma_start3A_70 = tpu.memref_squeeze %dma_start3A_69 : memref<1x1x250x80xi32, #tpu.memory_space<hbm>> -> memref<250x80xi32, #tpu.memory_space<hbm>>
      %dma_start3A_71 = arith.constant 0 : i32
      %dma_start3A_72 = arith.constant 0 : i32
      %dma_start3A_73 = tpu.memref_slice %arg5[%run_scoped3A, %arg1, %dma_start3A_71, %dma_start3A_72] : memref<2x16x250x80xi32, #tpu.memory_space<hbm>> -> memref<1x1x250x80xi32, #tpu.memory_space<hbm>>
      %dma_start3A_74 = tpu.memref_squeeze %dma_start3A_73 : memref<1x1x250x80xi32, #tpu.memory_space<hbm>> -> memref<250x80xi32, #tpu.memory_space<hbm>>
      tpu.enqueue_dma source(%dma_start3A_74 : memref<250x80xi32, #tpu.memory_space<hbm>>) target(%arg9 : memref<250x80xi32, #tpu.memory_space<vmem>>) target_semaphore(%run_scoped3A_67 : memref<!tpu.dma_semaphore, #tpu.memory_space<semaphore_mem>>)
      %dma_wait3A = arith.constant 0 : i32
      %dma_wait3A_75 = arith.constant 0 : i32
      %dma_wait3A_76 = tpu.memref_slice %arg5[%run_scoped3A, %arg1, %dma_wait3A, %dma_wait3A_75] : memref<2x16x250x80xi32, #tpu.memory_space<hbm>> -> memref<1x1x250x80xi32, #tpu.memory_space<hbm>>
      %dma_wait3A_77 = tpu.memref_squeeze %dma_wait3A_76 : memref<1x1x250x80xi32, #tpu.memory_space<hbm>> -> memref<250x80xi32, #tpu.memory_space<hbm>>
      %dma_wait3A_78 = arith.constant 0 : i32
      %dma_wait3A_79 = arith.constant 0 : i32
      %dma_wait3A_80 = tpu.memref_slice %arg5[%run_scoped3A, %arg1, %dma_wait3A_78, %dma_wait3A_79] : memref<2x16x250x80xi32, #tpu.memory_space<hbm>> -> memref<1x1x250x80xi32, #tpu.memory_space<hbm>>
      %dma_wait3A_81 = tpu.memref_squeeze %dma_wait3A_80 : memref<1x1x250x80xi32, #tpu.memory_space<hbm>> -> memref<250x80xi32, #tpu.memory_space<hbm>>
      tpu.wait_dma2 semaphore(%run_scoped3A_67 : memref<!tpu.dma_semaphore, #tpu.memory_space<semaphore_mem>>) src(%dma_wait3A_81 : memref<250x80xi32, #tpu.memory_space<hbm>>) dst(%arg9 : memref<250x80xi32, #tpu.memory_space<vmem>>)
      tpu.yield
    }) : () -> ()
    %run_scoped3A_1 = arith.constant 1 : i32
    "tpu.region"() ({
      %run_scoped3A_67 = tpu.sem_alloc : memref<!tpu.dma_semaphore, #tpu.memory_space<semaphore_mem>>
      %dma_start3A = arith.constant 0 : i32
      %dma_start3A_68 = arith.constant 0 : i32
      %dma_start3A_69 = tpu.memref_slice %arg5[%run_scoped3A_1, %arg1, %dma_start3A, %dma_start3A_68] : memref<2x16x250x80xi32, #tpu.memory_space<hbm>> -> memref<1x1x250x80xi32, #tpu.memory_space<hbm>>
      %dma_start3A_70 = tpu.memref_squeeze %dma_start3A_69 : memref<1x1x250x80xi32, #tpu.memory_space<hbm>> -> memref<250x80xi32, #tpu.memory_space<hbm>>
      %dma_start3A_71 = arith.constant 0 : i32
      %dma_start3A_72 = arith.constant 0 : i32
      %dma_start3A_73 = tpu.memref_slice %arg5[%run_scoped3A_1, %arg1, %dma_start3A_71, %dma_start3A_72] : memref<2x16x250x80xi32, #tpu.memory_space<hbm>> -> memref<1x1x250x80xi32, #tpu.memory_space<hbm>>
      %dma_start3A_74 = tpu.memref_squeeze %dma_start3A_73 : memref<1x1x250x80xi32, #tpu.memory_space<hbm>> -> memref<250x80xi32, #tpu.memory_space<hbm>>
      tpu.enqueue_dma source(%dma_start3A_74 : memref<250x80xi32, #tpu.memory_space<hbm>>) target(%arg10 : memref<250x80xi32, #tpu.memory_space<vmem>>) target_semaphore(%run_scoped3A_67 : memref<!tpu.dma_semaphore, #tpu.memory_space<semaphore_mem>>)
      %dma_wait3A = arith.constant 0 : i32
      %dma_wait3A_75 = arith.constant 0 : i32
      %dma_wait3A_76 = tpu.memref_slice %arg5[%run_scoped3A_1, %arg1, %dma_wait3A, %dma_wait3A_75] : memref<2x16x250x80xi32, #tpu.memory_space<hbm>> -> memref<1x1x250x80xi32, #tpu.memory_space<hbm>>
      %dma_wait3A_77 = tpu.memref_squeeze %dma_wait3A_76 : memref<1x1x250x80xi32, #tpu.memory_space<hbm>> -> memref<250x80xi32, #tpu.memory_space<hbm>>
      %dma_wait3A_78 = arith.constant 0 : i32
      %dma_wait3A_79 = arith.constant 0 : i32
      %dma_wait3A_80 = tpu.memref_slice %arg5[%run_scoped3A_1, %arg1, %dma_wait3A_78, %dma_wait3A_79] : memref<2x16x250x80xi32, #tpu.memory_space<hbm>> -> memref<1x1x250x80xi32, #tpu.memory_space<hbm>>
      %dma_wait3A_81 = tpu.memref_squeeze %dma_wait3A_80 : memref<1x1x250x80xi32, #tpu.memory_space<hbm>> -> memref<250x80xi32, #tpu.memory_space<hbm>>
      tpu.wait_dma2 semaphore(%run_scoped3A_67 : memref<!tpu.dma_semaphore, #tpu.memory_space<semaphore_mem>>) src(%dma_wait3A_81 : memref<250x80xi32, #tpu.memory_space<hbm>>) dst(%arg10 : memref<250x80xi32, #tpu.memory_space<vmem>>)
      tpu.yield
    }) : () -> ()
    %mul3A_2 = arith.constant 10000 : i32
    %mul3A_3 = arith.muli %arg0, %mul3A_2 : i32
    %scan3A = arith.constant 0 : i32
    %scan3A_4 = arith.constant 0 : i32
    %scan3A_5 = arith.constant 250 : i32
    %scan3A_6 = arith.addi %scan3A_4, %scan3A_5 : i32
    %scan3A_7 = arith.constant 1 : i32
    %scan3A_8 = scf.for %scan3A_67 = %scan3A_4 to %scan3A_6 step %scan3A_7 iter_args(%scan3A_68 = %scan3A) -> (i32)  : i32 {
      %scan3A_69 = arith.constant 0 : i32
      %scan3A_70 = arith.constant 0 : i32
      %scan3A_71 = arith.constant 5 : i32
      %scan3A_72 = arith.addi %scan3A_70, %scan3A_71 : i32
      %scan3A_73 = arith.constant 1 : i32
      %scan3A_74 = scf.for %scan3A_76 = %scan3A_70 to %scan3A_72 step %scan3A_73 iter_args(%scan3A_77 = %scan3A_69) -> (i32)  : i32 {
        %mul3A_78 = arith.constant 16 : i32
        %mul3A_79 = arith.muli %scan3A_76, %mul3A_78 : i32
        %get3A = arith.index_cast %scan3A_67 : i32 to index
        %get3A_80 = arith.index_cast %mul3A_79 : i32 to index
        %get3A_81 = tpu.vector_load %arg9[%get3A, %get3A_80] {strides = array<i32>} : memref<250x80xi32, #tpu.memory_space<vmem>>, vector<1x16xi32>,
        %get3A_82 = vector.shape_cast %get3A_81 : vector<1x16xi32> to vector<16xi32>
        %add3A = vector.broadcast %mul3A_3 : i32 to vector<16xi32>
        %add3A_83 = arith.addi %get3A_82, %add3A : vector<16xi32>
        %swap3A_84 = arith.index_cast %scan3A_67 : i32 to index
        %swap3A_85 = arith.index_cast %mul3A_79 : i32 to index
        %swap3A_86 = tpu.vector_load %arg9[%swap3A_84, %swap3A_85] {strides = array<i32>} : memref<250x80xi32, #tpu.memory_space<vmem>>, vector<1x16xi32>,
        %swap3A_87 = vector.shape_cast %swap3A_86 : vector<1x16xi32> to vector<16xi32>
        %swap3A_88 = vector.shape_cast %add3A_83 : vector<16xi32> to vector<1x16xi32>
        tpu.vector_store %arg9[%swap3A_84, %swap3A_85], %swap3A_88 {strides = array<i32>} : memref<250x80xi32, #tpu.memory_space<vmem>>, vector<1x16xi32>,
        %scan3A_89 = arith.constant 0 : i32
        scf.yield %scan3A_89 : i32
      }
      %scan3A_75 = arith.constant 5 : i32
      scf.yield %scan3A_74 : i32
    }
    %scan3A_9 = arith.constant 250 : i32
    %broadcast_in_dim3A = arith.constant 0.000000e+00 : f32
    %broadcast_in_dim3A_10 = vector.broadcast %broadcast_in_dim3A : f32 to vector<16xf32>
    %swap3A = arith.constant 0 : i32
    %swap3A_11 = arith.index_cast %swap3A : i32 to index
    %swap3A_12 = arith.constant 0 : index
    %swap3A_13 = tpu.vector_load %arg16[%swap3A_11, %swap3A_12] {strides = array<i32>} : memref<2x64xf32, #tpu.memory_space<vmem>>, vector<1x16xf32>,
    %swap3A_14 = vector.shape_cast %swap3A_13 : vector<1x16xf32> to vector<16xf32>
    %swap3A_15 = vector.shape_cast %broadcast_in_dim3A_10 : vector<16xf32> to vector<1x16xf32>
    tpu.vector_store %arg16[%swap3A_11, %swap3A_12], %swap3A_15 {strides = array<i32>} : memref<2x64xf32, #tpu.memory_space<vmem>>, vector<1x16xf32>,
    %swap3A_16 = arith.constant 1 : i32
    %swap3A_17 = arith.index_cast %swap3A_16 : i32 to index
    %swap3A_18 = arith.constant 0 : index
    %swap3A_19 = tpu.vector_load %arg16[%swap3A_17, %swap3A_18] {strides = array<i32>} : memref<2x64xf32, #tpu.memory_space<vmem>>, vector<1x16xf32>,
    %swap3A_20 = vector.shape_cast %swap3A_19 : vector<1x16xf32> to vector<16xf32>
    %swap3A_21 = vector.shape_cast %broadcast_in_dim3A_10 : vector<16xf32> to vector<1x16xf32>
    tpu.vector_store %arg16[%swap3A_17, %swap3A_18], %swap3A_21 {strides = array<i32>} : memref<2x64xf32, #tpu.memory_space<vmem>>, vector<1x16xf32>,
    %swap3A_22 = arith.constant 0 : i32
    %swap3A_23 = arith.index_cast %swap3A_22 : i32 to index
    %swap3A_24 = arith.constant 16 : index
    %swap3A_25 = tpu.vector_load %arg16[%swap3A_23, %swap3A_24] {strides = array<i32>} : memref<2x64xf32, #tpu.memory_space<vmem>>, vector<1x16xf32>,
    %swap3A_26 = vector.shape_cast %swap3A_25 : vector<1x16xf32> to vector<16xf32>
    %swap3A_27 = vector.shape_cast %broadcast_in_dim3A_10 : vector<16xf32> to vector<1x16xf32>
    tpu.vector_store %arg16[%swap3A_23, %swap3A_24], %swap3A_27 {strides = array<i32>} : memref<2x64xf32, #tpu.memory_space<vmem>>, vector<1x16xf32>,
    %swap3A_28 = arith.constant 1 : i32
    %swap3A_29 = arith.index_cast %swap3A_28 : i32 to index
    %swap3A_30 = arith.constant 16 : index
    %swap3A_31 = tpu.vector_load %arg16[%swap3A_29, %swap3A_30] {strides = array<i32>} : memref<2x64xf32, #tpu.memory_space<vmem>>, vector<1x16xf32>,
    %swap3A_32 = vector.shape_cast %swap3A_31 : vector<1x16xf32> to vector<16xf32>
    %swap3A_33 = vector.shape_cast %broadcast_in_dim3A_10 : vector<16xf32> to vector<1x16xf32>
    tpu.vector_store %arg16[%swap3A_29, %swap3A_30], %swap3A_33 {strides = array<i32>} : memref<2x64xf32, #tpu.memory_space<vmem>>, vector<1x16xf32>,
    %swap3A_34 = arith.constant 0 : i32
    %swap3A_35 = arith.index_cast %swap3A_34 : i32 to index
    %swap3A_36 = arith.constant 32 : index
    %swap3A_37 = tpu.vector_load %arg16[%swap3A_35, %swap3A_36] {strides = array<i32>} : memref<2x64xf32, #tpu.memory_space<vmem>>, vector<1x16xf32>,
    %swap3A_38 = vector.shape_cast %swap3A_37 : vector<1x16xf32> to vector<16xf32>
    %swap3A_39 = vector.shape_cast %broadcast_in_dim3A_10 : vector<16xf32> to vector<1x16xf32>
    tpu.vector_store %arg16[%swap3A_35, %swap3A_36], %swap3A_39 {strides = array<i32>} : memref<2x64xf32, #tpu.memory_space<vmem>>, vector<1x16xf32>,
    %swap3A_40 = arith.constant 1 : i32
    %swap3A_41 = arith.index_cast %swap3A_40 : i32 to index
    %swap3A_42 = arith.constant 32 : index
    %swap3A_43 = tpu.vector_load %arg16[%swap3A_41, %swap3A_42] {strides = array<i32>} : memref<2x64xf32, #tpu.memory_space<vmem>>, vector<1x16xf32>,
    %swap3A_44 = vector.shape_cast %swap3A_43 : vector<1x16xf32> to vector<16xf32>
    %swap3A_45 = vector.shape_cast %broadcast_in_dim3A_10 : vector<16xf32> to vector<1x16xf32>
    tpu.vector_store %arg16[%swap3A_41, %swap3A_42], %swap3A_45 {strides = array<i32>} : memref<2x64xf32, #tpu.memory_space<vmem>>, vector<1x16xf32>,
    %swap3A_46 = arith.constant 0 : i32
    %swap3A_47 = arith.index_cast %swap3A_46 : i32 to index
    %swap3A_48 = arith.constant 48 : index
    %swap3A_49 = tpu.vector_load %arg16[%swap3A_47, %swap3A_48] {strides = array<i32>} : memref<2x64xf32, #tpu.memory_space<vmem>>, vector<1x16xf32>,
    %swap3A_50 = vector.shape_cast %swap3A_49 : vector<1x16xf32> to vector<16xf32>
    %swap3A_51 = vector.shape_cast %broadcast_in_dim3A_10 : vector<16xf32> to vector<1x16xf32>
    tpu.vector_store %arg16[%swap3A_47, %swap3A_48], %swap3A_51 {strides = array<i32>} : memref<2x64xf32, #tpu.memory_space<vmem>>, vector<1x16xf32>,
    %swap3A_52 = arith.constant 1 : i32
    %swap3A_53 = arith.index_cast %swap3A_52 : i32 to index
    %swap3A_54 = arith.constant 48 : index
    %swap3A_55 = tpu.vector_load %arg16[%swap3A_53, %swap3A_54] {strides = array<i32>} : memref<2x64xf32, #tpu.memory_space<vmem>>, vector<1x16xf32>,
    %swap3A_56 = vector.shape_cast %swap3A_55 : vector<1x16xf32> to vector<16xf32>
    %swap3A_57 = vector.shape_cast %broadcast_in_dim3A_10 : vector<16xf32> to vector<1x16xf32>
    tpu.vector_store %arg16[%swap3A_53, %swap3A_54], %swap3A_57 {strides = array<i32>} : memref<2x64xf32, #tpu.memory_space<vmem>>, vector<1x16xf32>,
    %mul3A_58 = arith.constant 320000 : i32
    %mul3A_59 = arith.muli %arg0, %mul3A_58 : i32
    %scan3A_60 = arith.constant 0 : i32
    %scan3A_61 = arith.constant 0 : i32
    %scan3A_62 = arith.constant 250 : i32
    %scan3A_63 = arith.addi %scan3A_61, %scan3A_62 : i32
    %scan3A_64 = arith.constant 1 : i32
    %scan3A_65 = scf.for %scan3A_67 = %scan3A_61 to %scan3A_63 step %scan3A_64 iter_args(%scan3A_68 = %scan3A_60) -> (i32)  : i32 {
      %mul3A_69 = arith.constant 20000 : i32
      %mul3A_70 = arith.muli %arg1, %mul3A_69 : i32
      %mul3A_71 = arith.constant 80 : i32
      %mul3A_72 = arith.muli %scan3A_67, %mul3A_71 : i32
      %add3A = arith.addi %mul3A_70, %mul3A_72 : i32
      "tpu.region"() ({
        %run_scoped3A_192 = tpu.sem_alloc : memref<!tpu.dma_semaphore, #tpu.memory_space<semaphore_mem>>
        %dma_start3A = arith.constant 0 : i32
        %dma_start3A_193 = tpu.memref_slice %arg9[%scan3A_67, %dma_start3A] : memref<250x80xi32, #tpu.memory_space<vmem>> -> memref<1x80xi32, #tpu.memory_space<vmem>>
        %dma_start3A_194 = tpu.memref_squeeze %dma_start3A_193 : memref<1x80xi32, #tpu.memory_space<vmem>> -> memref<80xi32, #tpu.memory_space<vmem>>
        %dma_start3A_195 = arith.constant 0 : i32
        %dma_start3A_196 = arith.constant 0 : i32
        %dma_start3A_197 = tpu.memref_slice %arg2[%dma_start3A_195, %dma_start3A_196] : memref<20000x128xf32, #tpu.memory_space<hbm>> -> memref<20000x128xf32, #tpu.memory_space<hbm>>
        tpu.enqueue_indirect_dma source(%dma_start3A_197 : memref<20000x128xf32, #tpu.memory_space<hbm>>) target(%arg11 : memref<80x128xf32, #tpu.memory_space<vmem>>) offsets(%dma_start3A_194 : memref<80xi32, #tpu.memory_space<vmem>>) semaphore(%run_scoped3A_192 : memref<!tpu.dma_semaphore, #tpu.memory_space<semaphore_mem>>)
        %dma_wait3A = arith.constant 0 : i32
        %dma_wait3A_198 = tpu.memref_slice %arg9[%scan3A_67, %dma_wait3A] : memref<250x80xi32, #tpu.memory_space<vmem>> -> memref<1x80xi32, #tpu.memory_space<vmem>>
        %dma_wait3A_199 = tpu.memref_squeeze %dma_wait3A_198 : memref<1x80xi32, #tpu.memory_space<vmem>> -> memref<80xi32, #tpu.memory_space<vmem>>
        %dma_wait3A_200 = arith.constant 0 : i32
        %dma_wait3A_201 = arith.constant 0 : i32
        %dma_wait3A_202 = tpu.memref_slice %arg2[%dma_wait3A_200, %dma_wait3A_201] : memref<20000x128xf32, #tpu.memory_space<hbm>> -> memref<20000x128xf32, #tpu.memory_space<hbm>>
        tpu.wait_indirect_dma semaphore(%run_scoped3A_192 : memref<!tpu.dma_semaphore, #tpu.memory_space<semaphore_mem>>) src(%dma_wait3A_202 : memref<20000x128xf32, #tpu.memory_space<hbm>>) dst(%arg11 : memref<80x128xf32, #tpu.memory_space<vmem>>)
        tpu.yield
      }) : () -> ()
      "tpu.region"() ({
        %run_scoped3A_192 = tpu.sem_alloc : memref<!tpu.dma_semaphore, #tpu.memory_space<semaphore_mem>>
        %dma_start3A = arith.constant 0 : i32
        %dma_start3A_193 = tpu.memref_slice %arg10[%scan3A_67, %dma_start3A] : memref<250x80xi32, #tpu.memory_space<vmem>> -> memref<1x80xi32, #tpu.memory_space<vmem>>
        %dma_start3A_194 = tpu.memref_squeeze %dma_start3A_193 : memref<1x80xi32, #tpu.memory_space<vmem>> -> memref<80xi32, #tpu.memory_space<vmem>>
        %dma_start3A_195 = arith.constant 0 : i32
        %dma_start3A_196 = arith.constant 0 : i32
        %dma_start3A_197 = tpu.memref_slice %arg3[%dma_start3A_195, %dma_start3A_196] : memref<10000x128xf32, #tpu.memory_space<hbm>> -> memref<10000x128xf32, #tpu.memory_space<hbm>>
        tpu.enqueue_indirect_dma source(%dma_start3A_197 : memref<10000x128xf32, #tpu.memory_space<hbm>>) target(%arg12 : memref<80x128xf32, #tpu.memory_space<vmem>>) offsets(%dma_start3A_194 : memref<80xi32, #tpu.memory_space<vmem>>) semaphore(%run_scoped3A_192 : memref<!tpu.dma_semaphore, #tpu.memory_space<semaphore_mem>>)
        %dma_wait3A = arith.constant 0 : i32
        %dma_wait3A_198 = tpu.memref_slice %arg10[%scan3A_67, %dma_wait3A] : memref<250x80xi32, #tpu.memory_space<vmem>> -> memref<1x80xi32, #tpu.memory_space<vmem>>
        %dma_wait3A_199 = tpu.memref_squeeze %dma_wait3A_198 : memref<1x80xi32, #tpu.memory_space<vmem>> -> memref<80xi32, #tpu.memory_space<vmem>>
        %dma_wait3A_200 = arith.constant 0 : i32
        %dma_wait3A_201 = arith.constant 0 : i32
        %dma_wait3A_202 = tpu.memref_slice %arg3[%dma_wait3A_200, %dma_wait3A_201] : memref<10000x128xf32, #tpu.memory_space<hbm>> -> memref<10000x128xf32, #tpu.memory_space<hbm>>
        tpu.wait_indirect_dma semaphore(%run_scoped3A_192 : memref<!tpu.dma_semaphore, #tpu.memory_space<semaphore_mem>>) src(%dma_wait3A_202 : memref<10000x128xf32, #tpu.memory_space<hbm>>) dst(%arg12 : memref<80x128xf32, #tpu.memory_space<vmem>>)
        tpu.yield
      }) : () -> ()
      "tpu.region"() ({
        %run_scoped3A_192 = tpu.sem_alloc : memref<!tpu.dma_semaphore, #tpu.memory_space<semaphore_mem>>
        %dma_start3A = arith.constant 0 : i32
        %dma_start3A_193 = tpu.memref_slice %arg4[%arg0, %add3A, %dma_start3A] : memref<2x320000x64xf32, #tpu.memory_space<hbm>> -> memref<1x80x64xf32, #tpu.memory_space<hbm>>
        %dma_start3A_194 = tpu.memref_squeeze %dma_start3A_193 : memref<1x80x64xf32, #tpu.memory_space<hbm>> -> memref<80x64xf32, #tpu.memory_space<hbm>>
        %dma_start3A_195 = arith.constant 0 : i32
        %dma_start3A_196 = tpu.memref_slice %arg4[%arg0, %add3A, %dma_start3A_195] : memref<2x320000x64xf32, #tpu.memory_space<hbm>> -> memref<1x80x64xf32, #tpu.memory_space<hbm>>
        %dma_start3A_197 = tpu.memref_squeeze %dma_start3A_196 : memref<1x80x64xf32, #tpu.memory_space<hbm>> -> memref<80x64xf32, #tpu.memory_space<hbm>>
        tpu.enqueue_dma source(%dma_start3A_197 : memref<80x64xf32, #tpu.memory_space<hbm>>) target(%arg13 : memref<80x64xf32, #tpu.memory_space<vmem>>) target_semaphore(%run_scoped3A_192 : memref<!tpu.dma_semaphore, #tpu.memory_space<semaphore_mem>>)
        %dma_wait3A = arith.constant 0 : i32
        %dma_wait3A_198 = tpu.memref_slice %arg4[%arg0, %add3A, %dma_wait3A] : memref<2x320000x64xf32, #tpu.memory_space<hbm>> -> memref<1x80x64xf32, #tpu.memory_space<hbm>>
        %dma_wait3A_199 = tpu.memref_squeeze %dma_wait3A_198 : memref<1x80x64xf32, #tpu.memory_space<hbm>> -> memref<80x64xf32, #tpu.memory_space<hbm>>
        %dma_wait3A_200 = arith.constant 0 : i32
        %dma_wait3A_201 = tpu.memref_slice %arg4[%arg0, %add3A, %dma_wait3A_200] : memref<2x320000x64xf32, #tpu.memory_space<hbm>> -> memref<1x80x64xf32, #tpu.memory_space<hbm>>
        %dma_wait3A_202 = tpu.memref_squeeze %dma_wait3A_201 : memref<1x80x64xf32, #tpu.memory_space<hbm>> -> memref<80x64xf32, #tpu.memory_space<hbm>>
        tpu.wait_dma2 semaphore(%run_scoped3A_192 : memref<!tpu.dma_semaphore, #tpu.memory_space<semaphore_mem>>) src(%dma_wait3A_202 : memref<80x64xf32, #tpu.memory_space<hbm>>) dst(%arg13 : memref<80x64xf32, #tpu.memory_space<vmem>>)
        tpu.yield
      }) : () -> ()
      %broadcast_in_dim3A_73 = arith.constant 0.000000e+00 : f32
      %broadcast_in_dim3A_74 = vector.broadcast %broadcast_in_dim3A_73 : f32 to vector<16xf32>
      %broadcast_in_dim3A_75 = arith.constant 0.000000e+00 : f32
      %broadcast_in_dim3A_76 = vector.broadcast %broadcast_in_dim3A_75 : f32 to vector<16xf32>
      %broadcast_in_dim3A_77 = arith.constant 0.000000e+00 : f32
      %broadcast_in_dim3A_78 = vector.broadcast %broadcast_in_dim3A_77 : f32 to vector<16xf32>
      %broadcast_in_dim3A_79 = arith.constant 0.000000e+00 : f32
      %broadcast_in_dim3A_80 = vector.broadcast %broadcast_in_dim3A_79 : f32 to vector<16xf32>
      %broadcast_in_dim3A_81 = arith.constant 0.000000e+00 : f32
      %broadcast_in_dim3A_82 = vector.broadcast %broadcast_in_dim3A_81 : f32 to vector<16xf32>
      %broadcast_in_dim3A_83 = arith.constant 0.000000e+00 : f32
      %broadcast_in_dim3A_84 = vector.broadcast %broadcast_in_dim3A_83 : f32 to vector<16xf32>
      %broadcast_in_dim3A_85 = arith.constant 0.000000e+00 : f32
      %broadcast_in_dim3A_86 = vector.broadcast %broadcast_in_dim3A_85 : f32 to vector<16xf32>
      %broadcast_in_dim3A_87 = arith.constant 0.000000e+00 : f32
      %broadcast_in_dim3A_88 = vector.broadcast %broadcast_in_dim3A_87 : f32 to vector<16xf32>
      %scan3A_89 = arith.constant 0 : i32
      %scan3A_90 = arith.constant 80 : i32
      %scan3A_91 = arith.addi %scan3A_89, %scan3A_90 : i32
      %scan3A_92 = arith.constant 1 : i32
      %scan3A_93:8 = scf.for %scan3A_192 = %scan3A_89 to %scan3A_91 step %scan3A_92 iter_args(%scan3A_193 = %broadcast_in_dim3A_74, %scan3A_194 = %broadcast_in_dim3A_76, %scan3A_195 = %broadcast_in_dim3A_78, %scan3A_196 = %broadcast_in_dim3A_80, %scan3A_197 = %broadcast_in_dim3A_82, %scan3A_198 = %broadcast_in_dim3A_84, %scan3A_199 = %broadcast_in_dim3A_86, %scan3A_200 = %broadcast_in_dim3A_88) -> (vector<16xf32>, vector<16xf32>, vector<16xf32>, vector<16xf32>, vector<16xf32>, vector<16xf32>, vector<16xf32>, vector<16xf32>)  : i32 {
        %get3A_201 = arith.index_cast %scan3A_192 : i32 to index
        %get3A_202 = arith.constant 0 : index
        %get3A_203 = tpu.vector_load %arg11[%get3A_201, %get3A_202] {strides = array<i32>} : memref<80x128xf32, #tpu.memory_space<vmem>>, vector<1x16xf32>,
        %get3A_204 = vector.shape_cast %get3A_203 : vector<1x16xf32> to vector<16xf32>
        %add3A_205 = arith.constant 0 : i32
        %add3A_206 = arith.addi %mul3A_0, %add3A_205 : i32
        %get3A_207 = arith.index_cast %scan3A_192 : i32 to index
        %get3A_208 = arith.index_cast %add3A_206 : i32 to index
        %get3A_209 = tpu.vector_load %arg12[%get3A_207, %get3A_208] {strides = array<i32>} : memref<80x128xf32, #tpu.memory_space<vmem>>, vector<1x16xf32>,
        %get3A_210 = vector.shape_cast %get3A_209 : vector<1x16xf32> to vector<16xf32>
        %add3A_211 = arith.addf %get3A_204, %get3A_210 : vector<16xf32>
        %get3A_212 = arith.index_cast %scan3A_192 : i32 to index
        %get3A_213 = arith.constant 0 : index
        %get3A_214 = tpu.vector_load %arg13[%get3A_212, %get3A_213] {strides = array<i32>} : memref<80x64xf32, #tpu.memory_space<vmem>>, vector<1x16xf32>,
        %get3A_215 = vector.shape_cast %get3A_214 : vector<1x16xf32> to vector<16xf32>
        %add3A_216 = arith.addf %add3A_211, %get3A_215 : vector<16xf32>
        %swap3A_217 = arith.index_cast %scan3A_192 : i32 to index
        %swap3A_218 = arith.constant 0 : index
        %swap3A_219 = tpu.vector_load %arg14[%swap3A_217, %swap3A_218] {strides = array<i32>} : memref<80x64xf32, #tpu.memory_space<vmem>>, vector<1x16xf32>,
        %swap3A_220 = vector.shape_cast %swap3A_219 : vector<1x16xf32> to vector<16xf32>
        %swap3A_221 = vector.shape_cast %add3A_216 : vector<16xf32> to vector<1x16xf32>
        tpu.vector_store %arg14[%swap3A_217, %swap3A_218], %swap3A_221 {strides = array<i32>} : memref<80x64xf32, #tpu.memory_space<vmem>>, vector<1x16xf32>,
        %neg3A = arith.constant 0.000000e+00 : f32
        %neg3A_222 = vector.broadcast %neg3A : f32 to vector<16xf32>
        %neg3A_223 = arith.subf %neg3A_222, %add3A_216 : vector<16xf32>
        %exp3A = math.exp %neg3A_223 : vector<16xf32>
        %add3A_224 = arith.constant 1.000000e+00 : f32
        %add3A_225 = vector.broadcast %add3A_224 : f32 to vector<16xf32>
        %add3A_226 = arith.addf %add3A_225, %exp3A : vector<16xf32>
        %div3A = arith.constant 1.000000e+00 : f32
        %div3A_227 = vector.broadcast %div3A : f32 to vector<16xf32>
        %div3A_228 = arith.divf %div3A_227, %add3A_226 : vector<16xf32>
        %swap3A_229 = arith.index_cast %scan3A_192 : i32 to index
        %swap3A_230 = arith.constant 64 : index
        %swap3A_231 = tpu.vector_load %arg15[%swap3A_229, %swap3A_230] {strides = array<i32>} : memref<80x128xf32, #tpu.memory_space<vmem>>, vector<1x16xf32>,
        %swap3A_232 = vector.shape_cast %swap3A_231 : vector<1x16xf32> to vector<16xf32>
        %swap3A_233 = vector.shape_cast %div3A_228 : vector<16xf32> to vector<1x16xf32>
        tpu.vector_store %arg15[%swap3A_229, %swap3A_230], %swap3A_233 {strides = array<i32>} : memref<80x128xf32, #tpu.memory_space<vmem>>, vector<1x16xf32>,
        %get3A_234 = arith.index_cast %scan3A_192 : i32 to index
        %get3A_235 = arith.constant 64 : index
        %get3A_236 = tpu.vector_load %arg11[%get3A_234, %get3A_235] {strides = array<i32>} : memref<80x128xf32, #tpu.memory_space<vmem>>, vector<1x16xf32>,
        %get3A_237 = vector.shape_cast %get3A_236 : vector<1x16xf32> to vector<16xf32>
        %mul3A_238 = arith.mulf %get3A_237, %div3A_228 : vector<16xf32>
        %swap3A_239 = arith.index_cast %scan3A_192 : i32 to index
        %swap3A_240 = arith.constant 0 : index
        %swap3A_241 = tpu.vector_load %arg15[%swap3A_239, %swap3A_240] {strides = array<i32>} : memref<80x128xf32, #tpu.memory_space<vmem>>, vector<1x16xf32>,
        %swap3A_242 = vector.shape_cast %swap3A_241 : vector<1x16xf32> to vector<16xf32>
        %swap3A_243 = vector.shape_cast %mul3A_238 : vector<16xf32> to vector<1x16xf32>
        tpu.vector_store %arg15[%swap3A_239, %swap3A_240], %swap3A_243 {strides = array<i32>} : memref<80x128xf32, #tpu.memory_space<vmem>>, vector<1x16xf32>,
        %add3A_244 = arith.addf %scan3A_193, %add3A_216 : vector<16xf32>
        %mul3A_245 = arith.mulf %add3A_216, %add3A_216 : vector<16xf32>
        %add3A_246 = arith.addf %scan3A_197, %mul3A_245 : vector<16xf32>
        %get3A_247 = arith.index_cast %scan3A_192 : i32 to index
        %get3A_248 = arith.constant 16 : index
        %get3A_249 = tpu.vector_load %arg11[%get3A_247, %get3A_248] {strides = array<i32>} : memref<80x128xf32, #tpu.memory_space<vmem>>, vector<1x16xf32>,
        %get3A_250 = vector.shape_cast %get3A_249 : vector<1x16xf32> to vector<16xf32>
        %add3A_251 = arith.constant 16 : i32
        %add3A_252 = arith.addi %mul3A_0, %add3A_251 : i32
        %get3A_253 = arith.index_cast %scan3A_192 : i32 to index
        %get3A_254 = arith.index_cast %add3A_252 : i32 to index
        %get3A_255 = tpu.vector_load %arg12[%get3A_253, %get3A_254] {strides = array<i32>} : memref<80x128xf32, #tpu.memory_space<vmem>>, vector<1x16xf32>,
        %get3A_256 = vector.shape_cast %get3A_255 : vector<1x16xf32> to vector<16xf32>
        %add3A_257 = arith.addf %get3A_250, %get3A_256 : vector<16xf32>
        %get3A_258 = arith.index_cast %scan3A_192 : i32 to index
        %get3A_259 = arith.constant 16 : index
        %get3A_260 = tpu.vector_load %arg13[%get3A_258, %get3A_259] {strides = array<i32>} : memref<80x64xf32, #tpu.memory_space<vmem>>, vector<1x16xf32>,
        %get3A_261 = vector.shape_cast %get3A_260 : vector<1x16xf32> to vector<16xf32>
        %add3A_262 = arith.addf %add3A_257, %get3A_261 : vector<16xf32>
        %swap3A_263 = arith.index_cast %scan3A_192 : i32 to index
        %swap3A_264 = arith.constant 16 : index
        %swap3A_265 = tpu.vector_load %arg14[%swap3A_263, %swap3A_264] {strides = array<i32>} : memref<80x64xf32, #tpu.memory_space<vmem>>, vector<1x16xf32>,
        %swap3A_266 = vector.shape_cast %swap3A_265 : vector<1x16xf32> to vector<16xf32>
        %swap3A_267 = vector.shape_cast %add3A_262 : vector<16xf32> to vector<1x16xf32>
        tpu.vector_store %arg14[%swap3A_263, %swap3A_264], %swap3A_267 {strides = array<i32>} : memref<80x64xf32, #tpu.memory_space<vmem>>, vector<1x16xf32>,
        %neg3A_268 = arith.constant 0.000000e+00 : f32
        %neg3A_269 = vector.broadcast %neg3A_268 : f32 to vector<16xf32>
        %neg3A_270 = arith.subf %neg3A_269, %add3A_262 : vector<16xf32>
        %exp3A_271 = math.exp %neg3A_270 : vector<16xf32>
        %add3A_272 = arith.constant 1.000000e+00 : f32
        %add3A_273 = vector.broadcast %add3A_272 : f32 to vector<16xf32>
        %add3A_274 = arith.addf %add3A_273, %exp3A_271 : vector<16xf32>
        %div3A_275 = arith.constant 1.000000e+00 : f32
        %div3A_276 = vector.broadcast %div3A_275 : f32 to vector<16xf32>
        %div3A_277 = arith.divf %div3A_276, %add3A_274 : vector<16xf32>
        %swap3A_278 = arith.index_cast %scan3A_192 : i32 to index
        %swap3A_279 = arith.constant 80 : index
        %swap3A_280 = tpu.vector_load %arg15[%swap3A_278, %swap3A_279] {strides = array<i32>} : memref<80x128xf32, #tpu.memory_space<vmem>>, vector<1x16xf32>,
        %swap3A_281 = vector.shape_cast %swap3A_280 : vector<1x16xf32> to vector<16xf32>
        %swap3A_282 = vector.shape_cast %div3A_277 : vector<16xf32> to vector<1x16xf32>
        tpu.vector_store %arg15[%swap3A_278, %swap3A_279], %swap3A_282 {strides = array<i32>} : memref<80x128xf32, #tpu.memory_space<vmem>>, vector<1x16xf32>,
        %get3A_283 = arith.index_cast %scan3A_192 : i32 to index
        %get3A_284 = arith.constant 80 : index
        %get3A_285 = tpu.vector_load %arg11[%get3A_283, %get3A_284] {strides = array<i32>} : memref<80x128xf32, #tpu.memory_space<vmem>>, vector<1x16xf32>,
        %get3A_286 = vector.shape_cast %get3A_285 : vector<1x16xf32> to vector<16xf32>
        %mul3A_287 = arith.mulf %get3A_286, %div3A_277 : vector<16xf32>
        %swap3A_288 = arith.index_cast %scan3A_192 : i32 to index
        %swap3A_289 = arith.constant 16 : index
        %swap3A_290 = tpu.vector_load %arg15[%swap3A_288, %swap3A_289] {strides = array<i32>} : memref<80x128xf32, #tpu.memory_space<vmem>>, vector<1x16xf32>,
        %swap3A_291 = vector.shape_cast %swap3A_290 : vector<1x16xf32> to vector<16xf32>
        %swap3A_292 = vector.shape_cast %mul3A_287 : vector<16xf32> to vector<1x16xf32>
        tpu.vector_store %arg15[%swap3A_288, %swap3A_289], %swap3A_292 {strides = array<i32>} : memref<80x128xf32, #tpu.memory_space<vmem>>, vector<1x16xf32>,
        %add3A_293 = arith.addf %scan3A_194, %add3A_262 : vector<16xf32>
        %mul3A_294 = arith.mulf %add3A_262, %add3A_262 : vector<16xf32>
        %add3A_295 = arith.addf %scan3A_198, %mul3A_294 : vector<16xf32>
        %get3A_296 = arith.index_cast %scan3A_192 : i32 to index
        %get3A_297 = arith.constant 32 : index
        %get3A_298 = tpu.vector_load %arg11[%get3A_296, %get3A_297] {strides = array<i32>} : memref<80x128xf32, #tpu.memory_space<vmem>>, vector<1x16xf32>,
        %get3A_299 = vector.shape_cast %get3A_298 : vector<1x16xf32> to vector<16xf32>
        %add3A_300 = arith.constant 32 : i32
        %add3A_301 = arith.addi %mul3A_0, %add3A_300 : i32
        %get3A_302 = arith.index_cast %scan3A_192 : i32 to index
        %get3A_303 = arith.index_cast %add3A_301 : i32 to index
        %get3A_304 = tpu.vector_load %arg12[%get3A_302, %get3A_303] {strides = array<i32>} : memref<80x128xf32, #tpu.memory_space<vmem>>, vector<1x16xf32>,
        %get3A_305 = vector.shape_cast %get3A_304 : vector<1x16xf32> to vector<16xf32>
        %add3A_306 = arith.addf %get3A_299, %get3A_305 : vector<16xf32>
        %get3A_307 = arith.index_cast %scan3A_192 : i32 to index
        %get3A_308 = arith.constant 32 : index
        %get3A_309 = tpu.vector_load %arg13[%get3A_307, %get3A_308] {strides = array<i32>} : memref<80x64xf32, #tpu.memory_space<vmem>>, vector<1x16xf32>,
        %get3A_310 = vector.shape_cast %get3A_309 : vector<1x16xf32> to vector<16xf32>
        %add3A_311 = arith.addf %add3A_306, %get3A_310 : vector<16xf32>
        %swap3A_312 = arith.index_cast %scan3A_192 : i32 to index
        %swap3A_313 = arith.constant 32 : index
        %swap3A_314 = tpu.vector_load %arg14[%swap3A_312, %swap3A_313] {strides = array<i32>} : memref<80x64xf32, #tpu.memory_space<vmem>>, vector<1x16xf32>,
        %swap3A_315 = vector.shape_cast %swap3A_314 : vector<1x16xf32> to vector<16xf32>
        %swap3A_316 = vector.shape_cast %add3A_311 : vector<16xf32> to vector<1x16xf32>
        tpu.vector_store %arg14[%swap3A_312, %swap3A_313], %swap3A_316 {strides = array<i32>} : memref<80x64xf32, #tpu.memory_space<vmem>>, vector<1x16xf32>,
        %neg3A_317 = arith.constant 0.000000e+00 : f32
        %neg3A_318 = vector.broadcast %neg3A_317 : f32 to vector<16xf32>
        %neg3A_319 = arith.subf %neg3A_318, %add3A_311 : vector<16xf32>
        %exp3A_320 = math.exp %neg3A_319 : vector<16xf32>
        %add3A_321 = arith.constant 1.000000e+00 : f32
        %add3A_322 = vector.broadcast %add3A_321 : f32 to vector<16xf32>
        %add3A_323 = arith.addf %add3A_322, %exp3A_320 : vector<16xf32>
        %div3A_324 = arith.constant 1.000000e+00 : f32
        %div3A_325 = vector.broadcast %div3A_324 : f32 to vector<16xf32>
        %div3A_326 = arith.divf %div3A_325, %add3A_323 : vector<16xf32>
        %swap3A_327 = arith.index_cast %scan3A_192 : i32 to index
        %swap3A_328 = arith.constant 96 : index
        %swap3A_329 = tpu.vector_load %arg15[%swap3A_327, %swap3A_328] {strides = array<i32>} : memref<80x128xf32, #tpu.memory_space<vmem>>, vector<1x16xf32>,
        %swap3A_330 = vector.shape_cast %swap3A_329 : vector<1x16xf32> to vector<16xf32>
        %swap3A_331 = vector.shape_cast %div3A_326 : vector<16xf32> to vector<1x16xf32>
        tpu.vector_store %arg15[%swap3A_327, %swap3A_328], %swap3A_331 {strides = array<i32>} : memref<80x128xf32, #tpu.memory_space<vmem>>, vector<1x16xf32>,
        %get3A_332 = arith.index_cast %scan3A_192 : i32 to index
        %get3A_333 = arith.constant 96 : index
        %get3A_334 = tpu.vector_load %arg11[%get3A_332, %get3A_333] {strides = array<i32>} : memref<80x128xf32, #tpu.memory_space<vmem>>, vector<1x16xf32>,
        %get3A_335 = vector.shape_cast %get3A_334 : vector<1x16xf32> to vector<16xf32>
        %mul3A_336 = arith.mulf %get3A_335, %div3A_326 : vector<16xf32>
        %swap3A_337 = arith.index_cast %scan3A_192 : i32 to index
        %swap3A_338 = arith.constant 32 : index
        %swap3A_339 = tpu.vector_load %arg15[%swap3A_337, %swap3A_338] {strides = array<i32>} : memref<80x128xf32, #tpu.memory_space<vmem>>, vector<1x16xf32>,
        %swap3A_340 = vector.shape_cast %swap3A_339 : vector<1x16xf32> to vector<16xf32>
        %swap3A_341 = vector.shape_cast %mul3A_336 : vector<16xf32> to vector<1x16xf32>
        tpu.vector_store %arg15[%swap3A_337, %swap3A_338], %swap3A_341 {strides = array<i32>} : memref<80x128xf32, #tpu.memory_space<vmem>>, vector<1x16xf32>,
        %add3A_342 = arith.addf %scan3A_195, %add3A_311 : vector<16xf32>
        %mul3A_343 = arith.mulf %add3A_311, %add3A_311 : vector<16xf32>
        %add3A_344 = arith.addf %scan3A_199, %mul3A_343 : vector<16xf32>
        %get3A_345 = arith.index_cast %scan3A_192 : i32 to index
        %get3A_346 = arith.constant 48 : index
        %get3A_347 = tpu.vector_load %arg11[%get3A_345, %get3A_346] {strides = array<i32>} : memref<80x128xf32, #tpu.memory_space<vmem>>, vector<1x16xf32>,
        %get3A_348 = vector.shape_cast %get3A_347 : vector<1x16xf32> to vector<16xf32>
        %add3A_349 = arith.constant 48 : i32
        %add3A_350 = arith.addi %mul3A_0, %add3A_349 : i32
        %get3A_351 = arith.index_cast %scan3A_192 : i32 to index
        %get3A_352 = arith.index_cast %add3A_350 : i32 to index
        %get3A_353 = tpu.vector_load %arg12[%get3A_351, %get3A_352] {strides = array<i32>} : memref<80x128xf32, #tpu.memory_space<vmem>>, vector<1x16xf32>,
        %get3A_354 = vector.shape_cast %get3A_353 : vector<1x16xf32> to vector<16xf32>
        %add3A_355 = arith.addf %get3A_348, %get3A_354 : vector<16xf32>
        %get3A_356 = arith.index_cast %scan3A_192 : i32 to index
        %get3A_357 = arith.constant 48 : index
        %get3A_358 = tpu.vector_load %arg13[%get3A_356, %get3A_357] {strides = array<i32>} : memref<80x64xf32, #tpu.memory_space<vmem>>, vector<1x16xf32>,
        %get3A_359 = vector.shape_cast %get3A_358 : vector<1x16xf32> to vector<16xf32>
        %add3A_360 = arith.addf %add3A_355, %get3A_359 : vector<16xf32>
        %swap3A_361 = arith.index_cast %scan3A_192 : i32 to index
        %swap3A_362 = arith.constant 48 : index
        %swap3A_363 = tpu.vector_load %arg14[%swap3A_361, %swap3A_362] {strides = array<i32>} : memref<80x64xf32, #tpu.memory_space<vmem>>, vector<1x16xf32>,
        %swap3A_364 = vector.shape_cast %swap3A_363 : vector<1x16xf32> to vector<16xf32>
        %swap3A_365 = vector.shape_cast %add3A_360 : vector<16xf32> to vector<1x16xf32>
        tpu.vector_store %arg14[%swap3A_361, %swap3A_362], %swap3A_365 {strides = array<i32>} : memref<80x64xf32, #tpu.memory_space<vmem>>, vector<1x16xf32>,
        %neg3A_366 = arith.constant 0.000000e+00 : f32
        %neg3A_367 = vector.broadcast %neg3A_366 : f32 to vector<16xf32>
        %neg3A_368 = arith.subf %neg3A_367, %add3A_360 : vector<16xf32>
        %exp3A_369 = math.exp %neg3A_368 : vector<16xf32>
        %add3A_370 = arith.constant 1.000000e+00 : f32
        %add3A_371 = vector.broadcast %add3A_370 : f32 to vector<16xf32>
        %add3A_372 = arith.addf %add3A_371, %exp3A_369 : vector<16xf32>
        %div3A_373 = arith.constant 1.000000e+00 : f32
        %div3A_374 = vector.broadcast %div3A_373 : f32 to vector<16xf32>
        %div3A_375 = arith.divf %div3A_374, %add3A_372 : vector<16xf32>
        %swap3A_376 = arith.index_cast %scan3A_192 : i32 to index
        %swap3A_377 = arith.constant 112 : index
        %swap3A_378 = tpu.vector_load %arg15[%swap3A_376, %swap3A_377] {strides = array<i32>} : memref<80x128xf32, #tpu.memory_space<vmem>>, vector<1x16xf32>,
        %swap3A_379 = vector.shape_cast %swap3A_378 : vector<1x16xf32> to vector<16xf32>
        %swap3A_380 = vector.shape_cast %div3A_375 : vector<16xf32> to vector<1x16xf32>
        tpu.vector_store %arg15[%swap3A_376, %swap3A_377], %swap3A_380 {strides = array<i32>} : memref<80x128xf32, #tpu.memory_space<vmem>>, vector<1x16xf32>,
        %get3A_381 = arith.index_cast %scan3A_192 : i32 to index
        %get3A_382 = arith.constant 112 : index
        %get3A_383 = tpu.vector_load %arg11[%get3A_381, %get3A_382] {strides = array<i32>} : memref<80x128xf32, #tpu.memory_space<vmem>>, vector<1x16xf32>,
        %get3A_384 = vector.shape_cast %get3A_383 : vector<1x16xf32> to vector<16xf32>
        %mul3A_385 = arith.mulf %get3A_384, %div3A_375 : vector<16xf32>
        %swap3A_386 = arith.index_cast %scan3A_192 : i32 to index
        %swap3A_387 = arith.constant 48 : index
        %swap3A_388 = tpu.vector_load %arg15[%swap3A_386, %swap3A_387] {strides = array<i32>} : memref<80x128xf32, #tpu.memory_space<vmem>>, vector<1x16xf32>,
        %swap3A_389 = vector.shape_cast %swap3A_388 : vector<1x16xf32> to vector<16xf32>
        %swap3A_390 = vector.shape_cast %mul3A_385 : vector<16xf32> to vector<1x16xf32>
        tpu.vector_store %arg15[%swap3A_386, %swap3A_387], %swap3A_390 {strides = array<i32>} : memref<80x128xf32, #tpu.memory_space<vmem>>, vector<1x16xf32>,
        %add3A_391 = arith.addf %scan3A_196, %add3A_360 : vector<16xf32>
        %mul3A_392 = arith.mulf %add3A_360, %add3A_360 : vector<16xf32>
        %add3A_393 = arith.addf %scan3A_200, %mul3A_392 : vector<16xf32>
        scf.yield %add3A_244, %add3A_293, %add3A_342, %add3A_391, %add3A_246, %add3A_295, %add3A_344, %add3A_393 : vector<16xf32>, vector<16xf32>, vector<16xf32>, vector<16xf32>, vector<16xf32>, vector<16xf32>, vector<16xf32>, vector<16xf32>
      }
      %scan3A_94 = arith.constant 80 : i32
      %get3A = arith.constant 0 : i32
      %get3A_95 = arith.index_cast %get3A : i32 to index
      %get3A_96 = arith.constant 0 : index
      %get3A_97 = tpu.vector_load %arg16[%get3A_95, %get3A_96] {strides = array<i32>} : memref<2x64xf32, #tpu.memory_space<vmem>>, vector<1x16xf32>,
      %get3A_98 = vector.shape_cast %get3A_97 : vector<1x16xf32> to vector<16xf32>
      %add3A_99 = arith.addf %get3A_98, %scan3A_93#0 : vector<16xf32>
      %swap3A_100 = arith.constant 0 : i32
      %swap3A_101 = arith.index_cast %swap3A_100 : i32 to index
      %swap3A_102 = arith.constant 0 : index
      %swap3A_103 = tpu.vector_load %arg16[%swap3A_101, %swap3A_102] {strides = array<i32>} : memref<2x64xf32, #tpu.memory_space<vmem>>, vector<1x16xf32>,
      %swap3A_104 = vector.shape_cast %swap3A_103 : vector<1x16xf32> to vector<16xf32>
      %swap3A_105 = vector.shape_cast %add3A_99 : vector<16xf32> to vector<1x16xf32>
      tpu.vector_store %arg16[%swap3A_101, %swap3A_102], %swap3A_105 {strides = array<i32>} : memref<2x64xf32, #tpu.memory_space<vmem>>, vector<1x16xf32>,
      %get3A_106 = arith.constant 1 : i32
      %get3A_107 = arith.index_cast %get3A_106 : i32 to index
      %get3A_108 = arith.constant 0 : index
      %get3A_109 = tpu.vector_load %arg16[%get3A_107, %get3A_108] {strides = array<i32>} : memref<2x64xf32, #tpu.memory_space<vmem>>, vector<1x16xf32>,
      %get3A_110 = vector.shape_cast %get3A_109 : vector<1x16xf32> to vector<16xf32>
      %add3A_111 = arith.addf %get3A_110, %scan3A_93#4 : vector<16xf32>
      %swap3A_112 = arith.constant 1 : i32
      %swap3A_113 = arith.index_cast %swap3A_112 : i32 to index
      %swap3A_114 = arith.constant 0 : index
      %swap3A_115 = tpu.vector_load %arg16[%swap3A_113, %swap3A_114] {strides = array<i32>} : memref<2x64xf32, #tpu.memory_space<vmem>>, vector<1x16xf32>,
      %swap3A_116 = vector.shape_cast %swap3A_115 : vector<1x16xf32> to vector<16xf32>
      %swap3A_117 = vector.shape_cast %add3A_111 : vector<16xf32> to vector<1x16xf32>
      tpu.vector_store %arg16[%swap3A_113, %swap3A_114], %swap3A_117 {strides = array<i32>} : memref<2x64xf32, #tpu.memory_space<vmem>>, vector<1x16xf32>,
      %get3A_118 = arith.constant 0 : i32
      %get3A_119 = arith.index_cast %get3A_118 : i32 to index
      %get3A_120 = arith.constant 16 : index
      %get3A_121 = tpu.vector_load %arg16[%get3A_119, %get3A_120] {strides = array<i32>} : memref<2x64xf32, #tpu.memory_space<vmem>>, vector<1x16xf32>,
      %get3A_122 = vector.shape_cast %get3A_121 : vector<1x16xf32> to vector<16xf32>
      %add3A_123 = arith.addf %get3A_122, %scan3A_93#1 : vector<16xf32>
      %swap3A_124 = arith.constant 0 : i32
      %swap3A_125 = arith.index_cast %swap3A_124 : i32 to index
      %swap3A_126 = arith.constant 16 : index
      %swap3A_127 = tpu.vector_load %arg16[%swap3A_125, %swap3A_126] {strides = array<i32>} : memref<2x64xf32, #tpu.memory_space<vmem>>, vector<1x16xf32>,
      %swap3A_128 = vector.shape_cast %swap3A_127 : vector<1x16xf32> to vector<16xf32>
      %swap3A_129 = vector.shape_cast %add3A_123 : vector<16xf32> to vector<1x16xf32>
      tpu.vector_store %arg16[%swap3A_125, %swap3A_126], %swap3A_129 {strides = array<i32>} : memref<2x64xf32, #tpu.memory_space<vmem>>, vector<1x16xf32>,
      %get3A_130 = arith.constant 1 : i32
      %get3A_131 = arith.index_cast %get3A_130 : i32 to index
      %get3A_132 = arith.constant 16 : index
      %get3A_133 = tpu.vector_load %arg16[%get3A_131, %get3A_132] {strides = array<i32>} : memref<2x64xf32, #tpu.memory_space<vmem>>, vector<1x16xf32>,
      %get3A_134 = vector.shape_cast %get3A_133 : vector<1x16xf32> to vector<16xf32>
      %add3A_135 = arith.addf %get3A_134, %scan3A_93#5 : vector<16xf32>
      %swap3A_136 = arith.constant 1 : i32
      %swap3A_137 = arith.index_cast %swap3A_136 : i32 to index
      %swap3A_138 = arith.constant 16 : index
      %swap3A_139 = tpu.vector_load %arg16[%swap3A_137, %swap3A_138] {strides = array<i32>} : memref<2x64xf32, #tpu.memory_space<vmem>>, vector<1x16xf32>,
      %swap3A_140 = vector.shape_cast %swap3A_139 : vector<1x16xf32> to vector<16xf32>
      %swap3A_141 = vector.shape_cast %add3A_135 : vector<16xf32> to vector<1x16xf32>
      tpu.vector_store %arg16[%swap3A_137, %swap3A_138], %swap3A_141 {strides = array<i32>} : memref<2x64xf32, #tpu.memory_space<vmem>>, vector<1x16xf32>,
      %get3A_142 = arith.constant 0 : i32
      %get3A_143 = arith.index_cast %get3A_142 : i32 to index
      %get3A_144 = arith.constant 32 : index
      %get3A_145 = tpu.vector_load %arg16[%get3A_143, %get3A_144] {strides = array<i32>} : memref<2x64xf32, #tpu.memory_space<vmem>>, vector<1x16xf32>,
      %get3A_146 = vector.shape_cast %get3A_145 : vector<1x16xf32> to vector<16xf32>
      %add3A_147 = arith.addf %get3A_146, %scan3A_93#2 : vector<16xf32>
      %swap3A_148 = arith.constant 0 : i32
      %swap3A_149 = arith.index_cast %swap3A_148 : i32 to index
      %swap3A_150 = arith.constant 32 : index
      %swap3A_151 = tpu.vector_load %arg16[%swap3A_149, %swap3A_150] {strides = array<i32>} : memref<2x64xf32, #tpu.memory_space<vmem>>, vector<1x16xf32>,
      %swap3A_152 = vector.shape_cast %swap3A_151 : vector<1x16xf32> to vector<16xf32>
      %swap3A_153 = vector.shape_cast %add3A_147 : vector<16xf32> to vector<1x16xf32>
      tpu.vector_store %arg16[%swap3A_149, %swap3A_150], %swap3A_153 {strides = array<i32>} : memref<2x64xf32, #tpu.memory_space<vmem>>, vector<1x16xf32>,
      %get3A_154 = arith.constant 1 : i32
      %get3A_155 = arith.index_cast %get3A_154 : i32 to index
      %get3A_156 = arith.constant 32 : index
      %get3A_157 = tpu.vector_load %arg16[%get3A_155, %get3A_156] {strides = array<i32>} : memref<2x64xf32, #tpu.memory_space<vmem>>, vector<1x16xf32>,
      %get3A_158 = vector.shape_cast %get3A_157 : vector<1x16xf32> to vector<16xf32>
      %add3A_159 = arith.addf %get3A_158, %scan3A_93#6 : vector<16xf32>
      %swap3A_160 = arith.constant 1 : i32
      %swap3A_161 = arith.index_cast %swap3A_160 : i32 to index
      %swap3A_162 = arith.constant 32 : index
      %swap3A_163 = tpu.vector_load %arg16[%swap3A_161, %swap3A_162] {strides = array<i32>} : memref<2x64xf32, #tpu.memory_space<vmem>>, vector<1x16xf32>,
      %swap3A_164 = vector.shape_cast %swap3A_163 : vector<1x16xf32> to vector<16xf32>
      %swap3A_165 = vector.shape_cast %add3A_159 : vector<16xf32> to vector<1x16xf32>
      tpu.vector_store %arg16[%swap3A_161, %swap3A_162], %swap3A_165 {strides = array<i32>} : memref<2x64xf32, #tpu.memory_space<vmem>>, vector<1x16xf32>,
      %get3A_166 = arith.constant 0 : i32
      %get3A_167 = arith.index_cast %get3A_166 : i32 to index
      %get3A_168 = arith.constant 48 : index
      %get3A_169 = tpu.vector_load %arg16[%get3A_167, %get3A_168] {strides = array<i32>} : memref<2x64xf32, #tpu.memory_space<vmem>>, vector<1x16xf32>,
      %get3A_170 = vector.shape_cast %get3A_169 : vector<1x16xf32> to vector<16xf32>
      %add3A_171 = arith.addf %get3A_170, %scan3A_93#3 : vector<16xf32>
      %swap3A_172 = arith.constant 0 : i32
      %swap3A_173 = arith.index_cast %swap3A_172 : i32 to index
      %swap3A_174 = arith.constant 48 : index
      %swap3A_175 = tpu.vector_load %arg16[%swap3A_173, %swap3A_174] {strides = array<i32>} : memref<2x64xf32, #tpu.memory_space<vmem>>, vector<1x16xf32>,
      %swap3A_176 = vector.shape_cast %swap3A_175 : vector<1x16xf32> to vector<16xf32>
      %swap3A_177 = vector.shape_cast %add3A_171 : vector<16xf32> to vector<1x16xf32>
      tpu.vector_store %arg16[%swap3A_173, %swap3A_174], %swap3A_177 {strides = array<i32>} : memref<2x64xf32, #tpu.memory_space<vmem>>, vector<1x16xf32>,
      %get3A_178 = arith.constant 1 : i32
      %get3A_179 = arith.index_cast %get3A_178 : i32 to index
      %get3A_180 = arith.constant 48 : index
      %get3A_181 = tpu.vector_load %arg16[%get3A_179, %get3A_180] {strides = array<i32>} : memref<2x64xf32, #tpu.memory_space<vmem>>, vector<1x16xf32>,
      %get3A_182 = vector.shape_cast %get3A_181 : vector<1x16xf32> to vector<16xf32>
      %add3A_183 = arith.addf %get3A_182, %scan3A_93#7 : vector<16xf32>
      %swap3A_184 = arith.constant 1 : i32
      %swap3A_185 = arith.index_cast %swap3A_184 : i32 to index
      %swap3A_186 = arith.constant 48 : index
      %swap3A_187 = tpu.vector_load %arg16[%swap3A_185, %swap3A_186] {strides = array<i32>} : memref<2x64xf32, #tpu.memory_space<vmem>>, vector<1x16xf32>,
      %swap3A_188 = vector.shape_cast %swap3A_187 : vector<1x16xf32> to vector<16xf32>
      %swap3A_189 = vector.shape_cast %add3A_183 : vector<16xf32> to vector<1x16xf32>
      tpu.vector_store %arg16[%swap3A_185, %swap3A_186], %swap3A_189 {strides = array<i32>} : memref<2x64xf32, #tpu.memory_space<vmem>>, vector<1x16xf32>,
      "tpu.region"() ({
        %run_scoped3A_192 = tpu.sem_alloc : memref<!tpu.dma_semaphore, #tpu.memory_space<semaphore_mem>>
        %dma_start3A = arith.constant 0 : i32
        %dma_start3A_193 = tpu.memref_slice %arg6[%arg0, %add3A, %dma_start3A] : memref<2x320000x64xf32, #tpu.memory_space<hbm>> -> memref<1x80x64xf32, #tpu.memory_space<hbm>>
        %dma_start3A_194 = tpu.memref_squeeze %dma_start3A_193 : memref<1x80x64xf32, #tpu.memory_space<hbm>> -> memref<80x64xf32, #tpu.memory_space<hbm>>
        %dma_start3A_195 = arith.constant 0 : i32
        %dma_start3A_196 = tpu.memref_slice %arg6[%arg0, %add3A, %dma_start3A_195] : memref<2x320000x64xf32, #tpu.memory_space<hbm>> -> memref<1x80x64xf32, #tpu.memory_space<hbm>>
        %dma_start3A_197 = tpu.memref_squeeze %dma_start3A_196 : memref<1x80x64xf32, #tpu.memory_space<hbm>> -> memref<80x64xf32, #tpu.memory_space<hbm>>
        tpu.enqueue_dma source(%arg14 : memref<80x64xf32, #tpu.memory_space<vmem>>) target(%dma_start3A_197 : memref<80x64xf32, #tpu.memory_space<hbm>>) target_semaphore(%run_scoped3A_192 : memref<!tpu.dma_semaphore, #tpu.memory_space<semaphore_mem>>)
        %dma_wait3A = arith.constant 0 : i32
        %dma_wait3A_198 = tpu.memref_slice %arg6[%arg0, %add3A, %dma_wait3A] : memref<2x320000x64xf32, #tpu.memory_space<hbm>> -> memref<1x80x64xf32, #tpu.memory_space<hbm>>
        %dma_wait3A_199 = tpu.memref_squeeze %dma_wait3A_198 : memref<1x80x64xf32, #tpu.memory_space<hbm>> -> memref<80x64xf32, #tpu.memory_space<hbm>>
        %dma_wait3A_200 = arith.constant 0 : i32
        %dma_wait3A_201 = tpu.memref_slice %arg6[%arg0, %add3A, %dma_wait3A_200] : memref<2x320000x64xf32, #tpu.memory_space<hbm>> -> memref<1x80x64xf32, #tpu.memory_space<hbm>>
        %dma_wait3A_202 = tpu.memref_squeeze %dma_wait3A_201 : memref<1x80x64xf32, #tpu.memory_space<hbm>> -> memref<80x64xf32, #tpu.memory_space<hbm>>
        tpu.wait_dma2 semaphore(%run_scoped3A_192 : memref<!tpu.dma_semaphore, #tpu.memory_space<semaphore_mem>>) src(%arg14 : memref<80x64xf32, #tpu.memory_space<vmem>>) dst(%dma_wait3A_202 : memref<80x64xf32, #tpu.memory_space<hbm>>)
        tpu.yield
      }) : () -> ()
      %add3A_190 = arith.addi %mul3A_59, %add3A : i32
      "tpu.region"() ({
        %run_scoped3A_192 = tpu.sem_alloc : memref<!tpu.dma_semaphore, #tpu.memory_space<semaphore_mem>>
        %dma_start3A = arith.constant 0 : i32
        %dma_start3A_193 = tpu.memref_slice %arg7[%add3A_190, %dma_start3A] : memref<640000x128xf32, #tpu.memory_space<hbm>> -> memref<80x128xf32, #tpu.memory_space<hbm>>
        %dma_start3A_194 = arith.constant 0 : i32
        %dma_start3A_195 = tpu.memref_slice %arg7[%add3A_190, %dma_start3A_194] : memref<640000x128xf32, #tpu.memory_space<hbm>> -> memref<80x128xf32, #tpu.memory_space<hbm>>
        tpu.enqueue_dma source(%arg15 : memref<80x128xf32, #tpu.memory_space<vmem>>) target(%dma_start3A_195 : memref<80x128xf32, #tpu.memory_space<hbm>>) target_semaphore(%run_scoped3A_192 : memref<!tpu.dma_semaphore, #tpu.memory_space<semaphore_mem>>)
        %dma_wait3A = arith.constant 0 : i32
        %dma_wait3A_196 = tpu.memref_slice %arg7[%add3A_190, %dma_wait3A] : memref<640000x128xf32, #tpu.memory_space<hbm>> -> memref<80x128xf32, #tpu.memory_space<hbm>>
        %dma_wait3A_197 = arith.constant 0 : i32
        %dma_wait3A_198 = tpu.memref_slice %arg7[%add3A_190, %dma_wait3A_197] : memref<640000x128xf32, #tpu.memory_space<hbm>> -> memref<80x128xf32, #tpu.memory_space<hbm>>
        tpu.wait_dma2 semaphore(%run_scoped3A_192 : memref<!tpu.dma_semaphore, #tpu.memory_space<semaphore_mem>>) src(%arg15 : memref<80x128xf32, #tpu.memory_space<vmem>>) dst(%dma_wait3A_198 : memref<80x128xf32, #tpu.memory_space<hbm>>)
        tpu.yield
      }) : () -> ()
      %scan3A_191 = arith.constant 0 : i32
      scf.yield %scan3A_191 : i32
    }
    %scan3A_66 = arith.constant 250 : i32
    "tpu.region"() ({
      %run_scoped3A_67 = tpu.sem_alloc : memref<!tpu.dma_semaphore, #tpu.memory_space<semaphore_mem>>
      %dma_start3A = arith.constant 0 : i32
      %dma_start3A_68 = arith.constant 0 : i32
      %dma_start3A_69 = tpu.memref_slice %arg8[%arg0, %arg1, %dma_start3A, %dma_start3A_68] : memref<2x16x2x64xf32, #tpu.memory_space<hbm>> -> memref<1x1x2x64xf32, #tpu.memory_space<hbm>>
      %dma_start3A_70 = tpu.memref_squeeze %dma_start3A_69 : memref<1x1x2x64xf32, #tpu.memory_space<hbm>> -> memref<2x64xf32, #tpu.memory_space<hbm>>
      %dma_start3A_71 = arith.constant 0 : i32
      %dma_start3A_72 = arith.constant 0 : i32
      %dma_start3A_73 = tpu.memref_slice %arg8[%arg0, %arg1, %dma_start3A_71, %dma_start3A_72] : memref<2x16x2x64xf32, #tpu.memory_space<hbm>> -> memref<1x1x2x64xf32, #tpu.memory_space<hbm>>
      %dma_start3A_74 = tpu.memref_squeeze %dma_start3A_73 : memref<1x1x2x64xf32, #tpu.memory_space<hbm>> -> memref<2x64xf32, #tpu.memory_space<hbm>>
      tpu.enqueue_dma source(%arg16 : memref<2x64xf32, #tpu.memory_space<vmem>>) target(%dma_start3A_74 : memref<2x64xf32, #tpu.memory_space<hbm>>) target_semaphore(%run_scoped3A_67 : memref<!tpu.dma_semaphore, #tpu.memory_space<semaphore_mem>>)
      %dma_wait3A = arith.constant 0 : i32
      %dma_wait3A_75 = arith.constant 0 : i32
      %dma_wait3A_76 = tpu.memref_slice %arg8[%arg0, %arg1, %dma_wait3A, %dma_wait3A_75] : memref<2x16x2x64xf32, #tpu.memory_space<hbm>> -> memref<1x1x2x64xf32, #tpu.memory_space<hbm>>
      %dma_wait3A_77 = tpu.memref_squeeze %dma_wait3A_76 : memref<1x1x2x64xf32, #tpu.memory_space<hbm>> -> memref<2x64xf32, #tpu.memory_space<hbm>>
      %dma_wait3A_78 = arith.constant 0 : i32
      %dma_wait3A_79 = arith.constant 0 : i32
      %dma_wait3A_80 = tpu.memref_slice %arg8[%arg0, %arg1, %dma_wait3A_78, %dma_wait3A_79] : memref<2x16x2x64xf32, #tpu.memory_space<hbm>> -> memref<1x1x2x64xf32, #tpu.memory_space<hbm>>
      %dma_wait3A_81 = tpu.memref_squeeze %dma_wait3A_80 : memref<1x1x2x64xf32, #tpu.memory_space<hbm>> -> memref<2x64xf32, #tpu.memory_space<hbm>>
      tpu.wait_dma2 semaphore(%run_scoped3A_67 : memref<!tpu.dma_semaphore, #tpu.memory_space<semaphore_mem>>) src(%arg16 : memref<2x64xf32, #tpu.memory_space<vmem>>) dst(%dma_wait3A_81 : memref<2x64xf32, #tpu.memory_space<hbm>>)
      tpu.yield
    }) : () -> ()
    return
  }
}

module attributes {stable_mosaic.version = 14 : i64} {
  func.func @_node_linear_body(%arg0: i32, %arg1: i32, %arg2: memref<2000x128xf32, #tpu.memory_space<vmem>>, %arg3: memref<1x128x64xf32, #tpu.memory_space<vmem>>, %arg4: memref<1x128x64xf32, #tpu.memory_space<vmem>>, %arg5: memref<128x128xf32, #tpu.memory_space<vmem>>, %arg6: memref<128x128xf32, #tpu.memory_space<vmem>>, %arg7: memref<1x1x64xf32, #tpu.memory_space<vmem>>, %arg8: memref<1x1x64xf32, #tpu.memory_space<vmem>>, %arg9: memref<1x128xf32, #tpu.memory_space<vmem>>, %arg10: memref<1x128xf32, #tpu.memory_space<vmem>>, %arg11: memref<2000x128xf32, #tpu.memory_space<vmem>>, %arg12: memref<2000x128xf32, #tpu.memory_space<vmem>>, %arg13: memref<2000x128xf32, #tpu.memory_space<vmem>>) attributes {dimension_semantics = [#tpu.dimension_semantics<arbitrary>, #tpu.dimension_semantics<arbitrary>], iteration_bounds = array<i64: 5, 2>, scalar_prefetch = 0 : i64, scratch_operands = 0 : i64, tpu.core_type = #tpu.core_type<tc>, window_params = [{transform_indices = @transform_0, window_bounds = array<i64: 2000, 128>}, {transform_indices = @transform_1, window_bounds = array<i64: 1, 128, 64>}, {transform_indices = @transform_2, window_bounds = array<i64: 1, 128, 64>}, {pipeline_mode = #tpu.pipeline_mode<synchronous>, transform_indices = @transform_3, window_bounds = array<i64: 128, 128>}, {pipeline_mode = #tpu.pipeline_mode<synchronous>, transform_indices = @transform_4, window_bounds = array<i64: 128, 128>}, {transform_indices = @transform_5, window_bounds = array<i64: 1, 1, 64>}, {transform_indices = @transform_6, window_bounds = array<i64: 1, 1, 64>}, {pipeline_mode = #tpu.pipeline_mode<synchronous>, transform_indices = @transform_7, window_bounds = array<i64: 1, 128>}, {pipeline_mode = #tpu.pipeline_mode<synchronous>, transform_indices = @transform_8, window_bounds = array<i64: 1, 128>}, {transform_indices = @transform_9, window_bounds = array<i64: 2000, 128>}, {transform_indices = @transform_10, window_bounds = array<i64: 2000, 128>}, {transform_indices = @transform_11, window_bounds = array<i64: 2000, 128>}]} {
    %get3A = arith.constant 0 : index
    %get3A_0 = arith.constant 0 : index
    %get3A_1 = vector.load %arg2[%get3A, %get3A_0] : memref<2000x128xf32, #tpu.memory_space<vmem>>, vector<2000x128xf32>
    %get3A_2 = arith.constant 0 : index
    %get3A_3 = arith.constant 0 : index
    %get3A_4 = arith.constant 0 : index
    %get3A_5 = vector.load %arg3[%get3A_2, %get3A_3, %get3A_4] : memref<1x128x64xf32, #tpu.memory_space<vmem>>, vector<1x128x64xf32>
    %get3A_6 = vector.shape_cast %get3A_5 : vector<1x128x64xf32> to vector<128x64xf32>
    %dot_general3A = arith.constant dense<0.000000e+00> : vector<2000x64xf32>
    %dot_general3A_7 = tpu.matmul %get3A_1, %get3A_6, %dot_general3A {dimension_numbers = #tpu.dot_dimension_numbers<[1], [0], [0], [1], [0, 0, 1, 1], [], []>, transpose_lhs_hint = false} : vector<2000x128xf32>, vector<128x64xf32>, vector<2000x64xf32> -> vector<2000x64xf32>
    %get3A_8 = arith.constant 0 : index
    %get3A_9 = arith.constant 0 : index
    %get3A_10 = arith.constant 0 : index
    %get3A_11 = vector.load %arg7[%get3A_8, %get3A_9, %get3A_10] : memref<1x1x64xf32, #tpu.memory_space<vmem>>, vector<1x1x64xf32>
    %get3A_12 = vector.shape_cast %get3A_11 : vector<1x1x64xf32> to vector<1x64xf32>
    %add3A = vector.broadcast %get3A_12 : vector<1x64xf32> to vector<2000x64xf32>
    %add3A_13 = arith.addf %dot_general3A_7, %add3A : vector<2000x64xf32>
    %get3A_14 = arith.constant 0 : index
    %get3A_15 = arith.constant 0 : index
    %get3A_16 = arith.constant 0 : index
    %get3A_17 = vector.load %arg4[%get3A_14, %get3A_15, %get3A_16] : memref<1x128x64xf32, #tpu.memory_space<vmem>>, vector<1x128x64xf32>
    %get3A_18 = vector.shape_cast %get3A_17 : vector<1x128x64xf32> to vector<128x64xf32>
    %dot_general3A_19 = arith.constant dense<0.000000e+00> : vector<2000x64xf32>
    %dot_general3A_20 = tpu.matmul %get3A_1, %get3A_18, %dot_general3A_19 {dimension_numbers = #tpu.dot_dimension_numbers<[1], [0], [0], [1], [0, 0, 1, 1], [], []>, transpose_lhs_hint = false} : vector<2000x128xf32>, vector<128x64xf32>, vector<2000x64xf32> -> vector<2000x64xf32>
    %get3A_21 = arith.constant 0 : index
    %get3A_22 = arith.constant 0 : index
    %get3A_23 = arith.constant 0 : index
    %get3A_24 = vector.load %arg8[%get3A_21, %get3A_22, %get3A_23] : memref<1x1x64xf32, #tpu.memory_space<vmem>>, vector<1x1x64xf32>
    %get3A_25 = vector.shape_cast %get3A_24 : vector<1x1x64xf32> to vector<1x64xf32>
    %add3A_26 = vector.broadcast %get3A_25 : vector<1x64xf32> to vector<2000x64xf32>
    %add3A_27 = arith.addf %dot_general3A_20, %add3A_26 : vector<2000x64xf32>
    %concatenate3A = tpu.concatenate %add3A_13, %add3A_27 in 1 : vector<2000x64xf32>, vector<2000x64xf32> -> vector<2000x128xf32>
    %swap3A = arith.constant 0 : index
    %swap3A_28 = arith.constant 0 : index
    %swap3A_29 = vector.load %arg11[%swap3A, %swap3A_28] : memref<2000x128xf32, #tpu.memory_space<vmem>>, vector<2000x128xf32>
    tpu.vector_store %arg11[%swap3A, %swap3A_28], %concatenate3A {strides = array<i32>} : memref<2000x128xf32, #tpu.memory_space<vmem>>, vector<2000x128xf32>,
    %eq3A = arith.constant 0 : i32
    %eq3A_30 = arith.cmpi eq, %arg1, %eq3A : i32
    %convert_element_type3A = arith.extui %eq3A_30 : i1 to i32
    %cond3A = arith.constant 0 : i32
    %cond3A_31 = arith.cmpi ne, %convert_element_type3A, %cond3A : i32
    scf.if %cond3A_31 {
      %get3A_32 = arith.constant 0 : index
      %get3A_33 = arith.constant 0 : index
      %get3A_34 = vector.load %arg5[%get3A_32, %get3A_33] : memref<128x128xf32, #tpu.memory_space<vmem>>, vector<128x128xf32>
      %dot_general3A_35 = arith.constant dense<0.000000e+00> : vector<2000x128xf32>
      %dot_general3A_36 = tpu.matmul %get3A_1, %get3A_34, %dot_general3A_35 {dimension_numbers = #tpu.dot_dimension_numbers<[1], [0], [0], [1], [0, 0, 1, 1], [], []>, transpose_lhs_hint = false} : vector<2000x128xf32>, vector<128x128xf32>, vector<2000x128xf32> -> vector<2000x128xf32>
      %get3A_37 = arith.constant 0 : index
      %get3A_38 = arith.constant 0 : index
      %get3A_39 = vector.load %arg9[%get3A_37, %get3A_38] : memref<1x128xf32, #tpu.memory_space<vmem>>, vector<1x128xf32>
      %add3A_40 = vector.broadcast %get3A_39 : vector<1x128xf32> to vector<2000x128xf32>
      %add3A_41 = arith.addf %dot_general3A_36, %add3A_40 : vector<2000x128xf32>
      %swap3A_42 = arith.constant 0 : index
      %swap3A_43 = arith.constant 0 : index
      %swap3A_44 = vector.load %arg12[%swap3A_42, %swap3A_43] : memref<2000x128xf32, #tpu.memory_space<vmem>>, vector<2000x128xf32>
      tpu.vector_store %arg12[%swap3A_42, %swap3A_43], %add3A_41 {strides = array<i32>} : memref<2000x128xf32, #tpu.memory_space<vmem>>, vector<2000x128xf32>,
      %get3A_45 = arith.constant 0 : index
      %get3A_46 = arith.constant 0 : index
      %get3A_47 = vector.load %arg6[%get3A_45, %get3A_46] : memref<128x128xf32, #tpu.memory_space<vmem>>, vector<128x128xf32>
      %dot_general3A_48 = arith.constant dense<0.000000e+00> : vector<2000x128xf32>
      %dot_general3A_49 = tpu.matmul %get3A_1, %get3A_47, %dot_general3A_48 {dimension_numbers = #tpu.dot_dimension_numbers<[1], [0], [0], [1], [0, 0, 1, 1], [], []>, transpose_lhs_hint = false} : vector<2000x128xf32>, vector<128x128xf32>, vector<2000x128xf32> -> vector<2000x128xf32>
      %get3A_50 = arith.constant 0 : index
      %get3A_51 = arith.constant 0 : index
      %get3A_52 = vector.load %arg10[%get3A_50, %get3A_51] : memref<1x128xf32, #tpu.memory_space<vmem>>, vector<1x128xf32>
      %add3A_53 = vector.broadcast %get3A_52 : vector<1x128xf32> to vector<2000x128xf32>
      %add3A_54 = arith.addf %dot_general3A_49, %add3A_53 : vector<2000x128xf32>
      %swap3A_55 = arith.constant 0 : index
      %swap3A_56 = arith.constant 0 : index
      %swap3A_57 = vector.load %arg13[%swap3A_55, %swap3A_56] : memref<2000x128xf32, #tpu.memory_space<vmem>>, vector<2000x128xf32>
      tpu.vector_store %arg13[%swap3A_55, %swap3A_56], %add3A_54 {strides = array<i32>} : memref<2000x128xf32, #tpu.memory_space<vmem>>, vector<2000x128xf32>,
    } else {
    }
    return
  }
  func.func @transform_0(%arg0: i32, %arg1: i32) -> (i32, i32) {
    %c0_i32 = arith.constant 0 : i32
    %c0_i32_0 = arith.constant 0 : i32
    return %arg0, %c0_i32 : i32, i32
  }
  func.func @transform_1(%arg0: i32, %arg1: i32) -> (i32, i32, i32) {
    %c0_i32 = arith.constant 0 : i32
    %c0_i32_0 = arith.constant 0 : i32
    %c0_i32_1 = arith.constant 0 : i32
    return %arg1, %c0_i32, %c0_i32_0 : i32, i32, i32
  }
  func.func @transform_2(%arg0: i32, %arg1: i32) -> (i32, i32, i32) {
    %c0_i32 = arith.constant 0 : i32
    %c0_i32_0 = arith.constant 0 : i32
    %c0_i32_1 = arith.constant 0 : i32
    return %arg1, %c0_i32, %c0_i32_0 : i32, i32, i32
  }
  func.func @transform_3(%arg0: i32, %arg1: i32) -> (i32, i32) {
    %c0_i32 = arith.constant 0 : i32
    %c0_i32_0 = arith.constant 0 : i32
    %c0_i32_1 = arith.constant 0 : i32
    return %c0_i32, %c0_i32_0 : i32, i32
  }
  func.func @transform_4(%arg0: i32, %arg1: i32) -> (i32, i32) {
    %c0_i32 = arith.constant 0 : i32
    %c0_i32_0 = arith.constant 0 : i32
    %c0_i32_1 = arith.constant 0 : i32
    return %c0_i32, %c0_i32_0 : i32, i32
  }
  func.func @transform_5(%arg0: i32, %arg1: i32) -> (i32, i32, i32) {
    %c0_i32 = arith.constant 0 : i32
    %c0_i32_0 = arith.constant 0 : i32
    %c0_i32_1 = arith.constant 0 : i32
    return %arg1, %c0_i32, %c0_i32_0 : i32, i32, i32
  }
  func.func @transform_6(%arg0: i32, %arg1: i32) -> (i32, i32, i32) {
    %c0_i32 = arith.constant 0 : i32
    %c0_i32_0 = arith.constant 0 : i32
    %c0_i32_1 = arith.constant 0 : i32
    return %arg1, %c0_i32, %c0_i32_0 : i32, i32, i32
  }
  func.func @transform_7(%arg0: i32, %arg1: i32) -> (i32, i32) {
    %c0_i32 = arith.constant 0 : i32
    %c0_i32_0 = arith.constant 0 : i32
    %c0_i32_1 = arith.constant 0 : i32
    return %c0_i32, %c0_i32_0 : i32, i32
  }
  func.func @transform_8(%arg0: i32, %arg1: i32) -> (i32, i32) {
    %c0_i32 = arith.constant 0 : i32
    %c0_i32_0 = arith.constant 0 : i32
    %c0_i32_1 = arith.constant 0 : i32
    return %c0_i32, %c0_i32_0 : i32, i32
  }
  func.func @transform_9(%arg0: i32, %arg1: i32) -> (i32, i32) {
    %mul3A = arith.constant 5 : i32
    %mul3A_0 = arith.muli %arg1, %mul3A : i32
    %add3A = arith.addi %mul3A_0, %arg0 : i32
    %c0_i32 = arith.constant 0 : i32
    %c0_i32_1 = arith.constant 0 : i32
    return %add3A, %c0_i32 : i32, i32
  }
  func.func @transform_10(%arg0: i32, %arg1: i32) -> (i32, i32) {
    %c0_i32 = arith.constant 0 : i32
    %c0_i32_0 = arith.constant 0 : i32
    return %arg0, %c0_i32 : i32, i32
  }
  func.func @transform_11(%arg0: i32, %arg1: i32) -> (i32, i32) {
    %c0_i32 = arith.constant 0 : i32
    %c0_i32_0 = arith.constant 0 : i32
    return %arg0, %c0_i32 : i32, i32
  }
}

module attributes {stable_mosaic.version = 14 : i64} {
  func.func @_edge_linear_body(%arg0: i32, %arg1: i32, %arg2: memref<1280x128xf32, #tpu.memory_space<vmem>>, %arg3: memref<1x128x64xf32, #tpu.memory_space<vmem>>, %arg4: memref<1x1x64xf32, #tpu.memory_space<vmem>>, %arg5: memref<1x1280x64xf32, #tpu.memory_space<vmem>>) attributes {dimension_semantics = [#tpu.dimension_semantics<arbitrary>, #tpu.dimension_semantics<arbitrary>], iteration_bounds = array<i64: 250, 2>, scalar_prefetch = 0 : i64, scratch_operands = 0 : i64, tpu.core_type = #tpu.core_type<tc>, window_params = [{transform_indices = @transform_0, window_bounds = array<i64: 1280, 128>}, {transform_indices = @transform_1, window_bounds = array<i64: 1, 128, 64>}, {transform_indices = @transform_2, window_bounds = array<i64: 1, 1, 64>}, {transform_indices = @transform_3, window_bounds = array<i64: 1, 1280, 64>}]} {
    %get3A = arith.constant 0 : index
    %get3A_0 = arith.constant 0 : index
    %get3A_1 = vector.load %arg2[%get3A, %get3A_0] : memref<1280x128xf32, #tpu.memory_space<vmem>>, vector<1280x128xf32>
    %get3A_2 = arith.constant 0 : index
    %get3A_3 = arith.constant 0 : index
    %get3A_4 = arith.constant 0 : index
    %get3A_5 = vector.load %arg3[%get3A_2, %get3A_3, %get3A_4] : memref<1x128x64xf32, #tpu.memory_space<vmem>>, vector<1x128x64xf32>
    %get3A_6 = vector.shape_cast %get3A_5 : vector<1x128x64xf32> to vector<128x64xf32>
    %dot_general3A = arith.constant dense<0.000000e+00> : vector<1280x64xf32>
    %dot_general3A_7 = tpu.matmul %get3A_1, %get3A_6, %dot_general3A {dimension_numbers = #tpu.dot_dimension_numbers<[1], [0], [0], [1], [0, 0, 1, 1], [], []>, transpose_lhs_hint = false} : vector<1280x128xf32>, vector<128x64xf32>, vector<1280x64xf32> -> vector<1280x64xf32>
    %get3A_8 = arith.constant 0 : index
    %get3A_9 = arith.constant 0 : index
    %get3A_10 = arith.constant 0 : index
    %get3A_11 = vector.load %arg4[%get3A_8, %get3A_9, %get3A_10] : memref<1x1x64xf32, #tpu.memory_space<vmem>>, vector<1x1x64xf32>
    %get3A_12 = vector.shape_cast %get3A_11 : vector<1x1x64xf32> to vector<1x64xf32>
    %add3A = vector.broadcast %get3A_12 : vector<1x64xf32> to vector<1280x64xf32>
    %add3A_13 = arith.addf %dot_general3A_7, %add3A : vector<1280x64xf32>
    %swap3A = arith.constant 0 : index
    %swap3A_14 = arith.constant 0 : index
    %swap3A_15 = arith.constant 0 : index
    %swap3A_16 = vector.load %arg5[%swap3A, %swap3A_14, %swap3A_15] : memref<1x1280x64xf32, #tpu.memory_space<vmem>>, vector<1x1280x64xf32>
    %swap3A_17 = vector.shape_cast %swap3A_16 : vector<1x1280x64xf32> to vector<1280x64xf32>
    %swap3A_18 = vector.shape_cast %add3A_13 : vector<1280x64xf32> to vector<1x1280x64xf32>
    tpu.vector_store %arg5[%swap3A, %swap3A_14, %swap3A_15], %swap3A_18 {strides = array<i32>} : memref<1x1280x64xf32, #tpu.memory_space<vmem>>, vector<1x1280x64xf32>,
    return
  }
  func.func @transform_0(%arg0: i32, %arg1: i32) -> (i32, i32) {
    %c0_i32 = arith.constant 0 : i32
    %c0_i32_0 = arith.constant 0 : i32
    return %arg0, %c0_i32 : i32, i32
  }
  func.func @transform_1(%arg0: i32, %arg1: i32) -> (i32, i32, i32) {
    %c0_i32 = arith.constant 0 : i32
    %c0_i32_0 = arith.constant 0 : i32
    %c0_i32_1 = arith.constant 0 : i32
    return %arg1, %c0_i32, %c0_i32_0 : i32, i32, i32
  }
  func.func @transform_2(%arg0: i32, %arg1: i32) -> (i32, i32, i32) {
    %c0_i32 = arith.constant 0 : i32
    %c0_i32_0 = arith.constant 0 : i32
    %c0_i32_1 = arith.constant 0 : i32
    return %arg1, %c0_i32, %c0_i32_0 : i32, i32, i32
  }
  func.func @transform_3(%arg0: i32, %arg1: i32) -> (i32, i32, i32) {
    %c0_i32 = arith.constant 0 : i32
    %c0_i32_0 = arith.constant 0 : i32
    return %arg1, %arg0, %c0_i32 : i32, i32, i32
  }
}

module attributes {stable_mosaic.version = 14 : i64} {
  func.func @_edge_out_body(%arg0: i32, %arg1: memref<1x1600x64xf32, #tpu.memory_space<vmem>>, %arg2: memref<1x1600x64xf32, #tpu.memory_space<vmem>>, %arg3: memref<1600x128xf32, #tpu.memory_space<vmem>>, %arg4: memref<2x16x2x64xf32, #tpu.memory_space<vmem>>, %arg5: memref<1x128xf32, #tpu.memory_space<vmem>>, %arg6: memref<1x128xf32, #tpu.memory_space<vmem>>, %arg7: memref<1600x128xf32, #tpu.memory_space<vmem>>) attributes {dimension_semantics = [#tpu.dimension_semantics<arbitrary>], iteration_bounds = array<i64: 200>, scalar_prefetch = 0 : i64, scratch_operands = 0 : i64, tpu.core_type = #tpu.core_type<tc>, window_params = [{transform_indices = @transform_0, window_bounds = array<i64: 1, 1600, 64>}, {transform_indices = @transform_1, window_bounds = array<i64: 1, 1600, 64>}, {transform_indices = @transform_2, window_bounds = array<i64: 1600, 128>}, {pipeline_mode = #tpu.pipeline_mode<synchronous>, transform_indices = @transform_3, window_bounds = array<i64: 2, 16, 2, 64>}, {pipeline_mode = #tpu.pipeline_mode<synchronous>, transform_indices = @transform_4, window_bounds = array<i64: 1, 128>}, {pipeline_mode = #tpu.pipeline_mode<synchronous>, transform_indices = @transform_5, window_bounds = array<i64: 1, 128>}, {transform_indices = @transform_6, window_bounds = array<i64: 1600, 128>}]} {
    %get3A = arith.constant 0 : index
    %get3A_0 = arith.constant 0 : index
    %get3A_1 = arith.constant 0 : index
    %get3A_2 = arith.constant 0 : index
    %get3A_3 = vector.load %arg4[%get3A, %get3A_0, %get3A_1, %get3A_2] : memref<2x16x2x64xf32, #tpu.memory_space<vmem>>, vector<2x16x2x64xf32>
    %slice3A = vector.extract_strided_slice %get3A_3 {offsets = [0, 0, 0, 0], sizes = [1, 16, 1, 64], strides = [1, 1, 1, 1]} : vector<2x16x2x64xf32> to vector<1x16x1x64xf32>
    %squeeze3A = vector.shape_cast %slice3A : vector<1x16x1x64xf32> to vector<16x64xf32>
    %reduce_sum3A = arith.constant dense<0.000000e+00> : vector<64xf32>
    %reduce_sum3A_4 = vector.multi_reduction <add>, %squeeze3A, %reduce_sum3A [0] : vector<16x64xf32> to vector<64xf32>
    %slice3A_5 = vector.extract_strided_slice %get3A_3 {offsets = [1, 0, 0, 0], sizes = [1, 16, 1, 64], strides = [1, 1, 1, 1]} : vector<2x16x2x64xf32> to vector<1x16x1x64xf32>
    %squeeze3A_6 = vector.shape_cast %slice3A_5 : vector<1x16x1x64xf32> to vector<16x64xf32>
    %reduce_sum3A_7 = arith.constant dense<0.000000e+00> : vector<64xf32>
    %reduce_sum3A_8 = vector.multi_reduction <add>, %squeeze3A_6, %reduce_sum3A_7 [0] : vector<16x64xf32> to vector<64xf32>
    %concatenate3A = tpu.concatenate %reduce_sum3A_4, %reduce_sum3A_8 in 0 : vector<64xf32>, vector<64xf32> -> vector<128xf32>
    %reshape3A = vector.shape_cast %concatenate3A : vector<128xf32> to vector<1x128xf32>
    %mul3A = arith.constant 3.125000e-06 : f32
    %mul3A_9 = vector.broadcast %mul3A : f32 to vector<1x128xf32>
    %mul3A_10 = arith.mulf %reshape3A, %mul3A_9 : vector<1x128xf32>
    %slice3A_11 = vector.extract_strided_slice %get3A_3 {offsets = [0, 0, 1, 0], sizes = [1, 16, 1, 64], strides = [1, 1, 1, 1]} : vector<2x16x2x64xf32> to vector<1x16x1x64xf32>
    %squeeze3A_12 = vector.shape_cast %slice3A_11 : vector<1x16x1x64xf32> to vector<16x64xf32>
    %reduce_sum3A_13 = arith.constant dense<0.000000e+00> : vector<64xf32>
    %reduce_sum3A_14 = vector.multi_reduction <add>, %squeeze3A_12, %reduce_sum3A_13 [0] : vector<16x64xf32> to vector<64xf32>
    %slice3A_15 = vector.extract_strided_slice %get3A_3 {offsets = [1, 0, 1, 0], sizes = [1, 16, 1, 64], strides = [1, 1, 1, 1]} : vector<2x16x2x64xf32> to vector<1x16x1x64xf32>
    %squeeze3A_16 = vector.shape_cast %slice3A_15 : vector<1x16x1x64xf32> to vector<16x64xf32>
    %reduce_sum3A_17 = arith.constant dense<0.000000e+00> : vector<64xf32>
    %reduce_sum3A_18 = vector.multi_reduction <add>, %squeeze3A_16, %reduce_sum3A_17 [0] : vector<16x64xf32> to vector<64xf32>
    %concatenate3A_19 = tpu.concatenate %reduce_sum3A_14, %reduce_sum3A_18 in 0 : vector<64xf32>, vector<64xf32> -> vector<128xf32>
    %reshape3A_20 = vector.shape_cast %concatenate3A_19 : vector<128xf32> to vector<1x128xf32>
    %mul3A_21 = arith.constant 3.125000e-06 : f32
    %mul3A_22 = vector.broadcast %mul3A_21 : f32 to vector<1x128xf32>
    %mul3A_23 = arith.mulf %reshape3A_20, %mul3A_22 : vector<1x128xf32>
    %mul3A_24 = arith.mulf %mul3A_10, %mul3A_10 : vector<1x128xf32>
    %sub3A = arith.subf %mul3A_23, %mul3A_24 : vector<1x128xf32>
    %get3A_25 = arith.constant 0 : index
    %get3A_26 = arith.constant 0 : index
    %get3A_27 = vector.load %arg5[%get3A_25, %get3A_26] : memref<1x128xf32, #tpu.memory_space<vmem>>, vector<1x128xf32>
    %add3A = arith.constant 9.99999974E-6 : f32
    %add3A_28 = vector.broadcast %add3A : f32 to vector<1x128xf32>
    %add3A_29 = arith.addf %sub3A, %add3A_28 : vector<1x128xf32>
    %sqrt3A = math.sqrt %add3A_29 : vector<1x128xf32>
    %div3A = arith.divf %get3A_27, %sqrt3A : vector<1x128xf32>
    %get3A_30 = arith.constant 0 : index
    %get3A_31 = arith.constant 0 : index
    %get3A_32 = arith.constant 0 : index
    %get3A_33 = vector.load %arg1[%get3A_30, %get3A_31, %get3A_32] : memref<1x1600x64xf32, #tpu.memory_space<vmem>>, vector<1x1600x64xf32>
    %get3A_34 = vector.shape_cast %get3A_33 : vector<1x1600x64xf32> to vector<1600x64xf32>
    %get3A_35 = arith.constant 0 : index
    %get3A_36 = arith.constant 0 : index
    %get3A_37 = arith.constant 0 : index
    %get3A_38 = vector.load %arg2[%get3A_35, %get3A_36, %get3A_37] : memref<1x1600x64xf32, #tpu.memory_space<vmem>>, vector<1x1600x64xf32>
    %get3A_39 = vector.shape_cast %get3A_38 : vector<1x1600x64xf32> to vector<1600x64xf32>
    %concatenate3A_40 = tpu.concatenate %get3A_34, %get3A_39 in 1 : vector<1600x64xf32>, vector<1600x64xf32> -> vector<1600x128xf32>
    %sub3A_41 = vector.broadcast %mul3A_10 : vector<1x128xf32> to vector<1600x128xf32>
    %sub3A_42 = arith.subf %concatenate3A_40, %sub3A_41 : vector<1600x128xf32>
    %mul3A_43 = vector.broadcast %div3A : vector<1x128xf32> to vector<1600x128xf32>
    %mul3A_44 = arith.mulf %sub3A_42, %mul3A_43 : vector<1600x128xf32>
    %get3A_45 = arith.constant 0 : index
    %get3A_46 = arith.constant 0 : index
    %get3A_47 = vector.load %arg6[%get3A_45, %get3A_46] : memref<1x128xf32, #tpu.memory_space<vmem>>, vector<1x128xf32>
    %add3A_48 = vector.broadcast %get3A_47 : vector<1x128xf32> to vector<1600x128xf32>
    %add3A_49 = arith.addf %mul3A_44, %add3A_48 : vector<1600x128xf32>
    %get3A_50 = arith.constant 0 : index
    %get3A_51 = arith.constant 0 : index
    %get3A_52 = vector.load %arg3[%get3A_50, %get3A_51] : memref<1600x128xf32, #tpu.memory_space<vmem>>, vector<1600x128xf32>
    %neg3A = arith.constant 0.000000e+00 : f32
    %neg3A_53 = vector.broadcast %neg3A : f32 to vector<1600x128xf32>
    %neg3A_54 = arith.subf %neg3A_53, %add3A_49 : vector<1600x128xf32>
    %exp3A = math.exp %neg3A_54 : vector<1600x128xf32>
    %add3A_55 = arith.constant 1.000000e+00 : f32
    %add3A_56 = vector.broadcast %add3A_55 : f32 to vector<1600x128xf32>
    %add3A_57 = arith.addf %add3A_56, %exp3A : vector<1600x128xf32>
    %div3A_58 = arith.constant 1.000000e+00 : f32
    %div3A_59 = vector.broadcast %div3A_58 : f32 to vector<1600x128xf32>
    %div3A_60 = arith.divf %div3A_59, %add3A_57 : vector<1600x128xf32>
    %mul3A_61 = arith.mulf %add3A_49, %div3A_60 : vector<1600x128xf32>
    %add3A_62 = arith.addf %get3A_52, %mul3A_61 : vector<1600x128xf32>
    %swap3A = arith.constant 0 : index
    %swap3A_63 = arith.constant 0 : index
    %swap3A_64 = vector.load %arg7[%swap3A, %swap3A_63] : memref<1600x128xf32, #tpu.memory_space<vmem>>, vector<1600x128xf32>
    tpu.vector_store %arg7[%swap3A, %swap3A_63], %add3A_62 {strides = array<i32>} : memref<1600x128xf32, #tpu.memory_space<vmem>>, vector<1600x128xf32>,
    return
  }
  func.func @transform_0(%arg0: i32) -> (i32, i32, i32) {
    %c0_i32 = arith.constant 0 : i32
    %c0_i32_0 = arith.constant 0 : i32
    %c0_i32_1 = arith.constant 0 : i32
    return %c0_i32, %arg0, %c0_i32_0 : i32, i32, i32
  }
  func.func @transform_1(%arg0: i32) -> (i32, i32, i32) {
    %c1_i32 = arith.constant 1 : i32
    %c0_i32 = arith.constant 0 : i32
    %c0_i32_0 = arith.constant 0 : i32
    return %c1_i32, %arg0, %c0_i32 : i32, i32, i32
  }
  func.func @transform_2(%arg0: i32) -> (i32, i32) {
    %c0_i32 = arith.constant 0 : i32
    %c0_i32_0 = arith.constant 0 : i32
    return %arg0, %c0_i32 : i32, i32
  }
  func.func @transform_3(%arg0: i32) -> (i32, i32, i32, i32) {
    %c0_i32 = arith.constant 0 : i32
    %c0_i32_0 = arith.constant 0 : i32
    %c0_i32_1 = arith.constant 0 : i32
    %c0_i32_2 = arith.constant 0 : i32
    %c0_i32_3 = arith.constant 0 : i32
    return %c0_i32, %c0_i32_0, %c0_i32_1, %c0_i32_2 : i32, i32, i32, i32
  }
  func.func @transform_4(%arg0: i32) -> (i32, i32) {
    %c0_i32 = arith.constant 0 : i32
    %c0_i32_0 = arith.constant 0 : i32
    %c0_i32_1 = arith.constant 0 : i32
    return %c0_i32, %c0_i32_0 : i32, i32
  }
  func.func @transform_5(%arg0: i32) -> (i32, i32) {
    %c0_i32 = arith.constant 0 : i32
    %c0_i32_0 = arith.constant 0 : i32
    %c0_i32_1 = arith.constant 0 : i32
    return %c0_i32, %c0_i32_0 : i32, i32
  }
  func.func @transform_6(%arg0: i32) -> (i32, i32) {
    %c0_i32 = arith.constant 0 : i32
    %c0_i32_0 = arith.constant 0 : i32
    return %arg0, %c0_i32 : i32, i32
  }
}

module attributes {stable_mosaic.version = 14 : i64} {
  func.func @_node_out_body(%arg0: memref<10000x128xf32, #tpu.memory_space<vmem>>, %arg1: memref<10000x128xf32, #tpu.memory_space<vmem>>, %arg2: memref<2x10000x128xf32, #tpu.memory_space<vmem>>, %arg3: memref<1x128xf32, #tpu.memory_space<vmem>>, %arg4: memref<1x128xf32, #tpu.memory_space<vmem>>, %arg5: memref<10000x128xf32, #tpu.memory_space<vmem>>) attributes {dimension_semantics = [], scalar_prefetch = 0 : i64, scratch_operands = 0 : i64, tpu.core_type = #tpu.core_type<tc>} {
    %get3A = arith.constant 0 : index
    %get3A_0 = arith.constant 0 : index
    %get3A_1 = arith.constant 0 : index
    %get3A_2 = vector.load %arg2[%get3A, %get3A_0, %get3A_1] : memref<2x10000x128xf32, #tpu.memory_space<vmem>>, vector<2x10000x128xf32>
    %slice3A = vector.extract_strided_slice %get3A_2 {offsets = [0, 0, 0], sizes = [1, 10000, 64], strides = [1, 1, 1]} : vector<2x10000x128xf32> to vector<1x10000x64xf32>
    %squeeze3A = vector.shape_cast %slice3A : vector<1x10000x64xf32> to vector<10000x64xf32>
    %slice3A_3 = vector.extract_strided_slice %get3A_2 {offsets = [1, 0, 0], sizes = [1, 10000, 64], strides = [1, 1, 1]} : vector<2x10000x128xf32> to vector<1x10000x64xf32>
    %squeeze3A_4 = vector.shape_cast %slice3A_3 : vector<1x10000x64xf32> to vector<10000x64xf32>
    %concatenate3A = tpu.concatenate %squeeze3A, %squeeze3A_4 in 1 : vector<10000x64xf32>, vector<10000x64xf32> -> vector<10000x128xf32>
    %slice3A_5 = vector.extract_strided_slice %get3A_2 {offsets = [0, 0, 64], sizes = [1, 10000, 64], strides = [1, 1, 1]} : vector<2x10000x128xf32> to vector<1x10000x64xf32>
    %squeeze3A_6 = vector.shape_cast %slice3A_5 : vector<1x10000x64xf32> to vector<10000x64xf32>
    %slice3A_7 = vector.extract_strided_slice %get3A_2 {offsets = [1, 0, 64], sizes = [1, 10000, 64], strides = [1, 1, 1]} : vector<2x10000x128xf32> to vector<1x10000x64xf32>
    %squeeze3A_8 = vector.shape_cast %slice3A_7 : vector<1x10000x64xf32> to vector<10000x64xf32>
    %concatenate3A_9 = tpu.concatenate %squeeze3A_6, %squeeze3A_8 in 1 : vector<10000x64xf32>, vector<10000x64xf32> -> vector<10000x128xf32>
    %get3A_10 = arith.constant 0 : index
    %get3A_11 = arith.constant 0 : index
    %get3A_12 = vector.load %arg1[%get3A_10, %get3A_11] : memref<10000x128xf32, #tpu.memory_space<vmem>>, vector<10000x128xf32>
    %add3A = arith.constant 9.99999997E-7 : f32
    %add3A_13 = vector.broadcast %add3A : f32 to vector<10000x128xf32>
    %add3A_14 = arith.addf %concatenate3A_9, %add3A_13 : vector<10000x128xf32>
    %div3A = arith.divf %concatenate3A, %add3A_14 : vector<10000x128xf32>
    %add3A_15 = arith.addf %get3A_12, %div3A : vector<10000x128xf32>
    %reduce_sum3A = arith.constant dense<0.000000e+00> : vector<128xf32>
    %reduce_sum3A_16 = vector.multi_reduction <add>, %add3A_15, %reduce_sum3A [0] : vector<10000x128xf32> to vector<128xf32>
    %broadcast_in_dim3A = vector.shape_cast %reduce_sum3A_16 : vector<128xf32> to vector<1x128xf32>
    %div3A_17 = arith.constant 1.000000e+04 : f32
    %div3A_18 = vector.broadcast %div3A_17 : f32 to vector<1x128xf32>
    %div3A_19 = arith.divf %broadcast_in_dim3A, %div3A_18 : vector<1x128xf32>
    %sub3A = vector.broadcast %div3A_19 : vector<1x128xf32> to vector<10000x128xf32>
    %sub3A_20 = arith.subf %add3A_15, %sub3A : vector<10000x128xf32>
    %sub3A_21 = vector.broadcast %div3A_19 : vector<1x128xf32> to vector<10000x128xf32>
    %sub3A_22 = arith.subf %add3A_15, %sub3A_21 : vector<10000x128xf32>
    %mul3A = arith.mulf %sub3A_20, %sub3A_22 : vector<10000x128xf32>
    %reduce_sum3A_23 = arith.constant dense<0.000000e+00> : vector<128xf32>
    %reduce_sum3A_24 = vector.multi_reduction <add>, %mul3A, %reduce_sum3A_23 [0] : vector<10000x128xf32> to vector<128xf32>
    %broadcast_in_dim3A_25 = vector.shape_cast %reduce_sum3A_24 : vector<128xf32> to vector<1x128xf32>
    %div3A_26 = arith.constant 1.000000e+04 : f32
    %div3A_27 = vector.broadcast %div3A_26 : f32 to vector<1x128xf32>
    %div3A_28 = arith.divf %broadcast_in_dim3A_25, %div3A_27 : vector<1x128xf32>
    %sub3A_29 = vector.broadcast %div3A_19 : vector<1x128xf32> to vector<10000x128xf32>
    %sub3A_30 = arith.subf %add3A_15, %sub3A_29 : vector<10000x128xf32>
    %get3A_31 = arith.constant 0 : index
    %get3A_32 = arith.constant 0 : index
    %get3A_33 = vector.load %arg3[%get3A_31, %get3A_32] : memref<1x128xf32, #tpu.memory_space<vmem>>, vector<1x128xf32>
    %add3A_34 = arith.constant 9.99999974E-6 : f32
    %add3A_35 = vector.broadcast %add3A_34 : f32 to vector<1x128xf32>
    %add3A_36 = arith.addf %div3A_28, %add3A_35 : vector<1x128xf32>
    %sqrt3A = math.sqrt %add3A_36 : vector<1x128xf32>
    %div3A_37 = arith.divf %get3A_33, %sqrt3A : vector<1x128xf32>
    %mul3A_38 = vector.broadcast %div3A_37 : vector<1x128xf32> to vector<10000x128xf32>
    %mul3A_39 = arith.mulf %sub3A_30, %mul3A_38 : vector<10000x128xf32>
    %get3A_40 = arith.constant 0 : index
    %get3A_41 = arith.constant 0 : index
    %get3A_42 = vector.load %arg4[%get3A_40, %get3A_41] : memref<1x128xf32, #tpu.memory_space<vmem>>, vector<1x128xf32>
    %add3A_43 = vector.broadcast %get3A_42 : vector<1x128xf32> to vector<10000x128xf32>
    %add3A_44 = arith.addf %mul3A_39, %add3A_43 : vector<10000x128xf32>
    %get3A_45 = arith.constant 0 : index
    %get3A_46 = arith.constant 0 : index
    %get3A_47 = vector.load %arg0[%get3A_45, %get3A_46] : memref<10000x128xf32, #tpu.memory_space<vmem>>, vector<10000x128xf32>
    %neg3A = arith.constant 0.000000e+00 : f32
    %neg3A_48 = vector.broadcast %neg3A : f32 to vector<10000x128xf32>
    %neg3A_49 = arith.subf %neg3A_48, %add3A_44 : vector<10000x128xf32>
    %exp3A = math.exp %neg3A_49 : vector<10000x128xf32>
    %add3A_50 = arith.constant 1.000000e+00 : f32
    %add3A_51 = vector.broadcast %add3A_50 : f32 to vector<10000x128xf32>
    %add3A_52 = arith.addf %add3A_51, %exp3A : vector<10000x128xf32>
    %div3A_53 = arith.constant 1.000000e+00 : f32
    %div3A_54 = vector.broadcast %div3A_53 : f32 to vector<10000x128xf32>
    %div3A_55 = arith.divf %div3A_54, %add3A_52 : vector<10000x128xf32>
    %mul3A_56 = arith.mulf %add3A_44, %div3A_55 : vector<10000x128xf32>
    %add3A_57 = arith.addf %get3A_47, %mul3A_56 : vector<10000x128xf32>
    %swap3A = arith.constant 0 : index
    %swap3A_58 = arith.constant 0 : index
    %swap3A_59 = vector.load %arg5[%swap3A, %swap3A_58] : memref<10000x128xf32, #tpu.memory_space<vmem>>, vector<10000x128xf32>
    tpu.vector_store %arg5[%swap3A, %swap3A_58], %add3A_57 {strides = array<i32>} : memref<10000x128xf32, #tpu.memory_space<vmem>>, vector<10000x128xf32>,
    return
  }
}

</mosaic_0001>

<sc_bundles>
// kernel: kernel.11.cloned.1.call-start
scs
__scs_entry_jumppad:
0x0: {  	(pc) =	sbr.rel $0x88, $3  }
0x1: {  	(tag) =	ssettag $0x0;
	lr =	simm.s32 $0x1  }
0x2: {  	[smem:$0x3F90] =	sst lr;
	_ =	strace $0xD0000000  }
0x3: {  	_ = 	snop  }
0x4: {  	_ = 	snop  }
0x5: {  	_ = 	snop  }
0x6: {  	_ = 	snop  }
0x7: {  	_ = 	snop  }
__scs_overlays_trampoline_lowered:
0x8: {  	[smem:$0x3F9F] =	sst s0  }
0x9: {  	[smem:$0x3FA0] =	sst s1  }
0xa: {  	[smem:$0x3FA1] =	sst s2  }
0xb: {  	[smem:$0x3FA2] =	sst s3  }
0xc: {  	[smem:$0x3FA3] =	sst s4  }
0xd: {  	[smem:$0x3FA4] =	sst s5  }
0xe: {  	[smem:$0x3FA5] =	sst s6  }
0xf: {  	[smem:$0x3FA6] =	sst s7  }
0x10: {  	[smem:$0x3FA7] =	sst s8  }
0x11: {  	[smem:$0x3FA8] =	sst s9;
	s0 =	simm.s32 @!p0 $0x0  }
0x12: {  	s1 =	sld [smem:$0x3F8E];
	s0 =	simm.s32 @p0 $0x1  }
0x13: {  	[smem:$0x3FA9] =	sst s0;
	s0 =	simm.s32 @!p1 $0x0  }
0x14: {  	s2 =	sld [smem:$0x3F8D];
	s0 =	simm.s32 @p1 $0x1  }
0x15: {  	[smem:$0x3FAA] =	sst s0;
	s0 =	simm.s32 @!p2 $0x0  }
0x16: {  	s3 =	sld [smem:$0x3FDB];
	s0 =	simm.s32 @p2 $0x1  }
0x17: {  	s4 =	simm.s32 $0x1BF5;
	[smem:$0x3FAC] =	sst s0  }
0x18: {  	s0 =	sld [smem:$0x3F8F];
	_ =	swait.ge [sflag:s4], $0x0  }
0x19: {  	s7 =	sld [smem:$0x3F90]  }
0x1a: {  	s8 =	sadd.s32 $0xFFFFE003, lr  }
0x1b: {  	s9 =	sadd.s32 $0xFFFFFEF7, lr;
	s5 =	simm.s32 $0xFFFFFFFF;
	p2 =	slt.u32 s8, $0xFFFFF086  }
0x1c: {  	p1 =	slt.u32 s9, $0xF7A;
	s5 =	simm.s32 @!p2 $0x0  }
0x1d: {  	s5 =	simm.s32 @p1 $0x1;
	p0 =	seq.s32 s7, s2  }
0x1e: {  	s7 =	smul.u32 @!p0 $0xF7A, s2;
	p2 =	seq.s32 @!p0 s5, $0x0  }
0x1f: {  	s9 =	smul.u32 $0xF7A, s1;
	s8 =	simm.s32 @!p0 $0x1BF5;
	p2 =	por !p2, p0  }
0x20: {  	[sflag:s8] =	ssyncset.s32 @!p0 $0xFFFFF086;
	s6 =	sadd.s32 @!p0 s3, s7;
	s7 =	simm.s32 @!p0 $0x108  }
0x21: {  	s3 =	sadd.s32 s3, s9;
	s6 =	sadd.s32 @!p0 $0x88, s6;
	s7 =	simm.s32 @p2 $0x1082  }
0x22: {  	[simem:s7], [sflag:s8] =	dma.local @!p0 [hbm:s6], $0xF7A  }
0x23: {  	s9 =	sor.u32 $0xD0000000, s2;
	s6 =	simm.s32 $0x108;
	_ =	swait.ge @!p0 [sflag:s8], $0x0  }
0x24: {  	s3 =	sadd.s32 $0x88, s3;
	s6 =	simm.s32 @!p1 $0x1082;
	[sflag:s4] =	ssyncset.s32 $0xFFFFF086  }
0x25: {  	[simem:s6], [sflag:s4] =	dma.local [hbm:s3], $0xF7A  }
0x26: {  	[smem:$0x3F90] =	sst s1;
	(tag) =	ssettag s2;
	_ =	strace s9  }
0x27: {  	s1 =	sld [smem:$0x3FA0]  }
0x28: {  	s2 =	sld [smem:$0x3FA1]  }
0x29: {  	s4 =	sld [smem:$0x3FA3]  }
0x2a: {  	p0 =	seq.s32 s5, $0x0;
	s5 =	sld [smem:$0x3FA4]  }
0x2b: {  	s6 =	sld [smem:$0x3FA5]  }
0x2c: {  	s7 =	sld [smem:$0x3FA6]  }
0x2d: {  	s3 =	simm.s32 $0x108;
	s8 =	sld [smem:$0x3FA7]  }
0x2e: {  	s3 =	simm.s32 @!p0 $0x1082;
	s9 =	sld [smem:$0x3FA8]  }
0x2f: {  	lr =	sadd.s32 s0, s3;
	s0 =	sld [smem:$0x3F9F]  }
0x30: {  	s3 =	sld [smem:$0x3FA2]  }
0x31: {  	[smem:$0x3FAB] =	sst s10  }
0x32: {  	s10 =	sld [smem:$0x3FA9];
	_ =	sdelay $0x3  }
0x33: {  	p0 =	seq.s32 s10, $0x1;
	s10 =	sld [smem:$0x3FAB];
	_ =	sdelay $0x3  }
0x34: {  	[smem:$0x3FAB] =	sst s10  }
0x35: {  	s10 =	sld [smem:$0x3FAA];
	_ =	sdelay $0x3  }
0x36: {  	p1 =	seq.s32 s10, $0x1;
	s10 =	sld [smem:$0x3FAB];
	_ =	sdelay $0x3  }
0x37: {  	[smem:$0x3FAB] =	sst s10  }
0x38: {  	s10 =	sld [smem:$0x3FAC]  }
0x39: {  	_ = 	snop;
	(pc) =	sbr.ind lr, $3  }
0x3a: {  	_ = 	snop  }
0x3b: {  	_ = 	snop  }
0x3c: {  	p2 =	seq.s32 s10, $0x1;
	s10 =	sld [smem:$0x3FAB]  }
0x3d: {  	_ =	shalt  }
0x3e: {  	_ =	shalt  }
0x3f: {  	_ =	shalt  }
0x40: {  	_ =	shalt  }
0x41: {  	_ =	shalt  }
0x42: {  	_ =	shalt  }
0x43: {  	_ =	shalt  }
0x44: {  	_ =	shalt  }
0x45: {  	_ =	shalt  }
0x46: {  	_ =	shalt  }
0x47: {  	_ =	shalt  }
0x48: {  	_ =	shalt  }
0x49: {  	_ =	shalt  }
0x4a: {  	_ =	shalt  }
0x4b: {  	_ =	shalt  }
0x4c: {  	_ =	shalt  }
0x4d: {  	_ =	shalt  }
0x4e: {  	_ =	shalt  }
0x4f: {  	_ =	shalt  }
0x50: {  	_ =	shalt  }
0x51: {  	_ =	shalt  }
0x52: {  	_ =	shalt  }
0x53: {  	_ =	shalt  }
0x54: {  	_ =	shalt  }
0x55: {  	_ =	shalt  }
0x56: {  	_ =	shalt  }
0x57: {  	_ =	shalt  }
0x58: {  	_ =	shalt  }
0x59: {  	_ =	shalt  }
0x5a: {  	_ =	shalt  }
0x5b: {  	_ =	shalt  }
0x5c: {  	_ =	shalt  }
0x5d: {  	_ =	shalt  }
0x5e: {  	_ =	shalt  }
0x5f: {  	_ =	shalt  }
0x60: {  	_ =	shalt  }
0x61: {  	_ =	shalt  }
0x62: {  	_ =	shalt  }
0x63: {  	_ =	shalt  }
0x64: {  	_ =	shalt  }
0x65: {  	_ =	shalt  }
0x66: {  	_ =	shalt  }
0x67: {  	_ =	shalt  }
0x68: {  	_ =	shalt  }
0x69: {  	_ =	shalt  }
0x6a: {  	_ =	shalt  }
0x6b: {  	_ =	shalt  }
0x6c: {  	_ =	shalt  }
0x6d: {  	_ =	shalt  }
0x6e: {  	_ =	shalt  }
0x6f: {  	_ =	shalt  }
0x70: {  	_ =	shalt  }
0x71: {  	_ =	shalt  }
0x72: {  	_ =	shalt  }
0x73: {  	_ =	shalt  }
0x74: {  	_ =	shalt  }
0x75: {  	_ =	shalt  }
0x76: {  	_ =	shalt  }
0x77: {  	_ =	shalt  }
0x78: {  	_ =	shalt  }
0x79: {  	_ =	shalt  }
0x7a: {  	_ =	shalt  }
0x7b: {  	_ =	shalt  }
0x7c: {  	_ =	shalt  }
0x7d: {  	_ =	shalt  }
0x7e: {  	_ =	shalt  }
0x7f: {  	_ =	shalt  }
0x80: {  	_ =	shalt  }
0x81: {  	_ =	shalt  }
0x82: {  	_ =	shalt  }
0x83: {  	_ =	shalt  }
0x84: {  	_ =	shalt  }
0x85: {  	_ =	shalt  }
0x86: {  	_ =	shalt  }
0x87: {  	_ =	shalt  }
.Lfunc_end0:
.L_simem_size_0:
called_computation.1_lowered:
.L_overlay_start_0:
0x88: {  	s2 =	sld [smem:$0x3FD9]  }
0x89: {  	s3 =	sld [smem:$0x3FFE];
	_ =	sdelay $0x1  }
0x8a: {  	s1 =	srdreg.scid  }
0x8b: {  	s0 =	sand.u32 $0x1, s1  }
0x8c: {  	s16 =	sshll.u32 s0, $0xA;
	s2 =	sadd.s32 s3, s2  }
0x8d: {  	s2 =	sadd.s32 s2, s16  }
0x8e: {  	[smem:$0x3FB7] =	sst s2  }
0x8f: {  	_ = 	snop  }
0x90: {  	(tm) =	ssettm $0x1  }
0x91: {  	s17 =	sld [smem:$0x3FFB];
	_ =	sdelay $0x3  }
0x92: {  	_ =	strace s17  }
0x93: {  	s2 =	sld [smem:$0x3FFC];
	_ =	sdelay $0x3  }
0x94: {  	_ =	strace s2  }
0x95: {  	s2 =	sld [smem:$0x3FFD];
	_ =	sdelay $0x3  }
0x96: {  	_ =	strace s2  }
0x97: {  	_ =	strace $0x8FFFFFFF  }
0x98: {  	s18 =	sld [smem:$0x3FDB];
	_ =	sdelay $0x1  }
0x99: {  	s19 =	simm.s32 $_scs_section_size  }
0x9a: {  	s4 =	simm.s32 $_size__tile_overlayer_lowered;
	s5 =	simm.s32 $_tile_overlayer_lowered  }
0x9b: {  	s22 =	simm.s32 $0x1BFF;
	s21 =	sshll.u32 s5, $0x1;
	s2 =	sadd.s32 s19, s18  }
0x9c: {  	s6 =	simm.s32 $0x0;
	s20 =	sshll.u32 s4, $0x1;
	s4 =	sadd.s32 s21, s2  }
0x9d: {  	[timem:s6], [sflag:s22] =	dma.local [hbm:s4], s20  }
0x9e: {  	_ =	swait.ge [sflag:s22], s20  }
0x9f: {  	s3 =	ssub.s32 $0x0, s20;
	[sflag:s22] =	ssyncset.done $0x0  }
0xa0: {  	[sflag:s22] =	ssyncadd.s32 s3;
	_ =	sdelay $0x1  }
0xa1: {  	s23 =	simm.s32 $0x1B8B  }
0xa2: {  	_ =	swait.ge [sflag:s23], $0x1  }
0xa3: {  	[sflag:s23] =	ssyncset.done $0x0  }
0xa4: {  	s25 =	simm.s32 $0x1B8E;
	s24 =	sld [smem:$0x3FFE];
	[sflag:s23] =	ssyncadd.s32 $0xFFFFFFFF  }
0xa5: {  	s26 =	simm.s32 $execute0_lowered;
	[smem:$0x3FD2] =	sst s25  }
0xa6: {  	s4 =	sshll.u32 s26, $0x1;
	_ =	strace $0x80000049;
	[dreg:$0x1] =	wrdreg $0xFFFFFFFF  }
0xa7: {  	s28 =	simm.s32 $_size_execute0_lowered;
	s2 =	sadd.s32 s2, s4;
	[dreg:$0x0] =	wrdreg $0x0  }
0xa8: {  	s4 =	sshll.u32 s28, $0x1;
	[dreg:$0x2] =	wrdreg s2  }
0xa9: {  	[dreg:$0x3] =	wrdreg s4  }
0xaa: {  	[dreg:$0x4] =	wrdreg $0xC0  }
0xab: {  	_ =	task [dreg:s6], $0x5FFFF  }
0xac: {  	[dreg:$0x1] =	wrdreg $0xFFFFFFFF  }
0xad: {  	[dreg:$0x0] =	wrdreg $0x60  }
0xae: {  	[dreg:$0x2] =	wrdreg s24  }
0xaf: {  	[dreg:$0x3] =	wrdreg $0x9  }
0xb0: {  	_ =	task.clear_ibuf [dreg:s6], $0x4FFFF;
	_ =	strace $0x90000049  }
0xb1: {  	s29 =	simm.s32 $0x9;
	_ =	strace $0x8000004B  }
0xb2: {  	_ =	swait.ge [sflag:s29], $0x1  }
0xb3: {  	[sflag:s29] =	ssyncadd.s32 $0xFFFFFFFF  }
0xb4: {  	_ =	strace $0x9000004B  }
0xb5: {  	_ =	sfence  }
0xb6: {  	s30 =	sld [smem:$0x0];
	_ =	sdelay $0x2  }
0xb7: {  	s31 =	sshll.u32 s1, $0xD;
	s1 =	sshrl.u32 s1, $0x2  }
0xb8: {  	s3 =	sand.u32 $0x4000, s31;
	s1 =	sadd.s32 s1, s30  }
0xb9: {  	s0 =	sor.u32 s3, s0;
	s1 =	sshll.u32 s1, $0x11  }
0xba: {  	s0 =	sor.u32 s1, s0  }
0xbb: {  	s0 =	sadd.s32 $0x8F2B, s0  }
0xbc: {  	[sflag:s0] =	ssyncadd.remote.s32 $0x1  }
0xbd: {  	_ =	sfence.sel $0xFFFF  }
0xbe: {  	[dreg:$0x0] =	wrdreg $0xFFFFFFFF;
	(pc) =	sbr.abs _section_cstart, $3  }
0xbf: {  	[dreg:$0x1] =	wrdreg $0xFFFFFFFF  }
0xc0: {  	_ =	task.clear_ibuf [dreg:s6], $0x2FFFF;
	_ =	strace $0x9FFFFFFF  }
0xc1: {  	(tm) =	ssettm $0x7FFFFFFF  }
tec
execute0_lowered:
.L_overlay_start_1:
0x0: {  	(tag) =	ssettag $0x1  }
0x1: {  	s0 =	srdreg.scid  }
0x2: {  	s5 =	rddreg [dreg:$0x0];
	s1 =	stileid.u32  }
0x3: {  	s2 =	simm.s32 $0x0;
	s11 =	simm.s32 $0x400;
	s12 =	simm.s32 $0x1  }
0x4: {  	s13 =	simm.s32 $0x380;
	s6 =	sand.u32 $0x1, s0;
	s7 =	smul.u32 $0x13C00, s1  }
0x5: {  	s14 =	simm.s32 $0x5380;
	s0 =	rddreg [dreg:$0x1];
	s4 =	smul.u32 $0x138800, s6  }
0x6: {  	s15 =	simm.s32 $0x0;
	[smem:$0x7FF] =	sst s2;
	s3 =	sadd.s32 $0x1D96E00, s5  }
0x7: {  	p0 =	seq.s32 s1, $0xF;
	_ =	strace $0x8000004A;
	s7 =	sadd.s32 s7, s4  }
0x8: {  	s8 =	ssub.s32 $0x2, s6;
	s6 =	smul.u32 $0x4E200, s6;
	s7 =	sshrl.u32 s7, $0x3  }
0x9: {  	s31 =	sshrl.u32 s8, $0x1;
	s4 =	sadd.s32 $0x13D2E00, s5;
	s9 =	sadd.s32 s7, s5  }
0xa: {  	s10 =	ssub.s32 s8, s31;
	s5 =	smul.u32 $0x278, s1;
	s7 =	sadd.s32 $0x3800, s9  }
0xb: {  	v0 =	vimm.f32 $0.0e+00;
	s8 =	sadd.s32 $0x5880, s9;
	s9 =	smax.u32 s10, $0x1;
	s10 =	simm.s32 $0x80  }
.LBB2_1:
0xc: {  	s17 =	simm.s32 $0x0;
	s16 =	simm.s32 $0x200  }
.LBB2_2:
0xd: {  	p1 =	sne.s32 s16, $0x4EE00;
	[tilespmem:s17+$0x53F0] =	vst v0  }
0xe: {  	[tilespmem:s17+$0x5380] =	vst v0  }
0xf: {  	[tilespmem:s17+$0x5390] =	vst v0  }
.Ltmp0:
0x10: {  	[tilespmem:s17+$0x53A0] =	vst v0;
	(pc) =	sbr.rel @p1 .LBB2_2-.Ltmp0, $4  }
0x11: {  	[tilespmem:s17+$0x53B0] =	vst v0  }
0x12: {  	[tilespmem:s17+$0x53C0] =	vst v0  }
0x13: {  	[tilespmem:s17+$0x53D0] =	vst v0  }
0x14: {  	[tilespmem:s17+$0x53E0] =	vst v0;
	s17 =	sshra.s32 s16, $0x2;
	s16 =	sadd.s32 $0x200, s16  }
0x15: {  	[tilespmem:s17+$0x53F0] =	vst v0  }
0x16: {  	[tilespmem:s17+$0x5380] =	vst v0  }
0x17: {  	[tilespmem:s17+$0x5390] =	vst v0  }
0x18: {  	[tilespmem:s17+$0x53A0] =	vst v0  }
0x19: {  	[tilespmem:s17+$0x53B0] =	vst v0  }
0x1a: {  	[tilespmem:s17+$0x53C0] =	vst v0  }
0x1b: {  	[tilespmem:s17+$0x53D0] =	vst v0  }
0x1c: {  	s16 =	simm.s32 $0x0;
	[tilespmem:s17+$0x53E0] =	vst v0;
	s17 =	simm.s32 $0x0  }
.LBB2_4:
0x1d: {  	s18 =	smul.u32 $0x47AF, s17;
	_ =	sdelay $0x1  }
0x1e: {  	s18 =	sshrl.u32 s18, $0x10  }
0x1f: {  	s19 =	ssub.s32 s17, s18  }
0x20: {  	s19 =	sand.u32 $0xFFFE, s19  }
0x21: {  	s19 =	sshrl.u32 s19, $0x1  }
0x22: {  	s18 =	sadd.s32 s18, s19  }
0x23: {  	s18 =	sand.u32 $0xFFF0, s18  }
0x24: {  	s18 =	sshrl.u32 s18, $0x4  }
0x25: {  	s30 =	smul.u32 $0xFFFFFFE7, s18;
	_ =	sdelay $0x1  }
0x26: {  	s19 =	sadd.s32 s17, s30  }
0x27: {  	s20 =	smul.u32 $0x7000, s18;
	s21 =	sshrl.u32 s19, $0x3  }
0x28: {  	s21 =	smul.u32 $0x1C00, s21  }
0x29: {  	s22 =	sshll.u32 s19, $0x7  }
0x2a: {  	s31 =	sand.u32 $0x380, s22;
	s20 =	sadd.s32 s20, s21  }
0x2b: {  	s20 =	sor.u32 s31, s20  }
0x2c: {  	s18 =	smul.u32 $0x4E20, s18;
	s20 =	sshrl.u32 s20, $0x3  }
0x2d: {  	s19 =	smul.u32 $0x320, s19;
	s20 =	sadd.s32 s3, s20  }
0x2e: {  	[tilespmem:s16], [sflag:$0x1] =	stream.strided.gather [hbm4b:s20+s10], $0x380, s11, s10, $0x38;
	[tilespmem:$0x18F80] =	vst v63  }
0x2f: {  	s18 =	sadd.s32 s6, s18;
	_ =	swait.ge [sflag:s12], $0x380  }
0x30: {  	s18 =	sadd.s32 s19, s18;
	[sflag:s12] =	ssyncset.done $0x0  }
0x31: {  	s19 =	simm.s32 $0x0;
	s20 =	simm.s32 $0x0;
	[sflag:s12] =	ssyncadd.s32 $0xFFFFFC80  }
.LBB2_5:
0x32: {  	s21 =	smul.u32 $0xA0, s20;
	_ =	sdelay $0x1  }
0x33: {  	s21 =	sadd.s32 s21, s18  }
0x34: {  	s21 =	sshll.u32 s21, $0x4  }
0x35: {  	s22 =	sadd.s32 s4, s21;
	s21 =	simm.s32 $0x0  }
0x36: {  	v1 =	vmov s19;
	[tilespmem:s13], [sflag:$0x1] =	stream.linear.gather [hbm4b:s22+s21], $0x5000, $0x38;
	[tilespmem:$0x18F80] =	vst v63  }
0x37: {  	_ =	swait.ge [sflag:s12], $0x5000  }
0x38: {  	[sflag:s12] =	ssyncset.done $0x0  }
0x39: {  	s22 =	simm.s32 $0x780;
	[sflag:s12] =	ssyncadd.s32 $0xFFFFB000  }
.LBB2_6:
0x3a: {  	s23 =	sshra.s32 s21, $0x2  }
0x3b: {  	v2 =	vld.idx.msk [tilespmem:v1+s23+$0x0 ss:$0x1], $0xffff;
	_ =	sdelay $0x4  }
0x3c: {  	(v2sf) =	vpush v2, $0x0;
	_ =	sdelay $0xe  }
0x3d: {  	s29 =	spop (v2sf)  }
0x3e: {  	s23 =	ssub.s32 s29, s5  }
0x3f: {  	p1 =	sgt.u32 s23, $0x277  }
0x40: {  	v3 =	vld @!p1 [tilespmem:s22+$0xFFFFFC00];
	_ =	sdelay $0x2  }
0x41: {  	s23 =	sshll.u32 @!p1 s23, $0x7  }
0x42: {  	s23 =	sand.u32 @!p1 $0x3FFFFF80, s23  }
0x43: {  	[tilespmem:s23+$0x5380] =	vst.add.f32.msk @!p1 $0xffff, v3  }
0x44: {  	v3 =	vld @!p1 [tilespmem:s22+$0xFFFFFC10];
	_ =	sdelay $0x4  }
0x45: {  	[tilespmem:s23+$0x5390] =	vst.add.f32.msk @!p1 $0xffff, v3  }
0x46: {  	v3 =	vld @!p1 [tilespmem:s22+$0xFFFFFC20];
	_ =	sdelay $0x4  }
0x47: {  	[tilespmem:s23+$0x53A0] =	vst.add.f32.msk @!p1 $0xffff, v3  }
0x48: {  	v3 =	vld @!p1 [tilespmem:s22+$0xFFFFFC30];
	_ =	sdelay $0x4  }
0x49: {  	[tilespmem:s23+$0x53B0] =	vst.add.f32.msk @!p1 $0xffff, v3  }
0x4a: {  	v3 =	vld @!p1 [tilespmem:s22+$0xFFFFFC40];
	_ =	sdelay $0x4  }
0x4b: {  	[tilespmem:s23+$0x53C0] =	vst.add.f32.msk @!p1 $0xffff, v3  }
0x4c: {  	(v2sf) =	vpush v2, $0x1;
	v3 =	vld @!p1 [tilespmem:s22+$0xFFFFFC50];
	_ =	sdelay $0x4  }
0x4d: {  	[tilespmem:s23+$0x53D0] =	vst.add.f32.msk @!p1 $0xffff, v3  }
0x4e: {  	v3 =	vld @!p1 [tilespmem:s22+$0xFFFFFC60];
	_ =	sdelay $0x4  }
0x4f: {  	[tilespmem:s23+$0x53E0] =	vst.add.f32.msk @!p1 $0xffff, v3  }
0x50: {  	v3 =	vld @!p1 [tilespmem:s22+$0xFFFFFC70];
	_ =	sdelay $0x2  }
0x51: {  	s24 =	spop (v2sf)  }
0x52: {  	s24 =	ssub.s32 s24, s5  }
0x53: {  	[tilespmem:s23+$0x53F0] =	vst.add.f32.msk @!p1 $0xffff, v3;
	p1 =	sgt.u32 s24, $0x277  }
0x54: {  	v3 =	vld @!p1 [tilespmem:s22+$0xFFFFFC80];
	_ =	sdelay $0x2  }
0x55: {  	s23 =	sshll.u32 @!p1 s24, $0x7  }
0x56: {  	s23 =	sand.u32 @!p1 $0x3FFFFF80, s23  }
0x57: {  	[tilespmem:s23+$0x5380] =	vst.add.f32.msk @!p1 $0xffff, v3  }
0x58: {  	v3 =	vld @!p1 [tilespmem:s22+$0xFFFFFC90];
	_ =	sdelay $0x4  }
0x59: {  	[tilespmem:s23+$0x5390] =	vst.add.f32.msk @!p1 $0xffff, v3  }
0x5a: {  	v3 =	vld @!p1 [tilespmem:s22+$0xFFFFFCA0];
	_ =	sdelay $0x4  }
0x5b: {  	[tilespmem:s23+$0x53A0] =	vst.add.f32.msk @!p1 $0xffff, v3  }
0x5c: {  	v3 =	vld @!p1 [tilespmem:s22+$0xFFFFFCB0];
	_ =	sdelay $0x4  }
0x5d: {  	[tilespmem:s23+$0x53B0] =	vst.add.f32.msk @!p1 $0xffff, v3  }
0x5e: {  	v3 =	vld @!p1 [tilespmem:s22+$0xFFFFFCC0];
	_ =	sdelay $0x4  }
0x5f: {  	[tilespmem:s23+$0x53C0] =	vst.add.f32.msk @!p1 $0xffff, v3  }
0x60: {  	(v2sf) =	vpush v2, $0x2;
	v3 =	vld @!p1 [tilespmem:s22+$0xFFFFFCD0];
	_ =	sdelay $0x4  }
0x61: {  	[tilespmem:s23+$0x53D0] =	vst.add.f32.msk @!p1 $0xffff, v3  }
0x62: {  	v3 =	vld @!p1 [tilespmem:s22+$0xFFFFFCE0];
	_ =	sdelay $0x4  }
0x63: {  	[tilespmem:s23+$0x53E0] =	vst.add.f32.msk @!p1 $0xffff, v3  }
0x64: {  	v3 =	vld @!p1 [tilespmem:s22+$0xFFFFFCF0];
	_ =	sdelay $0x2  }
0x65: {  	s30 =	spop (v2sf)  }
0x66: {  	s24 =	ssub.s32 s30, s5  }
0x67: {  	[tilespmem:s23+$0x53F0] =	vst.add.f32.msk @!p1 $0xffff, v3;
	p1 =	sgt.u32 s24, $0x277  }
0x68: {  	v3 =	vld @!p1 [tilespmem:s22+$0xFFFFFD00];
	_ =	sdelay $0x2  }
0x69: {  	s23 =	sshll.u32 @!p1 s24, $0x7  }
0x6a: {  	s23 =	sand.u32 @!p1 $0x3FFFFF80, s23  }
0x6b: {  	[tilespmem:s23+$0x5380] =	vst.add.f32.msk @!p1 $0xffff, v3  }
0x6c: {  	v3 =	vld @!p1 [tilespmem:s22+$0xFFFFFD10];
	_ =	sdelay $0x4  }
0x6d: {  	[tilespmem:s23+$0x5390] =	vst.add.f32.msk @!p1 $0xffff, v3  }
0x6e: {  	v3 =	vld @!p1 [tilespmem:s22+$0xFFFFFD20];
	_ =	sdelay $0x4  }
0x6f: {  	[tilespmem:s23+$0x53A0] =	vst.add.f32.msk @!p1 $0xffff, v3  }
0x70: {  	v3 =	vld @!p1 [tilespmem:s22+$0xFFFFFD30];
	_ =	sdelay $0x4  }
0x71: {  	[tilespmem:s23+$0x53B0] =	vst.add.f32.msk @!p1 $0xffff, v3  }
0x72: {  	v3 =	vld @!p1 [tilespmem:s22+$0xFFFFFD40];
	_ =	sdelay $0x4  }
0x73: {  	[tilespmem:s23+$0x53C0] =	vst.add.f32.msk @!p1 $0xffff, v3  }
0x74: {  	(v2sf) =	vpush v2, $0x3;
	v3 =	vld @!p1 [tilespmem:s22+$0xFFFFFD50];
	_ =	sdelay $0x4  }
0x75: {  	[tilespmem:s23+$0x53D0] =	vst.add.f32.msk @!p1 $0xffff, v3  }
0x76: {  	v3 =	vld @!p1 [tilespmem:s22+$0xFFFFFD60];
	_ =	sdelay $0x4  }
0x77: {  	[tilespmem:s23+$0x53E0] =	vst.add.f32.msk @!p1 $0xffff, v3  }
0x78: {  	v3 =	vld @!p1 [tilespmem:s22+$0xFFFFFD70];
	_ =	sdelay $0x2  }
0x79: {  	s31 =	spop (v2sf)  }
0x7a: {  	s24 =	ssub.s32 s31, s5  }
0x7b: {  	[tilespmem:s23+$0x53F0] =	vst.add.f32.msk @!p1 $0xffff, v3;
	p1 =	sgt.u32 s24, $0x277  }
0x7c: {  	v3 =	vld @!p1 [tilespmem:s22+$0xFFFFFD80];
	_ =	sdelay $0x2  }
0x7d: {  	s23 =	sshll.u32 @!p1 s24, $0x7  }
0x7e: {  	s23 =	sand.u32 @!p1 $0x3FFFFF80, s23  }
0x7f: {  	[tilespmem:s23+$0x5380] =	vst.add.f32.msk @!p1 $0xffff, v3  }
0x80: {  	v3 =	vld @!p1 [tilespmem:s22+$0xFFFFFD90];
	_ =	sdelay $0x4  }
0x81: {  	[tilespmem:s23+$0x5390] =	vst.add.f32.msk @!p1 $0xffff, v3  }
0x82: {  	v3 =	vld @!p1 [tilespmem:s22+$0xFFFFFDA0];
	_ =	sdelay $0x4  }
0x83: {  	[tilespmem:s23+$0x53A0] =	vst.add.f32.msk @!p1 $0xffff, v3  }
0x84: {  	v3 =	vld @!p1 [tilespmem:s22+$0xFFFFFDB0];
	_ =	sdelay $0x4  }
0x85: {  	[tilespmem:s23+$0x53B0] =	vst.add.f32.msk @!p1 $0xffff, v3  }
0x86: {  	v3 =	vld @!p1 [tilespmem:s22+$0xFFFFFDC0];
	_ =	sdelay $0x4  }
0x87: {  	[tilespmem:s23+$0x53C0] =	vst.add.f32.msk @!p1 $0xffff, v3  }
0x88: {  	(v2sf) =	vpush v2, $0x4;
	v3 =	vld @!p1 [tilespmem:s22+$0xFFFFFDD0];
	_ =	sdelay $0x4  }
0x89: {  	[tilespmem:s23+$0x53D0] =	vst.add.f32.msk @!p1 $0xffff, v3  }
0x8a: {  	v3 =	vld @!p1 [tilespmem:s22+$0xFFFFFDE0];
	_ =	sdelay $0x4  }
0x8b: {  	[tilespmem:s23+$0x53E0] =	vst.add.f32.msk @!p1 $0xffff, v3  }
0x8c: {  	v3 =	vld @!p1 [tilespmem:s22+$0xFFFFFDF0];
	_ =	sdelay $0x2  }
0x8d: {  	s25 =	spop (v2sf)  }
0x8e: {  	s24 =	ssub.s32 s25, s5  }
0x8f: {  	[tilespmem:s23+$0x53F0] =	vst.add.f32.msk @!p1 $0xffff, v3;
	p1 =	sgt.u32 s24, $0x277  }
0x90: {  	v3 =	vld @!p1 [tilespmem:s22+$0xFFFFFE00];
	_ =	sdelay $0x2  }
0x91: {  	s23 =	sshll.u32 @!p1 s24, $0x7  }
0x92: {  	s23 =	sand.u32 @!p1 $0x3FFFFF80, s23  }
0x93: {  	[tilespmem:s23+$0x5380] =	vst.add.f32.msk @!p1 $0xffff, v3  }
0x94: {  	v3 =	vld @!p1 [tilespmem:s22+$0xFFFFFE10];
	_ =	sdelay $0x4  }
0x95: {  	[tilespmem:s23+$0x5390] =	vst.add.f32.msk @!p1 $0xffff, v3  }
0x96: {  	v3 =	vld @!p1 [tilespmem:s22+$0xFFFFFE20];
	_ =	sdelay $0x4  }
0x97: {  	[tilespmem:s23+$0x53A0] =	vst.add.f32.msk @!p1 $0xffff, v3  }
0x98: {  	v3 =	vld @!p1 [tilespmem:s22+$0xFFFFFE30];
	_ =	sdelay $0x4  }
0x99: {  	[tilespmem:s23+$0x53B0] =	vst.add.f32.msk @!p1 $0xffff, v3  }
0x9a: {  	v3 =	vld @!p1 [tilespmem:s22+$0xFFFFFE40];
	_ =	sdelay $0x4  }
0x9b: {  	[tilespmem:s23+$0x53C0] =	vst.add.f32.msk @!p1 $0xffff, v3  }
0x9c: {  	(v2sf) =	vpush v2, $0x5;
	v3 =	vld @!p1 [tilespmem:s22+$0xFFFFFE50];
	_ =	sdelay $0x4  }
0x9d: {  	[tilespmem:s23+$0x53D0] =	vst.add.f32.msk @!p1 $0xffff, v3  }
0x9e: {  	v3 =	vld @!p1 [tilespmem:s22+$0xFFFFFE60];
	_ =	sdelay $0x4  }
0x9f: {  	[tilespmem:s23+$0x53E0] =	vst.add.f32.msk @!p1 $0xffff, v3  }
0xa0: {  	v3 =	vld @!p1 [tilespmem:s22+$0xFFFFFE70];
	_ =	sdelay $0x2  }
0xa1: {  	s26 =	spop (v2sf)  }
0xa2: {  	s24 =	ssub.s32 s26, s5  }
0xa3: {  	[tilespmem:s23+$0x53F0] =	vst.add.f32.msk @!p1 $0xffff, v3;
	p1 =	sgt.u32 s24, $0x277  }
0xa4: {  	v3 =	vld @!p1 [tilespmem:s22+$0xFFFFFE80];
	_ =	sdelay $0x2  }
0xa5: {  	s23 =	sshll.u32 @!p1 s24, $0x7  }
0xa6: {  	s23 =	sand.u32 @!p1 $0x3FFFFF80, s23  }
0xa7: {  	[tilespmem:s23+$0x5380] =	vst.add.f32.msk @!p1 $0xffff, v3  }
0xa8: {  	v3 =	vld @!p1 [tilespmem:s22+$0xFFFFFE90];
	_ =	sdelay $0x4  }
0xa9: {  	[tilespmem:s23+$0x5390] =	vst.add.f32.msk @!p1 $0xffff, v3  }
0xaa: {  	v3 =	vld @!p1 [tilespmem:s22+$0xFFFFFEA0];
	_ =	sdelay $0x4  }
0xab: {  	[tilespmem:s23+$0x53A0] =	vst.add.f32.msk @!p1 $0xffff, v3  }
0xac: {  	v3 =	vld @!p1 [tilespmem:s22+$0xFFFFFEB0];
	_ =	sdelay $0x4  }
0xad: {  	[tilespmem:s23+$0x53B0] =	vst.add.f32.msk @!p1 $0xffff, v3  }
0xae: {  	v3 =	vld @!p1 [tilespmem:s22+$0xFFFFFEC0];
	_ =	sdelay $0x4  }
0xaf: {  	[tilespmem:s23+$0x53C0] =	vst.add.f32.msk @!p1 $0xffff, v3  }
0xb0: {  	(v2sf) =	vpush v2, $0x6;
	v3 =	vld @!p1 [tilespmem:s22+$0xFFFFFED0];
	_ =	sdelay $0x4  }
0xb1: {  	[tilespmem:s23+$0x53D0] =	vst.add.f32.msk @!p1 $0xffff, v3  }
0xb2: {  	v3 =	vld @!p1 [tilespmem:s22+$0xFFFFFEE0];
	_ =	sdelay $0x4  }
0xb3: {  	[tilespmem:s23+$0x53E0] =	vst.add.f32.msk @!p1 $0xffff, v3  }
0xb4: {  	v3 =	vld @!p1 [tilespmem:s22+$0xFFFFFEF0];
	_ =	sdelay $0x2  }
0xb5: {  	s28 =	spop (v2sf)  }
0xb6: {  	s24 =	ssub.s32 s28, s5  }
0xb7: {  	[tilespmem:s23+$0x53F0] =	vst.add.f32.msk @!p1 $0xffff, v3;
	p1 =	sgt.u32 s24, $0x277  }
0xb8: {  	v3 =	vld @!p1 [tilespmem:s22+$0xFFFFFF00];
	_ =	sdelay $0x2  }
0xb9: {  	s23 =	sshll.u32 @!p1 s24, $0x7  }
0xba: {  	s23 =	sand.u32 @!p1 $0x3FFFFF80, s23  }
0xbb: {  	[tilespmem:s23+$0x5380] =	vst.add.f32.msk @!p1 $0xffff, v3  }
0xbc: {  	v3 =	vld @!p1 [tilespmem:s22+$0xFFFFFF10];
	_ =	sdelay $0x4  }
0xbd: {  	[tilespmem:s23+$0x5390] =	vst.add.f32.msk @!p1 $0xffff, v3  }
0xbe: {  	v3 =	vld @!p1 [tilespmem:s22+$0xFFFFFF20];
	_ =	sdelay $0x4  }
0xbf: {  	[tilespmem:s23+$0x53A0] =	vst.add.f32.msk @!p1 $0xffff, v3  }
0xc0: {  	v3 =	vld @!p1 [tilespmem:s22+$0xFFFFFF30];
	_ =	sdelay $0x4  }
0xc1: {  	[tilespmem:s23+$0x53B0] =	vst.add.f32.msk @!p1 $0xffff, v3  }
0xc2: {  	v3 =	vld @!p1 [tilespmem:s22+$0xFFFFFF40];
	_ =	sdelay $0x4  }
0xc3: {  	[tilespmem:s23+$0x53C0] =	vst.add.f32.msk @!p1 $0xffff, v3  }
0xc4: {  	(v2sf) =	vpush v2, $0x7;
	v3 =	vld @!p1 [tilespmem:s22+$0xFFFFFF50];
	_ =	sdelay $0x4  }
0xc5: {  	[tilespmem:s23+$0x53D0] =	vst.add.f32.msk @!p1 $0xffff, v3  }
0xc6: {  	v3 =	vld @!p1 [tilespmem:s22+$0xFFFFFF60];
	_ =	sdelay $0x4  }
0xc7: {  	[tilespmem:s23+$0x53E0] =	vst.add.f32.msk @!p1 $0xffff, v3  }
0xc8: {  	v3 =	vld @!p1 [tilespmem:s22+$0xFFFFFF70];
	_ =	sdelay $0x2  }
0xc9: {  	s29 =	spop (v2sf)  }
0xca: {  	s24 =	ssub.s32 s29, s5  }
0xcb: {  	[tilespmem:s23+$0x53F0] =	vst.add.f32.msk @!p1 $0xffff, v3;
	p1 =	sgt.u32 s24, $0x277  }
0xcc: {  	v3 =	vld @!p1 [tilespmem:s22+$0xFFFFFF80];
	_ =	sdelay $0x2  }
0xcd: {  	s23 =	sshll.u32 @!p1 s24, $0x7  }
0xce: {  	s23 =	sand.u32 @!p1 $0x3FFFFF80, s23  }
0xcf: {  	[tilespmem:s23+$0x5380] =	vst.add.f32.msk @!p1 $0xffff, v3  }
0xd0: {  	v3 =	vld @!p1 [tilespmem:s22+$0xFFFFFF90];
	_ =	sdelay $0x4  }
0xd1: {  	[tilespmem:s23+$0x5390] =	vst.add.f32.msk @!p1 $0xffff, v3  }
0xd2: {  	v3 =	vld @!p1 [tilespmem:s22+$0xFFFFFFA0];
	_ =	sdelay $0x4  }
0xd3: {  	[tilespmem:s23+$0x53A0] =	vst.add.f32.msk @!p1 $0xffff, v3  }
0xd4: {  	v3 =	vld @!p1 [tilespmem:s22+$0xFFFFFFB0];
	_ =	sdelay $0x4  }
0xd5: {  	[tilespmem:s23+$0x53B0] =	vst.add.f32.msk @!p1 $0xffff, v3  }
0xd6: {  	v3 =	vld @!p1 [tilespmem:s22+$0xFFFFFFC0];
	_ =	sdelay $0x4  }
0xd7: {  	[tilespmem:s23+$0x53C0] =	vst.add.f32.msk @!p1 $0xffff, v3  }
0xd8: {  	(v2sf) =	vpush v2, $0x8;
	v3 =	vld @!p1 [tilespmem:s22+$0xFFFFFFD0];
	_ =	sdelay $0x4  }
0xd9: {  	[tilespmem:s23+$0x53D0] =	vst.add.f32.msk @!p1 $0xffff, v3  }
0xda: {  	v3 =	vld @!p1 [tilespmem:s22+$0xFFFFFFE0];
	_ =	sdelay $0x4  }
0xdb: {  	[tilespmem:s23+$0x53E0] =	vst.add.f32.msk @!p1 $0xffff, v3  }
0xdc: {  	v3 =	vld @!p1 [tilespmem:s22+$0xFFFFFFF0];
	_ =	sdelay $0x2  }
0xdd: {  	s30 =	spop (v2sf)  }
0xde: {  	s24 =	ssub.s32 s30, s5  }
0xdf: {  	[tilespmem:s23+$0x53F0] =	vst.add.f32.msk @!p1 $0xffff, v3;
	p1 =	sgt.u32 s24, $0x277  }
0xe0: {  	v3 =	vld @!p1 [tilespmem:s22+$0x0];
	_ =	sdelay $0x2  }
0xe1: {  	s23 =	sshll.u32 @!p1 s24, $0x7  }
0xe2: {  	s23 =	sand.u32 @!p1 $0x3FFFFF80, s23  }
0xe3: {  	[tilespmem:s23+$0x5380] =	vst.add.f32.msk @!p1 $0xffff, v3  }
0xe4: {  	v3 =	vld @!p1 [tilespmem:s22+$0x10];
	_ =	sdelay $0x4  }
0xe5: {  	[tilespmem:s23+$0x5390] =	vst.add.f32.msk @!p1 $0xffff, v3  }
0xe6: {  	v3 =	vld @!p1 [tilespmem:s22+$0x20];
	_ =	sdelay $0x4  }
0xe7: {  	[tilespmem:s23+$0x53A0] =	vst.add.f32.msk @!p1 $0xffff, v3  }
0xe8: {  	v3 =	vld @!p1 [tilespmem:s22+$0x30];
	_ =	sdelay $0x4  }
0xe9: {  	[tilespmem:s23+$0x53B0] =	vst.add.f32.msk @!p1 $0xffff, v3  }
0xea: {  	v3 =	vld @!p1 [tilespmem:s22+$0x40];
	_ =	sdelay $0x4  }
0xeb: {  	[tilespmem:s23+$0x53C0] =	vst.add.f32.msk @!p1 $0xffff, v3  }
0xec: {  	(v2sf) =	vpush v2, $0x9;
	v3 =	vld @!p1 [tilespmem:s22+$0x50];
	_ =	sdelay $0x4  }
0xed: {  	[tilespmem:s23+$0x53D0] =	vst.add.f32.msk @!p1 $0xffff, v3  }
0xee: {  	v3 =	vld @!p1 [tilespmem:s22+$0x60];
	_ =	sdelay $0x4  }
0xef: {  	[tilespmem:s23+$0x53E0] =	vst.add.f32.msk @!p1 $0xffff, v3  }
0xf0: {  	v3 =	vld @!p1 [tilespmem:s22+$0x70];
	_ =	sdelay $0x2  }
0xf1: {  	s31 =	spop (v2sf)  }
0xf2: {  	s24 =	ssub.s32 s31, s5  }
0xf3: {  	[tilespmem:s23+$0x53F0] =	vst.add.f32.msk @!p1 $0xffff, v3;
	p1 =	sgt.u32 s24, $0x277  }
0xf4: {  	v3 =	vld @!p1 [tilespmem:s22+$0x80];
	_ =	sdelay $0x2  }
0xf5: {  	s23 =	sshll.u32 @!p1 s24, $0x7  }
0xf6: {  	s23 =	sand.u32 @!p1 $0x3FFFFF80, s23  }
0xf7: {  	[tilespmem:s23+$0x5380] =	vst.add.f32.msk @!p1 $0xffff, v3  }
0xf8: {  	v3 =	vld @!p1 [tilespmem:s22+$0x90];
	_ =	sdelay $0x4  }
0xf9: {  	[tilespmem:s23+$0x5390] =	vst.add.f32.msk @!p1 $0xffff, v3  }
0xfa: {  	v3 =	vld @!p1 [tilespmem:s22+$0xA0];
	_ =	sdelay $0x4  }
0xfb: {  	[tilespmem:s23+$0x53A0] =	vst.add.f32.msk @!p1 $0xffff, v3  }
0xfc: {  	v3 =	vld @!p1 [tilespmem:s22+$0xB0];
	_ =	sdelay $0x4  }
0xfd: {  	[tilespmem:s23+$0x53B0] =	vst.add.f32.msk @!p1 $0xffff, v3  }
0xfe: {  	v3 =	vld @!p1 [tilespmem:s22+$0xC0];
	_ =	sdelay $0x4  }
0xff: {  	[tilespmem:s23+$0x53C0] =	vst.add.f32.msk @!p1 $0xffff, v3  }
0x100: {  	(v2sf) =	vpush v2, $0xA;
	v3 =	vld @!p1 [tilespmem:s22+$0xD0];
	_ =	sdelay $0x4  }
0x101: {  	[tilespmem:s23+$0x53D0] =	vst.add.f32.msk @!p1 $0xffff, v3  }
0x102: {  	v3 =	vld @!p1 [tilespmem:s22+$0xE0];
	_ =	sdelay $0x4  }
0x103: {  	[tilespmem:s23+$0x53E0] =	vst.add.f32.msk @!p1 $0xffff, v3  }
0x104: {  	v3 =	vld @!p1 [tilespmem:s22+$0xF0];
	_ =	sdelay $0x2  }
0x105: {  	s25 =	spop (v2sf)  }
0x106: {  	s24 =	ssub.s32 s25, s5  }
0x107: {  	[tilespmem:s23+$0x53F0] =	vst.add.f32.msk @!p1 $0xffff, v3;
	p1 =	sgt.u32 s24, $0x277  }
0x108: {  	v3 =	vld @!p1 [tilespmem:s22+$0x100];
	_ =	sdelay $0x2  }
0x109: {  	s23 =	sshll.u32 @!p1 s24, $0x7  }
0x10a: {  	s23 =	sand.u32 @!p1 $0x3FFFFF80, s23  }
0x10b: {  	[tilespmem:s23+$0x5380] =	vst.add.f32.msk @!p1 $0xffff, v3  }
0x10c: {  	v3 =	vld @!p1 [tilespmem:s22+$0x110];
	_ =	sdelay $0x4  }
0x10d: {  	[tilespmem:s23+$0x5390] =	vst.add.f32.msk @!p1 $0xffff, v3  }
0x10e: {  	v3 =	vld @!p1 [tilespmem:s22+$0x120];
	_ =	sdelay $0x4  }
0x10f: {  	[tilespmem:s23+$0x53A0] =	vst.add.f32.msk @!p1 $0xffff, v3  }
0x110: {  	v3 =	vld @!p1 [tilespmem:s22+$0x130];
	_ =	sdelay $0x4  }
0x111: {  	[tilespmem:s23+$0x53B0] =	vst.add.f32.msk @!p1 $0xffff, v3  }
0x112: {  	v3 =	vld @!p1 [tilespmem:s22+$0x140];
	_ =	sdelay $0x4  }
0x113: {  	[tilespmem:s23+$0x53C0] =	vst.add.f32.msk @!p1 $0xffff, v3  }
0x114: {  	(v2sf) =	vpush v2, $0xB;
	v3 =	vld @!p1 [tilespmem:s22+$0x150];
	_ =	sdelay $0x4  }
0x115: {  	[tilespmem:s23+$0x53D0] =	vst.add.f32.msk @!p1 $0xffff, v3  }
0x116: {  	v3 =	vld @!p1 [tilespmem:s22+$0x160];
	_ =	sdelay $0x4  }
0x117: {  	[tilespmem:s23+$0x53E0] =	vst.add.f32.msk @!p1 $0xffff, v3  }
0x118: {  	v3 =	vld @!p1 [tilespmem:s22+$0x170];
	_ =	sdelay $0x2  }
0x119: {  	s26 =	spop (v2sf)  }
0x11a: {  	s24 =	ssub.s32 s26, s5  }
0x11b: {  	[tilespmem:s23+$0x53F0] =	vst.add.f32.msk @!p1 $0xffff, v3;
	p1 =	sgt.u32 s24, $0x277  }
0x11c: {  	v3 =	vld @!p1 [tilespmem:s22+$0x180];
	_ =	sdelay $0x2  }
0x11d: {  	s23 =	sshll.u32 @!p1 s24, $0x7  }
0x11e: {  	s23 =	sand.u32 @!p1 $0x3FFFFF80, s23  }
0x11f: {  	[tilespmem:s23+$0x5380] =	vst.add.f32.msk @!p1 $0xffff, v3  }
0x120: {  	v3 =	vld @!p1 [tilespmem:s22+$0x190];
	_ =	sdelay $0x4  }
0x121: {  	[tilespmem:s23+$0x5390] =	vst.add.f32.msk @!p1 $0xffff, v3  }
0x122: {  	v3 =	vld @!p1 [tilespmem:s22+$0x1A0];
	_ =	sdelay $0x4  }
0x123: {  	[tilespmem:s23+$0x53A0] =	vst.add.f32.msk @!p1 $0xffff, v3  }
0x124: {  	v3 =	vld @!p1 [tilespmem:s22+$0x1B0];
	_ =	sdelay $0x4  }
0x125: {  	[tilespmem:s23+$0x53B0] =	vst.add.f32.msk @!p1 $0xffff, v3  }
0x126: {  	v3 =	vld @!p1 [tilespmem:s22+$0x1C0];
	_ =	sdelay $0x4  }
0x127: {  	[tilespmem:s23+$0x53C0] =	vst.add.f32.msk @!p1 $0xffff, v3  }
0x128: {  	(v2sf) =	vpush v2, $0xC;
	v3 =	vld @!p1 [tilespmem:s22+$0x1D0];
	_ =	sdelay $0x4  }
0x129: {  	[tilespmem:s23+$0x53D0] =	vst.add.f32.msk @!p1 $0xffff, v3  }
0x12a: {  	v3 =	vld @!p1 [tilespmem:s22+$0x1E0];
	_ =	sdelay $0x4  }
0x12b: {  	[tilespmem:s23+$0x53E0] =	vst.add.f32.msk @!p1 $0xffff, v3  }
0x12c: {  	v3 =	vld @!p1 [tilespmem:s22+$0x1F0];
	_ =	sdelay $0x2  }
0x12d: {  	s28 =	spop (v2sf)  }
0x12e: {  	s24 =	ssub.s32 s28, s5  }
0x12f: {  	[tilespmem:s23+$0x53F0] =	vst.add.f32.msk @!p1 $0xffff, v3;
	p1 =	sgt.u32 s24, $0x277  }
0x130: {  	v3 =	vld @!p1 [tilespmem:s22+$0x200];
	_ =	sdelay $0x2  }
0x131: {  	s23 =	sshll.u32 @!p1 s24, $0x7  }
0x132: {  	s23 =	sand.u32 @!p1 $0x3FFFFF80, s23  }
0x133: {  	[tilespmem:s23+$0x5380] =	vst.add.f32.msk @!p1 $0xffff, v3  }
0x134: {  	v3 =	vld @!p1 [tilespmem:s22+$0x210];
	_ =	sdelay $0x4  }
0x135: {  	[tilespmem:s23+$0x5390] =	vst.add.f32.msk @!p1 $0xffff, v3  }
0x136: {  	v3 =	vld @!p1 [tilespmem:s22+$0x220];
	_ =	sdelay $0x4  }
0x137: {  	[tilespmem:s23+$0x53A0] =	vst.add.f32.msk @!p1 $0xffff, v3  }
0x138: {  	v3 =	vld @!p1 [tilespmem:s22+$0x230];
	_ =	sdelay $0x4  }
0x139: {  	[tilespmem:s23+$0x53B0] =	vst.add.f32.msk @!p1 $0xffff, v3  }
0x13a: {  	v3 =	vld @!p1 [tilespmem:s22+$0x240];
	_ =	sdelay $0x4  }
0x13b: {  	[tilespmem:s23+$0x53C0] =	vst.add.f32.msk @!p1 $0xffff, v3  }
0x13c: {  	(v2sf) =	vpush v2, $0xD;
	v3 =	vld @!p1 [tilespmem:s22+$0x250];
	_ =	sdelay $0x4  }
0x13d: {  	[tilespmem:s23+$0x53D0] =	vst.add.f32.msk @!p1 $0xffff, v3  }
0x13e: {  	v3 =	vld @!p1 [tilespmem:s22+$0x260];
	_ =	sdelay $0x4  }
0x13f: {  	[tilespmem:s23+$0x53E0] =	vst.add.f32.msk @!p1 $0xffff, v3  }
0x140: {  	v3 =	vld @!p1 [tilespmem:s22+$0x270];
	_ =	sdelay $0x2  }
0x141: {  	s29 =	spop (v2sf)  }
0x142: {  	s24 =	ssub.s32 s29, s5  }
0x143: {  	[tilespmem:s23+$0x53F0] =	vst.add.f32.msk @!p1 $0xffff, v3;
	p1 =	sgt.u32 s24, $0x277  }
0x144: {  	v3 =	vld @!p1 [tilespmem:s22+$0x280];
	_ =	sdelay $0x2  }
0x145: {  	s23 =	sshll.u32 @!p1 s24, $0x7  }
0x146: {  	s23 =	sand.u32 @!p1 $0x3FFFFF80, s23  }
0x147: {  	[tilespmem:s23+$0x5380] =	vst.add.f32.msk @!p1 $0xffff, v3  }
0x148: {  	v3 =	vld @!p1 [tilespmem:s22+$0x290];
	_ =	sdelay $0x4  }
0x149: {  	[tilespmem:s23+$0x5390] =	vst.add.f32.msk @!p1 $0xffff, v3  }
0x14a: {  	v3 =	vld @!p1 [tilespmem:s22+$0x2A0];
	_ =	sdelay $0x4  }
0x14b: {  	[tilespmem:s23+$0x53A0] =	vst.add.f32.msk @!p1 $0xffff, v3  }
0x14c: {  	v3 =	vld @!p1 [tilespmem:s22+$0x2B0];
	_ =	sdelay $0x4  }
0x14d: {  	[tilespmem:s23+$0x53B0] =	vst.add.f32.msk @!p1 $0xffff, v3  }
0x14e: {  	v3 =	vld @!p1 [tilespmem:s22+$0x2C0];
	_ =	sdelay $0x4  }
0x14f: {  	[tilespmem:s23+$0x53C0] =	vst.add.f32.msk @!p1 $0xffff, v3  }
0x150: {  	(v2sf) =	vpush v2, $0xE;
	v3 =	vld @!p1 [tilespmem:s22+$0x2D0];
	_ =	sdelay $0x4  }
0x151: {  	[tilespmem:s23+$0x53D0] =	vst.add.f32.msk @!p1 $0xffff, v3  }
0x152: {  	v3 =	vld @!p1 [tilespmem:s22+$0x2E0];
	_ =	sdelay $0x4  }
0x153: {  	[tilespmem:s23+$0x53E0] =	vst.add.f32.msk @!p1 $0xffff, v3  }
0x154: {  	v3 =	vld @!p1 [tilespmem:s22+$0x2F0];
	_ =	sdelay $0x2  }
0x155: {  	s30 =	spop (v2sf)  }
0x156: {  	s24 =	ssub.s32 s30, s5  }
0x157: {  	[tilespmem:s23+$0x53F0] =	vst.add.f32.msk @!p1 $0xffff, v3;
	p1 =	sgt.u32 s24, $0x277  }
0x158: {  	v3 =	vld @!p1 [tilespmem:s22+$0x300];
	_ =	sdelay $0x2  }
0x159: {  	s23 =	sshll.u32 @!p1 s24, $0x7  }
0x15a: {  	s23 =	sand.u32 @!p1 $0x3FFFFF80, s23  }
0x15b: {  	[tilespmem:s23+$0x5380] =	vst.add.f32.msk @!p1 $0xffff, v3  }
0x15c: {  	v3 =	vld @!p1 [tilespmem:s22+$0x310];
	_ =	sdelay $0x4  }
0x15d: {  	[tilespmem:s23+$0x5390] =	vst.add.f32.msk @!p1 $0xffff, v3  }
0x15e: {  	v3 =	vld @!p1 [tilespmem:s22+$0x320];
	_ =	sdelay $0x4  }
0x15f: {  	[tilespmem:s23+$0x53A0] =	vst.add.f32.msk @!p1 $0xffff, v3  }
0x160: {  	v3 =	vld @!p1 [tilespmem:s22+$0x330];
	_ =	sdelay $0x4  }
0x161: {  	[tilespmem:s23+$0x53B0] =	vst.add.f32.msk @!p1 $0xffff, v3  }
0x162: {  	v3 =	vld @!p1 [tilespmem:s22+$0x340];
	_ =	sdelay $0x4  }
0x163: {  	[tilespmem:s23+$0x53C0] =	vst.add.f32.msk @!p1 $0xffff, v3  }
0x164: {  	(v2sf) =	vpush v2, $0xF;
	v3 =	vld @!p1 [tilespmem:s22+$0x350];
	_ =	sdelay $0x4  }
0x165: {  	[tilespmem:s23+$0x53D0] =	vst.add.f32.msk @!p1 $0xffff, v3  }
0x166: {  	v2 =	vld @!p1 [tilespmem:s22+$0x360];
	_ =	sdelay $0x4  }
0x167: {  	[tilespmem:s23+$0x53E0] =	vst.add.f32.msk @!p1 $0xffff, v2  }
0x168: {  	v2 =	vld @!p1 [tilespmem:s22+$0x370];
	_ =	sdelay $0x2  }
0x169: {  	s31 =	spop (v2sf)  }
0x16a: {  	s24 =	ssub.s32 s31, s5  }
0x16b: {  	[tilespmem:s23+$0x53F0] =	vst.add.f32.msk @!p1 $0xffff, v2;
	p1 =	sgt.u32 s24, $0x277  }
0x16c: {  	v2 =	vld @!p1 [tilespmem:s22+$0x380];
	_ =	sdelay $0x2  }
0x16d: {  	s23 =	sshll.u32 @!p1 s24, $0x7  }
0x16e: {  	s23 =	sand.u32 @!p1 $0x3FFFFF80, s23  }
0x16f: {  	[tilespmem:s23+$0x5380] =	vst.add.f32.msk @!p1 $0xffff, v2  }
0x170: {  	v2 =	vld @!p1 [tilespmem:s22+$0x390];
	_ =	sdelay $0x4  }
0x171: {  	[tilespmem:s23+$0x5390] =	vst.add.f32.msk @!p1 $0xffff, v2  }
0x172: {  	v2 =	vld @!p1 [tilespmem:s22+$0x3A0];
	_ =	sdelay $0x4  }
0x173: {  	[tilespmem:s23+$0x53A0] =	vst.add.f32.msk @!p1 $0xffff, v2  }
0x174: {  	v2 =	vld @!p1 [tilespmem:s22+$0x3B0];
	_ =	sdelay $0x4  }
0x175: {  	[tilespmem:s23+$0x53B0] =	vst.add.f32.msk @!p1 $0xffff, v2  }
0x176: {  	v2 =	vld @!p1 [tilespmem:s22+$0x3C0];
	_ =	sdelay $0x4  }
0x177: {  	[tilespmem:s23+$0x53C0] =	vst.add.f32.msk @!p1 $0xffff, v2  }
0x178: {  	v2 =	vld @!p1 [tilespmem:s22+$0x3D0];
	_ =	sdelay $0x4  }
0x179: {  	[tilespmem:s23+$0x53D0] =	vst.add.f32.msk @!p1 $0xffff, v2  }
0x17a: {  	v2 =	vld @!p1 [tilespmem:s22+$0x3E0];
	_ =	sdelay $0x4  }
0x17b: {  	s21 =	sadd.s32 $0x40, s21;
	[tilespmem:s23+$0x53E0] =	vst.add.f32.msk @!p1 $0xffff, v2  }
0x17c: {  	p2 =	sne.s32 s21, $0x280;
	v2 =	vld @!p1 [tilespmem:s22+$0x3F0]  }
.Ltmp1:
0x17d: {  	_ = 	snop;
	(pc) =	sbr.rel @p2 .LBB2_6-.Ltmp1, $2  }
0x17e: {  	_ =	sdelay $0x2  }
0x17f: {  	s22 =	sadd.s32 $0x800, s22;
	[tilespmem:s23+$0x53F0] =	vst.add.f32.msk @!p1 $0xffff, v2  }
0x180: {  	s20 =	sadd.s32 $0x1, s20  }
0x181: {  	p1 =	sne.s32 s20, $0x5  }
.Ltmp2:
0x182: {  	_ = 	snop;
	(pc) =	sbr.rel @p1 .LBB2_5-.Ltmp2, $2  }
0x183: {  	_ =	sdelay $0x2  }
0x184: {  	s19 =	sadd.s32 $0xA0, s19  }
0x185: {  	s17 =	sadd.s32 $0x1, s17  }
0x186: {  	p1 =	sne.s32 s17, $0x190  }
.Ltmp3:
0x187: {  	_ = 	snop;
	(pc) =	sbr.rel @p1 .LBB2_4-.Ltmp3, $1  }
0x188: {  	_ =	sdelay $0x3  }
0x189: {  	[hbm4b:s7+s2] =	stream.linear.scatter [tilespmem:s14], [sflag:$0x1], $0x10400, $0x38;
	[tilespmem:$0x18F80] =	vst v63  }
0x18a: {  	_ =	swait.ge [sflag:s12], $0x10400  }
0x18b: {  	s16 =	simm.s32 @!p0 $0x0;
	s15 =	sadd.s32 $0x1, s15;
	[sflag:s12] =	ssyncset.done $0x0  }
0x18c: {  	s17 =	simm.s32 @!p0 $0x15780;
	p1 =	sne.s32 s15, s9;
	[sflag:s12] =	ssyncadd.s32 $0xFFFEFC00  }
0x18d: {  	[hbm4b:s8+s16] =	stream.linear.scatter @!p0 [tilespmem:s17], [sflag:$0x1], $0x3800, $0x38;
	[tilespmem:$0x18F80] =	vst v63  }
.Ltmp4:
0x18e: {  	_ = 	snop;
	(pc) =	sbr.rel @p1 .LBB2_1-.Ltmp4, $4  }
0x18f: {  	s16 =	simm.s32 @!p0 $0x1  }
0x190: {  	_ =	swait.ge @!p0 [sflag:s16], $0x3800  }
0x191: {  	[sflag:s16] =	ssyncset.done @!p0 $0x0  }
0x192: {  	[sflag:s16] =	ssyncadd.s32 @!p0 $0xFFFFC800  }
0x193: {  	_ =	sfence.sel $0x180000  }
0x194: {  	[bflag:$0x0] =	sbarrier.arrive $0xFFFF  }
0x195: {  	p0 =	sne.s32 s1, $0x0;
	_ =	strace $0x9000004A  }
0x196: {  	s0 =	sadd.s32 @!p0 $0x100000, s0;
	[bflag:$0x2] =	sbarrier.arrive $0xFFFF  }
0x197: {  	[sflag:s0] =	ssyncadd.tile.s32 @!p0 $0x1;
	_ =	shalt  }
.Lfunc_end2:
_tile_overlayer_lowered:
.L_overlay_start_2:
0x198: {  	(tag) =	ssettag $0x2  }
0x199: {  	s0 =	rddreg [dreg:$0x0];
	s2 =	stileid.u32  }
0x19a: {  	s1 =	rddreg [dreg:$0x1];
	p0 =	sne.s32 s2, $0x0  }
0x19b: {  	s3 =	rddreg [dreg:$0x2];
	[bflag:$0x3] =	sbarrier.arrive $0xFFFF;
	s2 =	simm.s32 @!p0 $0x1C01  }
0x19c: {  	[timem:s3], [sflag:s2] =	dma.local @!p0 [hbm:s0], s1  }
0x19d: {  	s0 =	simm.s32 @!p0 $0x1  }
0x19e: {  	_ =	swait.ge @!p0 [sflag:s0], s1  }
0x19f: {  	s1 =	ssub.s32 @!p0 $0x0, s1;
	[sflag:s0] =	ssyncset.done @!p0 $0x0  }
0x1a0: {  	[sflag:s0] =	ssyncadd.s32 @!p0 s1  }
0x1a1: {  	[bflag:$0x3] =	sbarrier.arrive $0xFFFF  }
0x1a2: {  	_ =	shalt  }

// kernel: kernel.8.cloned.1.call-start
scs
__scs_entry_jumppad:
0x0: {  	(pc) =	sbr.rel $0x88, $3  }
0x1: {  	(tag) =	ssettag $0x0;
	lr =	simm.s32 $0x1  }
0x2: {  	[smem:$0x3F90] =	sst lr;
	_ =	strace $0xD0000000  }
0x3: {  	_ = 	snop  }
0x4: {  	_ = 	snop  }
0x5: {  	_ = 	snop  }
0x6: {  	_ = 	snop  }
0x7: {  	_ = 	snop  }
__scs_overlays_trampoline_lowered:
0x8: {  	[smem:$0x3F9F] =	sst s0  }
0x9: {  	[smem:$0x3FA0] =	sst s1  }
0xa: {  	[smem:$0x3FA1] =	sst s2  }
0xb: {  	[smem:$0x3FA2] =	sst s3  }
0xc: {  	[smem:$0x3FA3] =	sst s4  }
0xd: {  	[smem:$0x3FA4] =	sst s5  }
0xe: {  	[smem:$0x3FA5] =	sst s6  }
0xf: {  	[smem:$0x3FA6] =	sst s7  }
0x10: {  	[smem:$0x3FA7] =	sst s8  }
0x11: {  	[smem:$0x3FA8] =	sst s9;
	s0 =	simm.s32 @!p0 $0x0  }
0x12: {  	s1 =	sld [smem:$0x3F8E];
	s0 =	simm.s32 @p0 $0x1  }
0x13: {  	[smem:$0x3FA9] =	sst s0;
	s0 =	simm.s32 @!p1 $0x0  }
0x14: {  	s2 =	sld [smem:$0x3F8D];
	s0 =	simm.s32 @p1 $0x1  }
0x15: {  	[smem:$0x3FAA] =	sst s0;
	s0 =	simm.s32 @!p2 $0x0  }
0x16: {  	s3 =	sld [smem:$0x3FDB];
	s0 =	simm.s32 @p2 $0x1  }
0x17: {  	s4 =	simm.s32 $0x1BF5;
	[smem:$0x3FAC] =	sst s0  }
0x18: {  	s0 =	sld [smem:$0x3F8F];
	_ =	swait.ge [sflag:s4], $0x0  }
0x19: {  	s7 =	sld [smem:$0x3F90]  }
0x1a: {  	s8 =	sadd.s32 $0xFFFFE003, lr  }
0x1b: {  	s9 =	sadd.s32 $0xFFFFFEF7, lr;
	s5 =	simm.s32 $0xFFFFFFFF;
	p2 =	slt.u32 s8, $0xFFFFF086  }
0x1c: {  	p1 =	slt.u32 s9, $0xF7A;
	s5 =	simm.s32 @!p2 $0x0  }
0x1d: {  	s5 =	simm.s32 @p1 $0x1;
	p0 =	seq.s32 s7, s2  }
0x1e: {  	s7 =	smul.u32 @!p0 $0xF7A, s2;
	p2 =	seq.s32 @!p0 s5, $0x0  }
0x1f: {  	s9 =	smul.u32 $0xF7A, s1;
	s8 =	simm.s32 @!p0 $0x1BF5;
	p2 =	por !p2, p0  }
0x20: {  	[sflag:s8] =	ssyncset.s32 @!p0 $0xFFFFF086;
	s6 =	sadd.s32 @!p0 s3, s7;
	s7 =	simm.s32 @!p0 $0x108  }
0x21: {  	s3 =	sadd.s32 s3, s9;
	s6 =	sadd.s32 @!p0 $0x88, s6;
	s7 =	simm.s32 @p2 $0x1082  }
0x22: {  	[simem:s7], [sflag:s8] =	dma.local @!p0 [hbm:s6], $0xF7A  }
0x23: {  	s9 =	sor.u32 $0xD0000000, s2;
	s6 =	simm.s32 $0x108;
	_ =	swait.ge @!p0 [sflag:s8], $0x0  }
0x24: {  	s3 =	sadd.s32 $0x88, s3;
	s6 =	simm.s32 @!p1 $0x1082;
	[sflag:s4] =	ssyncset.s32 $0xFFFFF086  }
0x25: {  	[simem:s6], [sflag:s4] =	dma.local [hbm:s3], $0xF7A  }
0x26: {  	[smem:$0x3F90] =	sst s1;
	(tag) =	ssettag s2;
	_ =	strace s9  }
0x27: {  	s1 =	sld [smem:$0x3FA0]  }
0x28: {  	s2 =	sld [smem:$0x3FA1]  }
0x29: {  	s4 =	sld [smem:$0x3FA3]  }
0x2a: {  	p0 =	seq.s32 s5, $0x0;
	s5 =	sld [smem:$0x3FA4]  }
0x2b: {  	s6 =	sld [smem:$0x3FA5]  }
0x2c: {  	s7 =	sld [smem:$0x3FA6]  }
0x2d: {  	s3 =	simm.s32 $0x108;
	s8 =	sld [smem:$0x3FA7]  }
0x2e: {  	s3 =	simm.s32 @!p0 $0x1082;
	s9 =	sld [smem:$0x3FA8]  }
0x2f: {  	lr =	sadd.s32 s0, s3;
	s0 =	sld [smem:$0x3F9F]  }
0x30: {  	s3 =	sld [smem:$0x3FA2]  }
0x31: {  	[smem:$0x3FAB] =	sst s10  }
0x32: {  	s10 =	sld [smem:$0x3FA9];
	_ =	sdelay $0x3  }
0x33: {  	p0 =	seq.s32 s10, $0x1;
	s10 =	sld [smem:$0x3FAB];
	_ =	sdelay $0x3  }
0x34: {  	[smem:$0x3FAB] =	sst s10  }
0x35: {  	s10 =	sld [smem:$0x3FAA];
	_ =	sdelay $0x3  }
0x36: {  	p1 =	seq.s32 s10, $0x1;
	s10 =	sld [smem:$0x3FAB];
	_ =	sdelay $0x3  }
0x37: {  	[smem:$0x3FAB] =	sst s10  }
0x38: {  	s10 =	sld [smem:$0x3FAC]  }
0x39: {  	_ = 	snop;
	(pc) =	sbr.ind lr, $3  }
0x3a: {  	_ = 	snop  }
0x3b: {  	_ = 	snop  }
0x3c: {  	p2 =	seq.s32 s10, $0x1;
	s10 =	sld [smem:$0x3FAB]  }
0x3d: {  	_ =	shalt  }
0x3e: {  	_ =	shalt  }
0x3f: {  	_ =	shalt  }
0x40: {  	_ =	shalt  }
0x41: {  	_ =	shalt  }
0x42: {  	_ =	shalt  }
0x43: {  	_ =	shalt  }
0x44: {  	_ =	shalt  }
0x45: {  	_ =	shalt  }
0x46: {  	_ =	shalt  }
0x47: {  	_ =	shalt  }
0x48: {  	_ =	shalt  }
0x49: {  	_ =	shalt  }
0x4a: {  	_ =	shalt  }
0x4b: {  	_ =	shalt  }
0x4c: {  	_ =	shalt  }
0x4d: {  	_ =	shalt  }
0x4e: {  	_ =	shalt  }
0x4f: {  	_ =	shalt  }
0x50: {  	_ =	shalt  }
0x51: {  	_ =	shalt  }
0x52: {  	_ =	shalt  }
0x53: {  	_ =	shalt  }
0x54: {  	_ =	shalt  }
0x55: {  	_ =	shalt  }
0x56: {  	_ =	shalt  }
0x57: {  	_ =	shalt  }
0x58: {  	_ =	shalt  }
0x59: {  	_ =	shalt  }
0x5a: {  	_ =	shalt  }
0x5b: {  	_ =	shalt  }
0x5c: {  	_ =	shalt  }
0x5d: {  	_ =	shalt  }
0x5e: {  	_ =	shalt  }
0x5f: {  	_ =	shalt  }
0x60: {  	_ =	shalt  }
0x61: {  	_ =	shalt  }
0x62: {  	_ =	shalt  }
0x63: {  	_ =	shalt  }
0x64: {  	_ =	shalt  }
0x65: {  	_ =	shalt  }
0x66: {  	_ =	shalt  }
0x67: {  	_ =	shalt  }
0x68: {  	_ =	shalt  }
0x69: {  	_ =	shalt  }
0x6a: {  	_ =	shalt  }
0x6b: {  	_ =	shalt  }
0x6c: {  	_ =	shalt  }
0x6d: {  	_ =	shalt  }
0x6e: {  	_ =	shalt  }
0x6f: {  	_ =	shalt  }
0x70: {  	_ =	shalt  }
0x71: {  	_ =	shalt  }
0x72: {  	_ =	shalt  }
0x73: {  	_ =	shalt  }
0x74: {  	_ =	shalt  }
0x75: {  	_ =	shalt  }
0x76: {  	_ =	shalt  }
0x77: {  	_ =	shalt  }
0x78: {  	_ =	shalt  }
0x79: {  	_ =	shalt  }
0x7a: {  	_ =	shalt  }
0x7b: {  	_ =	shalt  }
0x7c: {  	_ =	shalt  }
0x7d: {  	_ =	shalt  }
0x7e: {  	_ =	shalt  }
0x7f: {  	_ =	shalt  }
0x80: {  	_ =	shalt  }
0x81: {  	_ =	shalt  }
0x82: {  	_ =	shalt  }
0x83: {  	_ =	shalt  }
0x84: {  	_ =	shalt  }
0x85: {  	_ =	shalt  }
0x86: {  	_ =	shalt  }
0x87: {  	_ =	shalt  }
.Lfunc_end0:
.L_simem_size_0:
called_computation_lowered:
.L_overlay_start_0:
0x88: {  	s2 =	sld [smem:$0x3FD9]  }
0x89: {  	s3 =	sld [smem:$0x3FFE];
	_ =	sdelay $0x1  }
0x8a: {  	s1 =	srdreg.scid  }
0x8b: {  	s0 =	sand.u32 $0x1, s1  }
0x8c: {  	s14 =	sshll.u32 s0, $0xA;
	s2 =	sadd.s32 s3, s2  }
0x8d: {  	s2 =	sadd.s32 s2, s14  }
0x8e: {  	[smem:$0x3FB7] =	sst s2  }
0x8f: {  	_ = 	snop  }
0x90: {  	s2 =	sld [smem:$0x3FD0];
	_ =	sdelay $0x2  }
0x91: {  	s15 =	simm.s32 $0xA;
	s4 =	simm.s32 $0x10  }
0x92: {  	[smem:s4], [sflag:s15] =	dma.local [hbm:s2], $0x1  }
0x93: {  	_ =	swait.eq [sflag:s15], $0x1  }
0x94: {  	[sflag:s15] =	ssyncset.done $0x0  }
0x95: {  	[sflag:s15] =	ssyncadd.s32 $0xFFFFFFFF  }
0x96: {  	s16 =	sld [smem:$0x11];
	(tm) =	ssettm $0x1  }
0x97: {  	s17 =	sld [smem:$0x3FFB];
	_ =	sdelay $0x3  }
0x98: {  	_ =	strace s17  }
0x99: {  	s3 =	sld [smem:$0x3FFC];
	_ =	sdelay $0x3  }
0x9a: {  	_ =	strace s3  }
0x9b: {  	s3 =	sld [smem:$0x3FFD];
	_ =	sdelay $0x3  }
0x9c: {  	_ =	strace s3  }
0x9d: {  	_ =	strace $0x8FFFFFFF  }
0x9e: {  	s18 =	sld [smem:$0x3FDB];
	_ =	sdelay $0x1  }
0x9f: {  	s19 =	simm.s32 $_scs_section_size  }
0xa0: {  	s5 =	simm.s32 $_size__tile_overlayer_lowered;
	s6 =	simm.s32 $_tile_overlayer_lowered  }
0xa1: {  	s22 =	simm.s32 $0x1BFF;
	s21 =	sshll.u32 s6, $0x1;
	s3 =	sadd.s32 s19, s18  }
0xa2: {  	s7 =	simm.s32 $0x0;
	s20 =	sshll.u32 s5, $0x1;
	s5 =	sadd.s32 s21, s3  }
0xa3: {  	[timem:s7], [sflag:s22] =	dma.local [hbm:s5], s20  }
0xa4: {  	_ =	swait.ge [sflag:s22], s20  }
0xa5: {  	s4 =	ssub.s32 $0x0, s20;
	[sflag:s22] =	ssyncset.done $0x0  }
0xa6: {  	[sflag:s22] =	ssyncadd.s32 s4;
	_ =	sdelay $0x1  }
0xa7: {  	s23 =	simm.s32 $0x1B8B  }
0xa8: {  	_ =	swait.ge [sflag:s23], $0x1  }
0xa9: {  	[sflag:s23] =	ssyncset.done $0x0  }
0xaa: {  	s25 =	simm.s32 $0x1B8E;
	s24 =	sld [smem:$0x3FFE];
	[sflag:s23] =	ssyncadd.s32 $0xFFFFFFFF  }
0xab: {  	s26 =	simm.s32 $execute0_lowered;
	[smem:$0x3FD2] =	sst s25  }
0xac: {  	s5 =	sshll.u32 s26, $0x1;
	_ =	strace $0x80000046;
	[dreg:$0x1] =	wrdreg $0xFFFFFFFF  }
0xad: {  	s28 =	simm.s32 $_size_execute0_lowered;
	s3 =	sadd.s32 s3, s5;
	[dreg:$0x0] =	wrdreg $0x0  }
0xae: {  	s5 =	sshll.u32 s28, $0x1;
	[dreg:$0x2] =	wrdreg s3  }
0xaf: {  	[dreg:$0x3] =	wrdreg s5  }
0xb0: {  	[dreg:$0x4] =	wrdreg $0xC0  }
0xb1: {  	_ =	task [dreg:s7], $0x5FFFF  }
0xb2: {  	[dreg:$0x1] =	wrdreg $0xFFFFFFFF  }
0xb3: {  	[dreg:$0x0] =	wrdreg $0x60  }
0xb4: {  	[dreg:$0x2] =	wrdreg s16  }
0xb5: {  	[dreg:$0x3] =	wrdreg s24  }
0xb6: {  	[dreg:$0x4] =	wrdreg $0x9  }
0xb7: {  	_ =	task.clear_ibuf [dreg:s7], $0x5FFFF;
	_ =	strace $0x90000046  }
0xb8: {  	s29 =	simm.s32 $0x9;
	_ =	strace $0x80000048  }
0xb9: {  	_ =	swait.ge [sflag:s29], $0x1  }
0xba: {  	[sflag:s29] =	ssyncadd.s32 $0xFFFFFFFF  }
0xbb: {  	_ =	strace $0x90000048  }
0xbc: {  	_ =	sfence  }
0xbd: {  	s30 =	sld [smem:$0x0];
	_ =	sdelay $0x2  }
0xbe: {  	s31 =	sshll.u32 s1, $0xD;
	s1 =	sshrl.u32 s1, $0x2  }
0xbf: {  	s3 =	sand.u32 $0x4000, s31;
	s1 =	sadd.s32 s1, s30  }
0xc0: {  	s0 =	sor.u32 s3, s0;
	s1 =	sshll.u32 s1, $0x11  }
0xc1: {  	s0 =	sor.u32 s1, s0  }
0xc2: {  	s0 =	sadd.s32 $0x8F2B, s0  }
0xc3: {  	[sflag:s0] =	ssyncadd.remote.s32 $0x1  }
0xc4: {  	_ =	sfence.sel $0xFFFF  }
0xc5: {  	[dreg:$0x0] =	wrdreg $0xFFFFFFFF;
	(pc) =	sbr.abs _section_cstart, $3  }
0xc6: {  	[dreg:$0x1] =	wrdreg $0xFFFFFFFF  }
0xc7: {  	_ =	task.clear_ibuf [dreg:s7], $0x2FFFF;
	_ =	strace $0x9FFFFFFF  }
0xc8: {  	(tm) =	ssettm $0x7FFFFFFF  }
0xc9: {  	_ =	shalt  }
tec
execute0_lowered:
.L_overlay_start_1:
0x0: {  	(tag) =	ssettag $0x1  }
0x1: {  	s1 =	rddreg [dreg:$0x0]  }
0x2: {  	s8 =	rddreg [dreg:$0x1]  }
0x3: {  	s0 =	rddreg [dreg:$0x2]  }
0x4: {  	s3 =	simm.s32 $0x0;
	s2 =	stileid.u32;
	s6 =	srdreg.scid  }
0x5: {  	s17 =	simm.s32 $0x50;
	s18 =	simm.s32 $0x10000;
	s19 =	simm.s32 $0x12800  }
0x6: {  	s20 =	simm.s32 $0x15000;
	s21 =	simm.s32 $0x17800;
	s23 =	simm.s32 $0x1C800  }
0x7: {  	[smem:$0x7FF] =	sst s3;
	s4 =	sadd.s32 $0x9E7800, s8;
	s5 =	sadd.s32 $0x23800, s8  }
0x8: {  	s7 =	sshll.u32 s2, $0xC;
	s12 =	sand.u32 $0x1, s6;
	s6 =	sadd.s32 $0xA0EE00, s8  }
0x9: {  	s11 =	sshll.u32 s2, $0x5;
	_ =	strace $0x80000047;
	s9 =	sadd.s32 s7, s8  }
0xa: {  	s10 =	ssub.s32 $0x2, s12;
	s7 =	sadd.s32 $0x13D2E00, s8;
	s30 =	sshll.u32 s12, $0x6  }
0xb: {  	s14 =	sadd.s32 s11, s8;
	s22 =	smul.u32 $0x2710, s12;
	s24 =	sor.u32 $0x12800, s30  }
0xc: {  	s11 =	smul.u32 $0x4E20, s2;
	s16 =	sshll.u32 s12, $0x9;
	s13 =	sshrl.u32 s10, $0x1;
	v2 =	vmov s24  }
0xd: {  	s8 =	sadd.s32 $0x3800, s9;
	s9 =	sadd.s32 $0x13800, s9;
	s31 =	sadd.s32 s16, s14  }
0xe: {  	s16 =	simm.s32 $0x8000;
	s15 =	ssub.s32 s10, s13;
	s10 =	smul.u32 $0x4E200, s12  }
0xf: {  	s12 =	smul.u32 $0x2710000, s12;
	s13 =	sadd.s32 $0xA0EA00, s31;
	v0 =	vmov s22;
	s22 =	simm.s32 $0x1A000  }
0x10: {  	v1 =	vimm.f32 $0.0e+00;
	s24 =	simm.s32 $0x0;
	s14 =	smax.u32 s15, $0x1;
	s15 =	simm.s32 $0x1  }
.LBB2_1:
0x11: {  	[tilespmem:s3], [sflag:$0x1] =	stream.linear.gather [hbm4b:s8+s3], $0x7D00, $0x38;
	[tilespmem:$0x1C900] =	vst v63  }
0x12: {  	_ =	swait.ge [sflag:s15], $0x7D00  }
0x13: {  	[sflag:s15] =	ssyncset.done $0x0  }
0x14: {  	[sflag:s15] =	ssyncadd.s32 $0xFFFF8300  }
0x15: {  	[tilespmem:s16], [sflag:$0x1] =	stream.linear.gather [hbm4b:s9+s3], $0x7D00, $0x38;
	[tilespmem:$0x1C900] =	vst v63  }
0x16: {  	_ =	swait.ge [sflag:s15], $0x7D00  }
0x17: {  	[sflag:s15] =	ssyncset.done $0x0  }
0x18: {  	s25 =	simm.s32 $0x40;
	[sflag:s15] =	ssyncadd.s32 $0xFFFF8300  }
0x19: {  	v3 =	vld [tilespmem:s25+$0xFFFFFFC0]  }
0x1a: {  	v4 =	vld [tilespmem:s25+$0xFFFFFFD0]  }
0x1b: {  	v5 =	vld [tilespmem:s25+$0xFFFFFFE0]  }
0x1c: {  	v6 =	vld [tilespmem:s25+$0x0]  }
0x1d: {  	v7 =	vld [tilespmem:s25+$0xFFFFFFF0]  }
0x1e: {  	v3 =	vadd.s32 v0, v3  }
0x1f: {  	s26 =	simm.s32 $0xC0;
	v4 =	vadd.s32 v0, v4;
	[tilespmem:s25+$0xFFFFFFC0] =	vst v3  }
0x20: {  	v5 =	vadd.s32 v0, v5;
	v3 =	vld [tilespmem:s26+$0xFFFFFFC0];
	[tilespmem:s25+$0xFFFFFFD0] =	vst v4  }
0x21: {  	v8 =	vadd.s32 v0, v6;
	v4 =	vld [tilespmem:s26+$0xFFFFFFD0];
	[tilespmem:s25+$0xFFFFFFE0] =	vst v5  }
0x22: {  	s28 =	simm.s32 $0x500;
	v6 =	vadd.s32 v0, v7;
	v5 =	vld [tilespmem:s26+$0xFFFFFFE0];
	[tilespmem:s25+$0x0] =	vst v8  }
.LBB2_2:
0x23: {  	p0 =	sne.s32 s28, $0x1F300;
	v7 =	vld [tilespmem:s26+$0x0];
	[tilespmem:s25+$0xFFFFFFF0] =	vst v6;
	s25 =	smov.u32 s26  }
0x24: {  	v6 =	vld [tilespmem:s25+$0xFFFFFFF0]  }
.Ltmp0:
0x25: {  	v3 =	vadd.s32 v0, v3;
	(pc) =	sbr.rel @p0 .LBB2_2-.Ltmp0, $4  }
0x26: {  	s26 =	sshra.s32 s28, $0x2;
	[tilespmem:s25+$0xFFFFFFC0] =	vst v3;
	v4 =	vadd.s32 v0, v4  }
0x27: {  	v3 =	vld [tilespmem:s26+$0xFFFFFFC0];
	[tilespmem:s25+$0xFFFFFFD0] =	vst v4;
	v5 =	vadd.s32 v0, v5  }
0x28: {  	v4 =	vld [tilespmem:s26+$0xFFFFFFD0];
	[tilespmem:s25+$0xFFFFFFE0] =	vst v5;
	v7 =	vadd.s32 v0, v7  }
0x29: {  	s28 =	sadd.s32 $0x200, s28;
	v5 =	vld [tilespmem:s26+$0xFFFFFFE0];
	v6 =	vadd.s32 v0, v6;
	[tilespmem:s25+$0x0] =	vst v7  }
0x2a: {  	v7 =	vld [tilespmem:s26+$0x0];
	[tilespmem:s25+$0xFFFFFFF0] =	vst v6  }
0x2b: {  	v6 =	vld [tilespmem:s26+$0xFFFFFFF0]  }
0x2c: {  	v3 =	vadd.s32 v0, v3  }
0x2d: {  	[tilespmem:s26+$0xFFFFFFC0] =	vst v3;
	v3 =	vadd.s32 v0, v4  }
0x2e: {  	[tilespmem:s26+$0xFFFFFFD0] =	vst v3;
	v3 =	vadd.s32 v0, v5  }
0x2f: {  	[tilespmem:s26+$0xFFFFFFE0] =	vst v3;
	v3 =	vadd.s32 v0, v7  }
0x30: {  	v63 =	vadd.s32 v0, v6;
	[tilespmem:s26+$0x0] =	vst v3  }
0x31: {  	[tilespmem:s26+$0xFFFFFFF0] =	vst v63  }
0x32: {  	[tilespmem:$0x1C800] =	vst v1  }
0x33: {  	[tilespmem:$0x1C880] =	vst v1  }
0x34: {  	[tilespmem:$0x1C810] =	vst v1  }
0x35: {  	[tilespmem:$0x1C890] =	vst v1  }
0x36: {  	[tilespmem:$0x1C820] =	vst v1  }
0x37: {  	[tilespmem:$0x1C8A0] =	vst v1  }
0x38: {  	[tilespmem:$0x1C830] =	vst v1  }
0x39: {  	s25 =	simm.s32 $0x0;
	s26 =	simm.s32 $0x0;
	[tilespmem:$0x1C8B0] =	vst v1  }
.LBB2_4:
0x3a: {  	s29 =	sshll.u32 s26, $0x7  }
0x3b: {  	[tilespmem:s18], [sflag:$0x1] =	stream.indirect.gather [hbm4b:s1+s17], $0x80, s29, s17, $0xb8;
	[tilespmem:$0x1C900] =	vst v63  }
0x3c: {  	s28 =	smul.u32 $0x50, s26;
	_ =	swait.ge [sflag:s15], $0x2800  }
0x3d: {  	[sflag:s15] =	ssyncset.done $0x0  }
0x3e: {  	s29 =	sadd.s32 $0x8000, s29;
	s28 =	sadd.s32 s11, s28;
	[sflag:s15] =	ssyncadd.s32 $0xFFFFD800  }
0x3f: {  	[tilespmem:s19], [sflag:$0x1] =	stream.indirect.gather [hbm4b:s4+s17], $0x80, s29, s17, $0xb8;
	[tilespmem:$0x1C900] =	vst v63  }
0x40: {  	s29 =	sshll.u32 s28, $0x7  }
0x41: {  	_ =	swait.ge [sflag:s15], $0x2800;
	s29 =	sadd.s32 s12, s29  }
0x42: {  	[sflag:s15] =	ssyncset.done $0x0;
	s29 =	sshrl.u32 s29, $0x3  }
0x43: {  	[sflag:s15] =	ssyncadd.s32 $0xFFFFD800;
	s30 =	sadd.s32 s5, s29  }
0x44: {  	[tilespmem:s20], [sflag:$0x1] =	stream.linear.gather [hbm4b:s30+s25], $0x2800, $0x38;
	[tilespmem:$0x1C900] =	vst v63  }
0x45: {  	v10 =	vimm.f32 $0.0e+00;
	v9 =	vimm.f32 $0.0e+00;
	_ =	swait.ge [sflag:s15], $0x2800  }
0x46: {  	v8 =	vimm.f32 $0.0e+00;
	v7 =	vimm.f32 $0.0e+00;
	v5 =	vimm.f32 $0.0e+00;
	[sflag:s15] =	ssyncset.done $0x0  }
0x47: {  	s31 =	simm.s32 $0x200;
	v6 =	vimm.f32 $0.0e+00;
	v4 =	vimm.f32 $0.0e+00;
	v3 =	vimm.f32 $0.0e+00;
	s30 =	simm.s32 $0x0;
	[sflag:s15] =	ssyncadd.s32 $0xFFFFD800  }
.LBB2_5:
0x48: {  	p0 =	sne.s32 s31, $0x9E00;
	v11 =	vld.idx.msk [tilespmem:v2+s30+$0x0 ss:$0x1], $0xffff  }
0x49: {  	v12 =	vld [tilespmem:s30+$0x10000];
	_ =	sdelay $0x1  }
0x4a: {  	v13 =	vld [tilespmem:s30+$0x15000];
	_ =	sdelay $0x2  }
0x4b: {  	v11 =	vadd.f32 v11, v12;
	_ =	sdelay $0x1  }
0x4c: {  	v11 =	vadd.f32 v13, v11;
	_ =	sdelay $0x1  }
0x4d: {  	[tilespmem:s30+$0x17800] =	vst v11;
	v12 =	vsub.f32 $0.0e+00, v11;
	v10 =	vadd.f32 v11, v10;
	v11 =	vmul.f32 v11, v11;
	_ =	sdelay $0x1  }
0x4e: {  	v12 =	vmul.f32 $1.442695020e+00, v12;
	v9 =	vadd.f32 v11, v9;
	_ =	sdelay $0x1  }
0x4f: {  	(erf) = vpow2.f32 v12;
	_ =	sdelay $0x8  }
0x50: {  	v11 =	vpop (erf)  }
0x51: {  	v11 =	vadd.f32 $1.000000000e+00, v11;
	_ =	sdelay $0x1  }
0x52: {  	(erf) = vrcp.f32 v11;
	_ =	sdelay $0x4  }
0x53: {  	v11 =	vld [tilespmem:s30+$0x10040];
	_ =	sdelay $0x3  }
0x54: {  	v12 =	vpop (erf)  }
0x55: {  	[tilespmem:s30+$0x1A040] =	vst v12;
	v11 =	vmul.f32 v12, v11;
	_ =	sdelay $0x1  }
0x56: {  	[tilespmem:s30+$0x1A000] =	vst v11  }
0x57: {  	v11 =	vld.idx.msk [tilespmem:v2+s30+$0x10 ss:$0x1], $0xffff  }
0x58: {  	v12 =	vld [tilespmem:s30+$0x10010];
	_ =	sdelay $0x1  }
0x59: {  	v13 =	vld [tilespmem:s30+$0x15010];
	_ =	sdelay $0x2  }
0x5a: {  	v11 =	vadd.f32 v11, v12;
	_ =	sdelay $0x1  }
0x5b: {  	v11 =	vadd.f32 v13, v11;
	_ =	sdelay $0x1  }
0x5c: {  	[tilespmem:s30+$0x17810] =	vst v11;
	v12 =	vsub.f32 $0.0e+00, v11;
	v8 =	vadd.f32 v11, v8;
	v11 =	vmul.f32 v11, v11;
	_ =	sdelay $0x1  }
0x5d: {  	v12 =	vmul.f32 $1.442695020e+00, v12;
	v7 =	vadd.f32 v11, v7;
	_ =	sdelay $0x1  }
0x5e: {  	(erf) = vpow2.f32 v12;
	_ =	sdelay $0x8  }
0x5f: {  	v11 =	vpop (erf)  }
0x60: {  	v11 =	vadd.f32 $1.000000000e+00, v11;
	_ =	sdelay $0x1  }
0x61: {  	(erf) = vrcp.f32 v11;
	_ =	sdelay $0x4  }
0x62: {  	v11 =	vld [tilespmem:s30+$0x10050];
	_ =	sdelay $0x3  }
0x63: {  	v12 =	vpop (erf)  }
0x64: {  	[tilespmem:s30+$0x1A050] =	vst v12;
	v11 =	vmul.f32 v12, v11;
	_ =	sdelay $0x1  }
0x65: {  	[tilespmem:s30+$0x1A010] =	vst v11  }
0x66: {  	v11 =	vld.idx.msk [tilespmem:v2+s30+$0x20 ss:$0x1], $0xffff  }
0x67: {  	v12 =	vld [tilespmem:s30+$0x10020];
	_ =	sdelay $0x1  }
0x68: {  	v13 =	vld [tilespmem:s30+$0x15020];
	_ =	sdelay $0x2  }
0x69: {  	v11 =	vadd.f32 v11, v12;
	_ =	sdelay $0x1  }
0x6a: {  	v11 =	vadd.f32 v13, v11;
	_ =	sdelay $0x1  }
0x6b: {  	[tilespmem:s30+$0x17820] =	vst v11;
	v12 =	vsub.f32 $0.0e+00, v11;
	v5 =	vadd.f32 v11, v5;
	v11 =	vmul.f32 v11, v11;
	_ =	sdelay $0x1  }
0x6c: {  	v12 =	vmul.f32 $1.442695020e+00, v12;
	v6 =	vadd.f32 v11, v6;
	_ =	sdelay $0x1  }
0x6d: {  	(erf) = vpow2.f32 v12;
	_ =	sdelay $0x8  }
0x6e: {  	v11 =	vpop (erf)  }
0x6f: {  	v11 =	vadd.f32 $1.000000000e+00, v11;
	_ =	sdelay $0x1  }
0x70: {  	(erf) = vrcp.f32 v11;
	_ =	sdelay $0x4  }
0x71: {  	v11 =	vld [tilespmem:s30+$0x10060];
	_ =	sdelay $0x3  }
0x72: {  	v12 =	vpop (erf)  }
0x73: {  	[tilespmem:s30+$0x1A060] =	vst v12;
	v11 =	vmul.f32 v12, v11;
	_ =	sdelay $0x1  }
0x74: {  	[tilespmem:s30+$0x1A020] =	vst v11  }
0x75: {  	v11 =	vld.idx.msk [tilespmem:v2+s30+$0x30 ss:$0x1], $0xffff  }
0x76: {  	v12 =	vld [tilespmem:s30+$0x10030];
	_ =	sdelay $0x1  }
0x77: {  	v13 =	vld [tilespmem:s30+$0x15030];
	_ =	sdelay $0x2  }
0x78: {  	v11 =	vadd.f32 v11, v12;
	_ =	sdelay $0x1  }
0x79: {  	v11 =	vadd.f32 v13, v11;
	_ =	sdelay $0x1  }
0x7a: {  	[tilespmem:s30+$0x17830] =	vst v11;
	v12 =	vsub.f32 $0.0e+00, v11;
	v4 =	vadd.f32 v11, v4;
	v11 =	vmul.f32 v11, v11;
	_ =	sdelay $0x1  }
0x7b: {  	v12 =	vmul.f32 $1.442695020e+00, v12;
	v3 =	vadd.f32 v11, v3;
	_ =	sdelay $0x1  }
0x7c: {  	(erf) = vpow2.f32 v12;
	_ =	sdelay $0x8  }
0x7d: {  	v11 =	vpop (erf)  }
0x7e: {  	v11 =	vadd.f32 $1.000000000e+00, v11;
	_ =	sdelay $0x1  }
0x7f: {  	(erf) = vrcp.f32 v11;
	_ =	sdelay $0x4  }
0x80: {  	v11 =	vld [tilespmem:s30+$0x10070];
	_ =	sdelay $0x2  }
.Ltmp1:
0x81: {  	(pc) =	sbr.rel @p0 .LBB2_5-.Ltmp1, $3  }
0x82: {  	v12 =	vpop (erf)  }
0x83: {  	[tilespmem:s30+$0x1A070] =	vst v12;
	v11 =	vmul.f32 v12, v11;
	_ =	sdelay $0x1  }
0x84: {  	[tilespmem:s30+$0x1A030] =	vst v11;
	s30 =	sshra.s32 s31, $0x2;
	s31 =	sadd.s32 $0x200, s31  }
0x85: {  	_ =	sdelay $0x3  }
0x86: {  	v11 =	vld.idx.msk [tilespmem:v2+s30+$0x0 ss:$0x1], $0xffff  }
0x87: {  	v12 =	vld [tilespmem:s30+$0x10000];
	_ =	sdelay $0x1  }
0x88: {  	v13 =	vld [tilespmem:s30+$0x15000];
	_ =	sdelay $0x2  }
0x89: {  	v11 =	vadd.f32 v11, v12;
	_ =	sdelay $0x1  }
0x8a: {  	v11 =	vadd.f32 v13, v11;
	_ =	sdelay $0x1  }
0x8b: {  	v42 =	vsub.f32 $0.0e+00, v11;
	_ =	sdelay $0x1  }
0x8c: {  	v12 =	vmul.f32 $1.442695020e+00, v42;
	_ =	sdelay $0x1  }
0x8d: {  	(erf) = vpow2.f32 v12;
	_ =	sdelay $0x8  }
0x8e: {  	v12 =	vpop (erf)  }
0x8f: {  	v12 =	vadd.f32 $1.000000000e+00, v12;
	_ =	sdelay $0x1  }
0x90: {  	(erf) = vrcp.f32 v12;
	_ =	sdelay $0x4  }
0x91: {  	v43 =	vld [tilespmem:s30+$0x10040];
	_ =	sdelay $0x3  }
0x92: {  	v44 =	vpop (erf)  }
0x93: {  	[tilespmem:s30+$0x17800] =	vst v11;
	v12 =	vmul.f32 v44, v43  }
0x94: {  	[tilespmem:s30+$0x1A040] =	vst v44  }
0x95: {  	v45 =	vld [tilespmem:s30+$0x10010];
	[tilespmem:s30+$0x1A000] =	vst v12  }
0x96: {  	v12 =	vld.idx.msk [tilespmem:v2+s30+$0x10 ss:$0x1], $0xffff;
	_ =	sdelay $0x1  }
0x97: {  	v14 =	vld [tilespmem:s30+$0x15010];
	_ =	sdelay $0x2  }
0x98: {  	v12 =	vadd.f32 v12, v45;
	_ =	sdelay $0x1  }
0x99: {  	v12 =	vadd.f32 v14, v12;
	_ =	sdelay $0x1  }
0x9a: {  	v46 =	vsub.f32 $0.0e+00, v12;
	_ =	sdelay $0x1  }
0x9b: {  	v13 =	vmul.f32 $1.442695020e+00, v46;
	_ =	sdelay $0x1  }
0x9c: {  	(erf) = vpow2.f32 v13;
	_ =	sdelay $0x8  }
0x9d: {  	v13 =	vpop (erf)  }
0x9e: {  	v13 =	vadd.f32 $1.000000000e+00, v13;
	_ =	sdelay $0x1  }
0x9f: {  	(erf) = vrcp.f32 v13;
	_ =	sdelay $0x4  }
0xa0: {  	v47 =	vld [tilespmem:s30+$0x10050];
	_ =	sdelay $0x3  }
0xa1: {  	v48 =	vpop (erf)  }
0xa2: {  	[tilespmem:s30+$0x17810] =	vst v12;
	v13 =	vmul.f32 v48, v47  }
0xa3: {  	[tilespmem:s30+$0x1A050] =	vst v48  }
0xa4: {  	v49 =	vld [tilespmem:s30+$0x10020];
	[tilespmem:s30+$0x1A010] =	vst v13  }
0xa5: {  	v13 =	vld.idx.msk [tilespmem:v2+s30+$0x20 ss:$0x1], $0xffff;
	_ =	sdelay $0x1  }
0xa6: {  	v15 =	vld [tilespmem:s30+$0x15020];
	_ =	sdelay $0x2  }
0xa7: {  	v13 =	vadd.f32 v13, v49;
	_ =	sdelay $0x1  }
0xa8: {  	v13 =	vadd.f32 v15, v13;
	_ =	sdelay $0x1  }
0xa9: {  	v50 =	vsub.f32 $0.0e+00, v13;
	_ =	sdelay $0x1  }
0xaa: {  	v14 =	vmul.f32 $1.442695020e+00, v50;
	_ =	sdelay $0x1  }
0xab: {  	(erf) = vpow2.f32 v14;
	_ =	sdelay $0x8  }
0xac: {  	v14 =	vpop (erf)  }
0xad: {  	v14 =	vadd.f32 $1.000000000e+00, v14;
	_ =	sdelay $0x1  }
0xae: {  	(erf) = vrcp.f32 v14;
	_ =	sdelay $0x4  }
0xaf: {  	v51 =	vld [tilespmem:s30+$0x10060];
	_ =	sdelay $0x3  }
0xb0: {  	v52 =	vpop (erf)  }
0xb1: {  	[tilespmem:s30+$0x17820] =	vst v13;
	v14 =	vmul.f32 v52, v51  }
0xb2: {  	[tilespmem:s30+$0x1A060] =	vst v52  }
0xb3: {  	v53 =	vld [tilespmem:s30+$0x10030];
	[tilespmem:s30+$0x1A020] =	vst v14  }
0xb4: {  	v14 =	vld.idx.msk [tilespmem:v2+s30+$0x30 ss:$0x1], $0xffff;
	_ =	sdelay $0x1  }
0xb5: {  	v16 =	vld [tilespmem:s30+$0x15030];
	_ =	sdelay $0x2  }
0xb6: {  	v14 =	vadd.f32 v14, v53;
	_ =	sdelay $0x1  }
0xb7: {  	v14 =	vadd.f32 v16, v14;
	_ =	sdelay $0x1  }
0xb8: {  	v54 =	vsub.f32 $0.0e+00, v14;
	_ =	sdelay $0x1  }
0xb9: {  	v15 =	vmul.f32 $1.442695020e+00, v54;
	_ =	sdelay $0x1  }
0xba: {  	(erf) = vpow2.f32 v15;
	_ =	sdelay $0x8  }
0xbb: {  	v15 =	vpop (erf)  }
0xbc: {  	v15 =	vadd.f32 $1.000000000e+00, v15;
	_ =	sdelay $0x1  }
0xbd: {  	(erf) = vrcp.f32 v15;
	_ =	sdelay $0x4  }
0xbe: {  	v55 =	vld [tilespmem:s30+$0x10070];
	_ =	sdelay $0x3  }
0xbf: {  	v56 =	vpop (erf)  }
0xc0: {  	[tilespmem:s30+$0x17830] =	vst v14;
	v15 =	vmul.f32 v56, v55  }
0xc1: {  	[tilespmem:s30+$0x1A070] =	vst v56  }
0xc2: {  	[tilespmem:s30+$0x1A030] =	vst v15  }
0xc3: {  	v15 =	vld [tilespmem:$0x1C800]  }
0xc4: {  	v16 =	vld [tilespmem:$0x1C880]  }
0xc5: {  	v17 =	vmul.f32 v11, v11;
	v18 =	vld [tilespmem:$0x1C810]  }
0xc6: {  	v10 =	vadd.f32 v11, v10;
	v57 =	vld [tilespmem:$0x1C890]  }
0xc7: {  	v9 =	vadd.f32 v17, v9;
	v58 =	vmul.f32 v12, v12;
	v19 =	vld [tilespmem:$0x1C820]  }
0xc8: {  	v8 =	vadd.f32 v12, v8;
	v59 =	vld [tilespmem:$0x1C8A0];
	v10 =	vadd.f32 v15, v10  }
0xc9: {  	v7 =	vadd.f32 v58, v7;
	v60 =	vmul.f32 v13, v13;
	v61 =	vld [tilespmem:$0x1C830];
	v9 =	vadd.f32 v16, v9  }
0xca: {  	v5 =	vadd.f32 v13, v5;
	v62 =	vld [tilespmem:$0x1C8B0];
	v8 =	vadd.f32 v18, v8;
	[tilespmem:$0x1C800] =	vst v10  }
0xcb: {  	v6 =	vadd.f32 v60, v6;
	v63 =	vmul.f32 v14, v14;
	v7 =	vadd.f32 v57, v7;
	[tilespmem:$0x1C880] =	vst v9  }
0xcc: {  	v4 =	vadd.f32 v14, v4;
	v5 =	vadd.f32 v19, v5;
	[tilespmem:$0x1C810] =	vst v8  }
0xcd: {  	v3 =	vadd.f32 v63, v3;
	v6 =	vadd.f32 v59, v6;
	[tilespmem:$0x1C890] =	vst v7  }
0xce: {  	v4 =	vadd.f32 v61, v4;
	[tilespmem:$0x1C820] =	vst v5  }
0xcf: {  	v3 =	vadd.f32 v62, v3;
	[tilespmem:$0x1C8A0] =	vst v6  }
0xd0: {  	[tilespmem:$0x1C830] =	vst v4  }
0xd1: {  	s29 =	sadd.s32 s6, s29;
	[tilespmem:$0x1C8B0] =	vst v3  }
0xd2: {  	[hbm4b:s29+s3] =	stream.linear.scatter [tilespmem:s21], [sflag:$0x1], $0x2800, $0x38;
	[tilespmem:$0x1C900] =	vst v63  }
0xd3: {  	s28 =	sadd.s32 s10, s28;
	s26 =	sadd.s32 $0x1, s26;
	_ =	swait.ge [sflag:s15], $0x2800  }
0xd4: {  	s28 =	sshll.u32 s28, $0x4;
	p0 =	sne.s32 s26, $0xFA;
	[sflag:s15] =	ssyncset.done $0x0  }
.Ltmp2:
0xd5: {  	s28 =	sadd.s32 s7, s28;
	[sflag:s15] =	ssyncadd.s32 $0xFFFFD800;
	(pc) =	sbr.rel @p0 .LBB2_4-.Ltmp2, $4  }
0xd6: {  	[hbm4b:s28+s3] =	stream.linear.scatter [tilespmem:s22], [sflag:$0x1], $0x2800, $0x38;
	[tilespmem:$0x1C900] =	vst v63  }
0xd7: {  	_ =	swait.ge [sflag:s15], $0x2800  }
0xd8: {  	[sflag:s15] =	ssyncset.done $0x0  }
0xd9: {  	[sflag:s15] =	ssyncadd.s32 $0xFFFFD800  }
0xda: {  	s24 =	sadd.s32 $0x1, s24  }
0xdb: {  	p0 =	sne.s32 s24, s14  }
.Ltmp3:
0xdc: {  	_ = 	snop;
	(pc) =	sbr.rel @p0 .LBB2_1-.Ltmp3, $4  }
0xdd: {  	[hbm4b:s13+s3] =	stream.linear.scatter [tilespmem:s23], [sflag:$0x1], $0x100, $0x38;
	[tilespmem:$0x1C900] =	vst v63  }
0xde: {  	_ =	swait.ge [sflag:s15], $0x100  }
0xdf: {  	[sflag:s15] =	ssyncset.done $0x0  }
0xe0: {  	[sflag:s15] =	ssyncadd.s32 $0xFFFFFF00  }
0xe1: {  	_ =	sfence.sel $0x180000  }
0xe2: {  	[bflag:$0x0] =	sbarrier.arrive $0xFFFF  }
0xe3: {  	p0 =	sne.s32 s2, $0x0;
	_ =	strace $0x90000047  }
0xe4: {  	s0 =	sadd.s32 @!p0 $0x100000, s0;
	[bflag:$0x2] =	sbarrier.arrive $0xFFFF  }
0xe5: {  	[sflag:s0] =	ssyncadd.tile.s32 @!p0 $0x1;
	_ =	shalt  }
.Lfunc_end2:
_tile_overlayer_lowered:
.L_overlay_start_2:
0xe6: {  	(tag) =	ssettag $0x2  }
0xe7: {  	s0 =	rddreg [dreg:$0x0];
	s2 =	stileid.u32  }
0xe8: {  	s1 =	rddreg [dreg:$0x1];
	p0 =	sne.s32 s2, $0x0  }
0xe9: {  	s3 =	rddreg [dreg:$0x2];
	[bflag:$0x3] =	sbarrier.arrive $0xFFFF;
	s2 =	simm.s32 @!p0 $0x1C01  }
0xea: {  	[timem:s3], [sflag:s2] =	dma.local @!p0 [hbm:s0], s1  }
0xeb: {  	s0 =	simm.s32 @!p0 $0x1  }
0xec: {  	_ =	swait.ge @!p0 [sflag:s0], s1  }
0xed: {  	s1 =	ssub.s32 @!p0 $0x0, s1;
	[sflag:s0] =	ssyncset.done @!p0 $0x0  }
0xee: {  	[sflag:s0] =	ssyncadd.s32 @!p0 s1  }
0xef: {  	[bflag:$0x3] =	sbarrier.arrive $0xFFFF  }
0xf0: {  	_ =	shalt  }

</sc_bundles>
